<compile_context>
chip_gen: v7x
topology: tpu7x:2x2x1
jax: 0.10.2.dev20260603
libtpu: 0.0.44.dev20260713+nightly
codegen_flags: <defaults>
</compile_context>

<pallas_src>
import functools

import jax
import jax.numpy as jnp
from jax import lax
from jax.experimental import pallas as pl
from jax.experimental.pallas import tpu as pltpu
from jax.experimental.pallas import tpu_sc as plsc

N = 10000
E = 320000
DN = 128
DE = 16
DG = 32
H = 32
PK = 4
E4 = E // PK
CH = 125
EC = E // CH
SLAB = 16
NW = 32
EPW = E // NW
CPW = EPW // CH
NSLAB = CPW // SLAB
NS = 16
NP = 10240
NPT = NP // NS
RB_E = 4000
RB_N = 2000

f32 = jnp.float32


def _softplus(x):
    return jnp.maximum(x, 0.0) + jnp.log1p(jnp.exp(-jnp.abs(x)))


def _tc1_body(x_ref, w_ref, ps_ref, pd_ref):
    p = jnp.dot(x_ref[...], w_ref[...], preferred_element_type=f32)
    ps_ref[...] = p[:, :H]
    pd_ref[...] = p[:, H:]


def _project(x, w_sd):
    return pl.pallas_call(
        _tc1_body,
        grid=(1,),
        in_specs=[
            pl.BlockSpec((N, DN), lambda i: (0, 0)),
            pl.BlockSpec((DN, 2 * H), lambda i: (0, 0)),
        ],
        out_specs=[
            pl.BlockSpec((N, H), lambda i: (0, 0)),
            pl.BlockSpec((N, H), lambda i: (0, 0)),
        ],
        out_shape=[
            jax.ShapeDtypeStruct((N, H), f32),
            jax.ShapeDtypeStruct((N, H), f32),
        ],
    )(x, w_sd)


_sc_mesh = plsc.VectorSubcoreMesh(core_axis_name="c", subcore_axis_name="s")


@functools.partial(
    pl.kernel,
    out_type=[
        jax.ShapeDtypeStruct((EC, CH, H), f32),
        jax.ShapeDtypeStruct((EC, CH, H), f32),
    ],
    mesh=_sc_mesh,
    scratch_types=[
        pltpu.VMEM((SLAB, CH), jnp.int32),
        pltpu.VMEM((SLAB, CH), jnp.int32),
        pltpu.VMEM((SLAB, CH, H), f32),
        pltpu.SemaphoreType.DMA,
    ],
    compiler_params=pltpu.CompilerParams(use_tc_tiling_on_sc=False),
)
def _sc_gather(ps_hbm, pd_hbm, src_hbm, dst_hbm, gs_hbm, gd_hbm,
               sidx, didx, rows, sem):
    wid = lax.axis_index("s") * 2 + lax.axis_index("c")

    def slab_body(sl, carry):
        row0 = wid * CPW + sl * SLAB
        pltpu.sync_copy(src_hbm.at[pl.ds(row0, SLAB)], sidx)
        descs = [
            pltpu.async_copy(ps_hbm.at[sidx.at[j]], rows.at[j], sem)
            for j in range(SLAB)
        ]
        for d in descs:
            d.wait()
        pltpu.sync_copy(rows, gs_hbm.at[pl.ds(row0, SLAB)])
        pltpu.sync_copy(dst_hbm.at[pl.ds(row0, SLAB)], didx)
        descs = [
            pltpu.async_copy(pd_hbm.at[didx.at[j]], rows.at[j], sem)
            for j in range(SLAB)
        ]
        for d in descs:
            d.wait()
        pltpu.sync_copy(rows, gd_hbm.at[pl.ds(row0, SLAB)])
        return carry

    lax.fori_loop(0, NSLAB, slab_body, 0)


def _tc2_body(gs_ref, gd_ref, ea_ref, g4_ref, wg4_ref, b1_ref, wd1_ref,
              wd2_ref, b2_ref, wd3_ref, b3_ref, he_ref, sum_ref):
    i = pl.program_id(0)
    c128 = jnp.dot(g4_ref[...], wg4_ref[...], preferred_element_type=f32) + b1_ref[...]
    z = (gs_ref[...] + gd_ref[...]
         + jnp.dot(ea_ref[...], wd1_ref[...], preferred_element_type=f32)
         + c128)
    h1 = _softplus(z)
    h2 = _softplus(jnp.dot(h1, wd2_ref[...], preferred_element_type=f32) + b2_ref[...])
    he = jnp.dot(h2, wd3_ref[...], preferred_element_type=f32) + b3_ref[...]
    he_ref[...] = he
    bsum = jnp.sum(he, axis=0, keepdims=True)

    @pl.when(i == 0)
    def _():
        sum_ref[...] = bsum

    @pl.when(i != 0)
    def _():
        sum_ref[...] = sum_ref[...] + bsum


def _edge_mlp(gs4, gd4, ea4, g4, wg4, b1_4, wd1, wd2, b2_4, wd3, b3_4):
    grid = (E4 // RB_E,)
    full = lambda shape: pl.BlockSpec(shape, lambda i: (0, 0))
    return pl.pallas_call(
        _tc2_body,
        grid=grid,
        in_specs=[
            pl.BlockSpec((RB_E, PK * H), lambda i: (i, 0)),
            pl.BlockSpec((RB_E, PK * H), lambda i: (i, 0)),
            pl.BlockSpec((RB_E, PK * DE), lambda i: (i, 0)),
            full((1, PK * DG)),
            full((PK * DG, PK * H)),
            full((1, PK * H)),
            full((PK * DE, PK * H)),
            full((PK * H, PK * H)),
            full((1, PK * H)),
            full((PK * H, PK * H)),
            full((1, PK * H)),
        ],
        out_specs=[
            pl.BlockSpec((RB_E, PK * H), lambda i: (i, 0)),
            pl.BlockSpec((1, PK * H), lambda i: (0, 0)),
        ],
        out_shape=[
            jax.ShapeDtypeStruct((E4, PK * H), f32),
            jax.ShapeDtypeStruct((1, PK * H), f32),
        ],
    )(gs4, gd4, ea4, g4, wg4, b1_4, wd1, wd2, b2_4, wd3, b3_4)


@functools.partial(
    pl.kernel,
    out_type=[
        jax.ShapeDtypeStruct((2, NP, H), f32),
        jax.ShapeDtypeStruct((2, NP, DE), f32),
    ],
    mesh=_sc_mesh,
    scratch_types=[
        pltpu.VMEM_SHARED((NP, H), f32),
        pltpu.VMEM_SHARED((NP, DE), f32),
        pltpu.VMEM((SLAB, CH), jnp.int32),
        pltpu.VMEM((SLAB, CH, H), f32),
        pltpu.VMEM((CH, DE), f32),
        pltpu.VMEM((NPT, H), f32),
        pltpu.VMEM((NPT, DE), f32),
        pltpu.SemaphoreType.DMA,
        pltpu.SemaphoreType.DMA,
    ],
    compiler_params=pltpu.CompilerParams(use_tc_tiling_on_sc=False),
)
def _sc_scatter(he_hbm, dst_hbm, z32_hbm, z16_hbm, ones_hbm, acc_hbm, cnt_hbm,
                sh_acc, sh_cnt, idx, rows, ones, stage, stage16, sem, sem2):
    cid = lax.axis_index("c")
    sid = lax.axis_index("s")
    wid = sid * 2 + cid

    pltpu.sync_copy(z32_hbm.at[pl.ds(sid * NPT, NPT)], stage)
    pltpu.sync_copy(stage, sh_acc.at[pl.ds(sid * NPT, NPT)])
    pltpu.sync_copy(z16_hbm.at[pl.ds(sid * NPT, NPT)], stage16)
    pltpu.sync_copy(stage16, sh_cnt.at[pl.ds(sid * NPT, NPT)])
    pltpu.sync_copy(ones_hbm, ones)
    plsc.subcore_barrier()

    def slab_body(sl, carry):
        row0 = wid * CPW + sl * SLAB
        pltpu.sync_copy(dst_hbm.at[pl.ds(row0, SLAB)], idx)
        pltpu.sync_copy(he_hbm.at[pl.ds(row0, SLAB)], rows)
        descs = [
            pltpu.async_copy(rows.at[j], sh_acc.at[idx.at[j]], sem, add=True)
            for j in range(SLAB)
        ]
        descs2 = [
            pltpu.async_copy(ones, sh_cnt.at[idx.at[j]], sem2, add=True)
            for j in range(SLAB)
        ]
        for d in descs:
            d.wait()
        for d in descs2:
            d.wait()
        return carry

    lax.fori_loop(0, NSLAB, slab_body, 0)
    plsc.subcore_barrier()

    pltpu.sync_copy(sh_acc.at[pl.ds(sid * NPT, NPT)], stage)
    pltpu.sync_copy(stage, acc_hbm.at[cid, pl.ds(sid * NPT, NPT)])
    pltpu.sync_copy(sh_cnt.at[pl.ds(sid * NPT, NPT)], stage16)
    pltpu.sync_copy(stage16, cnt_hbm.at[cid, pl.ds(sid * NPT, NPT)])


def _tc3_body(x_ref, acc_ref, cnt_ref, she_ref, g_ref,
              wnx_ref, wne_ref, wng_ref, bn1_ref, wn2_ref, bn2_ref,
              wn3_ref, bn3_ref,
              wg1e_ref, wg1n_ref, wg1g_ref, bg1_ref, wg2_ref, bg2_ref,
              wg3_ref, bg3_ref,
              hn_ref, hu_ref, ssum):
    i = pl.program_id(0)
    cnt = cnt_ref[0, :, 0:1] + cnt_ref[1, :, 0:1]
    e_mean = (acc_ref[0] + acc_ref[1]) / jnp.maximum(cnt, 1.0)
    grow = jnp.dot(g_ref[...], wng_ref[...], preferred_element_type=f32)
    h1 = _softplus(jnp.dot(x_ref[...], wnx_ref[...], preferred_element_type=f32)
                   + jnp.dot(e_mean, wne_ref[...], preferred_element_type=f32)
                   + grow + bn1_ref[...])
    h2 = _softplus(jnp.dot(h1, wn2_ref[...], preferred_element_type=f32) + bn2_ref[...])
    hn = jnp.dot(h2, wn3_ref[...], preferred_element_type=f32) + bn3_ref[...]
    hn_ref[...] = hn
    bsum = jnp.sum(hn, axis=0, keepdims=True)

    @pl.when(i == 0)
    def _():
        ssum[...] = bsum

    @pl.when(i != 0)
    def _():
        ssum[...] = ssum[...] + bsum

    e_mean_g = jnp.sum(she_ref[...], axis=0, keepdims=True) * (1.0 / E)
    n_mean_g = ssum[...] * (1.0 / N)
    zg = (jnp.dot(e_mean_g, wg1e_ref[...], preferred_element_type=f32)
          + jnp.dot(n_mean_g, wg1n_ref[...], preferred_element_type=f32)
          + jnp.dot(g_ref[...], wg1g_ref[...], preferred_element_type=f32)
          + bg1_ref[...])
    hg1 = _softplus(zg)
    hg2 = _softplus(jnp.dot(hg1, wg2_ref[...], preferred_element_type=f32) + bg2_ref[...])
    hu_ref[...] = jnp.dot(hg2, wg3_ref[...], preferred_element_type=f32) + bg3_ref[...]


def _node_global(x, acc, cnt, she, g, wnx, wne, wng, bn1, wn2, bn2, wn3, bn3,
                 wg1e, wg1n, wg1g, bg1, wg2, bg2, wg3, bg3):
    grid = (N // RB_N,)
    full = lambda shape: pl.BlockSpec(shape, lambda i: tuple(0 for _ in shape))
    return pl.pallas_call(
        _tc3_body,
        grid=grid,
        in_specs=[
            pl.BlockSpec((RB_N, DN), lambda i: (i, 0)),
            pl.BlockSpec((2, RB_N, H), lambda i: (0, i, 0)),
            pl.BlockSpec((2, RB_N, DE), lambda i: (0, i, 0)),
            full((PK, H)),
            full((1, DG)),
            full((DN, H)),
            full((H, H)),
            full((DG, H)),
            full((1, H)),
            full((H, H)),
            full((1, H)),
            full((H, H)),
            full((1, H)),
            full((H, DG)),
            full((H, DG)),
            full((DG, DG)),
            full((1, DG)),
            full((DG, DG)),
            full((1, DG)),
            full((DG, DG)),
            full((1, DG)),
        ],
        out_specs=[
            pl.BlockSpec((RB_N, H), lambda i: (i, 0)),
            pl.BlockSpec((1, DG), lambda i: (0, 0)),
        ],
        out_shape=[
            jax.ShapeDtypeStruct((N, H), f32),
            jax.ShapeDtypeStruct((1, DG), f32),
        ],
        scratch_shapes=[pltpu.VMEM((1, H), f32)],
    )(x, acc, cnt, she, g, wnx, wne, wng, bn1, wn2, bn2, wn3, bn3,
      wg1e, wg1n, wg1g, bg1, wg2, bg2, wg3, bg3)


def kernel(edge_index, x, edge_attr, global_feats, batch,
           We1, be1, We2, be2, We3, be3,
           Wn1, bn1, Wn2, bn2, Wn3, bn3,
           Wg1, bg1, Wg2, bg2, Wg3, bg3):
    w_s = We1[:DN]
    w_d = We1[DN:2 * DN]
    w_e = We1[2 * DN:2 * DN + DE]
    w_g = We1[2 * DN + DE:]
    eye = jnp.eye(PK, dtype=f32)
    wd1 = jnp.kron(eye, w_e)
    wg4 = jnp.kron(eye, w_g)
    wd2 = jnp.kron(eye, We2)
    wd3 = jnp.kron(eye, We3)
    b1_4 = jnp.tile(be1, PK)[None, :]
    b2_4 = jnp.tile(be2, PK)[None, :]
    b3_4 = jnp.tile(be3, PK)[None, :]
    g4 = jnp.tile(global_feats, (1, PK))

    src2d = edge_index[0].reshape(EC, CH)
    dst2d = edge_index[1].reshape(EC, CH)
    ea4 = edge_attr.reshape(E4, PK * DE)
    z32 = jnp.zeros((NP, H), f32)
    z16 = jnp.zeros((NP, DE), f32)
    ones16 = jnp.ones((CH, DE), f32)

    pre_s, pre_d = _project(x, jnp.concatenate([w_s, w_d], axis=1))

    gs, gd = _sc_gather(pre_s, pre_d, src2d, dst2d)

    he4, sum128 = _edge_mlp(gs.reshape(E4, PK * H), gd.reshape(E4, PK * H),
                            ea4, g4, wg4, b1_4, wd1, wd2, b2_4, wd3, b3_4)

    acc, cnt = _sc_scatter(he4.reshape(EC, CH, H), dst2d, z32, z16, ones16)
    h_e = he4.reshape(E, H)

    h_n, h_u = _node_global(
        x, acc, cnt, sum128.reshape(PK, H), global_feats,
        Wn1[:DN], Wn1[DN:DN + H], Wn1[DN + H:], bn1[None, :],
        Wn2, bn2[None, :], Wn3, bn3[None, :],
        Wg1[:H], Wg1[H:2 * H], Wg1[2 * H:], bg1[None, :],
        Wg2, bg2[None, :], Wg3, bg3[None, :])

    return (h_e, h_n, h_u)

# --- scband reference (transcript-rebuilt; emitter-appended) ---
"""Pipeline reference for scband-megnet-44641890075079 (READ-ONLY COPY).

The authoritative reference and input builder live on the scoring server;
editing this copy changes nothing except your own understanding.
"""

import jax, jax.numpy as jnp
import numpy as np

N = 10000
E = 320000
DN = 128
DE = 16
DG = 32
HN = 32
HE = 32

def _lin_init(key, fan_in, fan_out):
    kw, kb = jax.random.split(key)
    bound = 1.0 / np.sqrt(fan_in)
    W = jax.random.uniform(kw, (fan_in, fan_out), minval=-bound, maxval=bound, dtype=jnp.float32)
    b = jax.random.uniform(kb, (fan_out,), minval=-bound, maxval=bound, dtype=jnp.float32)
    return W, b

def setup_inputs(seed: int = 0):
    key = jax.random.key(seed)
    ks = jax.random.split(key, 16)
    inp = {}
    inp["edge_index"] = jax.random.randint(ks[0], (2, E), 0, N, dtype=jnp.int32)
    inp["x"] = jax.random.normal(ks[1], (N, DN), dtype=jnp.float32)
    inp["edge_attr"] = jax.random.normal(ks[2], (E, DE), dtype=jnp.float32)
    inp["global_feats"] = jax.random.normal(ks[3], (1, DG), dtype=jnp.float32)
    inp["batch"] = jnp.zeros((N,), dtype=jnp.int32)
    inp["We1"], inp["be1"] = _lin_init(ks[4], 2 * DN + DE + DG, HE)
    inp["We2"], inp["be2"] = _lin_init(ks[5], HE, HE)
    inp["We3"], inp["be3"] = _lin_init(ks[6], HE, HE)
    inp["Wn1"], inp["bn1"] = _lin_init(ks[7], DN + HE + DG, HN)
    inp["Wn2"], inp["bn2"] = _lin_init(ks[8], HN, HN)
    inp["Wn3"], inp["bn3"] = _lin_init(ks[9], HN, HN)
    inp["Wg1"], inp["bg1"] = _lin_init(ks[10], HN + HE + DG, DG)
    inp["Wg2"], inp["bg2"] = _lin_init(ks[11], DG, DG)
    inp["Wg3"], inp["bg3"] = _lin_init(ks[12], DG, DG)
    return inp

def _mlp3(h, W1, b1, W2, b2, W3, b3):
    h = jax.nn.softplus(h @ W1 + b1)
    h = jax.nn.softplus(h @ W2 + b2)
    return h @ W3 + b3

def _seg_mean(vals, idx, num_segments):
    s = jax.ops.segment_sum(vals, idx, num_segments=num_segments)
    c = jax.ops.segment_sum(jnp.ones((vals.shape[0],), vals.dtype), idx, num_segments=num_segments)
    return s / jnp.clip(c, 1.0)[:, None]

def reference(edge_index, x, edge_attr, global_feats, batch, We1, be1, We2, be2, We3, be3, Wn1, bn1, Wn2, bn2, Wn3, bn3, Wg1, bg1, Wg2, bg2, Wg3, bg3):
    src = edge_index[0]
    dst = edge_index[1]
    G = global_feats.shape[0]
    edge_batch = batch[src]
    e_in = jnp.concatenate([x[src], x[dst], edge_attr, global_feats[edge_batch]], axis=1)
    h_e = _mlp3(e_in, We1, be1, We2, be2, We3, be3)
    e_mean_node = _seg_mean(h_e, dst, x.shape[0])
    n_in = jnp.concatenate([x, e_mean_node, global_feats[batch]], axis=1)
    h_n = _mlp3(n_in, Wn1, bn1, Wn2, bn2, Wn3, bn3)
    e_mean_g = _seg_mean(h_e, edge_batch, G)
    n_mean_g = _seg_mean(h_n, batch, G)
    g_in = jnp.concatenate([e_mean_g, n_mean_g, global_feats], axis=1)
    h_u = _mlp3(g_in, Wg1, bg1, Wg2, bg2, Wg3, bg3)
    return (h_e, h_n, h_u)

if __name__ == "__main__":
    import jax
    _d = setup_inputs()
    print(jax.jit(kernel)(*tuple(_d.values())))

</pallas_src>

<mosaic_0001>
#map = affine_map<(d0, d1) -> (0, 0, 0)>
#map1 = affine_map<(d0, d1) -> (0, 0)>
module attributes {stable_mosaic.version = 14 : i64} {
  func.func @_sc_scatter(%arg0: i32, %arg1: i32, %arg2: memref<2560x125x32xf32, #tpu.memory_space<hbm>>, %arg3: memref<2560x125xi32, #tpu.memory_space<hbm>>, %arg4: memref<10240x32xf32, #tpu.memory_space<hbm>>, %arg5: memref<10240x16xf32, #tpu.memory_space<hbm>>, %arg6: memref<125x16xf32, #tpu.memory_space<hbm>>, %arg7: memref<2x10240x32xf32, #tpu.memory_space<hbm>>, %arg8: memref<2x10240x16xf32, #tpu.memory_space<hbm>>, %arg9: memref<10240x32xf32, #tpu.memory_space<vmem_shared>>, %arg10: memref<10240x16xf32, #tpu.memory_space<vmem_shared>>, %arg11: memref<16x125xi32, #tpu.memory_space<vmem>>, %arg12: memref<16x125x32xf32, #tpu.memory_space<vmem>>, %arg13: memref<125x16xf32, #tpu.memory_space<vmem>>, %arg14: memref<640x32xf32, #tpu.memory_space<vmem>>, %arg15: memref<640x16xf32, #tpu.memory_space<vmem>>, %arg16: memref<!tpu.dma_semaphore, #tpu.memory_space<semaphore_mem>>, %arg17: memref<!tpu.dma_semaphore, #tpu.memory_space<semaphore_mem>>) attributes {dimension_semantics = [#tpu.dimension_semantics<core_parallel>, #tpu.dimension_semantics<subcore_parallel>], iteration_bounds = array<i64: 2, 16>, scalar_prefetch = 0 : i64, scratch_operands = 9 : i64, tpu.core_type = #tpu.core_type<sc_vector_subcore>, window_params = [{transform_indices = #map}, {transform_indices = #map1}, {transform_indices = #map1}, {transform_indices = #map1}, {transform_indices = #map1}, {transform_indices = #map}, {transform_indices = #map}]} {
    %mul3A = arith.constant 2 : i32
    %mul3A_0 = arith.muli %arg1, %mul3A : i32
    %add3A = arith.addi %mul3A_0, %arg0 : i32
    %mul3A_1 = arith.constant 640 : i32
    %mul3A_2 = arith.muli %arg1, %mul3A_1 : i32
    "tpu.region"() ({
      %run_scoped3A = tpu.sem_alloc : memref<!tpu.dma_semaphore, #tpu.memory_space<semaphore_mem>>
      %dma_start3A = arith.constant 0 : i32
      %dma_start3A_23 = tpu.memref_slice %arg4[%mul3A_2, %dma_start3A] : memref<10240x32xf32, #tpu.memory_space<hbm>> -> memref<640x32xf32, #tpu.memory_space<hbm>>
      %dma_start3A_24 = arith.constant 0 : i32
      %dma_start3A_25 = tpu.memref_slice %arg4[%mul3A_2, %dma_start3A_24] : memref<10240x32xf32, #tpu.memory_space<hbm>> -> memref<640x32xf32, #tpu.memory_space<hbm>>
      tpu.enqueue_dma source(%dma_start3A_25 : memref<640x32xf32, #tpu.memory_space<hbm>>) target(%arg14 : memref<640x32xf32, #tpu.memory_space<vmem>>) target_semaphore(%run_scoped3A : memref<!tpu.dma_semaphore, #tpu.memory_space<semaphore_mem>>)
      %dma_wait3A = arith.constant 0 : i32
      %dma_wait3A_26 = tpu.memref_slice %arg4[%mul3A_2, %dma_wait3A] : memref<10240x32xf32, #tpu.memory_space<hbm>> -> memref<640x32xf32, #tpu.memory_space<hbm>>
      %dma_wait3A_27 = arith.constant 0 : i32
      %dma_wait3A_28 = tpu.memref_slice %arg4[%mul3A_2, %dma_wait3A_27] : memref<10240x32xf32, #tpu.memory_space<hbm>> -> memref<640x32xf32, #tpu.memory_space<hbm>>
      tpu.wait_dma2 semaphore(%run_scoped3A : memref<!tpu.dma_semaphore, #tpu.memory_space<semaphore_mem>>) src(%dma_wait3A_28 : memref<640x32xf32, #tpu.memory_space<hbm>>) dst(%arg14 : memref<640x32xf32, #tpu.memory_space<vmem>>)
      tpu.yield
    }) : () -> ()
    %mul3A_3 = arith.constant 640 : i32
    %mul3A_4 = arith.muli %arg1, %mul3A_3 : i32
    "tpu.region"() ({
      %run_scoped3A = tpu.sem_alloc : memref<!tpu.dma_semaphore, #tpu.memory_space<semaphore_mem>>
      %dma_start3A = arith.constant 0 : i32
      %dma_start3A_23 = tpu.memref_slice %arg9[%mul3A_4, %dma_start3A] : memref<10240x32xf32, #tpu.memory_space<vmem_shared>> -> memref<640x32xf32, #tpu.memory_space<vmem_shared>>
      %dma_start3A_24 = arith.constant 0 : i32
      %dma_start3A_25 = tpu.memref_slice %arg9[%mul3A_4, %dma_start3A_24] : memref<10240x32xf32, #tpu.memory_space<vmem_shared>> -> memref<640x32xf32, #tpu.memory_space<vmem_shared>>
      tpu.enqueue_dma source(%arg14 : memref<640x32xf32, #tpu.memory_space<vmem>>) target(%dma_start3A_25 : memref<640x32xf32, #tpu.memory_space<vmem_shared>>) target_semaphore(%run_scoped3A : memref<!tpu.dma_semaphore, #tpu.memory_space<semaphore_mem>>)
      %dma_wait3A = arith.constant 0 : i32
      %dma_wait3A_26 = tpu.memref_slice %arg9[%mul3A_4, %dma_wait3A] : memref<10240x32xf32, #tpu.memory_space<vmem_shared>> -> memref<640x32xf32, #tpu.memory_space<vmem_shared>>
      %dma_wait3A_27 = arith.constant 0 : i32
      %dma_wait3A_28 = tpu.memref_slice %arg9[%mul3A_4, %dma_wait3A_27] : memref<10240x32xf32, #tpu.memory_space<vmem_shared>> -> memref<640x32xf32, #tpu.memory_space<vmem_shared>>
      tpu.wait_dma2 semaphore(%run_scoped3A : memref<!tpu.dma_semaphore, #tpu.memory_space<semaphore_mem>>) src(%arg14 : memref<640x32xf32, #tpu.memory_space<vmem>>) dst(%dma_wait3A_28 : memref<640x32xf32, #tpu.memory_space<vmem_shared>>)
      tpu.yield
    }) : () -> ()
    %mul3A_5 = arith.constant 640 : i32
    %mul3A_6 = arith.muli %arg1, %mul3A_5 : i32
    "tpu.region"() ({
      %run_scoped3A = tpu.sem_alloc : memref<!tpu.dma_semaphore, #tpu.memory_space<semaphore_mem>>
      %dma_start3A = arith.constant 0 : i32
      %dma_start3A_23 = tpu.memref_slice %arg5[%mul3A_6, %dma_start3A] : memref<10240x16xf32, #tpu.memory_space<hbm>> -> memref<640x16xf32, #tpu.memory_space<hbm>>
      %dma_start3A_24 = arith.constant 0 : i32
      %dma_start3A_25 = tpu.memref_slice %arg5[%mul3A_6, %dma_start3A_24] : memref<10240x16xf32, #tpu.memory_space<hbm>> -> memref<640x16xf32, #tpu.memory_space<hbm>>
      tpu.enqueue_dma source(%dma_start3A_25 : memref<640x16xf32, #tpu.memory_space<hbm>>) target(%arg15 : memref<640x16xf32, #tpu.memory_space<vmem>>) target_semaphore(%run_scoped3A : memref<!tpu.dma_semaphore, #tpu.memory_space<semaphore_mem>>)
      %dma_wait3A = arith.constant 0 : i32
      %dma_wait3A_26 = tpu.memref_slice %arg5[%mul3A_6, %dma_wait3A] : memref<10240x16xf32, #tpu.memory_space<hbm>> -> memref<640x16xf32, #tpu.memory_space<hbm>>
      %dma_wait3A_27 = arith.constant 0 : i32
      %dma_wait3A_28 = tpu.memref_slice %arg5[%mul3A_6, %dma_wait3A_27] : memref<10240x16xf32, #tpu.memory_space<hbm>> -> memref<640x16xf32, #tpu.memory_space<hbm>>
      tpu.wait_dma2 semaphore(%run_scoped3A : memref<!tpu.dma_semaphore, #tpu.memory_space<semaphore_mem>>) src(%dma_wait3A_28 : memref<640x16xf32, #tpu.memory_space<hbm>>) dst(%arg15 : memref<640x16xf32, #tpu.memory_space<vmem>>)
      tpu.yield
    }) : () -> ()
    %mul3A_7 = arith.constant 640 : i32
    %mul3A_8 = arith.muli %arg1, %mul3A_7 : i32
    "tpu.region"() ({
      %run_scoped3A = tpu.sem_alloc : memref<!tpu.dma_semaphore, #tpu.memory_space<semaphore_mem>>
      %dma_start3A = arith.constant 0 : i32
      %dma_start3A_23 = tpu.memref_slice %arg10[%mul3A_8, %dma_start3A] : memref<10240x16xf32, #tpu.memory_space<vmem_shared>> -> memref<640x16xf32, #tpu.memory_space<vmem_shared>>
      %dma_start3A_24 = arith.constant 0 : i32
      %dma_start3A_25 = tpu.memref_slice %arg10[%mul3A_8, %dma_start3A_24] : memref<10240x16xf32, #tpu.memory_space<vmem_shared>> -> memref<640x16xf32, #tpu.memory_space<vmem_shared>>
      tpu.enqueue_dma source(%arg15 : memref<640x16xf32, #tpu.memory_space<vmem>>) target(%dma_start3A_25 : memref<640x16xf32, #tpu.memory_space<vmem_shared>>) target_semaphore(%run_scoped3A : memref<!tpu.dma_semaphore, #tpu.memory_space<semaphore_mem>>)
      %dma_wait3A = arith.constant 0 : i32
      %dma_wait3A_26 = tpu.memref_slice %arg10[%mul3A_8, %dma_wait3A] : memref<10240x16xf32, #tpu.memory_space<vmem_shared>> -> memref<640x16xf32, #tpu.memory_space<vmem_shared>>
      %dma_wait3A_27 = arith.constant 0 : i32
      %dma_wait3A_28 = tpu.memref_slice %arg10[%mul3A_8, %dma_wait3A_27] : memref<10240x16xf32, #tpu.memory_space<vmem_shared>> -> memref<640x16xf32, #tpu.memory_space<vmem_shared>>
      tpu.wait_dma2 semaphore(%run_scoped3A : memref<!tpu.dma_semaphore, #tpu.memory_space<semaphore_mem>>) src(%arg15 : memref<640x16xf32, #tpu.memory_space<vmem>>) dst(%dma_wait3A_28 : memref<640x16xf32, #tpu.memory_space<vmem_shared>>)
      tpu.yield
    }) : () -> ()
    "tpu.region"() ({
      %run_scoped3A = tpu.sem_alloc : memref<!tpu.dma_semaphore, #tpu.memory_space<semaphore_mem>>
      tpu.enqueue_dma source(%arg6 : memref<125x16xf32, #tpu.memory_space<hbm>>) target(%arg13 : memref<125x16xf32, #tpu.memory_space<vmem>>) target_semaphore(%run_scoped3A : memref<!tpu.dma_semaphore, #tpu.memory_space<semaphore_mem>>)
      tpu.wait_dma2 semaphore(%run_scoped3A : memref<!tpu.dma_semaphore, #tpu.memory_space<semaphore_mem>>) src(%arg6 : memref<125x16xf32, #tpu.memory_space<hbm>>) dst(%arg13 : memref<125x16xf32, #tpu.memory_space<vmem>>)
      tpu.yield
    }) : () -> ()
    %barrier3A = arith.constant 0 : index
    tpu.barrier barrier_id(%barrier3A)
    %scan3A = arith.constant 0 : i32
    %scan3A_9 = arith.constant 0 : i32
    %scan3A_10 = arith.constant 5 : i32
    %scan3A_11 = arith.addi %scan3A_9, %scan3A_10 : i32
    %scan3A_12 = arith.constant 1 : i32
    scf.for %scan3A_23 = %scan3A_9 to %scan3A_11 step %scan3A_12  : i32 {
      %mul3A_24 = arith.constant 80 : i32
      %mul3A_25 = arith.muli %add3A, %mul3A_24 : i32
      %mul3A_26 = arith.constant 16 : i32
      %mul3A_27 = arith.muli %scan3A_23, %mul3A_26 : i32
      %add3A_28 = arith.addi %mul3A_25, %mul3A_27 : i32
      "tpu.region"() ({
        %run_scoped3A = tpu.sem_alloc : memref<!tpu.dma_semaphore, #tpu.memory_space<semaphore_mem>>
        %dma_start3A_635 = arith.constant 0 : i32
        %dma_start3A_636 = tpu.memref_slice %arg3[%add3A_28, %dma_start3A_635] : memref<2560x125xi32, #tpu.memory_space<hbm>> -> memref<16x125xi32, #tpu.memory_space<hbm>>
        %dma_start3A_637 = arith.constant 0 : i32
        %dma_start3A_638 = tpu.memref_slice %arg3[%add3A_28, %dma_start3A_637] : memref<2560x125xi32, #tpu.memory_space<hbm>> -> memref<16x125xi32, #tpu.memory_space<hbm>>
        tpu.enqueue_dma source(%dma_start3A_638 : memref<16x125xi32, #tpu.memory_space<hbm>>) target(%arg11 : memref<16x125xi32, #tpu.memory_space<vmem>>) target_semaphore(%run_scoped3A : memref<!tpu.dma_semaphore, #tpu.memory_space<semaphore_mem>>)
        %dma_wait3A_639 = arith.constant 0 : i32
        %dma_wait3A_640 = tpu.memref_slice %arg3[%add3A_28, %dma_wait3A_639] : memref<2560x125xi32, #tpu.memory_space<hbm>> -> memref<16x125xi32, #tpu.memory_space<hbm>>
        %dma_wait3A_641 = arith.constant 0 : i32
        %dma_wait3A_642 = tpu.memref_slice %arg3[%add3A_28, %dma_wait3A_641] : memref<2560x125xi32, #tpu.memory_space<hbm>> -> memref<16x125xi32, #tpu.memory_space<hbm>>
        tpu.wait_dma2 semaphore(%run_scoped3A : memref<!tpu.dma_semaphore, #tpu.memory_space<semaphore_mem>>) src(%dma_wait3A_642 : memref<16x125xi32, #tpu.memory_space<hbm>>) dst(%arg11 : memref<16x125xi32, #tpu.memory_space<vmem>>)
        tpu.yield
      }) : () -> ()
      "tpu.region"() ({
        %run_scoped3A = tpu.sem_alloc : memref<!tpu.dma_semaphore, #tpu.memory_space<semaphore_mem>>
        %dma_start3A_635 = arith.constant 0 : i32
        %dma_start3A_636 = arith.constant 0 : i32
        %dma_start3A_637 = tpu.memref_slice %arg2[%add3A_28, %dma_start3A_635, %dma_start3A_636] : memref<2560x125x32xf32, #tpu.memory_space<hbm>> -> memref<16x125x32xf32, #tpu.memory_space<hbm>>
        %dma_start3A_638 = arith.constant 0 : i32
        %dma_start3A_639 = arith.constant 0 : i32
        %dma_start3A_640 = tpu.memref_slice %arg2[%add3A_28, %dma_start3A_638, %dma_start3A_639] : memref<2560x125x32xf32, #tpu.memory_space<hbm>> -> memref<16x125x32xf32, #tpu.memory_space<hbm>>
        tpu.enqueue_dma source(%dma_start3A_640 : memref<16x125x32xf32, #tpu.memory_space<hbm>>) target(%arg12 : memref<16x125x32xf32, #tpu.memory_space<vmem>>) target_semaphore(%run_scoped3A : memref<!tpu.dma_semaphore, #tpu.memory_space<semaphore_mem>>)
        %dma_wait3A_641 = arith.constant 0 : i32
        %dma_wait3A_642 = arith.constant 0 : i32
        %dma_wait3A_643 = tpu.memref_slice %arg2[%add3A_28, %dma_wait3A_641, %dma_wait3A_642] : memref<2560x125x32xf32, #tpu.memory_space<hbm>> -> memref<16x125x32xf32, #tpu.memory_space<hbm>>
        %dma_wait3A_644 = arith.constant 0 : i32
        %dma_wait3A_645 = arith.constant 0 : i32
        %dma_wait3A_646 = tpu.memref_slice %arg2[%add3A_28, %dma_wait3A_644, %dma_wait3A_645] : memref<2560x125x32xf32, #tpu.memory_space<hbm>> -> memref<16x125x32xf32, #tpu.memory_space<hbm>>
        tpu.wait_dma2 semaphore(%run_scoped3A : memref<!tpu.dma_semaphore, #tpu.memory_space<semaphore_mem>>) src(%dma_wait3A_646 : memref<16x125x32xf32, #tpu.memory_space<hbm>>) dst(%arg12 : memref<16x125x32xf32, #tpu.memory_space<vmem>>)
        tpu.yield
      }) : () -> ()
      %dma_start3A = arith.constant 0 : i32
      %dma_start3A_29 = arith.constant 0 : i32
      %dma_start3A_30 = arith.constant 0 : i32
      %dma_start3A_31 = arith.constant 0 : i32
      %dma_start3A_32 = tpu.memref_slice %arg12[%dma_start3A, %dma_start3A_30, %dma_start3A_31] : memref<16x125x32xf32, #tpu.memory_space<vmem>> -> memref<1x125x32xf32, #tpu.memory_space<vmem>>
      %dma_start3A_33 = tpu.memref_squeeze %dma_start3A_32 : memref<1x125x32xf32, #tpu.memory_space<vmem>> -> memref<125x32xf32, #tpu.memory_space<vmem>>
      %dma_start3A_34 = arith.constant 0 : i32
      %dma_start3A_35 = tpu.memref_slice %arg11[%dma_start3A_29, %dma_start3A_34] : memref<16x125xi32, #tpu.memory_space<vmem>> -> memref<1x125xi32, #tpu.memory_space<vmem>>
      %dma_start3A_36 = tpu.memref_squeeze %dma_start3A_35 : memref<1x125xi32, #tpu.memory_space<vmem>> -> memref<125xi32, #tpu.memory_space<vmem>>
      %dma_start3A_37 = arith.constant 0 : i32
      %dma_start3A_38 = arith.constant 0 : i32
      %dma_start3A_39 = tpu.memref_slice %arg9[%dma_start3A_37, %dma_start3A_38] : memref<10240x32xf32, #tpu.memory_space<vmem_shared>> -> memref<10240x32xf32, #tpu.memory_space<vmem_shared>>
      tpu.enqueue_indirect_dma source(%dma_start3A_33 : memref<125x32xf32, #tpu.memory_space<vmem>>) target(%dma_start3A_39 : memref<10240x32xf32, #tpu.memory_space<vmem_shared>>) offsets(%dma_start3A_36 : memref<125xi32, #tpu.memory_space<vmem>>) semaphore(%arg16 : memref<!tpu.dma_semaphore, #tpu.memory_space<semaphore_mem>>) {add = true}
      %dma_start3A_40 = arith.constant 1 : i32
      %dma_start3A_41 = arith.constant 1 : i32
      %dma_start3A_42 = arith.constant 0 : i32
      %dma_start3A_43 = arith.constant 0 : i32
      %dma_start3A_44 = tpu.memref_slice %arg12[%dma_start3A_40, %dma_start3A_42, %dma_start3A_43] : memref<16x125x32xf32, #tpu.memory_space<vmem>> -> memref<1x125x32xf32, #tpu.memory_space<vmem>>
      %dma_start3A_45 = tpu.memref_squeeze %dma_start3A_44 : memref<1x125x32xf32, #tpu.memory_space<vmem>> -> memref<125x32xf32, #tpu.memory_space<vmem>>
      %dma_start3A_46 = arith.constant 0 : i32
      %dma_start3A_47 = tpu.memref_slice %arg11[%dma_start3A_41, %dma_start3A_46] : memref<16x125xi32, #tpu.memory_space<vmem>> -> memref<1x125xi32, #tpu.memory_space<vmem>>
      %dma_start3A_48 = tpu.memref_squeeze %dma_start3A_47 : memref<1x125xi32, #tpu.memory_space<vmem>> -> memref<125xi32, #tpu.memory_space<vmem>>
      %dma_start3A_49 = arith.constant 0 : i32
      %dma_start3A_50 = arith.constant 0 : i32
      %dma_start3A_51 = tpu.memref_slice %arg9[%dma_start3A_49, %dma_start3A_50] : memref<10240x32xf32, #tpu.memory_space<vmem_shared>> -> memref<10240x32xf32, #tpu.memory_space<vmem_shared>>
      tpu.enqueue_indirect_dma source(%dma_start3A_45 : memref<125x32xf32, #tpu.memory_space<vmem>>) target(%dma_start3A_51 : memref<10240x32xf32, #tpu.memory_space<vmem_shared>>) offsets(%dma_start3A_48 : memref<125xi32, #tpu.memory_space<vmem>>) semaphore(%arg16 : memref<!tpu.dma_semaphore, #tpu.memory_space<semaphore_mem>>) {add = true}
      %dma_start3A_52 = arith.constant 2 : i32
      %dma_start3A_53 = arith.constant 2 : i32
      %dma_start3A_54 = arith.constant 0 : i32
      %dma_start3A_55 = arith.constant 0 : i32
      %dma_start3A_56 = tpu.memref_slice %arg12[%dma_start3A_52, %dma_start3A_54, %dma_start3A_55] : memref<16x125x32xf32, #tpu.memory_space<vmem>> -> memref<1x125x32xf32, #tpu.memory_space<vmem>>
      %dma_start3A_57 = tpu.memref_squeeze %dma_start3A_56 : memref<1x125x32xf32, #tpu.memory_space<vmem>> -> memref<125x32xf32, #tpu.memory_space<vmem>>
      %dma_start3A_58 = arith.constant 0 : i32
      %dma_start3A_59 = tpu.memref_slice %arg11[%dma_start3A_53, %dma_start3A_58] : memref<16x125xi32, #tpu.memory_space<vmem>> -> memref<1x125xi32, #tpu.memory_space<vmem>>
      %dma_start3A_60 = tpu.memref_squeeze %dma_start3A_59 : memref<1x125xi32, #tpu.memory_space<vmem>> -> memref<125xi32, #tpu.memory_space<vmem>>
      %dma_start3A_61 = arith.constant 0 : i32
      %dma_start3A_62 = arith.constant 0 : i32
      %dma_start3A_63 = tpu.memref_slice %arg9[%dma_start3A_61, %dma_start3A_62] : memref<10240x32xf32, #tpu.memory_space<vmem_shared>> -> memref<10240x32xf32, #tpu.memory_space<vmem_shared>>
      tpu.enqueue_indirect_dma source(%dma_start3A_57 : memref<125x32xf32, #tpu.memory_space<vmem>>) target(%dma_start3A_63 : memref<10240x32xf32, #tpu.memory_space<vmem_shared>>) offsets(%dma_start3A_60 : memref<125xi32, #tpu.memory_space<vmem>>) semaphore(%arg16 : memref<!tpu.dma_semaphore, #tpu.memory_space<semaphore_mem>>) {add = true}
      %dma_start3A_64 = arith.constant 3 : i32
      %dma_start3A_65 = arith.constant 3 : i32
      %dma_start3A_66 = arith.constant 0 : i32
      %dma_start3A_67 = arith.constant 0 : i32
      %dma_start3A_68 = tpu.memref_slice %arg12[%dma_start3A_64, %dma_start3A_66, %dma_start3A_67] : memref<16x125x32xf32, #tpu.memory_space<vmem>> -> memref<1x125x32xf32, #tpu.memory_space<vmem>>
      %dma_start3A_69 = tpu.memref_squeeze %dma_start3A_68 : memref<1x125x32xf32, #tpu.memory_space<vmem>> -> memref<125x32xf32, #tpu.memory_space<vmem>>
      %dma_start3A_70 = arith.constant 0 : i32
      %dma_start3A_71 = tpu.memref_slice %arg11[%dma_start3A_65, %dma_start3A_70] : memref<16x125xi32, #tpu.memory_space<vmem>> -> memref<1x125xi32, #tpu.memory_space<vmem>>
      %dma_start3A_72 = tpu.memref_squeeze %dma_start3A_71 : memref<1x125xi32, #tpu.memory_space<vmem>> -> memref<125xi32, #tpu.memory_space<vmem>>
      %dma_start3A_73 = arith.constant 0 : i32
      %dma_start3A_74 = arith.constant 0 : i32
      %dma_start3A_75 = tpu.memref_slice %arg9[%dma_start3A_73, %dma_start3A_74] : memref<10240x32xf32, #tpu.memory_space<vmem_shared>> -> memref<10240x32xf32, #tpu.memory_space<vmem_shared>>
      tpu.enqueue_indirect_dma source(%dma_start3A_69 : memref<125x32xf32, #tpu.memory_space<vmem>>) target(%dma_start3A_75 : memref<10240x32xf32, #tpu.memory_space<vmem_shared>>) offsets(%dma_start3A_72 : memref<125xi32, #tpu.memory_space<vmem>>) semaphore(%arg16 : memref<!tpu.dma_semaphore, #tpu.memory_space<semaphore_mem>>) {add = true}
      %dma_start3A_76 = arith.constant 4 : i32
      %dma_start3A_77 = arith.constant 4 : i32
      %dma_start3A_78 = arith.constant 0 : i32
      %dma_start3A_79 = arith.constant 0 : i32
      %dma_start3A_80 = tpu.memref_slice %arg12[%dma_start3A_76, %dma_start3A_78, %dma_start3A_79] : memref<16x125x32xf32, #tpu.memory_space<vmem>> -> memref<1x125x32xf32, #tpu.memory_space<vmem>>
      %dma_start3A_81 = tpu.memref_squeeze %dma_start3A_80 : memref<1x125x32xf32, #tpu.memory_space<vmem>> -> memref<125x32xf32, #tpu.memory_space<vmem>>
      %dma_start3A_82 = arith.constant 0 : i32
      %dma_start3A_83 = tpu.memref_slice %arg11[%dma_start3A_77, %dma_start3A_82] : memref<16x125xi32, #tpu.memory_space<vmem>> -> memref<1x125xi32, #tpu.memory_space<vmem>>
      %dma_start3A_84 = tpu.memref_squeeze %dma_start3A_83 : memref<1x125xi32, #tpu.memory_space<vmem>> -> memref<125xi32, #tpu.memory_space<vmem>>
      %dma_start3A_85 = arith.constant 0 : i32
      %dma_start3A_86 = arith.constant 0 : i32
      %dma_start3A_87 = tpu.memref_slice %arg9[%dma_start3A_85, %dma_start3A_86] : memref<10240x32xf32, #tpu.memory_space<vmem_shared>> -> memref<10240x32xf32, #tpu.memory_space<vmem_shared>>
      tpu.enqueue_indirect_dma source(%dma_start3A_81 : memref<125x32xf32, #tpu.memory_space<vmem>>) target(%dma_start3A_87 : memref<10240x32xf32, #tpu.memory_space<vmem_shared>>) offsets(%dma_start3A_84 : memref<125xi32, #tpu.memory_space<vmem>>) semaphore(%arg16 : memref<!tpu.dma_semaphore, #tpu.memory_space<semaphore_mem>>) {add = true}
      %dma_start3A_88 = arith.constant 5 : i32
      %dma_start3A_89 = arith.constant 5 : i32
      %dma_start3A_90 = arith.constant 0 : i32
      %dma_start3A_91 = arith.constant 0 : i32
      %dma_start3A_92 = tpu.memref_slice %arg12[%dma_start3A_88, %dma_start3A_90, %dma_start3A_91] : memref<16x125x32xf32, #tpu.memory_space<vmem>> -> memref<1x125x32xf32, #tpu.memory_space<vmem>>
      %dma_start3A_93 = tpu.memref_squeeze %dma_start3A_92 : memref<1x125x32xf32, #tpu.memory_space<vmem>> -> memref<125x32xf32, #tpu.memory_space<vmem>>
      %dma_start3A_94 = arith.constant 0 : i32
      %dma_start3A_95 = tpu.memref_slice %arg11[%dma_start3A_89, %dma_start3A_94] : memref<16x125xi32, #tpu.memory_space<vmem>> -> memref<1x125xi32, #tpu.memory_space<vmem>>
      %dma_start3A_96 = tpu.memref_squeeze %dma_start3A_95 : memref<1x125xi32, #tpu.memory_space<vmem>> -> memref<125xi32, #tpu.memory_space<vmem>>
      %dma_start3A_97 = arith.constant 0 : i32
      %dma_start3A_98 = arith.constant 0 : i32
      %dma_start3A_99 = tpu.memref_slice %arg9[%dma_start3A_97, %dma_start3A_98] : memref<10240x32xf32, #tpu.memory_space<vmem_shared>> -> memref<10240x32xf32, #tpu.memory_space<vmem_shared>>
      tpu.enqueue_indirect_dma source(%dma_start3A_93 : memref<125x32xf32, #tpu.memory_space<vmem>>) target(%dma_start3A_99 : memref<10240x32xf32, #tpu.memory_space<vmem_shared>>) offsets(%dma_start3A_96 : memref<125xi32, #tpu.memory_space<vmem>>) semaphore(%arg16 : memref<!tpu.dma_semaphore, #tpu.memory_space<semaphore_mem>>) {add = true}
      %dma_start3A_100 = arith.constant 6 : i32
      %dma_start3A_101 = arith.constant 6 : i32
      %dma_start3A_102 = arith.constant 0 : i32
      %dma_start3A_103 = arith.constant 0 : i32
      %dma_start3A_104 = tpu.memref_slice %arg12[%dma_start3A_100, %dma_start3A_102, %dma_start3A_103] : memref<16x125x32xf32, #tpu.memory_space<vmem>> -> memref<1x125x32xf32, #tpu.memory_space<vmem>>
      %dma_start3A_105 = tpu.memref_squeeze %dma_start3A_104 : memref<1x125x32xf32, #tpu.memory_space<vmem>> -> memref<125x32xf32, #tpu.memory_space<vmem>>
      %dma_start3A_106 = arith.constant 0 : i32
      %dma_start3A_107 = tpu.memref_slice %arg11[%dma_start3A_101, %dma_start3A_106] : memref<16x125xi32, #tpu.memory_space<vmem>> -> memref<1x125xi32, #tpu.memory_space<vmem>>
      %dma_start3A_108 = tpu.memref_squeeze %dma_start3A_107 : memref<1x125xi32, #tpu.memory_space<vmem>> -> memref<125xi32, #tpu.memory_space<vmem>>
      %dma_start3A_109 = arith.constant 0 : i32
      %dma_start3A_110 = arith.constant 0 : i32
      %dma_start3A_111 = tpu.memref_slice %arg9[%dma_start3A_109, %dma_start3A_110] : memref<10240x32xf32, #tpu.memory_space<vmem_shared>> -> memref<10240x32xf32, #tpu.memory_space<vmem_shared>>
      tpu.enqueue_indirect_dma source(%dma_start3A_105 : memref<125x32xf32, #tpu.memory_space<vmem>>) target(%dma_start3A_111 : memref<10240x32xf32, #tpu.memory_space<vmem_shared>>) offsets(%dma_start3A_108 : memref<125xi32, #tpu.memory_space<vmem>>) semaphore(%arg16 : memref<!tpu.dma_semaphore, #tpu.memory_space<semaphore_mem>>) {add = true}
      %dma_start3A_112 = arith.constant 7 : i32
      %dma_start3A_113 = arith.constant 7 : i32
      %dma_start3A_114 = arith.constant 0 : i32
      %dma_start3A_115 = arith.constant 0 : i32
      %dma_start3A_116 = tpu.memref_slice %arg12[%dma_start3A_112, %dma_start3A_114, %dma_start3A_115] : memref<16x125x32xf32, #tpu.memory_space<vmem>> -> memref<1x125x32xf32, #tpu.memory_space<vmem>>
      %dma_start3A_117 = tpu.memref_squeeze %dma_start3A_116 : memref<1x125x32xf32, #tpu.memory_space<vmem>> -> memref<125x32xf32, #tpu.memory_space<vmem>>
      %dma_start3A_118 = arith.constant 0 : i32
      %dma_start3A_119 = tpu.memref_slice %arg11[%dma_start3A_113, %dma_start3A_118] : memref<16x125xi32, #tpu.memory_space<vmem>> -> memref<1x125xi32, #tpu.memory_space<vmem>>
      %dma_start3A_120 = tpu.memref_squeeze %dma_start3A_119 : memref<1x125xi32, #tpu.memory_space<vmem>> -> memref<125xi32, #tpu.memory_space<vmem>>
      %dma_start3A_121 = arith.constant 0 : i32
      %dma_start3A_122 = arith.constant 0 : i32
      %dma_start3A_123 = tpu.memref_slice %arg9[%dma_start3A_121, %dma_start3A_122] : memref<10240x32xf32, #tpu.memory_space<vmem_shared>> -> memref<10240x32xf32, #tpu.memory_space<vmem_shared>>
      tpu.enqueue_indirect_dma source(%dma_start3A_117 : memref<125x32xf32, #tpu.memory_space<vmem>>) target(%dma_start3A_123 : memref<10240x32xf32, #tpu.memory_space<vmem_shared>>) offsets(%dma_start3A_120 : memref<125xi32, #tpu.memory_space<vmem>>) semaphore(%arg16 : memref<!tpu.dma_semaphore, #tpu.memory_space<semaphore_mem>>) {add = true}
      %dma_start3A_124 = arith.constant 8 : i32
      %dma_start3A_125 = arith.constant 8 : i32
      %dma_start3A_126 = arith.constant 0 : i32
      %dma_start3A_127 = arith.constant 0 : i32
      %dma_start3A_128 = tpu.memref_slice %arg12[%dma_start3A_124, %dma_start3A_126, %dma_start3A_127] : memref<16x125x32xf32, #tpu.memory_space<vmem>> -> memref<1x125x32xf32, #tpu.memory_space<vmem>>
      %dma_start3A_129 = tpu.memref_squeeze %dma_start3A_128 : memref<1x125x32xf32, #tpu.memory_space<vmem>> -> memref<125x32xf32, #tpu.memory_space<vmem>>
      %dma_start3A_130 = arith.constant 0 : i32
      %dma_start3A_131 = tpu.memref_slice %arg11[%dma_start3A_125, %dma_start3A_130] : memref<16x125xi32, #tpu.memory_space<vmem>> -> memref<1x125xi32, #tpu.memory_space<vmem>>
      %dma_start3A_132 = tpu.memref_squeeze %dma_start3A_131 : memref<1x125xi32, #tpu.memory_space<vmem>> -> memref<125xi32, #tpu.memory_space<vmem>>
      %dma_start3A_133 = arith.constant 0 : i32
      %dma_start3A_134 = arith.constant 0 : i32
      %dma_start3A_135 = tpu.memref_slice %arg9[%dma_start3A_133, %dma_start3A_134] : memref<10240x32xf32, #tpu.memory_space<vmem_shared>> -> memref<10240x32xf32, #tpu.memory_space<vmem_shared>>
      tpu.enqueue_indirect_dma source(%dma_start3A_129 : memref<125x32xf32, #tpu.memory_space<vmem>>) target(%dma_start3A_135 : memref<10240x32xf32, #tpu.memory_space<vmem_shared>>) offsets(%dma_start3A_132 : memref<125xi32, #tpu.memory_space<vmem>>) semaphore(%arg16 : memref<!tpu.dma_semaphore, #tpu.memory_space<semaphore_mem>>) {add = true}
      %dma_start3A_136 = arith.constant 9 : i32
      %dma_start3A_137 = arith.constant 9 : i32
      %dma_start3A_138 = arith.constant 0 : i32
      %dma_start3A_139 = arith.constant 0 : i32
      %dma_start3A_140 = tpu.memref_slice %arg12[%dma_start3A_136, %dma_start3A_138, %dma_start3A_139] : memref<16x125x32xf32, #tpu.memory_space<vmem>> -> memref<1x125x32xf32, #tpu.memory_space<vmem>>
      %dma_start3A_141 = tpu.memref_squeeze %dma_start3A_140 : memref<1x125x32xf32, #tpu.memory_space<vmem>> -> memref<125x32xf32, #tpu.memory_space<vmem>>
      %dma_start3A_142 = arith.constant 0 : i32
      %dma_start3A_143 = tpu.memref_slice %arg11[%dma_start3A_137, %dma_start3A_142] : memref<16x125xi32, #tpu.memory_space<vmem>> -> memref<1x125xi32, #tpu.memory_space<vmem>>
      %dma_start3A_144 = tpu.memref_squeeze %dma_start3A_143 : memref<1x125xi32, #tpu.memory_space<vmem>> -> memref<125xi32, #tpu.memory_space<vmem>>
      %dma_start3A_145 = arith.constant 0 : i32
      %dma_start3A_146 = arith.constant 0 : i32
      %dma_start3A_147 = tpu.memref_slice %arg9[%dma_start3A_145, %dma_start3A_146] : memref<10240x32xf32, #tpu.memory_space<vmem_shared>> -> memref<10240x32xf32, #tpu.memory_space<vmem_shared>>
      tpu.enqueue_indirect_dma source(%dma_start3A_141 : memref<125x32xf32, #tpu.memory_space<vmem>>) target(%dma_start3A_147 : memref<10240x32xf32, #tpu.memory_space<vmem_shared>>) offsets(%dma_start3A_144 : memref<125xi32, #tpu.memory_space<vmem>>) semaphore(%arg16 : memref<!tpu.dma_semaphore, #tpu.memory_space<semaphore_mem>>) {add = true}
      %dma_start3A_148 = arith.constant 10 : i32
      %dma_start3A_149 = arith.constant 10 : i32
      %dma_start3A_150 = arith.constant 0 : i32
      %dma_start3A_151 = arith.constant 0 : i32
      %dma_start3A_152 = tpu.memref_slice %arg12[%dma_start3A_148, %dma_start3A_150, %dma_start3A_151] : memref<16x125x32xf32, #tpu.memory_space<vmem>> -> memref<1x125x32xf32, #tpu.memory_space<vmem>>
      %dma_start3A_153 = tpu.memref_squeeze %dma_start3A_152 : memref<1x125x32xf32, #tpu.memory_space<vmem>> -> memref<125x32xf32, #tpu.memory_space<vmem>>
      %dma_start3A_154 = arith.constant 0 : i32
      %dma_start3A_155 = tpu.memref_slice %arg11[%dma_start3A_149, %dma_start3A_154] : memref<16x125xi32, #tpu.memory_space<vmem>> -> memref<1x125xi32, #tpu.memory_space<vmem>>
      %dma_start3A_156 = tpu.memref_squeeze %dma_start3A_155 : memref<1x125xi32, #tpu.memory_space<vmem>> -> memref<125xi32, #tpu.memory_space<vmem>>
      %dma_start3A_157 = arith.constant 0 : i32
      %dma_start3A_158 = arith.constant 0 : i32
      %dma_start3A_159 = tpu.memref_slice %arg9[%dma_start3A_157, %dma_start3A_158] : memref<10240x32xf32, #tpu.memory_space<vmem_shared>> -> memref<10240x32xf32, #tpu.memory_space<vmem_shared>>
      tpu.enqueue_indirect_dma source(%dma_start3A_153 : memref<125x32xf32, #tpu.memory_space<vmem>>) target(%dma_start3A_159 : memref<10240x32xf32, #tpu.memory_space<vmem_shared>>) offsets(%dma_start3A_156 : memref<125xi32, #tpu.memory_space<vmem>>) semaphore(%arg16 : memref<!tpu.dma_semaphore, #tpu.memory_space<semaphore_mem>>) {add = true}
      %dma_start3A_160 = arith.constant 11 : i32
      %dma_start3A_161 = arith.constant 11 : i32
      %dma_start3A_162 = arith.constant 0 : i32
      %dma_start3A_163 = arith.constant 0 : i32
      %dma_start3A_164 = tpu.memref_slice %arg12[%dma_start3A_160, %dma_start3A_162, %dma_start3A_163] : memref<16x125x32xf32, #tpu.memory_space<vmem>> -> memref<1x125x32xf32, #tpu.memory_space<vmem>>
      %dma_start3A_165 = tpu.memref_squeeze %dma_start3A_164 : memref<1x125x32xf32, #tpu.memory_space<vmem>> -> memref<125x32xf32, #tpu.memory_space<vmem>>
      %dma_start3A_166 = arith.constant 0 : i32
      %dma_start3A_167 = tpu.memref_slice %arg11[%dma_start3A_161, %dma_start3A_166] : memref<16x125xi32, #tpu.memory_space<vmem>> -> memref<1x125xi32, #tpu.memory_space<vmem>>
      %dma_start3A_168 = tpu.memref_squeeze %dma_start3A_167 : memref<1x125xi32, #tpu.memory_space<vmem>> -> memref<125xi32, #tpu.memory_space<vmem>>
      %dma_start3A_169 = arith.constant 0 : i32
      %dma_start3A_170 = arith.constant 0 : i32
      %dma_start3A_171 = tpu.memref_slice %arg9[%dma_start3A_169, %dma_start3A_170] : memref<10240x32xf32, #tpu.memory_space<vmem_shared>> -> memref<10240x32xf32, #tpu.memory_space<vmem_shared>>
      tpu.enqueue_indirect_dma source(%dma_start3A_165 : memref<125x32xf32, #tpu.memory_space<vmem>>) target(%dma_start3A_171 : memref<10240x32xf32, #tpu.memory_space<vmem_shared>>) offsets(%dma_start3A_168 : memref<125xi32, #tpu.memory_space<vmem>>) semaphore(%arg16 : memref<!tpu.dma_semaphore, #tpu.memory_space<semaphore_mem>>) {add = true}
      %dma_start3A_172 = arith.constant 12 : i32
      %dma_start3A_173 = arith.constant 12 : i32
      %dma_start3A_174 = arith.constant 0 : i32
      %dma_start3A_175 = arith.constant 0 : i32
      %dma_start3A_176 = tpu.memref_slice %arg12[%dma_start3A_172, %dma_start3A_174, %dma_start3A_175] : memref<16x125x32xf32, #tpu.memory_space<vmem>> -> memref<1x125x32xf32, #tpu.memory_space<vmem>>
      %dma_start3A_177 = tpu.memref_squeeze %dma_start3A_176 : memref<1x125x32xf32, #tpu.memory_space<vmem>> -> memref<125x32xf32, #tpu.memory_space<vmem>>
      %dma_start3A_178 = arith.constant 0 : i32
      %dma_start3A_179 = tpu.memref_slice %arg11[%dma_start3A_173, %dma_start3A_178] : memref<16x125xi32, #tpu.memory_space<vmem>> -> memref<1x125xi32, #tpu.memory_space<vmem>>
      %dma_start3A_180 = tpu.memref_squeeze %dma_start3A_179 : memref<1x125xi32, #tpu.memory_space<vmem>> -> memref<125xi32, #tpu.memory_space<vmem>>
      %dma_start3A_181 = arith.constant 0 : i32
      %dma_start3A_182 = arith.constant 0 : i32
      %dma_start3A_183 = tpu.memref_slice %arg9[%dma_start3A_181, %dma_start3A_182] : memref<10240x32xf32, #tpu.memory_space<vmem_shared>> -> memref<10240x32xf32, #tpu.memory_space<vmem_shared>>
      tpu.enqueue_indirect_dma source(%dma_start3A_177 : memref<125x32xf32, #tpu.memory_space<vmem>>) target(%dma_start3A_183 : memref<10240x32xf32, #tpu.memory_space<vmem_shared>>) offsets(%dma_start3A_180 : memref<125xi32, #tpu.memory_space<vmem>>) semaphore(%arg16 : memref<!tpu.dma_semaphore, #tpu.memory_space<semaphore_mem>>) {add = true}
      %dma_start3A_184 = arith.constant 13 : i32
      %dma_start3A_185 = arith.constant 13 : i32
      %dma_start3A_186 = arith.constant 0 : i32
      %dma_start3A_187 = arith.constant 0 : i32
      %dma_start3A_188 = tpu.memref_slice %arg12[%dma_start3A_184, %dma_start3A_186, %dma_start3A_187] : memref<16x125x32xf32, #tpu.memory_space<vmem>> -> memref<1x125x32xf32, #tpu.memory_space<vmem>>
      %dma_start3A_189 = tpu.memref_squeeze %dma_start3A_188 : memref<1x125x32xf32, #tpu.memory_space<vmem>> -> memref<125x32xf32, #tpu.memory_space<vmem>>
      %dma_start3A_190 = arith.constant 0 : i32
      %dma_start3A_191 = tpu.memref_slice %arg11[%dma_start3A_185, %dma_start3A_190] : memref<16x125xi32, #tpu.memory_space<vmem>> -> memref<1x125xi32, #tpu.memory_space<vmem>>
      %dma_start3A_192 = tpu.memref_squeeze %dma_start3A_191 : memref<1x125xi32, #tpu.memory_space<vmem>> -> memref<125xi32, #tpu.memory_space<vmem>>
      %dma_start3A_193 = arith.constant 0 : i32
      %dma_start3A_194 = arith.constant 0 : i32
      %dma_start3A_195 = tpu.memref_slice %arg9[%dma_start3A_193, %dma_start3A_194] : memref<10240x32xf32, #tpu.memory_space<vmem_shared>> -> memref<10240x32xf32, #tpu.memory_space<vmem_shared>>
      tpu.enqueue_indirect_dma source(%dma_start3A_189 : memref<125x32xf32, #tpu.memory_space<vmem>>) target(%dma_start3A_195 : memref<10240x32xf32, #tpu.memory_space<vmem_shared>>) offsets(%dma_start3A_192 : memref<125xi32, #tpu.memory_space<vmem>>) semaphore(%arg16 : memref<!tpu.dma_semaphore, #tpu.memory_space<semaphore_mem>>) {add = true}
      %dma_start3A_196 = arith.constant 14 : i32
      %dma_start3A_197 = arith.constant 14 : i32
      %dma_start3A_198 = arith.constant 0 : i32
      %dma_start3A_199 = arith.constant 0 : i32
      %dma_start3A_200 = tpu.memref_slice %arg12[%dma_start3A_196, %dma_start3A_198, %dma_start3A_199] : memref<16x125x32xf32, #tpu.memory_space<vmem>> -> memref<1x125x32xf32, #tpu.memory_space<vmem>>
      %dma_start3A_201 = tpu.memref_squeeze %dma_start3A_200 : memref<1x125x32xf32, #tpu.memory_space<vmem>> -> memref<125x32xf32, #tpu.memory_space<vmem>>
      %dma_start3A_202 = arith.constant 0 : i32
      %dma_start3A_203 = tpu.memref_slice %arg11[%dma_start3A_197, %dma_start3A_202] : memref<16x125xi32, #tpu.memory_space<vmem>> -> memref<1x125xi32, #tpu.memory_space<vmem>>
      %dma_start3A_204 = tpu.memref_squeeze %dma_start3A_203 : memref<1x125xi32, #tpu.memory_space<vmem>> -> memref<125xi32, #tpu.memory_space<vmem>>
      %dma_start3A_205 = arith.constant 0 : i32
      %dma_start3A_206 = arith.constant 0 : i32
      %dma_start3A_207 = tpu.memref_slice %arg9[%dma_start3A_205, %dma_start3A_206] : memref<10240x32xf32, #tpu.memory_space<vmem_shared>> -> memref<10240x32xf32, #tpu.memory_space<vmem_shared>>
      tpu.enqueue_indirect_dma source(%dma_start3A_201 : memref<125x32xf32, #tpu.memory_space<vmem>>) target(%dma_start3A_207 : memref<10240x32xf32, #tpu.memory_space<vmem_shared>>) offsets(%dma_start3A_204 : memref<125xi32, #tpu.memory_space<vmem>>) semaphore(%arg16 : memref<!tpu.dma_semaphore, #tpu.memory_space<semaphore_mem>>) {add = true}
      %dma_start3A_208 = arith.constant 15 : i32
      %dma_start3A_209 = arith.constant 15 : i32
      %dma_start3A_210 = arith.constant 0 : i32
      %dma_start3A_211 = arith.constant 0 : i32
      %dma_start3A_212 = tpu.memref_slice %arg12[%dma_start3A_208, %dma_start3A_210, %dma_start3A_211] : memref<16x125x32xf32, #tpu.memory_space<vmem>> -> memref<1x125x32xf32, #tpu.memory_space<vmem>>
      %dma_start3A_213 = tpu.memref_squeeze %dma_start3A_212 : memref<1x125x32xf32, #tpu.memory_space<vmem>> -> memref<125x32xf32, #tpu.memory_space<vmem>>
      %dma_start3A_214 = arith.constant 0 : i32
      %dma_start3A_215 = tpu.memref_slice %arg11[%dma_start3A_209, %dma_start3A_214] : memref<16x125xi32, #tpu.memory_space<vmem>> -> memref<1x125xi32, #tpu.memory_space<vmem>>
      %dma_start3A_216 = tpu.memref_squeeze %dma_start3A_215 : memref<1x125xi32, #tpu.memory_space<vmem>> -> memref<125xi32, #tpu.memory_space<vmem>>
      %dma_start3A_217 = arith.constant 0 : i32
      %dma_start3A_218 = arith.constant 0 : i32
      %dma_start3A_219 = tpu.memref_slice %arg9[%dma_start3A_217, %dma_start3A_218] : memref<10240x32xf32, #tpu.memory_space<vmem_shared>> -> memref<10240x32xf32, #tpu.memory_space<vmem_shared>>
      tpu.enqueue_indirect_dma source(%dma_start3A_213 : memref<125x32xf32, #tpu.memory_space<vmem>>) target(%dma_start3A_219 : memref<10240x32xf32, #tpu.memory_space<vmem_shared>>) offsets(%dma_start3A_216 : memref<125xi32, #tpu.memory_space<vmem>>) semaphore(%arg16 : memref<!tpu.dma_semaphore, #tpu.memory_space<semaphore_mem>>) {add = true}
      %dma_start3A_220 = arith.constant 0 : i32
      %dma_start3A_221 = arith.constant 0 : i32
      %dma_start3A_222 = tpu.memref_slice %arg11[%dma_start3A_220, %dma_start3A_221] : memref<16x125xi32, #tpu.memory_space<vmem>> -> memref<1x125xi32, #tpu.memory_space<vmem>>
      %dma_start3A_223 = tpu.memref_squeeze %dma_start3A_222 : memref<1x125xi32, #tpu.memory_space<vmem>> -> memref<125xi32, #tpu.memory_space<vmem>>
      %dma_start3A_224 = arith.constant 0 : i32
      %dma_start3A_225 = arith.constant 0 : i32
      %dma_start3A_226 = tpu.memref_slice %arg10[%dma_start3A_224, %dma_start3A_225] : memref<10240x16xf32, #tpu.memory_space<vmem_shared>> -> memref<10240x16xf32, #tpu.memory_space<vmem_shared>>
      tpu.enqueue_indirect_dma source(%arg13 : memref<125x16xf32, #tpu.memory_space<vmem>>) target(%dma_start3A_226 : memref<10240x16xf32, #tpu.memory_space<vmem_shared>>) offsets(%dma_start3A_223 : memref<125xi32, #tpu.memory_space<vmem>>) semaphore(%arg17 : memref<!tpu.dma_semaphore, #tpu.memory_space<semaphore_mem>>) {add = true}
      %dma_start3A_227 = arith.constant 1 : i32
      %dma_start3A_228 = arith.constant 0 : i32
      %dma_start3A_229 = tpu.memref_slice %arg11[%dma_start3A_227, %dma_start3A_228] : memref<16x125xi32, #tpu.memory_space<vmem>> -> memref<1x125xi32, #tpu.memory_space<vmem>>
      %dma_start3A_230 = tpu.memref_squeeze %dma_start3A_229 : memref<1x125xi32, #tpu.memory_space<vmem>> -> memref<125xi32, #tpu.memory_space<vmem>>
      %dma_start3A_231 = arith.constant 0 : i32
      %dma_start3A_232 = arith.constant 0 : i32
      %dma_start3A_233 = tpu.memref_slice %arg10[%dma_start3A_231, %dma_start3A_232] : memref<10240x16xf32, #tpu.memory_space<vmem_shared>> -> memref<10240x16xf32, #tpu.memory_space<vmem_shared>>
      tpu.enqueue_indirect_dma source(%arg13 : memref<125x16xf32, #tpu.memory_space<vmem>>) target(%dma_start3A_233 : memref<10240x16xf32, #tpu.memory_space<vmem_shared>>) offsets(%dma_start3A_230 : memref<125xi32, #tpu.memory_space<vmem>>) semaphore(%arg17 : memref<!tpu.dma_semaphore, #tpu.memory_space<semaphore_mem>>) {add = true}
      %dma_start3A_234 = arith.constant 2 : i32
      %dma_start3A_235 = arith.constant 0 : i32
      %dma_start3A_236 = tpu.memref_slice %arg11[%dma_start3A_234, %dma_start3A_235] : memref<16x125xi32, #tpu.memory_space<vmem>> -> memref<1x125xi32, #tpu.memory_space<vmem>>
      %dma_start3A_237 = tpu.memref_squeeze %dma_start3A_236 : memref<1x125xi32, #tpu.memory_space<vmem>> -> memref<125xi32, #tpu.memory_space<vmem>>
      %dma_start3A_238 = arith.constant 0 : i32
      %dma_start3A_239 = arith.constant 0 : i32
      %dma_start3A_240 = tpu.memref_slice %arg10[%dma_start3A_238, %dma_start3A_239] : memref<10240x16xf32, #tpu.memory_space<vmem_shared>> -> memref<10240x16xf32, #tpu.memory_space<vmem_shared>>
      tpu.enqueue_indirect_dma source(%arg13 : memref<125x16xf32, #tpu.memory_space<vmem>>) target(%dma_start3A_240 : memref<10240x16xf32, #tpu.memory_space<vmem_shared>>) offsets(%dma_start3A_237 : memref<125xi32, #tpu.memory_space<vmem>>) semaphore(%arg17 : memref<!tpu.dma_semaphore, #tpu.memory_space<semaphore_mem>>) {add = true}
      %dma_start3A_241 = arith.constant 3 : i32
      %dma_start3A_242 = arith.constant 0 : i32
      %dma_start3A_243 = tpu.memref_slice %arg11[%dma_start3A_241, %dma_start3A_242] : memref<16x125xi32, #tpu.memory_space<vmem>> -> memref<1x125xi32, #tpu.memory_space<vmem>>
      %dma_start3A_244 = tpu.memref_squeeze %dma_start3A_243 : memref<1x125xi32, #tpu.memory_space<vmem>> -> memref<125xi32, #tpu.memory_space<vmem>>
      %dma_start3A_245 = arith.constant 0 : i32
      %dma_start3A_246 = arith.constant 0 : i32
      %dma_start3A_247 = tpu.memref_slice %arg10[%dma_start3A_245, %dma_start3A_246] : memref<10240x16xf32, #tpu.memory_space<vmem_shared>> -> memref<10240x16xf32, #tpu.memory_space<vmem_shared>>
      tpu.enqueue_indirect_dma source(%arg13 : memref<125x16xf32, #tpu.memory_space<vmem>>) target(%dma_start3A_247 : memref<10240x16xf32, #tpu.memory_space<vmem_shared>>) offsets(%dma_start3A_244 : memref<125xi32, #tpu.memory_space<vmem>>) semaphore(%arg17 : memref<!tpu.dma_semaphore, #tpu.memory_space<semaphore_mem>>) {add = true}
      %dma_start3A_248 = arith.constant 4 : i32
      %dma_start3A_249 = arith.constant 0 : i32
      %dma_start3A_250 = tpu.memref_slice %arg11[%dma_start3A_248, %dma_start3A_249] : memref<16x125xi32, #tpu.memory_space<vmem>> -> memref<1x125xi32, #tpu.memory_space<vmem>>
      %dma_start3A_251 = tpu.memref_squeeze %dma_start3A_250 : memref<1x125xi32, #tpu.memory_space<vmem>> -> memref<125xi32, #tpu.memory_space<vmem>>
      %dma_start3A_252 = arith.constant 0 : i32
      %dma_start3A_253 = arith.constant 0 : i32
      %dma_start3A_254 = tpu.memref_slice %arg10[%dma_start3A_252, %dma_start3A_253] : memref<10240x16xf32, #tpu.memory_space<vmem_shared>> -> memref<10240x16xf32, #tpu.memory_space<vmem_shared>>
      tpu.enqueue_indirect_dma source(%arg13 : memref<125x16xf32, #tpu.memory_space<vmem>>) target(%dma_start3A_254 : memref<10240x16xf32, #tpu.memory_space<vmem_shared>>) offsets(%dma_start3A_251 : memref<125xi32, #tpu.memory_space<vmem>>) semaphore(%arg17 : memref<!tpu.dma_semaphore, #tpu.memory_space<semaphore_mem>>) {add = true}
      %dma_start3A_255 = arith.constant 5 : i32
      %dma_start3A_256 = arith.constant 0 : i32
      %dma_start3A_257 = tpu.memref_slice %arg11[%dma_start3A_255, %dma_start3A_256] : memref<16x125xi32, #tpu.memory_space<vmem>> -> memref<1x125xi32, #tpu.memory_space<vmem>>
      %dma_start3A_258 = tpu.memref_squeeze %dma_start3A_257 : memref<1x125xi32, #tpu.memory_space<vmem>> -> memref<125xi32, #tpu.memory_space<vmem>>
      %dma_start3A_259 = arith.constant 0 : i32
      %dma_start3A_260 = arith.constant 0 : i32
      %dma_start3A_261 = tpu.memref_slice %arg10[%dma_start3A_259, %dma_start3A_260] : memref<10240x16xf32, #tpu.memory_space<vmem_shared>> -> memref<10240x16xf32, #tpu.memory_space<vmem_shared>>
      tpu.enqueue_indirect_dma source(%arg13 : memref<125x16xf32, #tpu.memory_space<vmem>>) target(%dma_start3A_261 : memref<10240x16xf32, #tpu.memory_space<vmem_shared>>) offsets(%dma_start3A_258 : memref<125xi32, #tpu.memory_space<vmem>>) semaphore(%arg17 : memref<!tpu.dma_semaphore, #tpu.memory_space<semaphore_mem>>) {add = true}
      %dma_start3A_262 = arith.constant 6 : i32
      %dma_start3A_263 = arith.constant 0 : i32
      %dma_start3A_264 = tpu.memref_slice %arg11[%dma_start3A_262, %dma_start3A_263] : memref<16x125xi32, #tpu.memory_space<vmem>> -> memref<1x125xi32, #tpu.memory_space<vmem>>
      %dma_start3A_265 = tpu.memref_squeeze %dma_start3A_264 : memref<1x125xi32, #tpu.memory_space<vmem>> -> memref<125xi32, #tpu.memory_space<vmem>>
      %dma_start3A_266 = arith.constant 0 : i32
      %dma_start3A_267 = arith.constant 0 : i32
      %dma_start3A_268 = tpu.memref_slice %arg10[%dma_start3A_266, %dma_start3A_267] : memref<10240x16xf32, #tpu.memory_space<vmem_shared>> -> memref<10240x16xf32, #tpu.memory_space<vmem_shared>>
      tpu.enqueue_indirect_dma source(%arg13 : memref<125x16xf32, #tpu.memory_space<vmem>>) target(%dma_start3A_268 : memref<10240x16xf32, #tpu.memory_space<vmem_shared>>) offsets(%dma_start3A_265 : memref<125xi32, #tpu.memory_space<vmem>>) semaphore(%arg17 : memref<!tpu.dma_semaphore, #tpu.memory_space<semaphore_mem>>) {add = true}
      %dma_start3A_269 = arith.constant 7 : i32
      %dma_start3A_270 = arith.constant 0 : i32
      %dma_start3A_271 = tpu.memref_slice %arg11[%dma_start3A_269, %dma_start3A_270] : memref<16x125xi32, #tpu.memory_space<vmem>> -> memref<1x125xi32, #tpu.memory_space<vmem>>
      %dma_start3A_272 = tpu.memref_squeeze %dma_start3A_271 : memref<1x125xi32, #tpu.memory_space<vmem>> -> memref<125xi32, #tpu.memory_space<vmem>>
      %dma_start3A_273 = arith.constant 0 : i32
      %dma_start3A_274 = arith.constant 0 : i32
      %dma_start3A_275 = tpu.memref_slice %arg10[%dma_start3A_273, %dma_start3A_274] : memref<10240x16xf32, #tpu.memory_space<vmem_shared>> -> memref<10240x16xf32, #tpu.memory_space<vmem_shared>>
      tpu.enqueue_indirect_dma source(%arg13 : memref<125x16xf32, #tpu.memory_space<vmem>>) target(%dma_start3A_275 : memref<10240x16xf32, #tpu.memory_space<vmem_shared>>) offsets(%dma_start3A_272 : memref<125xi32, #tpu.memory_space<vmem>>) semaphore(%arg17 : memref<!tpu.dma_semaphore, #tpu.memory_space<semaphore_mem>>) {add = true}
      %dma_start3A_276 = arith.constant 8 : i32
      %dma_start3A_277 = arith.constant 0 : i32
      %dma_start3A_278 = tpu.memref_slice %arg11[%dma_start3A_276, %dma_start3A_277] : memref<16x125xi32, #tpu.memory_space<vmem>> -> memref<1x125xi32, #tpu.memory_space<vmem>>
      %dma_start3A_279 = tpu.memref_squeeze %dma_start3A_278 : memref<1x125xi32, #tpu.memory_space<vmem>> -> memref<125xi32, #tpu.memory_space<vmem>>
      %dma_start3A_280 = arith.constant 0 : i32
      %dma_start3A_281 = arith.constant 0 : i32
      %dma_start3A_282 = tpu.memref_slice %arg10[%dma_start3A_280, %dma_start3A_281] : memref<10240x16xf32, #tpu.memory_space<vmem_shared>> -> memref<10240x16xf32, #tpu.memory_space<vmem_shared>>
      tpu.enqueue_indirect_dma source(%arg13 : memref<125x16xf32, #tpu.memory_space<vmem>>) target(%dma_start3A_282 : memref<10240x16xf32, #tpu.memory_space<vmem_shared>>) offsets(%dma_start3A_279 : memref<125xi32, #tpu.memory_space<vmem>>) semaphore(%arg17 : memref<!tpu.dma_semaphore, #tpu.memory_space<semaphore_mem>>) {add = true}
      %dma_start3A_283 = arith.constant 9 : i32
      %dma_start3A_284 = arith.constant 0 : i32
      %dma_start3A_285 = tpu.memref_slice %arg11[%dma_start3A_283, %dma_start3A_284] : memref<16x125xi32, #tpu.memory_space<vmem>> -> memref<1x125xi32, #tpu.memory_space<vmem>>
      %dma_start3A_286 = tpu.memref_squeeze %dma_start3A_285 : memref<1x125xi32, #tpu.memory_space<vmem>> -> memref<125xi32, #tpu.memory_space<vmem>>
      %dma_start3A_287 = arith.constant 0 : i32
      %dma_start3A_288 = arith.constant 0 : i32
      %dma_start3A_289 = tpu.memref_slice %arg10[%dma_start3A_287, %dma_start3A_288] : memref<10240x16xf32, #tpu.memory_space<vmem_shared>> -> memref<10240x16xf32, #tpu.memory_space<vmem_shared>>
      tpu.enqueue_indirect_dma source(%arg13 : memref<125x16xf32, #tpu.memory_space<vmem>>) target(%dma_start3A_289 : memref<10240x16xf32, #tpu.memory_space<vmem_shared>>) offsets(%dma_start3A_286 : memref<125xi32, #tpu.memory_space<vmem>>) semaphore(%arg17 : memref<!tpu.dma_semaphore, #tpu.memory_space<semaphore_mem>>) {add = true}
      %dma_start3A_290 = arith.constant 10 : i32
      %dma_start3A_291 = arith.constant 0 : i32
      %dma_start3A_292 = tpu.memref_slice %arg11[%dma_start3A_290, %dma_start3A_291] : memref<16x125xi32, #tpu.memory_space<vmem>> -> memref<1x125xi32, #tpu.memory_space<vmem>>
      %dma_start3A_293 = tpu.memref_squeeze %dma_start3A_292 : memref<1x125xi32, #tpu.memory_space<vmem>> -> memref<125xi32, #tpu.memory_space<vmem>>
      %dma_start3A_294 = arith.constant 0 : i32
      %dma_start3A_295 = arith.constant 0 : i32
      %dma_start3A_296 = tpu.memref_slice %arg10[%dma_start3A_294, %dma_start3A_295] : memref<10240x16xf32, #tpu.memory_space<vmem_shared>> -> memref<10240x16xf32, #tpu.memory_space<vmem_shared>>
      tpu.enqueue_indirect_dma source(%arg13 : memref<125x16xf32, #tpu.memory_space<vmem>>) target(%dma_start3A_296 : memref<10240x16xf32, #tpu.memory_space<vmem_shared>>) offsets(%dma_start3A_293 : memref<125xi32, #tpu.memory_space<vmem>>) semaphore(%arg17 : memref<!tpu.dma_semaphore, #tpu.memory_space<semaphore_mem>>) {add = true}
      %dma_start3A_297 = arith.constant 11 : i32
      %dma_start3A_298 = arith.constant 0 : i32
      %dma_start3A_299 = tpu.memref_slice %arg11[%dma_start3A_297, %dma_start3A_298] : memref<16x125xi32, #tpu.memory_space<vmem>> -> memref<1x125xi32, #tpu.memory_space<vmem>>
      %dma_start3A_300 = tpu.memref_squeeze %dma_start3A_299 : memref<1x125xi32, #tpu.memory_space<vmem>> -> memref<125xi32, #tpu.memory_space<vmem>>
      %dma_start3A_301 = arith.constant 0 : i32
      %dma_start3A_302 = arith.constant 0 : i32
      %dma_start3A_303 = tpu.memref_slice %arg10[%dma_start3A_301, %dma_start3A_302] : memref<10240x16xf32, #tpu.memory_space<vmem_shared>> -> memref<10240x16xf32, #tpu.memory_space<vmem_shared>>
      tpu.enqueue_indirect_dma source(%arg13 : memref<125x16xf32, #tpu.memory_space<vmem>>) target(%dma_start3A_303 : memref<10240x16xf32, #tpu.memory_space<vmem_shared>>) offsets(%dma_start3A_300 : memref<125xi32, #tpu.memory_space<vmem>>) semaphore(%arg17 : memref<!tpu.dma_semaphore, #tpu.memory_space<semaphore_mem>>) {add = true}
      %dma_start3A_304 = arith.constant 12 : i32
      %dma_start3A_305 = arith.constant 0 : i32
      %dma_start3A_306 = tpu.memref_slice %arg11[%dma_start3A_304, %dma_start3A_305] : memref<16x125xi32, #tpu.memory_space<vmem>> -> memref<1x125xi32, #tpu.memory_space<vmem>>
      %dma_start3A_307 = tpu.memref_squeeze %dma_start3A_306 : memref<1x125xi32, #tpu.memory_space<vmem>> -> memref<125xi32, #tpu.memory_space<vmem>>
      %dma_start3A_308 = arith.constant 0 : i32
      %dma_start3A_309 = arith.constant 0 : i32
      %dma_start3A_310 = tpu.memref_slice %arg10[%dma_start3A_308, %dma_start3A_309] : memref<10240x16xf32, #tpu.memory_space<vmem_shared>> -> memref<10240x16xf32, #tpu.memory_space<vmem_shared>>
      tpu.enqueue_indirect_dma source(%arg13 : memref<125x16xf32, #tpu.memory_space<vmem>>) target(%dma_start3A_310 : memref<10240x16xf32, #tpu.memory_space<vmem_shared>>) offsets(%dma_start3A_307 : memref<125xi32, #tpu.memory_space<vmem>>) semaphore(%arg17 : memref<!tpu.dma_semaphore, #tpu.memory_space<semaphore_mem>>) {add = true}
      %dma_start3A_311 = arith.constant 13 : i32
      %dma_start3A_312 = arith.constant 0 : i32
      %dma_start3A_313 = tpu.memref_slice %arg11[%dma_start3A_311, %dma_start3A_312] : memref<16x125xi32, #tpu.memory_space<vmem>> -> memref<1x125xi32, #tpu.memory_space<vmem>>
      %dma_start3A_314 = tpu.memref_squeeze %dma_start3A_313 : memref<1x125xi32, #tpu.memory_space<vmem>> -> memref<125xi32, #tpu.memory_space<vmem>>
      %dma_start3A_315 = arith.constant 0 : i32
      %dma_start3A_316 = arith.constant 0 : i32
      %dma_start3A_317 = tpu.memref_slice %arg10[%dma_start3A_315, %dma_start3A_316] : memref<10240x16xf32, #tpu.memory_space<vmem_shared>> -> memref<10240x16xf32, #tpu.memory_space<vmem_shared>>
      tpu.enqueue_indirect_dma source(%arg13 : memref<125x16xf32, #tpu.memory_space<vmem>>) target(%dma_start3A_317 : memref<10240x16xf32, #tpu.memory_space<vmem_shared>>) offsets(%dma_start3A_314 : memref<125xi32, #tpu.memory_space<vmem>>) semaphore(%arg17 : memref<!tpu.dma_semaphore, #tpu.memory_space<semaphore_mem>>) {add = true}
      %dma_start3A_318 = arith.constant 14 : i32
      %dma_start3A_319 = arith.constant 0 : i32
      %dma_start3A_320 = tpu.memref_slice %arg11[%dma_start3A_318, %dma_start3A_319] : memref<16x125xi32, #tpu.memory_space<vmem>> -> memref<1x125xi32, #tpu.memory_space<vmem>>
      %dma_start3A_321 = tpu.memref_squeeze %dma_start3A_320 : memref<1x125xi32, #tpu.memory_space<vmem>> -> memref<125xi32, #tpu.memory_space<vmem>>
      %dma_start3A_322 = arith.constant 0 : i32
      %dma_start3A_323 = arith.constant 0 : i32
      %dma_start3A_324 = tpu.memref_slice %arg10[%dma_start3A_322, %dma_start3A_323] : memref<10240x16xf32, #tpu.memory_space<vmem_shared>> -> memref<10240x16xf32, #tpu.memory_space<vmem_shared>>
      tpu.enqueue_indirect_dma source(%arg13 : memref<125x16xf32, #tpu.memory_space<vmem>>) target(%dma_start3A_324 : memref<10240x16xf32, #tpu.memory_space<vmem_shared>>) offsets(%dma_start3A_321 : memref<125xi32, #tpu.memory_space<vmem>>) semaphore(%arg17 : memref<!tpu.dma_semaphore, #tpu.memory_space<semaphore_mem>>) {add = true}
      %dma_start3A_325 = arith.constant 15 : i32
      %dma_start3A_326 = arith.constant 0 : i32
      %dma_start3A_327 = tpu.memref_slice %arg11[%dma_start3A_325, %dma_start3A_326] : memref<16x125xi32, #tpu.memory_space<vmem>> -> memref<1x125xi32, #tpu.memory_space<vmem>>
      %dma_start3A_328 = tpu.memref_squeeze %dma_start3A_327 : memref<1x125xi32, #tpu.memory_space<vmem>> -> memref<125xi32, #tpu.memory_space<vmem>>
      %dma_start3A_329 = arith.constant 0 : i32
      %dma_start3A_330 = arith.constant 0 : i32
      %dma_start3A_331 = tpu.memref_slice %arg10[%dma_start3A_329, %dma_start3A_330] : memref<10240x16xf32, #tpu.memory_space<vmem_shared>> -> memref<10240x16xf32, #tpu.memory_space<vmem_shared>>
      tpu.enqueue_indirect_dma source(%arg13 : memref<125x16xf32, #tpu.memory_space<vmem>>) target(%dma_start3A_331 : memref<10240x16xf32, #tpu.memory_space<vmem_shared>>) offsets(%dma_start3A_328 : memref<125xi32, #tpu.memory_space<vmem>>) semaphore(%arg17 : memref<!tpu.dma_semaphore, #tpu.memory_space<semaphore_mem>>) {add = true}
      %dma_wait3A = arith.constant 0 : i32
      %dma_wait3A_332 = arith.constant 0 : i32
      %dma_wait3A_333 = arith.constant 0 : i32
      %dma_wait3A_334 = arith.constant 0 : i32
      %dma_wait3A_335 = tpu.memref_slice %arg12[%dma_wait3A, %dma_wait3A_333, %dma_wait3A_334] : memref<16x125x32xf32, #tpu.memory_space<vmem>> -> memref<1x125x32xf32, #tpu.memory_space<vmem>>
      %dma_wait3A_336 = tpu.memref_squeeze %dma_wait3A_335 : memref<1x125x32xf32, #tpu.memory_space<vmem>> -> memref<125x32xf32, #tpu.memory_space<vmem>>
      %dma_wait3A_337 = arith.constant 0 : i32
      %dma_wait3A_338 = tpu.memref_slice %arg11[%dma_wait3A_332, %dma_wait3A_337] : memref<16x125xi32, #tpu.memory_space<vmem>> -> memref<1x125xi32, #tpu.memory_space<vmem>>
      %dma_wait3A_339 = tpu.memref_squeeze %dma_wait3A_338 : memref<1x125xi32, #tpu.memory_space<vmem>> -> memref<125xi32, #tpu.memory_space<vmem>>
      %dma_wait3A_340 = arith.constant 0 : i32
      %dma_wait3A_341 = arith.constant 0 : i32
      %dma_wait3A_342 = tpu.memref_slice %arg9[%dma_wait3A_340, %dma_wait3A_341] : memref<10240x32xf32, #tpu.memory_space<vmem_shared>> -> memref<10240x32xf32, #tpu.memory_space<vmem_shared>>
      tpu.wait_indirect_dma semaphore(%arg16 : memref<!tpu.dma_semaphore, #tpu.memory_space<semaphore_mem>>) src(%dma_wait3A_336 : memref<125x32xf32, #tpu.memory_space<vmem>>) dst(%dma_wait3A_342 : memref<10240x32xf32, #tpu.memory_space<vmem_shared>>)
      %dma_wait3A_343 = arith.constant 1 : i32
      %dma_wait3A_344 = arith.constant 1 : i32
      %dma_wait3A_345 = arith.constant 0 : i32
      %dma_wait3A_346 = arith.constant 0 : i32
      %dma_wait3A_347 = tpu.memref_slice %arg12[%dma_wait3A_343, %dma_wait3A_345, %dma_wait3A_346] : memref<16x125x32xf32, #tpu.memory_space<vmem>> -> memref<1x125x32xf32, #tpu.memory_space<vmem>>
      %dma_wait3A_348 = tpu.memref_squeeze %dma_wait3A_347 : memref<1x125x32xf32, #tpu.memory_space<vmem>> -> memref<125x32xf32, #tpu.memory_space<vmem>>
      %dma_wait3A_349 = arith.constant 0 : i32
      %dma_wait3A_350 = tpu.memref_slice %arg11[%dma_wait3A_344, %dma_wait3A_349] : memref<16x125xi32, #tpu.memory_space<vmem>> -> memref<1x125xi32, #tpu.memory_space<vmem>>
      %dma_wait3A_351 = tpu.memref_squeeze %dma_wait3A_350 : memref<1x125xi32, #tpu.memory_space<vmem>> -> memref<125xi32, #tpu.memory_space<vmem>>
      %dma_wait3A_352 = arith.constant 0 : i32
      %dma_wait3A_353 = arith.constant 0 : i32
      %dma_wait3A_354 = tpu.memref_slice %arg9[%dma_wait3A_352, %dma_wait3A_353] : memref<10240x32xf32, #tpu.memory_space<vmem_shared>> -> memref<10240x32xf32, #tpu.memory_space<vmem_shared>>
      tpu.wait_indirect_dma semaphore(%arg16 : memref<!tpu.dma_semaphore, #tpu.memory_space<semaphore_mem>>) src(%dma_wait3A_348 : memref<125x32xf32, #tpu.memory_space<vmem>>) dst(%dma_wait3A_354 : memref<10240x32xf32, #tpu.memory_space<vmem_shared>>)
      %dma_wait3A_355 = arith.constant 2 : i32
      %dma_wait3A_356 = arith.constant 2 : i32
      %dma_wait3A_357 = arith.constant 0 : i32
      %dma_wait3A_358 = arith.constant 0 : i32
      %dma_wait3A_359 = tpu.memref_slice %arg12[%dma_wait3A_355, %dma_wait3A_357, %dma_wait3A_358] : memref<16x125x32xf32, #tpu.memory_space<vmem>> -> memref<1x125x32xf32, #tpu.memory_space<vmem>>
      %dma_wait3A_360 = tpu.memref_squeeze %dma_wait3A_359 : memref<1x125x32xf32, #tpu.memory_space<vmem>> -> memref<125x32xf32, #tpu.memory_space<vmem>>
      %dma_wait3A_361 = arith.constant 0 : i32
      %dma_wait3A_362 = tpu.memref_slice %arg11[%dma_wait3A_356, %dma_wait3A_361] : memref<16x125xi32, #tpu.memory_space<vmem>> -> memref<1x125xi32, #tpu.memory_space<vmem>>
      %dma_wait3A_363 = tpu.memref_squeeze %dma_wait3A_362 : memref<1x125xi32, #tpu.memory_space<vmem>> -> memref<125xi32, #tpu.memory_space<vmem>>
      %dma_wait3A_364 = arith.constant 0 : i32
      %dma_wait3A_365 = arith.constant 0 : i32
      %dma_wait3A_366 = tpu.memref_slice %arg9[%dma_wait3A_364, %dma_wait3A_365] : memref<10240x32xf32, #tpu.memory_space<vmem_shared>> -> memref<10240x32xf32, #tpu.memory_space<vmem_shared>>
      tpu.wait_indirect_dma semaphore(%arg16 : memref<!tpu.dma_semaphore, #tpu.memory_space<semaphore_mem>>) src(%dma_wait3A_360 : memref<125x32xf32, #tpu.memory_space<vmem>>) dst(%dma_wait3A_366 : memref<10240x32xf32, #tpu.memory_space<vmem_shared>>)
      %dma_wait3A_367 = arith.constant 3 : i32
      %dma_wait3A_368 = arith.constant 3 : i32
      %dma_wait3A_369 = arith.constant 0 : i32
      %dma_wait3A_370 = arith.constant 0 : i32
      %dma_wait3A_371 = tpu.memref_slice %arg12[%dma_wait3A_367, %dma_wait3A_369, %dma_wait3A_370] : memref<16x125x32xf32, #tpu.memory_space<vmem>> -> memref<1x125x32xf32, #tpu.memory_space<vmem>>
      %dma_wait3A_372 = tpu.memref_squeeze %dma_wait3A_371 : memref<1x125x32xf32, #tpu.memory_space<vmem>> -> memref<125x32xf32, #tpu.memory_space<vmem>>
      %dma_wait3A_373 = arith.constant 0 : i32
      %dma_wait3A_374 = tpu.memref_slice %arg11[%dma_wait3A_368, %dma_wait3A_373] : memref<16x125xi32, #tpu.memory_space<vmem>> -> memref<1x125xi32, #tpu.memory_space<vmem>>
      %dma_wait3A_375 = tpu.memref_squeeze %dma_wait3A_374 : memref<1x125xi32, #tpu.memory_space<vmem>> -> memref<125xi32, #tpu.memory_space<vmem>>
      %dma_wait3A_376 = arith.constant 0 : i32
      %dma_wait3A_377 = arith.constant 0 : i32
      %dma_wait3A_378 = tpu.memref_slice %arg9[%dma_wait3A_376, %dma_wait3A_377] : memref<10240x32xf32, #tpu.memory_space<vmem_shared>> -> memref<10240x32xf32, #tpu.memory_space<vmem_shared>>
      tpu.wait_indirect_dma semaphore(%arg16 : memref<!tpu.dma_semaphore, #tpu.memory_space<semaphore_mem>>) src(%dma_wait3A_372 : memref<125x32xf32, #tpu.memory_space<vmem>>) dst(%dma_wait3A_378 : memref<10240x32xf32, #tpu.memory_space<vmem_shared>>)
      %dma_wait3A_379 = arith.constant 4 : i32
      %dma_wait3A_380 = arith.constant 4 : i32
      %dma_wait3A_381 = arith.constant 0 : i32
      %dma_wait3A_382 = arith.constant 0 : i32
      %dma_wait3A_383 = tpu.memref_slice %arg12[%dma_wait3A_379, %dma_wait3A_381, %dma_wait3A_382] : memref<16x125x32xf32, #tpu.memory_space<vmem>> -> memref<1x125x32xf32, #tpu.memory_space<vmem>>
      %dma_wait3A_384 = tpu.memref_squeeze %dma_wait3A_383 : memref<1x125x32xf32, #tpu.memory_space<vmem>> -> memref<125x32xf32, #tpu.memory_space<vmem>>
      %dma_wait3A_385 = arith.constant 0 : i32
      %dma_wait3A_386 = tpu.memref_slice %arg11[%dma_wait3A_380, %dma_wait3A_385] : memref<16x125xi32, #tpu.memory_space<vmem>> -> memref<1x125xi32, #tpu.memory_space<vmem>>
      %dma_wait3A_387 = tpu.memref_squeeze %dma_wait3A_386 : memref<1x125xi32, #tpu.memory_space<vmem>> -> memref<125xi32, #tpu.memory_space<vmem>>
      %dma_wait3A_388 = arith.constant 0 : i32
      %dma_wait3A_389 = arith.constant 0 : i32
      %dma_wait3A_390 = tpu.memref_slice %arg9[%dma_wait3A_388, %dma_wait3A_389] : memref<10240x32xf32, #tpu.memory_space<vmem_shared>> -> memref<10240x32xf32, #tpu.memory_space<vmem_shared>>
      tpu.wait_indirect_dma semaphore(%arg16 : memref<!tpu.dma_semaphore, #tpu.memory_space<semaphore_mem>>) src(%dma_wait3A_384 : memref<125x32xf32, #tpu.memory_space<vmem>>) dst(%dma_wait3A_390 : memref<10240x32xf32, #tpu.memory_space<vmem_shared>>)
      %dma_wait3A_391 = arith.constant 5 : i32
      %dma_wait3A_392 = arith.constant 5 : i32
      %dma_wait3A_393 = arith.constant 0 : i32
      %dma_wait3A_394 = arith.constant 0 : i32
      %dma_wait3A_395 = tpu.memref_slice %arg12[%dma_wait3A_391, %dma_wait3A_393, %dma_wait3A_394] : memref<16x125x32xf32, #tpu.memory_space<vmem>> -> memref<1x125x32xf32, #tpu.memory_space<vmem>>
      %dma_wait3A_396 = tpu.memref_squeeze %dma_wait3A_395 : memref<1x125x32xf32, #tpu.memory_space<vmem>> -> memref<125x32xf32, #tpu.memory_space<vmem>>
      %dma_wait3A_397 = arith.constant 0 : i32
      %dma_wait3A_398 = tpu.memref_slice %arg11[%dma_wait3A_392, %dma_wait3A_397] : memref<16x125xi32, #tpu.memory_space<vmem>> -> memref<1x125xi32, #tpu.memory_space<vmem>>
      %dma_wait3A_399 = tpu.memref_squeeze %dma_wait3A_398 : memref<1x125xi32, #tpu.memory_space<vmem>> -> memref<125xi32, #tpu.memory_space<vmem>>
      %dma_wait3A_400 = arith.constant 0 : i32
      %dma_wait3A_401 = arith.constant 0 : i32
      %dma_wait3A_402 = tpu.memref_slice %arg9[%dma_wait3A_400, %dma_wait3A_401] : memref<10240x32xf32, #tpu.memory_space<vmem_shared>> -> memref<10240x32xf32, #tpu.memory_space<vmem_shared>>
      tpu.wait_indirect_dma semaphore(%arg16 : memref<!tpu.dma_semaphore, #tpu.memory_space<semaphore_mem>>) src(%dma_wait3A_396 : memref<125x32xf32, #tpu.memory_space<vmem>>) dst(%dma_wait3A_402 : memref<10240x32xf32, #tpu.memory_space<vmem_shared>>)
      %dma_wait3A_403 = arith.constant 6 : i32
      %dma_wait3A_404 = arith.constant 6 : i32
      %dma_wait3A_405 = arith.constant 0 : i32
      %dma_wait3A_406 = arith.constant 0 : i32
      %dma_wait3A_407 = tpu.memref_slice %arg12[%dma_wait3A_403, %dma_wait3A_405, %dma_wait3A_406] : memref<16x125x32xf32, #tpu.memory_space<vmem>> -> memref<1x125x32xf32, #tpu.memory_space<vmem>>
      %dma_wait3A_408 = tpu.memref_squeeze %dma_wait3A_407 : memref<1x125x32xf32, #tpu.memory_space<vmem>> -> memref<125x32xf32, #tpu.memory_space<vmem>>
      %dma_wait3A_409 = arith.constant 0 : i32
      %dma_wait3A_410 = tpu.memref_slice %arg11[%dma_wait3A_404, %dma_wait3A_409] : memref<16x125xi32, #tpu.memory_space<vmem>> -> memref<1x125xi32, #tpu.memory_space<vmem>>
      %dma_wait3A_411 = tpu.memref_squeeze %dma_wait3A_410 : memref<1x125xi32, #tpu.memory_space<vmem>> -> memref<125xi32, #tpu.memory_space<vmem>>
      %dma_wait3A_412 = arith.constant 0 : i32
      %dma_wait3A_413 = arith.constant 0 : i32
      %dma_wait3A_414 = tpu.memref_slice %arg9[%dma_wait3A_412, %dma_wait3A_413] : memref<10240x32xf32, #tpu.memory_space<vmem_shared>> -> memref<10240x32xf32, #tpu.memory_space<vmem_shared>>
      tpu.wait_indirect_dma semaphore(%arg16 : memref<!tpu.dma_semaphore, #tpu.memory_space<semaphore_mem>>) src(%dma_wait3A_408 : memref<125x32xf32, #tpu.memory_space<vmem>>) dst(%dma_wait3A_414 : memref<10240x32xf32, #tpu.memory_space<vmem_shared>>)
      %dma_wait3A_415 = arith.constant 7 : i32
      %dma_wait3A_416 = arith.constant 7 : i32
      %dma_wait3A_417 = arith.constant 0 : i32
      %dma_wait3A_418 = arith.constant 0 : i32
      %dma_wait3A_419 = tpu.memref_slice %arg12[%dma_wait3A_415, %dma_wait3A_417, %dma_wait3A_418] : memref<16x125x32xf32, #tpu.memory_space<vmem>> -> memref<1x125x32xf32, #tpu.memory_space<vmem>>
      %dma_wait3A_420 = tpu.memref_squeeze %dma_wait3A_419 : memref<1x125x32xf32, #tpu.memory_space<vmem>> -> memref<125x32xf32, #tpu.memory_space<vmem>>
      %dma_wait3A_421 = arith.constant 0 : i32
      %dma_wait3A_422 = tpu.memref_slice %arg11[%dma_wait3A_416, %dma_wait3A_421] : memref<16x125xi32, #tpu.memory_space<vmem>> -> memref<1x125xi32, #tpu.memory_space<vmem>>
      %dma_wait3A_423 = tpu.memref_squeeze %dma_wait3A_422 : memref<1x125xi32, #tpu.memory_space<vmem>> -> memref<125xi32, #tpu.memory_space<vmem>>
      %dma_wait3A_424 = arith.constant 0 : i32
      %dma_wait3A_425 = arith.constant 0 : i32
      %dma_wait3A_426 = tpu.memref_slice %arg9[%dma_wait3A_424, %dma_wait3A_425] : memref<10240x32xf32, #tpu.memory_space<vmem_shared>> -> memref<10240x32xf32, #tpu.memory_space<vmem_shared>>
      tpu.wait_indirect_dma semaphore(%arg16 : memref<!tpu.dma_semaphore, #tpu.memory_space<semaphore_mem>>) src(%dma_wait3A_420 : memref<125x32xf32, #tpu.memory_space<vmem>>) dst(%dma_wait3A_426 : memref<10240x32xf32, #tpu.memory_space<vmem_shared>>)
      %dma_wait3A_427 = arith.constant 8 : i32
      %dma_wait3A_428 = arith.constant 8 : i32
      %dma_wait3A_429 = arith.constant 0 : i32
      %dma_wait3A_430 = arith.constant 0 : i32
      %dma_wait3A_431 = tpu.memref_slice %arg12[%dma_wait3A_427, %dma_wait3A_429, %dma_wait3A_430] : memref<16x125x32xf32, #tpu.memory_space<vmem>> -> memref<1x125x32xf32, #tpu.memory_space<vmem>>
      %dma_wait3A_432 = tpu.memref_squeeze %dma_wait3A_431 : memref<1x125x32xf32, #tpu.memory_space<vmem>> -> memref<125x32xf32, #tpu.memory_space<vmem>>
      %dma_wait3A_433 = arith.constant 0 : i32
      %dma_wait3A_434 = tpu.memref_slice %arg11[%dma_wait3A_428, %dma_wait3A_433] : memref<16x125xi32, #tpu.memory_space<vmem>> -> memref<1x125xi32, #tpu.memory_space<vmem>>
      %dma_wait3A_435 = tpu.memref_squeeze %dma_wait3A_434 : memref<1x125xi32, #tpu.memory_space<vmem>> -> memref<125xi32, #tpu.memory_space<vmem>>
      %dma_wait3A_436 = arith.constant 0 : i32
      %dma_wait3A_437 = arith.constant 0 : i32
      %dma_wait3A_438 = tpu.memref_slice %arg9[%dma_wait3A_436, %dma_wait3A_437] : memref<10240x32xf32, #tpu.memory_space<vmem_shared>> -> memref<10240x32xf32, #tpu.memory_space<vmem_shared>>
      tpu.wait_indirect_dma semaphore(%arg16 : memref<!tpu.dma_semaphore, #tpu.memory_space<semaphore_mem>>) src(%dma_wait3A_432 : memref<125x32xf32, #tpu.memory_space<vmem>>) dst(%dma_wait3A_438 : memref<10240x32xf32, #tpu.memory_space<vmem_shared>>)
      %dma_wait3A_439 = arith.constant 9 : i32
      %dma_wait3A_440 = arith.constant 9 : i32
      %dma_wait3A_441 = arith.constant 0 : i32
      %dma_wait3A_442 = arith.constant 0 : i32
      %dma_wait3A_443 = tpu.memref_slice %arg12[%dma_wait3A_439, %dma_wait3A_441, %dma_wait3A_442] : memref<16x125x32xf32, #tpu.memory_space<vmem>> -> memref<1x125x32xf32, #tpu.memory_space<vmem>>
      %dma_wait3A_444 = tpu.memref_squeeze %dma_wait3A_443 : memref<1x125x32xf32, #tpu.memory_space<vmem>> -> memref<125x32xf32, #tpu.memory_space<vmem>>
      %dma_wait3A_445 = arith.constant 0 : i32
      %dma_wait3A_446 = tpu.memref_slice %arg11[%dma_wait3A_440, %dma_wait3A_445] : memref<16x125xi32, #tpu.memory_space<vmem>> -> memref<1x125xi32, #tpu.memory_space<vmem>>
      %dma_wait3A_447 = tpu.memref_squeeze %dma_wait3A_446 : memref<1x125xi32, #tpu.memory_space<vmem>> -> memref<125xi32, #tpu.memory_space<vmem>>
      %dma_wait3A_448 = arith.constant 0 : i32
      %dma_wait3A_449 = arith.constant 0 : i32
      %dma_wait3A_450 = tpu.memref_slice %arg9[%dma_wait3A_448, %dma_wait3A_449] : memref<10240x32xf32, #tpu.memory_space<vmem_shared>> -> memref<10240x32xf32, #tpu.memory_space<vmem_shared>>
      tpu.wait_indirect_dma semaphore(%arg16 : memref<!tpu.dma_semaphore, #tpu.memory_space<semaphore_mem>>) src(%dma_wait3A_444 : memref<125x32xf32, #tpu.memory_space<vmem>>) dst(%dma_wait3A_450 : memref<10240x32xf32, #tpu.memory_space<vmem_shared>>)
      %dma_wait3A_451 = arith.constant 10 : i32
      %dma_wait3A_452 = arith.constant 10 : i32
      %dma_wait3A_453 = arith.constant 0 : i32
      %dma_wait3A_454 = arith.constant 0 : i32
      %dma_wait3A_455 = tpu.memref_slice %arg12[%dma_wait3A_451, %dma_wait3A_453, %dma_wait3A_454] : memref<16x125x32xf32, #tpu.memory_space<vmem>> -> memref<1x125x32xf32, #tpu.memory_space<vmem>>
      %dma_wait3A_456 = tpu.memref_squeeze %dma_wait3A_455 : memref<1x125x32xf32, #tpu.memory_space<vmem>> -> memref<125x32xf32, #tpu.memory_space<vmem>>
      %dma_wait3A_457 = arith.constant 0 : i32
      %dma_wait3A_458 = tpu.memref_slice %arg11[%dma_wait3A_452, %dma_wait3A_457] : memref<16x125xi32, #tpu.memory_space<vmem>> -> memref<1x125xi32, #tpu.memory_space<vmem>>
      %dma_wait3A_459 = tpu.memref_squeeze %dma_wait3A_458 : memref<1x125xi32, #tpu.memory_space<vmem>> -> memref<125xi32, #tpu.memory_space<vmem>>
      %dma_wait3A_460 = arith.constant 0 : i32
      %dma_wait3A_461 = arith.constant 0 : i32
      %dma_wait3A_462 = tpu.memref_slice %arg9[%dma_wait3A_460, %dma_wait3A_461] : memref<10240x32xf32, #tpu.memory_space<vmem_shared>> -> memref<10240x32xf32, #tpu.memory_space<vmem_shared>>
      tpu.wait_indirect_dma semaphore(%arg16 : memref<!tpu.dma_semaphore, #tpu.memory_space<semaphore_mem>>) src(%dma_wait3A_456 : memref<125x32xf32, #tpu.memory_space<vmem>>) dst(%dma_wait3A_462 : memref<10240x32xf32, #tpu.memory_space<vmem_shared>>)
      %dma_wait3A_463 = arith.constant 11 : i32
      %dma_wait3A_464 = arith.constant 11 : i32
      %dma_wait3A_465 = arith.constant 0 : i32
      %dma_wait3A_466 = arith.constant 0 : i32
      %dma_wait3A_467 = tpu.memref_slice %arg12[%dma_wait3A_463, %dma_wait3A_465, %dma_wait3A_466] : memref<16x125x32xf32, #tpu.memory_space<vmem>> -> memref<1x125x32xf32, #tpu.memory_space<vmem>>
      %dma_wait3A_468 = tpu.memref_squeeze %dma_wait3A_467 : memref<1x125x32xf32, #tpu.memory_space<vmem>> -> memref<125x32xf32, #tpu.memory_space<vmem>>
      %dma_wait3A_469 = arith.constant 0 : i32
      %dma_wait3A_470 = tpu.memref_slice %arg11[%dma_wait3A_464, %dma_wait3A_469] : memref<16x125xi32, #tpu.memory_space<vmem>> -> memref<1x125xi32, #tpu.memory_space<vmem>>
      %dma_wait3A_471 = tpu.memref_squeeze %dma_wait3A_470 : memref<1x125xi32, #tpu.memory_space<vmem>> -> memref<125xi32, #tpu.memory_space<vmem>>
      %dma_wait3A_472 = arith.constant 0 : i32
      %dma_wait3A_473 = arith.constant 0 : i32
      %dma_wait3A_474 = tpu.memref_slice %arg9[%dma_wait3A_472, %dma_wait3A_473] : memref<10240x32xf32, #tpu.memory_space<vmem_shared>> -> memref<10240x32xf32, #tpu.memory_space<vmem_shared>>
      tpu.wait_indirect_dma semaphore(%arg16 : memref<!tpu.dma_semaphore, #tpu.memory_space<semaphore_mem>>) src(%dma_wait3A_468 : memref<125x32xf32, #tpu.memory_space<vmem>>) dst(%dma_wait3A_474 : memref<10240x32xf32, #tpu.memory_space<vmem_shared>>)
      %dma_wait3A_475 = arith.constant 12 : i32
      %dma_wait3A_476 = arith.constant 12 : i32
      %dma_wait3A_477 = arith.constant 0 : i32
      %dma_wait3A_478 = arith.constant 0 : i32
      %dma_wait3A_479 = tpu.memref_slice %arg12[%dma_wait3A_475, %dma_wait3A_477, %dma_wait3A_478] : memref<16x125x32xf32, #tpu.memory_space<vmem>> -> memref<1x125x32xf32, #tpu.memory_space<vmem>>
      %dma_wait3A_480 = tpu.memref_squeeze %dma_wait3A_479 : memref<1x125x32xf32, #tpu.memory_space<vmem>> -> memref<125x32xf32, #tpu.memory_space<vmem>>
      %dma_wait3A_481 = arith.constant 0 : i32
      %dma_wait3A_482 = tpu.memref_slice %arg11[%dma_wait3A_476, %dma_wait3A_481] : memref<16x125xi32, #tpu.memory_space<vmem>> -> memref<1x125xi32, #tpu.memory_space<vmem>>
      %dma_wait3A_483 = tpu.memref_squeeze %dma_wait3A_482 : memref<1x125xi32, #tpu.memory_space<vmem>> -> memref<125xi32, #tpu.memory_space<vmem>>
      %dma_wait3A_484 = arith.constant 0 : i32
      %dma_wait3A_485 = arith.constant 0 : i32
      %dma_wait3A_486 = tpu.memref_slice %arg9[%dma_wait3A_484, %dma_wait3A_485] : memref<10240x32xf32, #tpu.memory_space<vmem_shared>> -> memref<10240x32xf32, #tpu.memory_space<vmem_shared>>
      tpu.wait_indirect_dma semaphore(%arg16 : memref<!tpu.dma_semaphore, #tpu.memory_space<semaphore_mem>>) src(%dma_wait3A_480 : memref<125x32xf32, #tpu.memory_space<vmem>>) dst(%dma_wait3A_486 : memref<10240x32xf32, #tpu.memory_space<vmem_shared>>)
      %dma_wait3A_487 = arith.constant 13 : i32
      %dma_wait3A_488 = arith.constant 13 : i32
      %dma_wait3A_489 = arith.constant 0 : i32
      %dma_wait3A_490 = arith.constant 0 : i32
      %dma_wait3A_491 = tpu.memref_slice %arg12[%dma_wait3A_487, %dma_wait3A_489, %dma_wait3A_490] : memref<16x125x32xf32, #tpu.memory_space<vmem>> -> memref<1x125x32xf32, #tpu.memory_space<vmem>>
      %dma_wait3A_492 = tpu.memref_squeeze %dma_wait3A_491 : memref<1x125x32xf32, #tpu.memory_space<vmem>> -> memref<125x32xf32, #tpu.memory_space<vmem>>
      %dma_wait3A_493 = arith.constant 0 : i32
      %dma_wait3A_494 = tpu.memref_slice %arg11[%dma_wait3A_488, %dma_wait3A_493] : memref<16x125xi32, #tpu.memory_space<vmem>> -> memref<1x125xi32, #tpu.memory_space<vmem>>
      %dma_wait3A_495 = tpu.memref_squeeze %dma_wait3A_494 : memref<1x125xi32, #tpu.memory_space<vmem>> -> memref<125xi32, #tpu.memory_space<vmem>>
      %dma_wait3A_496 = arith.constant 0 : i32
      %dma_wait3A_497 = arith.constant 0 : i32
      %dma_wait3A_498 = tpu.memref_slice %arg9[%dma_wait3A_496, %dma_wait3A_497] : memref<10240x32xf32, #tpu.memory_space<vmem_shared>> -> memref<10240x32xf32, #tpu.memory_space<vmem_shared>>
      tpu.wait_indirect_dma semaphore(%arg16 : memref<!tpu.dma_semaphore, #tpu.memory_space<semaphore_mem>>) src(%dma_wait3A_492 : memref<125x32xf32, #tpu.memory_space<vmem>>) dst(%dma_wait3A_498 : memref<10240x32xf32, #tpu.memory_space<vmem_shared>>)
      %dma_wait3A_499 = arith.constant 14 : i32
      %dma_wait3A_500 = arith.constant 14 : i32
      %dma_wait3A_501 = arith.constant 0 : i32
      %dma_wait3A_502 = arith.constant 0 : i32
      %dma_wait3A_503 = tpu.memref_slice %arg12[%dma_wait3A_499, %dma_wait3A_501, %dma_wait3A_502] : memref<16x125x32xf32, #tpu.memory_space<vmem>> -> memref<1x125x32xf32, #tpu.memory_space<vmem>>
      %dma_wait3A_504 = tpu.memref_squeeze %dma_wait3A_503 : memref<1x125x32xf32, #tpu.memory_space<vmem>> -> memref<125x32xf32, #tpu.memory_space<vmem>>
      %dma_wait3A_505 = arith.constant 0 : i32
      %dma_wait3A_506 = tpu.memref_slice %arg11[%dma_wait3A_500, %dma_wait3A_505] : memref<16x125xi32, #tpu.memory_space<vmem>> -> memref<1x125xi32, #tpu.memory_space<vmem>>
      %dma_wait3A_507 = tpu.memref_squeeze %dma_wait3A_506 : memref<1x125xi32, #tpu.memory_space<vmem>> -> memref<125xi32, #tpu.memory_space<vmem>>
      %dma_wait3A_508 = arith.constant 0 : i32
      %dma_wait3A_509 = arith.constant 0 : i32
      %dma_wait3A_510 = tpu.memref_slice %arg9[%dma_wait3A_508, %dma_wait3A_509] : memref<10240x32xf32, #tpu.memory_space<vmem_shared>> -> memref<10240x32xf32, #tpu.memory_space<vmem_shared>>
      tpu.wait_indirect_dma semaphore(%arg16 : memref<!tpu.dma_semaphore, #tpu.memory_space<semaphore_mem>>) src(%dma_wait3A_504 : memref<125x32xf32, #tpu.memory_space<vmem>>) dst(%dma_wait3A_510 : memref<10240x32xf32, #tpu.memory_space<vmem_shared>>)
      %dma_wait3A_511 = arith.constant 15 : i32
      %dma_wait3A_512 = arith.constant 15 : i32
      %dma_wait3A_513 = arith.constant 0 : i32
      %dma_wait3A_514 = arith.constant 0 : i32
      %dma_wait3A_515 = tpu.memref_slice %arg12[%dma_wait3A_511, %dma_wait3A_513, %dma_wait3A_514] : memref<16x125x32xf32, #tpu.memory_space<vmem>> -> memref<1x125x32xf32, #tpu.memory_space<vmem>>
      %dma_wait3A_516 = tpu.memref_squeeze %dma_wait3A_515 : memref<1x125x32xf32, #tpu.memory_space<vmem>> -> memref<125x32xf32, #tpu.memory_space<vmem>>
      %dma_wait3A_517 = arith.constant 0 : i32
      %dma_wait3A_518 = tpu.memref_slice %arg11[%dma_wait3A_512, %dma_wait3A_517] : memref<16x125xi32, #tpu.memory_space<vmem>> -> memref<1x125xi32, #tpu.memory_space<vmem>>
      %dma_wait3A_519 = tpu.memref_squeeze %dma_wait3A_518 : memref<1x125xi32, #tpu.memory_space<vmem>> -> memref<125xi32, #tpu.memory_space<vmem>>
      %dma_wait3A_520 = arith.constant 0 : i32
      %dma_wait3A_521 = arith.constant 0 : i32
      %dma_wait3A_522 = tpu.memref_slice %arg9[%dma_wait3A_520, %dma_wait3A_521] : memref<10240x32xf32, #tpu.memory_space<vmem_shared>> -> memref<10240x32xf32, #tpu.memory_space<vmem_shared>>
      tpu.wait_indirect_dma semaphore(%arg16 : memref<!tpu.dma_semaphore, #tpu.memory_space<semaphore_mem>>) src(%dma_wait3A_516 : memref<125x32xf32, #tpu.memory_space<vmem>>) dst(%dma_wait3A_522 : memref<10240x32xf32, #tpu.memory_space<vmem_shared>>)
      %dma_wait3A_523 = arith.constant 0 : i32
      %dma_wait3A_524 = arith.constant 0 : i32
      %dma_wait3A_525 = tpu.memref_slice %arg11[%dma_wait3A_523, %dma_wait3A_524] : memref<16x125xi32, #tpu.memory_space<vmem>> -> memref<1x125xi32, #tpu.memory_space<vmem>>
      %dma_wait3A_526 = tpu.memref_squeeze %dma_wait3A_525 : memref<1x125xi32, #tpu.memory_space<vmem>> -> memref<125xi32, #tpu.memory_space<vmem>>
      %dma_wait3A_527 = arith.constant 0 : i32
      %dma_wait3A_528 = arith.constant 0 : i32
      %dma_wait3A_529 = tpu.memref_slice %arg10[%dma_wait3A_527, %dma_wait3A_528] : memref<10240x16xf32, #tpu.memory_space<vmem_shared>> -> memref<10240x16xf32, #tpu.memory_space<vmem_shared>>
      tpu.wait_indirect_dma semaphore(%arg17 : memref<!tpu.dma_semaphore, #tpu.memory_space<semaphore_mem>>) src(%arg13 : memref<125x16xf32, #tpu.memory_space<vmem>>) dst(%dma_wait3A_529 : memref<10240x16xf32, #tpu.memory_space<vmem_shared>>)
      %dma_wait3A_530 = arith.constant 1 : i32
      %dma_wait3A_531 = arith.constant 0 : i32
      %dma_wait3A_532 = tpu.memref_slice %arg11[%dma_wait3A_530, %dma_wait3A_531] : memref<16x125xi32, #tpu.memory_space<vmem>> -> memref<1x125xi32, #tpu.memory_space<vmem>>
      %dma_wait3A_533 = tpu.memref_squeeze %dma_wait3A_532 : memref<1x125xi32, #tpu.memory_space<vmem>> -> memref<125xi32, #tpu.memory_space<vmem>>
      %dma_wait3A_534 = arith.constant 0 : i32
      %dma_wait3A_535 = arith.constant 0 : i32
      %dma_wait3A_536 = tpu.memref_slice %arg10[%dma_wait3A_534, %dma_wait3A_535] : memref<10240x16xf32, #tpu.memory_space<vmem_shared>> -> memref<10240x16xf32, #tpu.memory_space<vmem_shared>>
      tpu.wait_indirect_dma semaphore(%arg17 : memref<!tpu.dma_semaphore, #tpu.memory_space<semaphore_mem>>) src(%arg13 : memref<125x16xf32, #tpu.memory_space<vmem>>) dst(%dma_wait3A_536 : memref<10240x16xf32, #tpu.memory_space<vmem_shared>>)
      %dma_wait3A_537 = arith.constant 2 : i32
      %dma_wait3A_538 = arith.constant 0 : i32
      %dma_wait3A_539 = tpu.memref_slice %arg11[%dma_wait3A_537, %dma_wait3A_538] : memref<16x125xi32, #tpu.memory_space<vmem>> -> memref<1x125xi32, #tpu.memory_space<vmem>>
      %dma_wait3A_540 = tpu.memref_squeeze %dma_wait3A_539 : memref<1x125xi32, #tpu.memory_space<vmem>> -> memref<125xi32, #tpu.memory_space<vmem>>
      %dma_wait3A_541 = arith.constant 0 : i32
      %dma_wait3A_542 = arith.constant 0 : i32
      %dma_wait3A_543 = tpu.memref_slice %arg10[%dma_wait3A_541, %dma_wait3A_542] : memref<10240x16xf32, #tpu.memory_space<vmem_shared>> -> memref<10240x16xf32, #tpu.memory_space<vmem_shared>>
      tpu.wait_indirect_dma semaphore(%arg17 : memref<!tpu.dma_semaphore, #tpu.memory_space<semaphore_mem>>) src(%arg13 : memref<125x16xf32, #tpu.memory_space<vmem>>) dst(%dma_wait3A_543 : memref<10240x16xf32, #tpu.memory_space<vmem_shared>>)
      %dma_wait3A_544 = arith.constant 3 : i32
      %dma_wait3A_545 = arith.constant 0 : i32
      %dma_wait3A_546 = tpu.memref_slice %arg11[%dma_wait3A_544, %dma_wait3A_545] : memref<16x125xi32, #tpu.memory_space<vmem>> -> memref<1x125xi32, #tpu.memory_space<vmem>>
      %dma_wait3A_547 = tpu.memref_squeeze %dma_wait3A_546 : memref<1x125xi32, #tpu.memory_space<vmem>> -> memref<125xi32, #tpu.memory_space<vmem>>
      %dma_wait3A_548 = arith.constant 0 : i32
      %dma_wait3A_549 = arith.constant 0 : i32
      %dma_wait3A_550 = tpu.memref_slice %arg10[%dma_wait3A_548, %dma_wait3A_549] : memref<10240x16xf32, #tpu.memory_space<vmem_shared>> -> memref<10240x16xf32, #tpu.memory_space<vmem_shared>>
      tpu.wait_indirect_dma semaphore(%arg17 : memref<!tpu.dma_semaphore, #tpu.memory_space<semaphore_mem>>) src(%arg13 : memref<125x16xf32, #tpu.memory_space<vmem>>) dst(%dma_wait3A_550 : memref<10240x16xf32, #tpu.memory_space<vmem_shared>>)
      %dma_wait3A_551 = arith.constant 4 : i32
      %dma_wait3A_552 = arith.constant 0 : i32
      %dma_wait3A_553 = tpu.memref_slice %arg11[%dma_wait3A_551, %dma_wait3A_552] : memref<16x125xi32, #tpu.memory_space<vmem>> -> memref<1x125xi32, #tpu.memory_space<vmem>>
      %dma_wait3A_554 = tpu.memref_squeeze %dma_wait3A_553 : memref<1x125xi32, #tpu.memory_space<vmem>> -> memref<125xi32, #tpu.memory_space<vmem>>
      %dma_wait3A_555 = arith.constant 0 : i32
      %dma_wait3A_556 = arith.constant 0 : i32
      %dma_wait3A_557 = tpu.memref_slice %arg10[%dma_wait3A_555, %dma_wait3A_556] : memref<10240x16xf32, #tpu.memory_space<vmem_shared>> -> memref<10240x16xf32, #tpu.memory_space<vmem_shared>>
      tpu.wait_indirect_dma semaphore(%arg17 : memref<!tpu.dma_semaphore, #tpu.memory_space<semaphore_mem>>) src(%arg13 : memref<125x16xf32, #tpu.memory_space<vmem>>) dst(%dma_wait3A_557 : memref<10240x16xf32, #tpu.memory_space<vmem_shared>>)
      %dma_wait3A_558 = arith.constant 5 : i32
      %dma_wait3A_559 = arith.constant 0 : i32
      %dma_wait3A_560 = tpu.memref_slice %arg11[%dma_wait3A_558, %dma_wait3A_559] : memref<16x125xi32, #tpu.memory_space<vmem>> -> memref<1x125xi32, #tpu.memory_space<vmem>>
      %dma_wait3A_561 = tpu.memref_squeeze %dma_wait3A_560 : memref<1x125xi32, #tpu.memory_space<vmem>> -> memref<125xi32, #tpu.memory_space<vmem>>
      %dma_wait3A_562 = arith.constant 0 : i32
      %dma_wait3A_563 = arith.constant 0 : i32
      %dma_wait3A_564 = tpu.memref_slice %arg10[%dma_wait3A_562, %dma_wait3A_563] : memref<10240x16xf32, #tpu.memory_space<vmem_shared>> -> memref<10240x16xf32, #tpu.memory_space<vmem_shared>>
      tpu.wait_indirect_dma semaphore(%arg17 : memref<!tpu.dma_semaphore, #tpu.memory_space<semaphore_mem>>) src(%arg13 : memref<125x16xf32, #tpu.memory_space<vmem>>) dst(%dma_wait3A_564 : memref<10240x16xf32, #tpu.memory_space<vmem_shared>>)
      %dma_wait3A_565 = arith.constant 6 : i32
      %dma_wait3A_566 = arith.constant 0 : i32
      %dma_wait3A_567 = tpu.memref_slice %arg11[%dma_wait3A_565, %dma_wait3A_566] : memref<16x125xi32, #tpu.memory_space<vmem>> -> memref<1x125xi32, #tpu.memory_space<vmem>>
      %dma_wait3A_568 = tpu.memref_squeeze %dma_wait3A_567 : memref<1x125xi32, #tpu.memory_space<vmem>> -> memref<125xi32, #tpu.memory_space<vmem>>
      %dma_wait3A_569 = arith.constant 0 : i32
      %dma_wait3A_570 = arith.constant 0 : i32
      %dma_wait3A_571 = tpu.memref_slice %arg10[%dma_wait3A_569, %dma_wait3A_570] : memref<10240x16xf32, #tpu.memory_space<vmem_shared>> -> memref<10240x16xf32, #tpu.memory_space<vmem_shared>>
      tpu.wait_indirect_dma semaphore(%arg17 : memref<!tpu.dma_semaphore, #tpu.memory_space<semaphore_mem>>) src(%arg13 : memref<125x16xf32, #tpu.memory_space<vmem>>) dst(%dma_wait3A_571 : memref<10240x16xf32, #tpu.memory_space<vmem_shared>>)
      %dma_wait3A_572 = arith.constant 7 : i32
      %dma_wait3A_573 = arith.constant 0 : i32
      %dma_wait3A_574 = tpu.memref_slice %arg11[%dma_wait3A_572, %dma_wait3A_573] : memref<16x125xi32, #tpu.memory_space<vmem>> -> memref<1x125xi32, #tpu.memory_space<vmem>>
      %dma_wait3A_575 = tpu.memref_squeeze %dma_wait3A_574 : memref<1x125xi32, #tpu.memory_space<vmem>> -> memref<125xi32, #tpu.memory_space<vmem>>
      %dma_wait3A_576 = arith.constant 0 : i32
      %dma_wait3A_577 = arith.constant 0 : i32
      %dma_wait3A_578 = tpu.memref_slice %arg10[%dma_wait3A_576, %dma_wait3A_577] : memref<10240x16xf32, #tpu.memory_space<vmem_shared>> -> memref<10240x16xf32, #tpu.memory_space<vmem_shared>>
      tpu.wait_indirect_dma semaphore(%arg17 : memref<!tpu.dma_semaphore, #tpu.memory_space<semaphore_mem>>) src(%arg13 : memref<125x16xf32, #tpu.memory_space<vmem>>) dst(%dma_wait3A_578 : memref<10240x16xf32, #tpu.memory_space<vmem_shared>>)
      %dma_wait3A_579 = arith.constant 8 : i32
      %dma_wait3A_580 = arith.constant 0 : i32
      %dma_wait3A_581 = tpu.memref_slice %arg11[%dma_wait3A_579, %dma_wait3A_580] : memref<16x125xi32, #tpu.memory_space<vmem>> -> memref<1x125xi32, #tpu.memory_space<vmem>>
      %dma_wait3A_582 = tpu.memref_squeeze %dma_wait3A_581 : memref<1x125xi32, #tpu.memory_space<vmem>> -> memref<125xi32, #tpu.memory_space<vmem>>
      %dma_wait3A_583 = arith.constant 0 : i32
      %dma_wait3A_584 = arith.constant 0 : i32
      %dma_wait3A_585 = tpu.memref_slice %arg10[%dma_wait3A_583, %dma_wait3A_584] : memref<10240x16xf32, #tpu.memory_space<vmem_shared>> -> memref<10240x16xf32, #tpu.memory_space<vmem_shared>>
      tpu.wait_indirect_dma semaphore(%arg17 : memref<!tpu.dma_semaphore, #tpu.memory_space<semaphore_mem>>) src(%arg13 : memref<125x16xf32, #tpu.memory_space<vmem>>) dst(%dma_wait3A_585 : memref<10240x16xf32, #tpu.memory_space<vmem_shared>>)
      %dma_wait3A_586 = arith.constant 9 : i32
      %dma_wait3A_587 = arith.constant 0 : i32
      %dma_wait3A_588 = tpu.memref_slice %arg11[%dma_wait3A_586, %dma_wait3A_587] : memref<16x125xi32, #tpu.memory_space<vmem>> -> memref<1x125xi32, #tpu.memory_space<vmem>>
      %dma_wait3A_589 = tpu.memref_squeeze %dma_wait3A_588 : memref<1x125xi32, #tpu.memory_space<vmem>> -> memref<125xi32, #tpu.memory_space<vmem>>
      %dma_wait3A_590 = arith.constant 0 : i32
      %dma_wait3A_591 = arith.constant 0 : i32
      %dma_wait3A_592 = tpu.memref_slice %arg10[%dma_wait3A_590, %dma_wait3A_591] : memref<10240x16xf32, #tpu.memory_space<vmem_shared>> -> memref<10240x16xf32, #tpu.memory_space<vmem_shared>>
      tpu.wait_indirect_dma semaphore(%arg17 : memref<!tpu.dma_semaphore, #tpu.memory_space<semaphore_mem>>) src(%arg13 : memref<125x16xf32, #tpu.memory_space<vmem>>) dst(%dma_wait3A_592 : memref<10240x16xf32, #tpu.memory_space<vmem_shared>>)
      %dma_wait3A_593 = arith.constant 10 : i32
      %dma_wait3A_594 = arith.constant 0 : i32
      %dma_wait3A_595 = tpu.memref_slice %arg11[%dma_wait3A_593, %dma_wait3A_594] : memref<16x125xi32, #tpu.memory_space<vmem>> -> memref<1x125xi32, #tpu.memory_space<vmem>>
      %dma_wait3A_596 = tpu.memref_squeeze %dma_wait3A_595 : memref<1x125xi32, #tpu.memory_space<vmem>> -> memref<125xi32, #tpu.memory_space<vmem>>
      %dma_wait3A_597 = arith.constant 0 : i32
      %dma_wait3A_598 = arith.constant 0 : i32
      %dma_wait3A_599 = tpu.memref_slice %arg10[%dma_wait3A_597, %dma_wait3A_598] : memref<10240x16xf32, #tpu.memory_space<vmem_shared>> -> memref<10240x16xf32, #tpu.memory_space<vmem_shared>>
      tpu.wait_indirect_dma semaphore(%arg17 : memref<!tpu.dma_semaphore, #tpu.memory_space<semaphore_mem>>) src(%arg13 : memref<125x16xf32, #tpu.memory_space<vmem>>) dst(%dma_wait3A_599 : memref<10240x16xf32, #tpu.memory_space<vmem_shared>>)
      %dma_wait3A_600 = arith.constant 11 : i32
      %dma_wait3A_601 = arith.constant 0 : i32
      %dma_wait3A_602 = tpu.memref_slice %arg11[%dma_wait3A_600, %dma_wait3A_601] : memref<16x125xi32, #tpu.memory_space<vmem>> -> memref<1x125xi32, #tpu.memory_space<vmem>>
      %dma_wait3A_603 = tpu.memref_squeeze %dma_wait3A_602 : memref<1x125xi32, #tpu.memory_space<vmem>> -> memref<125xi32, #tpu.memory_space<vmem>>
      %dma_wait3A_604 = arith.constant 0 : i32
      %dma_wait3A_605 = arith.constant 0 : i32
      %dma_wait3A_606 = tpu.memref_slice %arg10[%dma_wait3A_604, %dma_wait3A_605] : memref<10240x16xf32, #tpu.memory_space<vmem_shared>> -> memref<10240x16xf32, #tpu.memory_space<vmem_shared>>
      tpu.wait_indirect_dma semaphore(%arg17 : memref<!tpu.dma_semaphore, #tpu.memory_space<semaphore_mem>>) src(%arg13 : memref<125x16xf32, #tpu.memory_space<vmem>>) dst(%dma_wait3A_606 : memref<10240x16xf32, #tpu.memory_space<vmem_shared>>)
      %dma_wait3A_607 = arith.constant 12 : i32
      %dma_wait3A_608 = arith.constant 0 : i32
      %dma_wait3A_609 = tpu.memref_slice %arg11[%dma_wait3A_607, %dma_wait3A_608] : memref<16x125xi32, #tpu.memory_space<vmem>> -> memref<1x125xi32, #tpu.memory_space<vmem>>
      %dma_wait3A_610 = tpu.memref_squeeze %dma_wait3A_609 : memref<1x125xi32, #tpu.memory_space<vmem>> -> memref<125xi32, #tpu.memory_space<vmem>>
      %dma_wait3A_611 = arith.constant 0 : i32
      %dma_wait3A_612 = arith.constant 0 : i32
      %dma_wait3A_613 = tpu.memref_slice %arg10[%dma_wait3A_611, %dma_wait3A_612] : memref<10240x16xf32, #tpu.memory_space<vmem_shared>> -> memref<10240x16xf32, #tpu.memory_space<vmem_shared>>
      tpu.wait_indirect_dma semaphore(%arg17 : memref<!tpu.dma_semaphore, #tpu.memory_space<semaphore_mem>>) src(%arg13 : memref<125x16xf32, #tpu.memory_space<vmem>>) dst(%dma_wait3A_613 : memref<10240x16xf32, #tpu.memory_space<vmem_shared>>)
      %dma_wait3A_614 = arith.constant 13 : i32
      %dma_wait3A_615 = arith.constant 0 : i32
      %dma_wait3A_616 = tpu.memref_slice %arg11[%dma_wait3A_614, %dma_wait3A_615] : memref<16x125xi32, #tpu.memory_space<vmem>> -> memref<1x125xi32, #tpu.memory_space<vmem>>
      %dma_wait3A_617 = tpu.memref_squeeze %dma_wait3A_616 : memref<1x125xi32, #tpu.memory_space<vmem>> -> memref<125xi32, #tpu.memory_space<vmem>>
      %dma_wait3A_618 = arith.constant 0 : i32
      %dma_wait3A_619 = arith.constant 0 : i32
      %dma_wait3A_620 = tpu.memref_slice %arg10[%dma_wait3A_618, %dma_wait3A_619] : memref<10240x16xf32, #tpu.memory_space<vmem_shared>> -> memref<10240x16xf32, #tpu.memory_space<vmem_shared>>
      tpu.wait_indirect_dma semaphore(%arg17 : memref<!tpu.dma_semaphore, #tpu.memory_space<semaphore_mem>>) src(%arg13 : memref<125x16xf32, #tpu.memory_space<vmem>>) dst(%dma_wait3A_620 : memref<10240x16xf32, #tpu.memory_space<vmem_shared>>)
      %dma_wait3A_621 = arith.constant 14 : i32
      %dma_wait3A_622 = arith.constant 0 : i32
      %dma_wait3A_623 = tpu.memref_slice %arg11[%dma_wait3A_621, %dma_wait3A_622] : memref<16x125xi32, #tpu.memory_space<vmem>> -> memref<1x125xi32, #tpu.memory_space<vmem>>
      %dma_wait3A_624 = tpu.memref_squeeze %dma_wait3A_623 : memref<1x125xi32, #tpu.memory_space<vmem>> -> memref<125xi32, #tpu.memory_space<vmem>>
      %dma_wait3A_625 = arith.constant 0 : i32
      %dma_wait3A_626 = arith.constant 0 : i32
      %dma_wait3A_627 = tpu.memref_slice %arg10[%dma_wait3A_625, %dma_wait3A_626] : memref<10240x16xf32, #tpu.memory_space<vmem_shared>> -> memref<10240x16xf32, #tpu.memory_space<vmem_shared>>
      tpu.wait_indirect_dma semaphore(%arg17 : memref<!tpu.dma_semaphore, #tpu.memory_space<semaphore_mem>>) src(%arg13 : memref<125x16xf32, #tpu.memory_space<vmem>>) dst(%dma_wait3A_627 : memref<10240x16xf32, #tpu.memory_space<vmem_shared>>)
      %dma_wait3A_628 = arith.constant 15 : i32
      %dma_wait3A_629 = arith.constant 0 : i32
      %dma_wait3A_630 = tpu.memref_slice %arg11[%dma_wait3A_628, %dma_wait3A_629] : memref<16x125xi32, #tpu.memory_space<vmem>> -> memref<1x125xi32, #tpu.memory_space<vmem>>
      %dma_wait3A_631 = tpu.memref_squeeze %dma_wait3A_630 : memref<1x125xi32, #tpu.memory_space<vmem>> -> memref<125xi32, #tpu.memory_space<vmem>>
      %dma_wait3A_632 = arith.constant 0 : i32
      %dma_wait3A_633 = arith.constant 0 : i32
      %dma_wait3A_634 = tpu.memref_slice %arg10[%dma_wait3A_632, %dma_wait3A_633] : memref<10240x16xf32, #tpu.memory_space<vmem_shared>> -> memref<10240x16xf32, #tpu.memory_space<vmem_shared>>
      tpu.wait_indirect_dma semaphore(%arg17 : memref<!tpu.dma_semaphore, #tpu.memory_space<semaphore_mem>>) src(%arg13 : memref<125x16xf32, #tpu.memory_space<vmem>>) dst(%dma_wait3A_634 : memref<10240x16xf32, #tpu.memory_space<vmem_shared>>)
    }
    %scan3A_13 = arith.constant 5 : i32
    %barrier3A_14 = arith.constant 0 : index
    tpu.barrier barrier_id(%barrier3A_14)
    %mul3A_15 = arith.constant 640 : i32
    %mul3A_16 = arith.muli %arg1, %mul3A_15 : i32
    "tpu.region"() ({
      %run_scoped3A = tpu.sem_alloc : memref<!tpu.dma_semaphore, #tpu.memory_space<semaphore_mem>>
      %dma_start3A = arith.constant 0 : i32
      %dma_start3A_23 = tpu.memref_slice %arg9[%mul3A_16, %dma_start3A] : memref<10240x32xf32, #tpu.memory_space<vmem_shared>> -> memref<640x32xf32, #tpu.memory_space<vmem_shared>>
      %dma_start3A_24 = arith.constant 0 : i32
      %dma_start3A_25 = tpu.memref_slice %arg9[%mul3A_16, %dma_start3A_24] : memref<10240x32xf32, #tpu.memory_space<vmem_shared>> -> memref<640x32xf32, #tpu.memory_space<vmem_shared>>
      tpu.enqueue_dma source(%dma_start3A_25 : memref<640x32xf32, #tpu.memory_space<vmem_shared>>) target(%arg14 : memref<640x32xf32, #tpu.memory_space<vmem>>) target_semaphore(%run_scoped3A : memref<!tpu.dma_semaphore, #tpu.memory_space<semaphore_mem>>)
      %dma_wait3A = arith.constant 0 : i32
      %dma_wait3A_26 = tpu.memref_slice %arg9[%mul3A_16, %dma_wait3A] : memref<10240x32xf32, #tpu.memory_space<vmem_shared>> -> memref<640x32xf32, #tpu.memory_space<vmem_shared>>
      %dma_wait3A_27 = arith.constant 0 : i32
      %dma_wait3A_28 = tpu.memref_slice %arg9[%mul3A_16, %dma_wait3A_27] : memref<10240x32xf32, #tpu.memory_space<vmem_shared>> -> memref<640x32xf32, #tpu.memory_space<vmem_shared>>
      tpu.wait_dma2 semaphore(%run_scoped3A : memref<!tpu.dma_semaphore, #tpu.memory_space<semaphore_mem>>) src(%dma_wait3A_28 : memref<640x32xf32, #tpu.memory_space<vmem_shared>>) dst(%arg14 : memref<640x32xf32, #tpu.memory_space<vmem>>)
      tpu.yield
    }) : () -> ()
    %mul3A_17 = arith.constant 640 : i32
    %mul3A_18 = arith.muli %arg1, %mul3A_17 : i32
    "tpu.region"() ({
      %run_scoped3A = tpu.sem_alloc : memref<!tpu.dma_semaphore, #tpu.memory_space<semaphore_mem>>
      %dma_start3A = arith.constant 0 : i32
      %dma_start3A_23 = tpu.memref_slice %arg7[%arg0, %mul3A_18, %dma_start3A] : memref<2x10240x32xf32, #tpu.memory_space<hbm>> -> memref<1x640x32xf32, #tpu.memory_space<hbm>>
      %dma_start3A_24 = tpu.memref_squeeze %dma_start3A_23 : memref<1x640x32xf32, #tpu.memory_space<hbm>> -> memref<640x32xf32, #tpu.memory_space<hbm>>
      %dma_start3A_25 = arith.constant 0 : i32
      %dma_start3A_26 = tpu.memref_slice %arg7[%arg0, %mul3A_18, %dma_start3A_25] : memref<2x10240x32xf32, #tpu.memory_space<hbm>> -> memref<1x640x32xf32, #tpu.memory_space<hbm>>
      %dma_start3A_27 = tpu.memref_squeeze %dma_start3A_26 : memref<1x640x32xf32, #tpu.memory_space<hbm>> -> memref<640x32xf32, #tpu.memory_space<hbm>>
      tpu.enqueue_dma source(%arg14 : memref<640x32xf32, #tpu.memory_space<vmem>>) target(%dma_start3A_27 : memref<640x32xf32, #tpu.memory_space<hbm>>) target_semaphore(%run_scoped3A : memref<!tpu.dma_semaphore, #tpu.memory_space<semaphore_mem>>)
      %dma_wait3A = arith.constant 0 : i32
      %dma_wait3A_28 = tpu.memref_slice %arg7[%arg0, %mul3A_18, %dma_wait3A] : memref<2x10240x32xf32, #tpu.memory_space<hbm>> -> memref<1x640x32xf32, #tpu.memory_space<hbm>>
      %dma_wait3A_29 = tpu.memref_squeeze %dma_wait3A_28 : memref<1x640x32xf32, #tpu.memory_space<hbm>> -> memref<640x32xf32, #tpu.memory_space<hbm>>
      %dma_wait3A_30 = arith.constant 0 : i32
      %dma_wait3A_31 = tpu.memref_slice %arg7[%arg0, %mul3A_18, %dma_wait3A_30] : memref<2x10240x32xf32, #tpu.memory_space<hbm>> -> memref<1x640x32xf32, #tpu.memory_space<hbm>>
      %dma_wait3A_32 = tpu.memref_squeeze %dma_wait3A_31 : memref<1x640x32xf32, #tpu.memory_space<hbm>> -> memref<640x32xf32, #tpu.memory_space<hbm>>
      tpu.wait_dma2 semaphore(%run_scoped3A : memref<!tpu.dma_semaphore, #tpu.memory_space<semaphore_mem>>) src(%arg14 : memref<640x32xf32, #tpu.memory_space<vmem>>) dst(%dma_wait3A_32 : memref<640x32xf32, #tpu.memory_space<hbm>>)
      tpu.yield
    }) : () -> ()
    %mul3A_19 = arith.constant 640 : i32
    %mul3A_20 = arith.muli %arg1, %mul3A_19 : i32
    "tpu.region"() ({
      %run_scoped3A = tpu.sem_alloc : memref<!tpu.dma_semaphore, #tpu.memory_space<semaphore_mem>>
      %dma_start3A = arith.constant 0 : i32
      %dma_start3A_23 = tpu.memref_slice %arg10[%mul3A_20, %dma_start3A] : memref<10240x16xf32, #tpu.memory_space<vmem_shared>> -> memref<640x16xf32, #tpu.memory_space<vmem_shared>>
      %dma_start3A_24 = arith.constant 0 : i32
      %dma_start3A_25 = tpu.memref_slice %arg10[%mul3A_20, %dma_start3A_24] : memref<10240x16xf32, #tpu.memory_space<vmem_shared>> -> memref<640x16xf32, #tpu.memory_space<vmem_shared>>
      tpu.enqueue_dma source(%dma_start3A_25 : memref<640x16xf32, #tpu.memory_space<vmem_shared>>) target(%arg15 : memref<640x16xf32, #tpu.memory_space<vmem>>) target_semaphore(%run_scoped3A : memref<!tpu.dma_semaphore, #tpu.memory_space<semaphore_mem>>)
      %dma_wait3A = arith.constant 0 : i32
      %dma_wait3A_26 = tpu.memref_slice %arg10[%mul3A_20, %dma_wait3A] : memref<10240x16xf32, #tpu.memory_space<vmem_shared>> -> memref<640x16xf32, #tpu.memory_space<vmem_shared>>
      %dma_wait3A_27 = arith.constant 0 : i32
      %dma_wait3A_28 = tpu.memref_slice %arg10[%mul3A_20, %dma_wait3A_27] : memref<10240x16xf32, #tpu.memory_space<vmem_shared>> -> memref<640x16xf32, #tpu.memory_space<vmem_shared>>
      tpu.wait_dma2 semaphore(%run_scoped3A : memref<!tpu.dma_semaphore, #tpu.memory_space<semaphore_mem>>) src(%dma_wait3A_28 : memref<640x16xf32, #tpu.memory_space<vmem_shared>>) dst(%arg15 : memref<640x16xf32, #tpu.memory_space<vmem>>)
      tpu.yield
    }) : () -> ()
    %mul3A_21 = arith.constant 640 : i32
    %mul3A_22 = arith.muli %arg1, %mul3A_21 : i32
    "tpu.region"() ({
      %run_scoped3A = tpu.sem_alloc : memref<!tpu.dma_semaphore, #tpu.memory_space<semaphore_mem>>
      %dma_start3A = arith.constant 0 : i32
      %dma_start3A_23 = tpu.memref_slice %arg8[%arg0, %mul3A_22, %dma_start3A] : memref<2x10240x16xf32, #tpu.memory_space<hbm>> -> memref<1x640x16xf32, #tpu.memory_space<hbm>>
      %dma_start3A_24 = tpu.memref_squeeze %dma_start3A_23 : memref<1x640x16xf32, #tpu.memory_space<hbm>> -> memref<640x16xf32, #tpu.memory_space<hbm>>
      %dma_start3A_25 = arith.constant 0 : i32
      %dma_start3A_26 = tpu.memref_slice %arg8[%arg0, %mul3A_22, %dma_start3A_25] : memref<2x10240x16xf32, #tpu.memory_space<hbm>> -> memref<1x640x16xf32, #tpu.memory_space<hbm>>
      %dma_start3A_27 = tpu.memref_squeeze %dma_start3A_26 : memref<1x640x16xf32, #tpu.memory_space<hbm>> -> memref<640x16xf32, #tpu.memory_space<hbm>>
      tpu.enqueue_dma source(%arg15 : memref<640x16xf32, #tpu.memory_space<vmem>>) target(%dma_start3A_27 : memref<640x16xf32, #tpu.memory_space<hbm>>) target_semaphore(%run_scoped3A : memref<!tpu.dma_semaphore, #tpu.memory_space<semaphore_mem>>)
      %dma_wait3A = arith.constant 0 : i32
      %dma_wait3A_28 = tpu.memref_slice %arg8[%arg0, %mul3A_22, %dma_wait3A] : memref<2x10240x16xf32, #tpu.memory_space<hbm>> -> memref<1x640x16xf32, #tpu.memory_space<hbm>>
      %dma_wait3A_29 = tpu.memref_squeeze %dma_wait3A_28 : memref<1x640x16xf32, #tpu.memory_space<hbm>> -> memref<640x16xf32, #tpu.memory_space<hbm>>
      %dma_wait3A_30 = arith.constant 0 : i32
      %dma_wait3A_31 = tpu.memref_slice %arg8[%arg0, %mul3A_22, %dma_wait3A_30] : memref<2x10240x16xf32, #tpu.memory_space<hbm>> -> memref<1x640x16xf32, #tpu.memory_space<hbm>>
      %dma_wait3A_32 = tpu.memref_squeeze %dma_wait3A_31 : memref<1x640x16xf32, #tpu.memory_space<hbm>> -> memref<640x16xf32, #tpu.memory_space<hbm>>
      tpu.wait_dma2 semaphore(%run_scoped3A : memref<!tpu.dma_semaphore, #tpu.memory_space<semaphore_mem>>) src(%arg15 : memref<640x16xf32, #tpu.memory_space<vmem>>) dst(%dma_wait3A_32 : memref<640x16xf32, #tpu.memory_space<hbm>>)
      tpu.yield
    }) : () -> ()
    return
  }
}

#map = affine_map<(d0, d1) -> (0, 0)>
#map1 = affine_map<(d0, d1) -> (0, 0, 0)>
module attributes {stable_mosaic.version = 14 : i64} {
  func.func @_sc_gather(%arg0: i32, %arg1: i32, %arg2: memref<10000x32xf32, #tpu.memory_space<hbm>>, %arg3: memref<10000x32xf32, #tpu.memory_space<hbm>>, %arg4: memref<2560x125xi32, #tpu.memory_space<hbm>>, %arg5: memref<2560x125xi32, #tpu.memory_space<hbm>>, %arg6: memref<2560x125x32xf32, #tpu.memory_space<hbm>>, %arg7: memref<2560x125x32xf32, #tpu.memory_space<hbm>>, %arg8: memref<16x125xi32, #tpu.memory_space<vmem>>, %arg9: memref<16x125xi32, #tpu.memory_space<vmem>>, %arg10: memref<16x125x32xf32, #tpu.memory_space<vmem>>, %arg11: memref<!tpu.dma_semaphore, #tpu.memory_space<semaphore_mem>>) attributes {dimension_semantics = [#tpu.dimension_semantics<core_parallel>, #tpu.dimension_semantics<subcore_parallel>], iteration_bounds = array<i64: 2, 16>, scalar_prefetch = 0 : i64, scratch_operands = 4 : i64, tpu.core_type = #tpu.core_type<sc_vector_subcore>, window_params = [{transform_indices = #map}, {transform_indices = #map}, {transform_indices = #map}, {transform_indices = #map}, {transform_indices = #map1}, {transform_indices = #map1}]} {
    %mul3A = arith.constant 2 : i32
    %mul3A_0 = arith.muli %arg1, %mul3A : i32
    %add3A = arith.addi %mul3A_0, %arg0 : i32
    %scan3A = arith.constant 0 : i32
    %scan3A_1 = arith.constant 0 : i32
    %scan3A_2 = arith.constant 5 : i32
    %scan3A_3 = arith.addi %scan3A_1, %scan3A_2 : i32
    %scan3A_4 = arith.constant 1 : i32
    scf.for %scan3A_6 = %scan3A_1 to %scan3A_3 step %scan3A_4  : i32 {
      %mul3A_7 = arith.constant 80 : i32
      %mul3A_8 = arith.muli %add3A, %mul3A_7 : i32
      %mul3A_9 = arith.constant 16 : i32
      %mul3A_10 = arith.muli %scan3A_6, %mul3A_9 : i32
      %add3A_11 = arith.addi %mul3A_8, %mul3A_10 : i32
      "tpu.region"() ({
        %run_scoped3A = tpu.sem_alloc : memref<!tpu.dma_semaphore, #tpu.memory_space<semaphore_mem>>
        %dma_start3A_778 = arith.constant 0 : i32
        %dma_start3A_779 = tpu.memref_slice %arg4[%add3A_11, %dma_start3A_778] : memref<2560x125xi32, #tpu.memory_space<hbm>> -> memref<16x125xi32, #tpu.memory_space<hbm>>
        %dma_start3A_780 = arith.constant 0 : i32
        %dma_start3A_781 = tpu.memref_slice %arg4[%add3A_11, %dma_start3A_780] : memref<2560x125xi32, #tpu.memory_space<hbm>> -> memref<16x125xi32, #tpu.memory_space<hbm>>
        tpu.enqueue_dma source(%dma_start3A_781 : memref<16x125xi32, #tpu.memory_space<hbm>>) target(%arg8 : memref<16x125xi32, #tpu.memory_space<vmem>>) target_semaphore(%run_scoped3A : memref<!tpu.dma_semaphore, #tpu.memory_space<semaphore_mem>>)
        %dma_wait3A_782 = arith.constant 0 : i32
        %dma_wait3A_783 = tpu.memref_slice %arg4[%add3A_11, %dma_wait3A_782] : memref<2560x125xi32, #tpu.memory_space<hbm>> -> memref<16x125xi32, #tpu.memory_space<hbm>>
        %dma_wait3A_784 = arith.constant 0 : i32
        %dma_wait3A_785 = tpu.memref_slice %arg4[%add3A_11, %dma_wait3A_784] : memref<2560x125xi32, #tpu.memory_space<hbm>> -> memref<16x125xi32, #tpu.memory_space<hbm>>
        tpu.wait_dma2 semaphore(%run_scoped3A : memref<!tpu.dma_semaphore, #tpu.memory_space<semaphore_mem>>) src(%dma_wait3A_785 : memref<16x125xi32, #tpu.memory_space<hbm>>) dst(%arg8 : memref<16x125xi32, #tpu.memory_space<vmem>>)
        tpu.yield
      }) : () -> ()
      %dma_start3A = arith.constant 0 : i32
      %dma_start3A_12 = arith.constant 0 : i32
      %dma_start3A_13 = arith.constant 0 : i32
      %dma_start3A_14 = arith.constant 0 : i32
      %dma_start3A_15 = tpu.memref_slice %arg10[%dma_start3A_12, %dma_start3A_13, %dma_start3A_14] : memref<16x125x32xf32, #tpu.memory_space<vmem>> -> memref<1x125x32xf32, #tpu.memory_space<vmem>>
      %dma_start3A_16 = tpu.memref_squeeze %dma_start3A_15 : memref<1x125x32xf32, #tpu.memory_space<vmem>> -> memref<125x32xf32, #tpu.memory_space<vmem>>
      %dma_start3A_17 = arith.constant 0 : i32
      %dma_start3A_18 = tpu.memref_slice %arg8[%dma_start3A, %dma_start3A_17] : memref<16x125xi32, #tpu.memory_space<vmem>> -> memref<1x125xi32, #tpu.memory_space<vmem>>
      %dma_start3A_19 = tpu.memref_squeeze %dma_start3A_18 : memref<1x125xi32, #tpu.memory_space<vmem>> -> memref<125xi32, #tpu.memory_space<vmem>>
      %dma_start3A_20 = arith.constant 0 : i32
      %dma_start3A_21 = arith.constant 0 : i32
      %dma_start3A_22 = tpu.memref_slice %arg2[%dma_start3A_20, %dma_start3A_21] : memref<10000x32xf32, #tpu.memory_space<hbm>> -> memref<10000x32xf32, #tpu.memory_space<hbm>>
      tpu.enqueue_indirect_dma source(%dma_start3A_22 : memref<10000x32xf32, #tpu.memory_space<hbm>>) target(%dma_start3A_16 : memref<125x32xf32, #tpu.memory_space<vmem>>) offsets(%dma_start3A_19 : memref<125xi32, #tpu.memory_space<vmem>>) semaphore(%arg11 : memref<!tpu.dma_semaphore, #tpu.memory_space<semaphore_mem>>)
      %dma_start3A_23 = arith.constant 1 : i32
      %dma_start3A_24 = arith.constant 1 : i32
      %dma_start3A_25 = arith.constant 0 : i32
      %dma_start3A_26 = arith.constant 0 : i32
      %dma_start3A_27 = tpu.memref_slice %arg10[%dma_start3A_24, %dma_start3A_25, %dma_start3A_26] : memref<16x125x32xf32, #tpu.memory_space<vmem>> -> memref<1x125x32xf32, #tpu.memory_space<vmem>>
      %dma_start3A_28 = tpu.memref_squeeze %dma_start3A_27 : memref<1x125x32xf32, #tpu.memory_space<vmem>> -> memref<125x32xf32, #tpu.memory_space<vmem>>
      %dma_start3A_29 = arith.constant 0 : i32
      %dma_start3A_30 = tpu.memref_slice %arg8[%dma_start3A_23, %dma_start3A_29] : memref<16x125xi32, #tpu.memory_space<vmem>> -> memref<1x125xi32, #tpu.memory_space<vmem>>
      %dma_start3A_31 = tpu.memref_squeeze %dma_start3A_30 : memref<1x125xi32, #tpu.memory_space<vmem>> -> memref<125xi32, #tpu.memory_space<vmem>>
      %dma_start3A_32 = arith.constant 0 : i32
      %dma_start3A_33 = arith.constant 0 : i32
      %dma_start3A_34 = tpu.memref_slice %arg2[%dma_start3A_32, %dma_start3A_33] : memref<10000x32xf32, #tpu.memory_space<hbm>> -> memref<10000x32xf32, #tpu.memory_space<hbm>>
      tpu.enqueue_indirect_dma source(%dma_start3A_34 : memref<10000x32xf32, #tpu.memory_space<hbm>>) target(%dma_start3A_28 : memref<125x32xf32, #tpu.memory_space<vmem>>) offsets(%dma_start3A_31 : memref<125xi32, #tpu.memory_space<vmem>>) semaphore(%arg11 : memref<!tpu.dma_semaphore, #tpu.memory_space<semaphore_mem>>)
      %dma_start3A_35 = arith.constant 2 : i32
      %dma_start3A_36 = arith.constant 2 : i32
      %dma_start3A_37 = arith.constant 0 : i32
      %dma_start3A_38 = arith.constant 0 : i32
      %dma_start3A_39 = tpu.memref_slice %arg10[%dma_start3A_36, %dma_start3A_37, %dma_start3A_38] : memref<16x125x32xf32, #tpu.memory_space<vmem>> -> memref<1x125x32xf32, #tpu.memory_space<vmem>>
      %dma_start3A_40 = tpu.memref_squeeze %dma_start3A_39 : memref<1x125x32xf32, #tpu.memory_space<vmem>> -> memref<125x32xf32, #tpu.memory_space<vmem>>
      %dma_start3A_41 = arith.constant 0 : i32
      %dma_start3A_42 = tpu.memref_slice %arg8[%dma_start3A_35, %dma_start3A_41] : memref<16x125xi32, #tpu.memory_space<vmem>> -> memref<1x125xi32, #tpu.memory_space<vmem>>
      %dma_start3A_43 = tpu.memref_squeeze %dma_start3A_42 : memref<1x125xi32, #tpu.memory_space<vmem>> -> memref<125xi32, #tpu.memory_space<vmem>>
      %dma_start3A_44 = arith.constant 0 : i32
      %dma_start3A_45 = arith.constant 0 : i32
      %dma_start3A_46 = tpu.memref_slice %arg2[%dma_start3A_44, %dma_start3A_45] : memref<10000x32xf32, #tpu.memory_space<hbm>> -> memref<10000x32xf32, #tpu.memory_space<hbm>>
      tpu.enqueue_indirect_dma source(%dma_start3A_46 : memref<10000x32xf32, #tpu.memory_space<hbm>>) target(%dma_start3A_40 : memref<125x32xf32, #tpu.memory_space<vmem>>) offsets(%dma_start3A_43 : memref<125xi32, #tpu.memory_space<vmem>>) semaphore(%arg11 : memref<!tpu.dma_semaphore, #tpu.memory_space<semaphore_mem>>)
      %dma_start3A_47 = arith.constant 3 : i32
      %dma_start3A_48 = arith.constant 3 : i32
      %dma_start3A_49 = arith.constant 0 : i32
      %dma_start3A_50 = arith.constant 0 : i32
      %dma_start3A_51 = tpu.memref_slice %arg10[%dma_start3A_48, %dma_start3A_49, %dma_start3A_50] : memref<16x125x32xf32, #tpu.memory_space<vmem>> -> memref<1x125x32xf32, #tpu.memory_space<vmem>>
      %dma_start3A_52 = tpu.memref_squeeze %dma_start3A_51 : memref<1x125x32xf32, #tpu.memory_space<vmem>> -> memref<125x32xf32, #tpu.memory_space<vmem>>
      %dma_start3A_53 = arith.constant 0 : i32
      %dma_start3A_54 = tpu.memref_slice %arg8[%dma_start3A_47, %dma_start3A_53] : memref<16x125xi32, #tpu.memory_space<vmem>> -> memref<1x125xi32, #tpu.memory_space<vmem>>
      %dma_start3A_55 = tpu.memref_squeeze %dma_start3A_54 : memref<1x125xi32, #tpu.memory_space<vmem>> -> memref<125xi32, #tpu.memory_space<vmem>>
      %dma_start3A_56 = arith.constant 0 : i32
      %dma_start3A_57 = arith.constant 0 : i32
      %dma_start3A_58 = tpu.memref_slice %arg2[%dma_start3A_56, %dma_start3A_57] : memref<10000x32xf32, #tpu.memory_space<hbm>> -> memref<10000x32xf32, #tpu.memory_space<hbm>>
      tpu.enqueue_indirect_dma source(%dma_start3A_58 : memref<10000x32xf32, #tpu.memory_space<hbm>>) target(%dma_start3A_52 : memref<125x32xf32, #tpu.memory_space<vmem>>) offsets(%dma_start3A_55 : memref<125xi32, #tpu.memory_space<vmem>>) semaphore(%arg11 : memref<!tpu.dma_semaphore, #tpu.memory_space<semaphore_mem>>)
      %dma_start3A_59 = arith.constant 4 : i32
      %dma_start3A_60 = arith.constant 4 : i32
      %dma_start3A_61 = arith.constant 0 : i32
      %dma_start3A_62 = arith.constant 0 : i32
      %dma_start3A_63 = tpu.memref_slice %arg10[%dma_start3A_60, %dma_start3A_61, %dma_start3A_62] : memref<16x125x32xf32, #tpu.memory_space<vmem>> -> memref<1x125x32xf32, #tpu.memory_space<vmem>>
      %dma_start3A_64 = tpu.memref_squeeze %dma_start3A_63 : memref<1x125x32xf32, #tpu.memory_space<vmem>> -> memref<125x32xf32, #tpu.memory_space<vmem>>
      %dma_start3A_65 = arith.constant 0 : i32
      %dma_start3A_66 = tpu.memref_slice %arg8[%dma_start3A_59, %dma_start3A_65] : memref<16x125xi32, #tpu.memory_space<vmem>> -> memref<1x125xi32, #tpu.memory_space<vmem>>
      %dma_start3A_67 = tpu.memref_squeeze %dma_start3A_66 : memref<1x125xi32, #tpu.memory_space<vmem>> -> memref<125xi32, #tpu.memory_space<vmem>>
      %dma_start3A_68 = arith.constant 0 : i32
      %dma_start3A_69 = arith.constant 0 : i32
      %dma_start3A_70 = tpu.memref_slice %arg2[%dma_start3A_68, %dma_start3A_69] : memref<10000x32xf32, #tpu.memory_space<hbm>> -> memref<10000x32xf32, #tpu.memory_space<hbm>>
      tpu.enqueue_indirect_dma source(%dma_start3A_70 : memref<10000x32xf32, #tpu.memory_space<hbm>>) target(%dma_start3A_64 : memref<125x32xf32, #tpu.memory_space<vmem>>) offsets(%dma_start3A_67 : memref<125xi32, #tpu.memory_space<vmem>>) semaphore(%arg11 : memref<!tpu.dma_semaphore, #tpu.memory_space<semaphore_mem>>)
      %dma_start3A_71 = arith.constant 5 : i32
      %dma_start3A_72 = arith.constant 5 : i32
      %dma_start3A_73 = arith.constant 0 : i32
      %dma_start3A_74 = arith.constant 0 : i32
      %dma_start3A_75 = tpu.memref_slice %arg10[%dma_start3A_72, %dma_start3A_73, %dma_start3A_74] : memref<16x125x32xf32, #tpu.memory_space<vmem>> -> memref<1x125x32xf32, #tpu.memory_space<vmem>>
      %dma_start3A_76 = tpu.memref_squeeze %dma_start3A_75 : memref<1x125x32xf32, #tpu.memory_space<vmem>> -> memref<125x32xf32, #tpu.memory_space<vmem>>
      %dma_start3A_77 = arith.constant 0 : i32
      %dma_start3A_78 = tpu.memref_slice %arg8[%dma_start3A_71, %dma_start3A_77] : memref<16x125xi32, #tpu.memory_space<vmem>> -> memref<1x125xi32, #tpu.memory_space<vmem>>
      %dma_start3A_79 = tpu.memref_squeeze %dma_start3A_78 : memref<1x125xi32, #tpu.memory_space<vmem>> -> memref<125xi32, #tpu.memory_space<vmem>>
      %dma_start3A_80 = arith.constant 0 : i32
      %dma_start3A_81 = arith.constant 0 : i32
      %dma_start3A_82 = tpu.memref_slice %arg2[%dma_start3A_80, %dma_start3A_81] : memref<10000x32xf32, #tpu.memory_space<hbm>> -> memref<10000x32xf32, #tpu.memory_space<hbm>>
      tpu.enqueue_indirect_dma source(%dma_start3A_82 : memref<10000x32xf32, #tpu.memory_space<hbm>>) target(%dma_start3A_76 : memref<125x32xf32, #tpu.memory_space<vmem>>) offsets(%dma_start3A_79 : memref<125xi32, #tpu.memory_space<vmem>>) semaphore(%arg11 : memref<!tpu.dma_semaphore, #tpu.memory_space<semaphore_mem>>)
      %dma_start3A_83 = arith.constant 6 : i32
      %dma_start3A_84 = arith.constant 6 : i32
      %dma_start3A_85 = arith.constant 0 : i32
      %dma_start3A_86 = arith.constant 0 : i32
      %dma_start3A_87 = tpu.memref_slice %arg10[%dma_start3A_84, %dma_start3A_85, %dma_start3A_86] : memref<16x125x32xf32, #tpu.memory_space<vmem>> -> memref<1x125x32xf32, #tpu.memory_space<vmem>>
      %dma_start3A_88 = tpu.memref_squeeze %dma_start3A_87 : memref<1x125x32xf32, #tpu.memory_space<vmem>> -> memref<125x32xf32, #tpu.memory_space<vmem>>
      %dma_start3A_89 = arith.constant 0 : i32
      %dma_start3A_90 = tpu.memref_slice %arg8[%dma_start3A_83, %dma_start3A_89] : memref<16x125xi32, #tpu.memory_space<vmem>> -> memref<1x125xi32, #tpu.memory_space<vmem>>
      %dma_start3A_91 = tpu.memref_squeeze %dma_start3A_90 : memref<1x125xi32, #tpu.memory_space<vmem>> -> memref<125xi32, #tpu.memory_space<vmem>>
      %dma_start3A_92 = arith.constant 0 : i32
      %dma_start3A_93 = arith.constant 0 : i32
      %dma_start3A_94 = tpu.memref_slice %arg2[%dma_start3A_92, %dma_start3A_93] : memref<10000x32xf32, #tpu.memory_space<hbm>> -> memref<10000x32xf32, #tpu.memory_space<hbm>>
      tpu.enqueue_indirect_dma source(%dma_start3A_94 : memref<10000x32xf32, #tpu.memory_space<hbm>>) target(%dma_start3A_88 : memref<125x32xf32, #tpu.memory_space<vmem>>) offsets(%dma_start3A_91 : memref<125xi32, #tpu.memory_space<vmem>>) semaphore(%arg11 : memref<!tpu.dma_semaphore, #tpu.memory_space<semaphore_mem>>)
      %dma_start3A_95 = arith.constant 7 : i32
      %dma_start3A_96 = arith.constant 7 : i32
      %dma_start3A_97 = arith.constant 0 : i32
      %dma_start3A_98 = arith.constant 0 : i32
      %dma_start3A_99 = tpu.memref_slice %arg10[%dma_start3A_96, %dma_start3A_97, %dma_start3A_98] : memref<16x125x32xf32, #tpu.memory_space<vmem>> -> memref<1x125x32xf32, #tpu.memory_space<vmem>>
      %dma_start3A_100 = tpu.memref_squeeze %dma_start3A_99 : memref<1x125x32xf32, #tpu.memory_space<vmem>> -> memref<125x32xf32, #tpu.memory_space<vmem>>
      %dma_start3A_101 = arith.constant 0 : i32
      %dma_start3A_102 = tpu.memref_slice %arg8[%dma_start3A_95, %dma_start3A_101] : memref<16x125xi32, #tpu.memory_space<vmem>> -> memref<1x125xi32, #tpu.memory_space<vmem>>
      %dma_start3A_103 = tpu.memref_squeeze %dma_start3A_102 : memref<1x125xi32, #tpu.memory_space<vmem>> -> memref<125xi32, #tpu.memory_space<vmem>>
      %dma_start3A_104 = arith.constant 0 : i32
      %dma_start3A_105 = arith.constant 0 : i32
      %dma_start3A_106 = tpu.memref_slice %arg2[%dma_start3A_104, %dma_start3A_105] : memref<10000x32xf32, #tpu.memory_space<hbm>> -> memref<10000x32xf32, #tpu.memory_space<hbm>>
      tpu.enqueue_indirect_dma source(%dma_start3A_106 : memref<10000x32xf32, #tpu.memory_space<hbm>>) target(%dma_start3A_100 : memref<125x32xf32, #tpu.memory_space<vmem>>) offsets(%dma_start3A_103 : memref<125xi32, #tpu.memory_space<vmem>>) semaphore(%arg11 : memref<!tpu.dma_semaphore, #tpu.memory_space<semaphore_mem>>)
      %dma_start3A_107 = arith.constant 8 : i32
      %dma_start3A_108 = arith.constant 8 : i32
      %dma_start3A_109 = arith.constant 0 : i32
      %dma_start3A_110 = arith.constant 0 : i32
      %dma_start3A_111 = tpu.memref_slice %arg10[%dma_start3A_108, %dma_start3A_109, %dma_start3A_110] : memref<16x125x32xf32, #tpu.memory_space<vmem>> -> memref<1x125x32xf32, #tpu.memory_space<vmem>>
      %dma_start3A_112 = tpu.memref_squeeze %dma_start3A_111 : memref<1x125x32xf32, #tpu.memory_space<vmem>> -> memref<125x32xf32, #tpu.memory_space<vmem>>
      %dma_start3A_113 = arith.constant 0 : i32
      %dma_start3A_114 = tpu.memref_slice %arg8[%dma_start3A_107, %dma_start3A_113] : memref<16x125xi32, #tpu.memory_space<vmem>> -> memref<1x125xi32, #tpu.memory_space<vmem>>
      %dma_start3A_115 = tpu.memref_squeeze %dma_start3A_114 : memref<1x125xi32, #tpu.memory_space<vmem>> -> memref<125xi32, #tpu.memory_space<vmem>>
      %dma_start3A_116 = arith.constant 0 : i32
      %dma_start3A_117 = arith.constant 0 : i32
      %dma_start3A_118 = tpu.memref_slice %arg2[%dma_start3A_116, %dma_start3A_117] : memref<10000x32xf32, #tpu.memory_space<hbm>> -> memref<10000x32xf32, #tpu.memory_space<hbm>>
      tpu.enqueue_indirect_dma source(%dma_start3A_118 : memref<10000x32xf32, #tpu.memory_space<hbm>>) target(%dma_start3A_112 : memref<125x32xf32, #tpu.memory_space<vmem>>) offsets(%dma_start3A_115 : memref<125xi32, #tpu.memory_space<vmem>>) semaphore(%arg11 : memref<!tpu.dma_semaphore, #tpu.memory_space<semaphore_mem>>)
      %dma_start3A_119 = arith.constant 9 : i32
      %dma_start3A_120 = arith.constant 9 : i32
      %dma_start3A_121 = arith.constant 0 : i32
      %dma_start3A_122 = arith.constant 0 : i32
      %dma_start3A_123 = tpu.memref_slice %arg10[%dma_start3A_120, %dma_start3A_121, %dma_start3A_122] : memref<16x125x32xf32, #tpu.memory_space<vmem>> -> memref<1x125x32xf32, #tpu.memory_space<vmem>>
      %dma_start3A_124 = tpu.memref_squeeze %dma_start3A_123 : memref<1x125x32xf32, #tpu.memory_space<vmem>> -> memref<125x32xf32, #tpu.memory_space<vmem>>
      %dma_start3A_125 = arith.constant 0 : i32
      %dma_start3A_126 = tpu.memref_slice %arg8[%dma_start3A_119, %dma_start3A_125] : memref<16x125xi32, #tpu.memory_space<vmem>> -> memref<1x125xi32, #tpu.memory_space<vmem>>
      %dma_start3A_127 = tpu.memref_squeeze %dma_start3A_126 : memref<1x125xi32, #tpu.memory_space<vmem>> -> memref<125xi32, #tpu.memory_space<vmem>>
      %dma_start3A_128 = arith.constant 0 : i32
      %dma_start3A_129 = arith.constant 0 : i32
      %dma_start3A_130 = tpu.memref_slice %arg2[%dma_start3A_128, %dma_start3A_129] : memref<10000x32xf32, #tpu.memory_space<hbm>> -> memref<10000x32xf32, #tpu.memory_space<hbm>>
      tpu.enqueue_indirect_dma source(%dma_start3A_130 : memref<10000x32xf32, #tpu.memory_space<hbm>>) target(%dma_start3A_124 : memref<125x32xf32, #tpu.memory_space<vmem>>) offsets(%dma_start3A_127 : memref<125xi32, #tpu.memory_space<vmem>>) semaphore(%arg11 : memref<!tpu.dma_semaphore, #tpu.memory_space<semaphore_mem>>)
      %dma_start3A_131 = arith.constant 10 : i32
      %dma_start3A_132 = arith.constant 10 : i32
      %dma_start3A_133 = arith.constant 0 : i32
      %dma_start3A_134 = arith.constant 0 : i32
      %dma_start3A_135 = tpu.memref_slice %arg10[%dma_start3A_132, %dma_start3A_133, %dma_start3A_134] : memref<16x125x32xf32, #tpu.memory_space<vmem>> -> memref<1x125x32xf32, #tpu.memory_space<vmem>>
      %dma_start3A_136 = tpu.memref_squeeze %dma_start3A_135 : memref<1x125x32xf32, #tpu.memory_space<vmem>> -> memref<125x32xf32, #tpu.memory_space<vmem>>
      %dma_start3A_137 = arith.constant 0 : i32
      %dma_start3A_138 = tpu.memref_slice %arg8[%dma_start3A_131, %dma_start3A_137] : memref<16x125xi32, #tpu.memory_space<vmem>> -> memref<1x125xi32, #tpu.memory_space<vmem>>
      %dma_start3A_139 = tpu.memref_squeeze %dma_start3A_138 : memref<1x125xi32, #tpu.memory_space<vmem>> -> memref<125xi32, #tpu.memory_space<vmem>>
      %dma_start3A_140 = arith.constant 0 : i32
      %dma_start3A_141 = arith.constant 0 : i32
      %dma_start3A_142 = tpu.memref_slice %arg2[%dma_start3A_140, %dma_start3A_141] : memref<10000x32xf32, #tpu.memory_space<hbm>> -> memref<10000x32xf32, #tpu.memory_space<hbm>>
      tpu.enqueue_indirect_dma source(%dma_start3A_142 : memref<10000x32xf32, #tpu.memory_space<hbm>>) target(%dma_start3A_136 : memref<125x32xf32, #tpu.memory_space<vmem>>) offsets(%dma_start3A_139 : memref<125xi32, #tpu.memory_space<vmem>>) semaphore(%arg11 : memref<!tpu.dma_semaphore, #tpu.memory_space<semaphore_mem>>)
      %dma_start3A_143 = arith.constant 11 : i32
      %dma_start3A_144 = arith.constant 11 : i32
      %dma_start3A_145 = arith.constant 0 : i32
      %dma_start3A_146 = arith.constant 0 : i32
      %dma_start3A_147 = tpu.memref_slice %arg10[%dma_start3A_144, %dma_start3A_145, %dma_start3A_146] : memref<16x125x32xf32, #tpu.memory_space<vmem>> -> memref<1x125x32xf32, #tpu.memory_space<vmem>>
      %dma_start3A_148 = tpu.memref_squeeze %dma_start3A_147 : memref<1x125x32xf32, #tpu.memory_space<vmem>> -> memref<125x32xf32, #tpu.memory_space<vmem>>
      %dma_start3A_149 = arith.constant 0 : i32
      %dma_start3A_150 = tpu.memref_slice %arg8[%dma_start3A_143, %dma_start3A_149] : memref<16x125xi32, #tpu.memory_space<vmem>> -> memref<1x125xi32, #tpu.memory_space<vmem>>
      %dma_start3A_151 = tpu.memref_squeeze %dma_start3A_150 : memref<1x125xi32, #tpu.memory_space<vmem>> -> memref<125xi32, #tpu.memory_space<vmem>>
      %dma_start3A_152 = arith.constant 0 : i32
      %dma_start3A_153 = arith.constant 0 : i32
      %dma_start3A_154 = tpu.memref_slice %arg2[%dma_start3A_152, %dma_start3A_153] : memref<10000x32xf32, #tpu.memory_space<hbm>> -> memref<10000x32xf32, #tpu.memory_space<hbm>>
      tpu.enqueue_indirect_dma source(%dma_start3A_154 : memref<10000x32xf32, #tpu.memory_space<hbm>>) target(%dma_start3A_148 : memref<125x32xf32, #tpu.memory_space<vmem>>) offsets(%dma_start3A_151 : memref<125xi32, #tpu.memory_space<vmem>>) semaphore(%arg11 : memref<!tpu.dma_semaphore, #tpu.memory_space<semaphore_mem>>)
      %dma_start3A_155 = arith.constant 12 : i32
      %dma_start3A_156 = arith.constant 12 : i32
      %dma_start3A_157 = arith.constant 0 : i32
      %dma_start3A_158 = arith.constant 0 : i32
      %dma_start3A_159 = tpu.memref_slice %arg10[%dma_start3A_156, %dma_start3A_157, %dma_start3A_158] : memref<16x125x32xf32, #tpu.memory_space<vmem>> -> memref<1x125x32xf32, #tpu.memory_space<vmem>>
      %dma_start3A_160 = tpu.memref_squeeze %dma_start3A_159 : memref<1x125x32xf32, #tpu.memory_space<vmem>> -> memref<125x32xf32, #tpu.memory_space<vmem>>
      %dma_start3A_161 = arith.constant 0 : i32
      %dma_start3A_162 = tpu.memref_slice %arg8[%dma_start3A_155, %dma_start3A_161] : memref<16x125xi32, #tpu.memory_space<vmem>> -> memref<1x125xi32, #tpu.memory_space<vmem>>
      %dma_start3A_163 = tpu.memref_squeeze %dma_start3A_162 : memref<1x125xi32, #tpu.memory_space<vmem>> -> memref<125xi32, #tpu.memory_space<vmem>>
      %dma_start3A_164 = arith.constant 0 : i32
      %dma_start3A_165 = arith.constant 0 : i32
      %dma_start3A_166 = tpu.memref_slice %arg2[%dma_start3A_164, %dma_start3A_165] : memref<10000x32xf32, #tpu.memory_space<hbm>> -> memref<10000x32xf32, #tpu.memory_space<hbm>>
      tpu.enqueue_indirect_dma source(%dma_start3A_166 : memref<10000x32xf32, #tpu.memory_space<hbm>>) target(%dma_start3A_160 : memref<125x32xf32, #tpu.memory_space<vmem>>) offsets(%dma_start3A_163 : memref<125xi32, #tpu.memory_space<vmem>>) semaphore(%arg11 : memref<!tpu.dma_semaphore, #tpu.memory_space<semaphore_mem>>)
      %dma_start3A_167 = arith.constant 13 : i32
      %dma_start3A_168 = arith.constant 13 : i32
      %dma_start3A_169 = arith.constant 0 : i32
      %dma_start3A_170 = arith.constant 0 : i32
      %dma_start3A_171 = tpu.memref_slice %arg10[%dma_start3A_168, %dma_start3A_169, %dma_start3A_170] : memref<16x125x32xf32, #tpu.memory_space<vmem>> -> memref<1x125x32xf32, #tpu.memory_space<vmem>>
      %dma_start3A_172 = tpu.memref_squeeze %dma_start3A_171 : memref<1x125x32xf32, #tpu.memory_space<vmem>> -> memref<125x32xf32, #tpu.memory_space<vmem>>
      %dma_start3A_173 = arith.constant 0 : i32
      %dma_start3A_174 = tpu.memref_slice %arg8[%dma_start3A_167, %dma_start3A_173] : memref<16x125xi32, #tpu.memory_space<vmem>> -> memref<1x125xi32, #tpu.memory_space<vmem>>
      %dma_start3A_175 = tpu.memref_squeeze %dma_start3A_174 : memref<1x125xi32, #tpu.memory_space<vmem>> -> memref<125xi32, #tpu.memory_space<vmem>>
      %dma_start3A_176 = arith.constant 0 : i32
      %dma_start3A_177 = arith.constant 0 : i32
      %dma_start3A_178 = tpu.memref_slice %arg2[%dma_start3A_176, %dma_start3A_177] : memref<10000x32xf32, #tpu.memory_space<hbm>> -> memref<10000x32xf32, #tpu.memory_space<hbm>>
      tpu.enqueue_indirect_dma source(%dma_start3A_178 : memref<10000x32xf32, #tpu.memory_space<hbm>>) target(%dma_start3A_172 : memref<125x32xf32, #tpu.memory_space<vmem>>) offsets(%dma_start3A_175 : memref<125xi32, #tpu.memory_space<vmem>>) semaphore(%arg11 : memref<!tpu.dma_semaphore, #tpu.memory_space<semaphore_mem>>)
      %dma_start3A_179 = arith.constant 14 : i32
      %dma_start3A_180 = arith.constant 14 : i32
      %dma_start3A_181 = arith.constant 0 : i32
      %dma_start3A_182 = arith.constant 0 : i32
      %dma_start3A_183 = tpu.memref_slice %arg10[%dma_start3A_180, %dma_start3A_181, %dma_start3A_182] : memref<16x125x32xf32, #tpu.memory_space<vmem>> -> memref<1x125x32xf32, #tpu.memory_space<vmem>>
      %dma_start3A_184 = tpu.memref_squeeze %dma_start3A_183 : memref<1x125x32xf32, #tpu.memory_space<vmem>> -> memref<125x32xf32, #tpu.memory_space<vmem>>
      %dma_start3A_185 = arith.constant 0 : i32
      %dma_start3A_186 = tpu.memref_slice %arg8[%dma_start3A_179, %dma_start3A_185] : memref<16x125xi32, #tpu.memory_space<vmem>> -> memref<1x125xi32, #tpu.memory_space<vmem>>
      %dma_start3A_187 = tpu.memref_squeeze %dma_start3A_186 : memref<1x125xi32, #tpu.memory_space<vmem>> -> memref<125xi32, #tpu.memory_space<vmem>>
      %dma_start3A_188 = arith.constant 0 : i32
      %dma_start3A_189 = arith.constant 0 : i32
      %dma_start3A_190 = tpu.memref_slice %arg2[%dma_start3A_188, %dma_start3A_189] : memref<10000x32xf32, #tpu.memory_space<hbm>> -> memref<10000x32xf32, #tpu.memory_space<hbm>>
      tpu.enqueue_indirect_dma source(%dma_start3A_190 : memref<10000x32xf32, #tpu.memory_space<hbm>>) target(%dma_start3A_184 : memref<125x32xf32, #tpu.memory_space<vmem>>) offsets(%dma_start3A_187 : memref<125xi32, #tpu.memory_space<vmem>>) semaphore(%arg11 : memref<!tpu.dma_semaphore, #tpu.memory_space<semaphore_mem>>)
      %dma_start3A_191 = arith.constant 15 : i32
      %dma_start3A_192 = arith.constant 15 : i32
      %dma_start3A_193 = arith.constant 0 : i32
      %dma_start3A_194 = arith.constant 0 : i32
      %dma_start3A_195 = tpu.memref_slice %arg10[%dma_start3A_192, %dma_start3A_193, %dma_start3A_194] : memref<16x125x32xf32, #tpu.memory_space<vmem>> -> memref<1x125x32xf32, #tpu.memory_space<vmem>>
      %dma_start3A_196 = tpu.memref_squeeze %dma_start3A_195 : memref<1x125x32xf32, #tpu.memory_space<vmem>> -> memref<125x32xf32, #tpu.memory_space<vmem>>
      %dma_start3A_197 = arith.constant 0 : i32
      %dma_start3A_198 = tpu.memref_slice %arg8[%dma_start3A_191, %dma_start3A_197] : memref<16x125xi32, #tpu.memory_space<vmem>> -> memref<1x125xi32, #tpu.memory_space<vmem>>
      %dma_start3A_199 = tpu.memref_squeeze %dma_start3A_198 : memref<1x125xi32, #tpu.memory_space<vmem>> -> memref<125xi32, #tpu.memory_space<vmem>>
      %dma_start3A_200 = arith.constant 0 : i32
      %dma_start3A_201 = arith.constant 0 : i32
      %dma_start3A_202 = tpu.memref_slice %arg2[%dma_start3A_200, %dma_start3A_201] : memref<10000x32xf32, #tpu.memory_space<hbm>> -> memref<10000x32xf32, #tpu.memory_space<hbm>>
      tpu.enqueue_indirect_dma source(%dma_start3A_202 : memref<10000x32xf32, #tpu.memory_space<hbm>>) target(%dma_start3A_196 : memref<125x32xf32, #tpu.memory_space<vmem>>) offsets(%dma_start3A_199 : memref<125xi32, #tpu.memory_space<vmem>>) semaphore(%arg11 : memref<!tpu.dma_semaphore, #tpu.memory_space<semaphore_mem>>)
      %dma_wait3A = arith.constant 0 : i32
      %dma_wait3A_203 = arith.constant 0 : i32
      %dma_wait3A_204 = arith.constant 0 : i32
      %dma_wait3A_205 = arith.constant 0 : i32
      %dma_wait3A_206 = tpu.memref_slice %arg10[%dma_wait3A_203, %dma_wait3A_204, %dma_wait3A_205] : memref<16x125x32xf32, #tpu.memory_space<vmem>> -> memref<1x125x32xf32, #tpu.memory_space<vmem>>
      %dma_wait3A_207 = tpu.memref_squeeze %dma_wait3A_206 : memref<1x125x32xf32, #tpu.memory_space<vmem>> -> memref<125x32xf32, #tpu.memory_space<vmem>>
      %dma_wait3A_208 = arith.constant 0 : i32
      %dma_wait3A_209 = tpu.memref_slice %arg8[%dma_wait3A, %dma_wait3A_208] : memref<16x125xi32, #tpu.memory_space<vmem>> -> memref<1x125xi32, #tpu.memory_space<vmem>>
      %dma_wait3A_210 = tpu.memref_squeeze %dma_wait3A_209 : memref<1x125xi32, #tpu.memory_space<vmem>> -> memref<125xi32, #tpu.memory_space<vmem>>
      %dma_wait3A_211 = arith.constant 0 : i32
      %dma_wait3A_212 = arith.constant 0 : i32
      %dma_wait3A_213 = tpu.memref_slice %arg2[%dma_wait3A_211, %dma_wait3A_212] : memref<10000x32xf32, #tpu.memory_space<hbm>> -> memref<10000x32xf32, #tpu.memory_space<hbm>>
      tpu.wait_indirect_dma semaphore(%arg11 : memref<!tpu.dma_semaphore, #tpu.memory_space<semaphore_mem>>) src(%dma_wait3A_213 : memref<10000x32xf32, #tpu.memory_space<hbm>>) dst(%dma_wait3A_207 : memref<125x32xf32, #tpu.memory_space<vmem>>)
      %dma_wait3A_214 = arith.constant 1 : i32
      %dma_wait3A_215 = arith.constant 1 : i32
      %dma_wait3A_216 = arith.constant 0 : i32
      %dma_wait3A_217 = arith.constant 0 : i32
      %dma_wait3A_218 = tpu.memref_slice %arg10[%dma_wait3A_215, %dma_wait3A_216, %dma_wait3A_217] : memref<16x125x32xf32, #tpu.memory_space<vmem>> -> memref<1x125x32xf32, #tpu.memory_space<vmem>>
      %dma_wait3A_219 = tpu.memref_squeeze %dma_wait3A_218 : memref<1x125x32xf32, #tpu.memory_space<vmem>> -> memref<125x32xf32, #tpu.memory_space<vmem>>
      %dma_wait3A_220 = arith.constant 0 : i32
      %dma_wait3A_221 = tpu.memref_slice %arg8[%dma_wait3A_214, %dma_wait3A_220] : memref<16x125xi32, #tpu.memory_space<vmem>> -> memref<1x125xi32, #tpu.memory_space<vmem>>
      %dma_wait3A_222 = tpu.memref_squeeze %dma_wait3A_221 : memref<1x125xi32, #tpu.memory_space<vmem>> -> memref<125xi32, #tpu.memory_space<vmem>>
      %dma_wait3A_223 = arith.constant 0 : i32
      %dma_wait3A_224 = arith.constant 0 : i32
      %dma_wait3A_225 = tpu.memref_slice %arg2[%dma_wait3A_223, %dma_wait3A_224] : memref<10000x32xf32, #tpu.memory_space<hbm>> -> memref<10000x32xf32, #tpu.memory_space<hbm>>
      tpu.wait_indirect_dma semaphore(%arg11 : memref<!tpu.dma_semaphore, #tpu.memory_space<semaphore_mem>>) src(%dma_wait3A_225 : memref<10000x32xf32, #tpu.memory_space<hbm>>) dst(%dma_wait3A_219 : memref<125x32xf32, #tpu.memory_space<vmem>>)
      %dma_wait3A_226 = arith.constant 2 : i32
      %dma_wait3A_227 = arith.constant 2 : i32
      %dma_wait3A_228 = arith.constant 0 : i32
      %dma_wait3A_229 = arith.constant 0 : i32
      %dma_wait3A_230 = tpu.memref_slice %arg10[%dma_wait3A_227, %dma_wait3A_228, %dma_wait3A_229] : memref<16x125x32xf32, #tpu.memory_space<vmem>> -> memref<1x125x32xf32, #tpu.memory_space<vmem>>
      %dma_wait3A_231 = tpu.memref_squeeze %dma_wait3A_230 : memref<1x125x32xf32, #tpu.memory_space<vmem>> -> memref<125x32xf32, #tpu.memory_space<vmem>>
      %dma_wait3A_232 = arith.constant 0 : i32
      %dma_wait3A_233 = tpu.memref_slice %arg8[%dma_wait3A_226, %dma_wait3A_232] : memref<16x125xi32, #tpu.memory_space<vmem>> -> memref<1x125xi32, #tpu.memory_space<vmem>>
      %dma_wait3A_234 = tpu.memref_squeeze %dma_wait3A_233 : memref<1x125xi32, #tpu.memory_space<vmem>> -> memref<125xi32, #tpu.memory_space<vmem>>
      %dma_wait3A_235 = arith.constant 0 : i32
      %dma_wait3A_236 = arith.constant 0 : i32
      %dma_wait3A_237 = tpu.memref_slice %arg2[%dma_wait3A_235, %dma_wait3A_236] : memref<10000x32xf32, #tpu.memory_space<hbm>> -> memref<10000x32xf32, #tpu.memory_space<hbm>>
      tpu.wait_indirect_dma semaphore(%arg11 : memref<!tpu.dma_semaphore, #tpu.memory_space<semaphore_mem>>) src(%dma_wait3A_237 : memref<10000x32xf32, #tpu.memory_space<hbm>>) dst(%dma_wait3A_231 : memref<125x32xf32, #tpu.memory_space<vmem>>)
      %dma_wait3A_238 = arith.constant 3 : i32
      %dma_wait3A_239 = arith.constant 3 : i32
      %dma_wait3A_240 = arith.constant 0 : i32
      %dma_wait3A_241 = arith.constant 0 : i32
      %dma_wait3A_242 = tpu.memref_slice %arg10[%dma_wait3A_239, %dma_wait3A_240, %dma_wait3A_241] : memref<16x125x32xf32, #tpu.memory_space<vmem>> -> memref<1x125x32xf32, #tpu.memory_space<vmem>>
      %dma_wait3A_243 = tpu.memref_squeeze %dma_wait3A_242 : memref<1x125x32xf32, #tpu.memory_space<vmem>> -> memref<125x32xf32, #tpu.memory_space<vmem>>
      %dma_wait3A_244 = arith.constant 0 : i32
      %dma_wait3A_245 = tpu.memref_slice %arg8[%dma_wait3A_238, %dma_wait3A_244] : memref<16x125xi32, #tpu.memory_space<vmem>> -> memref<1x125xi32, #tpu.memory_space<vmem>>
      %dma_wait3A_246 = tpu.memref_squeeze %dma_wait3A_245 : memref<1x125xi32, #tpu.memory_space<vmem>> -> memref<125xi32, #tpu.memory_space<vmem>>
      %dma_wait3A_247 = arith.constant 0 : i32
      %dma_wait3A_248 = arith.constant 0 : i32
      %dma_wait3A_249 = tpu.memref_slice %arg2[%dma_wait3A_247, %dma_wait3A_248] : memref<10000x32xf32, #tpu.memory_space<hbm>> -> memref<10000x32xf32, #tpu.memory_space<hbm>>
      tpu.wait_indirect_dma semaphore(%arg11 : memref<!tpu.dma_semaphore, #tpu.memory_space<semaphore_mem>>) src(%dma_wait3A_249 : memref<10000x32xf32, #tpu.memory_space<hbm>>) dst(%dma_wait3A_243 : memref<125x32xf32, #tpu.memory_space<vmem>>)
      %dma_wait3A_250 = arith.constant 4 : i32
      %dma_wait3A_251 = arith.constant 4 : i32
      %dma_wait3A_252 = arith.constant 0 : i32
      %dma_wait3A_253 = arith.constant 0 : i32
      %dma_wait3A_254 = tpu.memref_slice %arg10[%dma_wait3A_251, %dma_wait3A_252, %dma_wait3A_253] : memref<16x125x32xf32, #tpu.memory_space<vmem>> -> memref<1x125x32xf32, #tpu.memory_space<vmem>>
      %dma_wait3A_255 = tpu.memref_squeeze %dma_wait3A_254 : memref<1x125x32xf32, #tpu.memory_space<vmem>> -> memref<125x32xf32, #tpu.memory_space<vmem>>
      %dma_wait3A_256 = arith.constant 0 : i32
      %dma_wait3A_257 = tpu.memref_slice %arg8[%dma_wait3A_250, %dma_wait3A_256] : memref<16x125xi32, #tpu.memory_space<vmem>> -> memref<1x125xi32, #tpu.memory_space<vmem>>
      %dma_wait3A_258 = tpu.memref_squeeze %dma_wait3A_257 : memref<1x125xi32, #tpu.memory_space<vmem>> -> memref<125xi32, #tpu.memory_space<vmem>>
      %dma_wait3A_259 = arith.constant 0 : i32
      %dma_wait3A_260 = arith.constant 0 : i32
      %dma_wait3A_261 = tpu.memref_slice %arg2[%dma_wait3A_259, %dma_wait3A_260] : memref<10000x32xf32, #tpu.memory_space<hbm>> -> memref<10000x32xf32, #tpu.memory_space<hbm>>
      tpu.wait_indirect_dma semaphore(%arg11 : memref<!tpu.dma_semaphore, #tpu.memory_space<semaphore_mem>>) src(%dma_wait3A_261 : memref<10000x32xf32, #tpu.memory_space<hbm>>) dst(%dma_wait3A_255 : memref<125x32xf32, #tpu.memory_space<vmem>>)
      %dma_wait3A_262 = arith.constant 5 : i32
      %dma_wait3A_263 = arith.constant 5 : i32
      %dma_wait3A_264 = arith.constant 0 : i32
      %dma_wait3A_265 = arith.constant 0 : i32
      %dma_wait3A_266 = tpu.memref_slice %arg10[%dma_wait3A_263, %dma_wait3A_264, %dma_wait3A_265] : memref<16x125x32xf32, #tpu.memory_space<vmem>> -> memref<1x125x32xf32, #tpu.memory_space<vmem>>
      %dma_wait3A_267 = tpu.memref_squeeze %dma_wait3A_266 : memref<1x125x32xf32, #tpu.memory_space<vmem>> -> memref<125x32xf32, #tpu.memory_space<vmem>>
      %dma_wait3A_268 = arith.constant 0 : i32
      %dma_wait3A_269 = tpu.memref_slice %arg8[%dma_wait3A_262, %dma_wait3A_268] : memref<16x125xi32, #tpu.memory_space<vmem>> -> memref<1x125xi32, #tpu.memory_space<vmem>>
      %dma_wait3A_270 = tpu.memref_squeeze %dma_wait3A_269 : memref<1x125xi32, #tpu.memory_space<vmem>> -> memref<125xi32, #tpu.memory_space<vmem>>
      %dma_wait3A_271 = arith.constant 0 : i32
      %dma_wait3A_272 = arith.constant 0 : i32
      %dma_wait3A_273 = tpu.memref_slice %arg2[%dma_wait3A_271, %dma_wait3A_272] : memref<10000x32xf32, #tpu.memory_space<hbm>> -> memref<10000x32xf32, #tpu.memory_space<hbm>>
      tpu.wait_indirect_dma semaphore(%arg11 : memref<!tpu.dma_semaphore, #tpu.memory_space<semaphore_mem>>) src(%dma_wait3A_273 : memref<10000x32xf32, #tpu.memory_space<hbm>>) dst(%dma_wait3A_267 : memref<125x32xf32, #tpu.memory_space<vmem>>)
      %dma_wait3A_274 = arith.constant 6 : i32
      %dma_wait3A_275 = arith.constant 6 : i32
      %dma_wait3A_276 = arith.constant 0 : i32
      %dma_wait3A_277 = arith.constant 0 : i32
      %dma_wait3A_278 = tpu.memref_slice %arg10[%dma_wait3A_275, %dma_wait3A_276, %dma_wait3A_277] : memref<16x125x32xf32, #tpu.memory_space<vmem>> -> memref<1x125x32xf32, #tpu.memory_space<vmem>>
      %dma_wait3A_279 = tpu.memref_squeeze %dma_wait3A_278 : memref<1x125x32xf32, #tpu.memory_space<vmem>> -> memref<125x32xf32, #tpu.memory_space<vmem>>
      %dma_wait3A_280 = arith.constant 0 : i32
      %dma_wait3A_281 = tpu.memref_slice %arg8[%dma_wait3A_274, %dma_wait3A_280] : memref<16x125xi32, #tpu.memory_space<vmem>> -> memref<1x125xi32, #tpu.memory_space<vmem>>
      %dma_wait3A_282 = tpu.memref_squeeze %dma_wait3A_281 : memref<1x125xi32, #tpu.memory_space<vmem>> -> memref<125xi32, #tpu.memory_space<vmem>>
      %dma_wait3A_283 = arith.constant 0 : i32
      %dma_wait3A_284 = arith.constant 0 : i32
      %dma_wait3A_285 = tpu.memref_slice %arg2[%dma_wait3A_283, %dma_wait3A_284] : memref<10000x32xf32, #tpu.memory_space<hbm>> -> memref<10000x32xf32, #tpu.memory_space<hbm>>
      tpu.wait_indirect_dma semaphore(%arg11 : memref<!tpu.dma_semaphore, #tpu.memory_space<semaphore_mem>>) src(%dma_wait3A_285 : memref<10000x32xf32, #tpu.memory_space<hbm>>) dst(%dma_wait3A_279 : memref<125x32xf32, #tpu.memory_space<vmem>>)
      %dma_wait3A_286 = arith.constant 7 : i32
      %dma_wait3A_287 = arith.constant 7 : i32
      %dma_wait3A_288 = arith.constant 0 : i32
      %dma_wait3A_289 = arith.constant 0 : i32
      %dma_wait3A_290 = tpu.memref_slice %arg10[%dma_wait3A_287, %dma_wait3A_288, %dma_wait3A_289] : memref<16x125x32xf32, #tpu.memory_space<vmem>> -> memref<1x125x32xf32, #tpu.memory_space<vmem>>
      %dma_wait3A_291 = tpu.memref_squeeze %dma_wait3A_290 : memref<1x125x32xf32, #tpu.memory_space<vmem>> -> memref<125x32xf32, #tpu.memory_space<vmem>>
      %dma_wait3A_292 = arith.constant 0 : i32
      %dma_wait3A_293 = tpu.memref_slice %arg8[%dma_wait3A_286, %dma_wait3A_292] : memref<16x125xi32, #tpu.memory_space<vmem>> -> memref<1x125xi32, #tpu.memory_space<vmem>>
      %dma_wait3A_294 = tpu.memref_squeeze %dma_wait3A_293 : memref<1x125xi32, #tpu.memory_space<vmem>> -> memref<125xi32, #tpu.memory_space<vmem>>
      %dma_wait3A_295 = arith.constant 0 : i32
      %dma_wait3A_296 = arith.constant 0 : i32
      %dma_wait3A_297 = tpu.memref_slice %arg2[%dma_wait3A_295, %dma_wait3A_296] : memref<10000x32xf32, #tpu.memory_space<hbm>> -> memref<10000x32xf32, #tpu.memory_space<hbm>>
      tpu.wait_indirect_dma semaphore(%arg11 : memref<!tpu.dma_semaphore, #tpu.memory_space<semaphore_mem>>) src(%dma_wait3A_297 : memref<10000x32xf32, #tpu.memory_space<hbm>>) dst(%dma_wait3A_291 : memref<125x32xf32, #tpu.memory_space<vmem>>)
      %dma_wait3A_298 = arith.constant 8 : i32
      %dma_wait3A_299 = arith.constant 8 : i32
      %dma_wait3A_300 = arith.constant 0 : i32
      %dma_wait3A_301 = arith.constant 0 : i32
      %dma_wait3A_302 = tpu.memref_slice %arg10[%dma_wait3A_299, %dma_wait3A_300, %dma_wait3A_301] : memref<16x125x32xf32, #tpu.memory_space<vmem>> -> memref<1x125x32xf32, #tpu.memory_space<vmem>>
      %dma_wait3A_303 = tpu.memref_squeeze %dma_wait3A_302 : memref<1x125x32xf32, #tpu.memory_space<vmem>> -> memref<125x32xf32, #tpu.memory_space<vmem>>
      %dma_wait3A_304 = arith.constant 0 : i32
      %dma_wait3A_305 = tpu.memref_slice %arg8[%dma_wait3A_298, %dma_wait3A_304] : memref<16x125xi32, #tpu.memory_space<vmem>> -> memref<1x125xi32, #tpu.memory_space<vmem>>
      %dma_wait3A_306 = tpu.memref_squeeze %dma_wait3A_305 : memref<1x125xi32, #tpu.memory_space<vmem>> -> memref<125xi32, #tpu.memory_space<vmem>>
      %dma_wait3A_307 = arith.constant 0 : i32
      %dma_wait3A_308 = arith.constant 0 : i32
      %dma_wait3A_309 = tpu.memref_slice %arg2[%dma_wait3A_307, %dma_wait3A_308] : memref<10000x32xf32, #tpu.memory_space<hbm>> -> memref<10000x32xf32, #tpu.memory_space<hbm>>
      tpu.wait_indirect_dma semaphore(%arg11 : memref<!tpu.dma_semaphore, #tpu.memory_space<semaphore_mem>>) src(%dma_wait3A_309 : memref<10000x32xf32, #tpu.memory_space<hbm>>) dst(%dma_wait3A_303 : memref<125x32xf32, #tpu.memory_space<vmem>>)
      %dma_wait3A_310 = arith.constant 9 : i32
      %dma_wait3A_311 = arith.constant 9 : i32
      %dma_wait3A_312 = arith.constant 0 : i32
      %dma_wait3A_313 = arith.constant 0 : i32
      %dma_wait3A_314 = tpu.memref_slice %arg10[%dma_wait3A_311, %dma_wait3A_312, %dma_wait3A_313] : memref<16x125x32xf32, #tpu.memory_space<vmem>> -> memref<1x125x32xf32, #tpu.memory_space<vmem>>
      %dma_wait3A_315 = tpu.memref_squeeze %dma_wait3A_314 : memref<1x125x32xf32, #tpu.memory_space<vmem>> -> memref<125x32xf32, #tpu.memory_space<vmem>>
      %dma_wait3A_316 = arith.constant 0 : i32
      %dma_wait3A_317 = tpu.memref_slice %arg8[%dma_wait3A_310, %dma_wait3A_316] : memref<16x125xi32, #tpu.memory_space<vmem>> -> memref<1x125xi32, #tpu.memory_space<vmem>>
      %dma_wait3A_318 = tpu.memref_squeeze %dma_wait3A_317 : memref<1x125xi32, #tpu.memory_space<vmem>> -> memref<125xi32, #tpu.memory_space<vmem>>
      %dma_wait3A_319 = arith.constant 0 : i32
      %dma_wait3A_320 = arith.constant 0 : i32
      %dma_wait3A_321 = tpu.memref_slice %arg2[%dma_wait3A_319, %dma_wait3A_320] : memref<10000x32xf32, #tpu.memory_space<hbm>> -> memref<10000x32xf32, #tpu.memory_space<hbm>>
      tpu.wait_indirect_dma semaphore(%arg11 : memref<!tpu.dma_semaphore, #tpu.memory_space<semaphore_mem>>) src(%dma_wait3A_321 : memref<10000x32xf32, #tpu.memory_space<hbm>>) dst(%dma_wait3A_315 : memref<125x32xf32, #tpu.memory_space<vmem>>)
      %dma_wait3A_322 = arith.constant 10 : i32
      %dma_wait3A_323 = arith.constant 10 : i32
      %dma_wait3A_324 = arith.constant 0 : i32
      %dma_wait3A_325 = arith.constant 0 : i32
      %dma_wait3A_326 = tpu.memref_slice %arg10[%dma_wait3A_323, %dma_wait3A_324, %dma_wait3A_325] : memref<16x125x32xf32, #tpu.memory_space<vmem>> -> memref<1x125x32xf32, #tpu.memory_space<vmem>>
      %dma_wait3A_327 = tpu.memref_squeeze %dma_wait3A_326 : memref<1x125x32xf32, #tpu.memory_space<vmem>> -> memref<125x32xf32, #tpu.memory_space<vmem>>
      %dma_wait3A_328 = arith.constant 0 : i32
      %dma_wait3A_329 = tpu.memref_slice %arg8[%dma_wait3A_322, %dma_wait3A_328] : memref<16x125xi32, #tpu.memory_space<vmem>> -> memref<1x125xi32, #tpu.memory_space<vmem>>
      %dma_wait3A_330 = tpu.memref_squeeze %dma_wait3A_329 : memref<1x125xi32, #tpu.memory_space<vmem>> -> memref<125xi32, #tpu.memory_space<vmem>>
      %dma_wait3A_331 = arith.constant 0 : i32
      %dma_wait3A_332 = arith.constant 0 : i32
      %dma_wait3A_333 = tpu.memref_slice %arg2[%dma_wait3A_331, %dma_wait3A_332] : memref<10000x32xf32, #tpu.memory_space<hbm>> -> memref<10000x32xf32, #tpu.memory_space<hbm>>
      tpu.wait_indirect_dma semaphore(%arg11 : memref<!tpu.dma_semaphore, #tpu.memory_space<semaphore_mem>>) src(%dma_wait3A_333 : memref<10000x32xf32, #tpu.memory_space<hbm>>) dst(%dma_wait3A_327 : memref<125x32xf32, #tpu.memory_space<vmem>>)
      %dma_wait3A_334 = arith.constant 11 : i32
      %dma_wait3A_335 = arith.constant 11 : i32
      %dma_wait3A_336 = arith.constant 0 : i32
      %dma_wait3A_337 = arith.constant 0 : i32
      %dma_wait3A_338 = tpu.memref_slice %arg10[%dma_wait3A_335, %dma_wait3A_336, %dma_wait3A_337] : memref<16x125x32xf32, #tpu.memory_space<vmem>> -> memref<1x125x32xf32, #tpu.memory_space<vmem>>
      %dma_wait3A_339 = tpu.memref_squeeze %dma_wait3A_338 : memref<1x125x32xf32, #tpu.memory_space<vmem>> -> memref<125x32xf32, #tpu.memory_space<vmem>>
      %dma_wait3A_340 = arith.constant 0 : i32
      %dma_wait3A_341 = tpu.memref_slice %arg8[%dma_wait3A_334, %dma_wait3A_340] : memref<16x125xi32, #tpu.memory_space<vmem>> -> memref<1x125xi32, #tpu.memory_space<vmem>>
      %dma_wait3A_342 = tpu.memref_squeeze %dma_wait3A_341 : memref<1x125xi32, #tpu.memory_space<vmem>> -> memref<125xi32, #tpu.memory_space<vmem>>
      %dma_wait3A_343 = arith.constant 0 : i32
      %dma_wait3A_344 = arith.constant 0 : i32
      %dma_wait3A_345 = tpu.memref_slice %arg2[%dma_wait3A_343, %dma_wait3A_344] : memref<10000x32xf32, #tpu.memory_space<hbm>> -> memref<10000x32xf32, #tpu.memory_space<hbm>>
      tpu.wait_indirect_dma semaphore(%arg11 : memref<!tpu.dma_semaphore, #tpu.memory_space<semaphore_mem>>) src(%dma_wait3A_345 : memref<10000x32xf32, #tpu.memory_space<hbm>>) dst(%dma_wait3A_339 : memref<125x32xf32, #tpu.memory_space<vmem>>)
      %dma_wait3A_346 = arith.constant 12 : i32
      %dma_wait3A_347 = arith.constant 12 : i32
      %dma_wait3A_348 = arith.constant 0 : i32
      %dma_wait3A_349 = arith.constant 0 : i32
      %dma_wait3A_350 = tpu.memref_slice %arg10[%dma_wait3A_347, %dma_wait3A_348, %dma_wait3A_349] : memref<16x125x32xf32, #tpu.memory_space<vmem>> -> memref<1x125x32xf32, #tpu.memory_space<vmem>>
      %dma_wait3A_351 = tpu.memref_squeeze %dma_wait3A_350 : memref<1x125x32xf32, #tpu.memory_space<vmem>> -> memref<125x32xf32, #tpu.memory_space<vmem>>
      %dma_wait3A_352 = arith.constant 0 : i32
      %dma_wait3A_353 = tpu.memref_slice %arg8[%dma_wait3A_346, %dma_wait3A_352] : memref<16x125xi32, #tpu.memory_space<vmem>> -> memref<1x125xi32, #tpu.memory_space<vmem>>
      %dma_wait3A_354 = tpu.memref_squeeze %dma_wait3A_353 : memref<1x125xi32, #tpu.memory_space<vmem>> -> memref<125xi32, #tpu.memory_space<vmem>>
      %dma_wait3A_355 = arith.constant 0 : i32
      %dma_wait3A_356 = arith.constant 0 : i32
      %dma_wait3A_357 = tpu.memref_slice %arg2[%dma_wait3A_355, %dma_wait3A_356] : memref<10000x32xf32, #tpu.memory_space<hbm>> -> memref<10000x32xf32, #tpu.memory_space<hbm>>
      tpu.wait_indirect_dma semaphore(%arg11 : memref<!tpu.dma_semaphore, #tpu.memory_space<semaphore_mem>>) src(%dma_wait3A_357 : memref<10000x32xf32, #tpu.memory_space<hbm>>) dst(%dma_wait3A_351 : memref<125x32xf32, #tpu.memory_space<vmem>>)
      %dma_wait3A_358 = arith.constant 13 : i32
      %dma_wait3A_359 = arith.constant 13 : i32
      %dma_wait3A_360 = arith.constant 0 : i32
      %dma_wait3A_361 = arith.constant 0 : i32
      %dma_wait3A_362 = tpu.memref_slice %arg10[%dma_wait3A_359, %dma_wait3A_360, %dma_wait3A_361] : memref<16x125x32xf32, #tpu.memory_space<vmem>> -> memref<1x125x32xf32, #tpu.memory_space<vmem>>
      %dma_wait3A_363 = tpu.memref_squeeze %dma_wait3A_362 : memref<1x125x32xf32, #tpu.memory_space<vmem>> -> memref<125x32xf32, #tpu.memory_space<vmem>>
      %dma_wait3A_364 = arith.constant 0 : i32
      %dma_wait3A_365 = tpu.memref_slice %arg8[%dma_wait3A_358, %dma_wait3A_364] : memref<16x125xi32, #tpu.memory_space<vmem>> -> memref<1x125xi32, #tpu.memory_space<vmem>>
      %dma_wait3A_366 = tpu.memref_squeeze %dma_wait3A_365 : memref<1x125xi32, #tpu.memory_space<vmem>> -> memref<125xi32, #tpu.memory_space<vmem>>
      %dma_wait3A_367 = arith.constant 0 : i32
      %dma_wait3A_368 = arith.constant 0 : i32
      %dma_wait3A_369 = tpu.memref_slice %arg2[%dma_wait3A_367, %dma_wait3A_368] : memref<10000x32xf32, #tpu.memory_space<hbm>> -> memref<10000x32xf32, #tpu.memory_space<hbm>>
      tpu.wait_indirect_dma semaphore(%arg11 : memref<!tpu.dma_semaphore, #tpu.memory_space<semaphore_mem>>) src(%dma_wait3A_369 : memref<10000x32xf32, #tpu.memory_space<hbm>>) dst(%dma_wait3A_363 : memref<125x32xf32, #tpu.memory_space<vmem>>)
      %dma_wait3A_370 = arith.constant 14 : i32
      %dma_wait3A_371 = arith.constant 14 : i32
      %dma_wait3A_372 = arith.constant 0 : i32
      %dma_wait3A_373 = arith.constant 0 : i32
      %dma_wait3A_374 = tpu.memref_slice %arg10[%dma_wait3A_371, %dma_wait3A_372, %dma_wait3A_373] : memref<16x125x32xf32, #tpu.memory_space<vmem>> -> memref<1x125x32xf32, #tpu.memory_space<vmem>>
      %dma_wait3A_375 = tpu.memref_squeeze %dma_wait3A_374 : memref<1x125x32xf32, #tpu.memory_space<vmem>> -> memref<125x32xf32, #tpu.memory_space<vmem>>
      %dma_wait3A_376 = arith.constant 0 : i32
      %dma_wait3A_377 = tpu.memref_slice %arg8[%dma_wait3A_370, %dma_wait3A_376] : memref<16x125xi32, #tpu.memory_space<vmem>> -> memref<1x125xi32, #tpu.memory_space<vmem>>
      %dma_wait3A_378 = tpu.memref_squeeze %dma_wait3A_377 : memref<1x125xi32, #tpu.memory_space<vmem>> -> memref<125xi32, #tpu.memory_space<vmem>>
      %dma_wait3A_379 = arith.constant 0 : i32
      %dma_wait3A_380 = arith.constant 0 : i32
      %dma_wait3A_381 = tpu.memref_slice %arg2[%dma_wait3A_379, %dma_wait3A_380] : memref<10000x32xf32, #tpu.memory_space<hbm>> -> memref<10000x32xf32, #tpu.memory_space<hbm>>
      tpu.wait_indirect_dma semaphore(%arg11 : memref<!tpu.dma_semaphore, #tpu.memory_space<semaphore_mem>>) src(%dma_wait3A_381 : memref<10000x32xf32, #tpu.memory_space<hbm>>) dst(%dma_wait3A_375 : memref<125x32xf32, #tpu.memory_space<vmem>>)
      %dma_wait3A_382 = arith.constant 15 : i32
      %dma_wait3A_383 = arith.constant 15 : i32
      %dma_wait3A_384 = arith.constant 0 : i32
      %dma_wait3A_385 = arith.constant 0 : i32
      %dma_wait3A_386 = tpu.memref_slice %arg10[%dma_wait3A_383, %dma_wait3A_384, %dma_wait3A_385] : memref<16x125x32xf32, #tpu.memory_space<vmem>> -> memref<1x125x32xf32, #tpu.memory_space<vmem>>
      %dma_wait3A_387 = tpu.memref_squeeze %dma_wait3A_386 : memref<1x125x32xf32, #tpu.memory_space<vmem>> -> memref<125x32xf32, #tpu.memory_space<vmem>>
      %dma_wait3A_388 = arith.constant 0 : i32
      %dma_wait3A_389 = tpu.memref_slice %arg8[%dma_wait3A_382, %dma_wait3A_388] : memref<16x125xi32, #tpu.memory_space<vmem>> -> memref<1x125xi32, #tpu.memory_space<vmem>>
      %dma_wait3A_390 = tpu.memref_squeeze %dma_wait3A_389 : memref<1x125xi32, #tpu.memory_space<vmem>> -> memref<125xi32, #tpu.memory_space<vmem>>
      %dma_wait3A_391 = arith.constant 0 : i32
      %dma_wait3A_392 = arith.constant 0 : i32
      %dma_wait3A_393 = tpu.memref_slice %arg2[%dma_wait3A_391, %dma_wait3A_392] : memref<10000x32xf32, #tpu.memory_space<hbm>> -> memref<10000x32xf32, #tpu.memory_space<hbm>>
      tpu.wait_indirect_dma semaphore(%arg11 : memref<!tpu.dma_semaphore, #tpu.memory_space<semaphore_mem>>) src(%dma_wait3A_393 : memref<10000x32xf32, #tpu.memory_space<hbm>>) dst(%dma_wait3A_387 : memref<125x32xf32, #tpu.memory_space<vmem>>)
      "tpu.region"() ({
        %run_scoped3A = tpu.sem_alloc : memref<!tpu.dma_semaphore, #tpu.memory_space<semaphore_mem>>
        %dma_start3A_778 = arith.constant 0 : i32
        %dma_start3A_779 = arith.constant 0 : i32
        %dma_start3A_780 = tpu.memref_slice %arg6[%add3A_11, %dma_start3A_778, %dma_start3A_779] : memref<2560x125x32xf32, #tpu.memory_space<hbm>> -> memref<16x125x32xf32, #tpu.memory_space<hbm>>
        %dma_start3A_781 = arith.constant 0 : i32
        %dma_start3A_782 = arith.constant 0 : i32
        %dma_start3A_783 = tpu.memref_slice %arg6[%add3A_11, %dma_start3A_781, %dma_start3A_782] : memref<2560x125x32xf32, #tpu.memory_space<hbm>> -> memref<16x125x32xf32, #tpu.memory_space<hbm>>
        tpu.enqueue_dma source(%arg10 : memref<16x125x32xf32, #tpu.memory_space<vmem>>) target(%dma_start3A_783 : memref<16x125x32xf32, #tpu.memory_space<hbm>>) target_semaphore(%run_scoped3A : memref<!tpu.dma_semaphore, #tpu.memory_space<semaphore_mem>>)
        %dma_wait3A_784 = arith.constant 0 : i32
        %dma_wait3A_785 = arith.constant 0 : i32
        %dma_wait3A_786 = tpu.memref_slice %arg6[%add3A_11, %dma_wait3A_784, %dma_wait3A_785] : memref<2560x125x32xf32, #tpu.memory_space<hbm>> -> memref<16x125x32xf32, #tpu.memory_space<hbm>>
        %dma_wait3A_787 = arith.constant 0 : i32
        %dma_wait3A_788 = arith.constant 0 : i32
        %dma_wait3A_789 = tpu.memref_slice %arg6[%add3A_11, %dma_wait3A_787, %dma_wait3A_788] : memref<2560x125x32xf32, #tpu.memory_space<hbm>> -> memref<16x125x32xf32, #tpu.memory_space<hbm>>
        tpu.wait_dma2 semaphore(%run_scoped3A : memref<!tpu.dma_semaphore, #tpu.memory_space<semaphore_mem>>) src(%arg10 : memref<16x125x32xf32, #tpu.memory_space<vmem>>) dst(%dma_wait3A_789 : memref<16x125x32xf32, #tpu.memory_space<hbm>>)
        tpu.yield
      }) : () -> ()
      "tpu.region"() ({
        %run_scoped3A = tpu.sem_alloc : memref<!tpu.dma_semaphore, #tpu.memory_space<semaphore_mem>>
        %dma_start3A_778 = arith.constant 0 : i32
        %dma_start3A_779 = tpu.memref_slice %arg5[%add3A_11, %dma_start3A_778] : memref<2560x125xi32, #tpu.memory_space<hbm>> -> memref<16x125xi32, #tpu.memory_space<hbm>>
        %dma_start3A_780 = arith.constant 0 : i32
        %dma_start3A_781 = tpu.memref_slice %arg5[%add3A_11, %dma_start3A_780] : memref<2560x125xi32, #tpu.memory_space<hbm>> -> memref<16x125xi32, #tpu.memory_space<hbm>>
        tpu.enqueue_dma source(%dma_start3A_781 : memref<16x125xi32, #tpu.memory_space<hbm>>) target(%arg9 : memref<16x125xi32, #tpu.memory_space<vmem>>) target_semaphore(%run_scoped3A : memref<!tpu.dma_semaphore, #tpu.memory_space<semaphore_mem>>)
        %dma_wait3A_782 = arith.constant 0 : i32
        %dma_wait3A_783 = tpu.memref_slice %arg5[%add3A_11, %dma_wait3A_782] : memref<2560x125xi32, #tpu.memory_space<hbm>> -> memref<16x125xi32, #tpu.memory_space<hbm>>
        %dma_wait3A_784 = arith.constant 0 : i32
        %dma_wait3A_785 = tpu.memref_slice %arg5[%add3A_11, %dma_wait3A_784] : memref<2560x125xi32, #tpu.memory_space<hbm>> -> memref<16x125xi32, #tpu.memory_space<hbm>>
        tpu.wait_dma2 semaphore(%run_scoped3A : memref<!tpu.dma_semaphore, #tpu.memory_space<semaphore_mem>>) src(%dma_wait3A_785 : memref<16x125xi32, #tpu.memory_space<hbm>>) dst(%arg9 : memref<16x125xi32, #tpu.memory_space<vmem>>)
        tpu.yield
      }) : () -> ()
      %dma_start3A_394 = arith.constant 0 : i32
      %dma_start3A_395 = arith.constant 0 : i32
      %dma_start3A_396 = arith.constant 0 : i32
      %dma_start3A_397 = arith.constant 0 : i32
      %dma_start3A_398 = tpu.memref_slice %arg10[%dma_start3A_395, %dma_start3A_396, %dma_start3A_397] : memref<16x125x32xf32, #tpu.memory_space<vmem>> -> memref<1x125x32xf32, #tpu.memory_space<vmem>>
      %dma_start3A_399 = tpu.memref_squeeze %dma_start3A_398 : memref<1x125x32xf32, #tpu.memory_space<vmem>> -> memref<125x32xf32, #tpu.memory_space<vmem>>
      %dma_start3A_400 = arith.constant 0 : i32
      %dma_start3A_401 = tpu.memref_slice %arg9[%dma_start3A_394, %dma_start3A_400] : memref<16x125xi32, #tpu.memory_space<vmem>> -> memref<1x125xi32, #tpu.memory_space<vmem>>
      %dma_start3A_402 = tpu.memref_squeeze %dma_start3A_401 : memref<1x125xi32, #tpu.memory_space<vmem>> -> memref<125xi32, #tpu.memory_space<vmem>>
      %dma_start3A_403 = arith.constant 0 : i32
      %dma_start3A_404 = arith.constant 0 : i32
      %dma_start3A_405 = tpu.memref_slice %arg3[%dma_start3A_403, %dma_start3A_404] : memref<10000x32xf32, #tpu.memory_space<hbm>> -> memref<10000x32xf32, #tpu.memory_space<hbm>>
      tpu.enqueue_indirect_dma source(%dma_start3A_405 : memref<10000x32xf32, #tpu.memory_space<hbm>>) target(%dma_start3A_399 : memref<125x32xf32, #tpu.memory_space<vmem>>) offsets(%dma_start3A_402 : memref<125xi32, #tpu.memory_space<vmem>>) semaphore(%arg11 : memref<!tpu.dma_semaphore, #tpu.memory_space<semaphore_mem>>)
      %dma_start3A_406 = arith.constant 1 : i32
      %dma_start3A_407 = arith.constant 1 : i32
      %dma_start3A_408 = arith.constant 0 : i32
      %dma_start3A_409 = arith.constant 0 : i32
      %dma_start3A_410 = tpu.memref_slice %arg10[%dma_start3A_407, %dma_start3A_408, %dma_start3A_409] : memref<16x125x32xf32, #tpu.memory_space<vmem>> -> memref<1x125x32xf32, #tpu.memory_space<vmem>>
      %dma_start3A_411 = tpu.memref_squeeze %dma_start3A_410 : memref<1x125x32xf32, #tpu.memory_space<vmem>> -> memref<125x32xf32, #tpu.memory_space<vmem>>
      %dma_start3A_412 = arith.constant 0 : i32
      %dma_start3A_413 = tpu.memref_slice %arg9[%dma_start3A_406, %dma_start3A_412] : memref<16x125xi32, #tpu.memory_space<vmem>> -> memref<1x125xi32, #tpu.memory_space<vmem>>
      %dma_start3A_414 = tpu.memref_squeeze %dma_start3A_413 : memref<1x125xi32, #tpu.memory_space<vmem>> -> memref<125xi32, #tpu.memory_space<vmem>>
      %dma_start3A_415 = arith.constant 0 : i32
      %dma_start3A_416 = arith.constant 0 : i32
      %dma_start3A_417 = tpu.memref_slice %arg3[%dma_start3A_415, %dma_start3A_416] : memref<10000x32xf32, #tpu.memory_space<hbm>> -> memref<10000x32xf32, #tpu.memory_space<hbm>>
      tpu.enqueue_indirect_dma source(%dma_start3A_417 : memref<10000x32xf32, #tpu.memory_space<hbm>>) target(%dma_start3A_411 : memref<125x32xf32, #tpu.memory_space<vmem>>) offsets(%dma_start3A_414 : memref<125xi32, #tpu.memory_space<vmem>>) semaphore(%arg11 : memref<!tpu.dma_semaphore, #tpu.memory_space<semaphore_mem>>)
      %dma_start3A_418 = arith.constant 2 : i32
      %dma_start3A_419 = arith.constant 2 : i32
      %dma_start3A_420 = arith.constant 0 : i32
      %dma_start3A_421 = arith.constant 0 : i32
      %dma_start3A_422 = tpu.memref_slice %arg10[%dma_start3A_419, %dma_start3A_420, %dma_start3A_421] : memref<16x125x32xf32, #tpu.memory_space<vmem>> -> memref<1x125x32xf32, #tpu.memory_space<vmem>>
      %dma_start3A_423 = tpu.memref_squeeze %dma_start3A_422 : memref<1x125x32xf32, #tpu.memory_space<vmem>> -> memref<125x32xf32, #tpu.memory_space<vmem>>
      %dma_start3A_424 = arith.constant 0 : i32
      %dma_start3A_425 = tpu.memref_slice %arg9[%dma_start3A_418, %dma_start3A_424] : memref<16x125xi32, #tpu.memory_space<vmem>> -> memref<1x125xi32, #tpu.memory_space<vmem>>
      %dma_start3A_426 = tpu.memref_squeeze %dma_start3A_425 : memref<1x125xi32, #tpu.memory_space<vmem>> -> memref<125xi32, #tpu.memory_space<vmem>>
      %dma_start3A_427 = arith.constant 0 : i32
      %dma_start3A_428 = arith.constant 0 : i32
      %dma_start3A_429 = tpu.memref_slice %arg3[%dma_start3A_427, %dma_start3A_428] : memref<10000x32xf32, #tpu.memory_space<hbm>> -> memref<10000x32xf32, #tpu.memory_space<hbm>>
      tpu.enqueue_indirect_dma source(%dma_start3A_429 : memref<10000x32xf32, #tpu.memory_space<hbm>>) target(%dma_start3A_423 : memref<125x32xf32, #tpu.memory_space<vmem>>) offsets(%dma_start3A_426 : memref<125xi32, #tpu.memory_space<vmem>>) semaphore(%arg11 : memref<!tpu.dma_semaphore, #tpu.memory_space<semaphore_mem>>)
      %dma_start3A_430 = arith.constant 3 : i32
      %dma_start3A_431 = arith.constant 3 : i32
      %dma_start3A_432 = arith.constant 0 : i32
      %dma_start3A_433 = arith.constant 0 : i32
      %dma_start3A_434 = tpu.memref_slice %arg10[%dma_start3A_431, %dma_start3A_432, %dma_start3A_433] : memref<16x125x32xf32, #tpu.memory_space<vmem>> -> memref<1x125x32xf32, #tpu.memory_space<vmem>>
      %dma_start3A_435 = tpu.memref_squeeze %dma_start3A_434 : memref<1x125x32xf32, #tpu.memory_space<vmem>> -> memref<125x32xf32, #tpu.memory_space<vmem>>
      %dma_start3A_436 = arith.constant 0 : i32
      %dma_start3A_437 = tpu.memref_slice %arg9[%dma_start3A_430, %dma_start3A_436] : memref<16x125xi32, #tpu.memory_space<vmem>> -> memref<1x125xi32, #tpu.memory_space<vmem>>
      %dma_start3A_438 = tpu.memref_squeeze %dma_start3A_437 : memref<1x125xi32, #tpu.memory_space<vmem>> -> memref<125xi32, #tpu.memory_space<vmem>>
      %dma_start3A_439 = arith.constant 0 : i32
      %dma_start3A_440 = arith.constant 0 : i32
      %dma_start3A_441 = tpu.memref_slice %arg3[%dma_start3A_439, %dma_start3A_440] : memref<10000x32xf32, #tpu.memory_space<hbm>> -> memref<10000x32xf32, #tpu.memory_space<hbm>>
      tpu.enqueue_indirect_dma source(%dma_start3A_441 : memref<10000x32xf32, #tpu.memory_space<hbm>>) target(%dma_start3A_435 : memref<125x32xf32, #tpu.memory_space<vmem>>) offsets(%dma_start3A_438 : memref<125xi32, #tpu.memory_space<vmem>>) semaphore(%arg11 : memref<!tpu.dma_semaphore, #tpu.memory_space<semaphore_mem>>)
      %dma_start3A_442 = arith.constant 4 : i32
      %dma_start3A_443 = arith.constant 4 : i32
      %dma_start3A_444 = arith.constant 0 : i32
      %dma_start3A_445 = arith.constant 0 : i32
      %dma_start3A_446 = tpu.memref_slice %arg10[%dma_start3A_443, %dma_start3A_444, %dma_start3A_445] : memref<16x125x32xf32, #tpu.memory_space<vmem>> -> memref<1x125x32xf32, #tpu.memory_space<vmem>>
      %dma_start3A_447 = tpu.memref_squeeze %dma_start3A_446 : memref<1x125x32xf32, #tpu.memory_space<vmem>> -> memref<125x32xf32, #tpu.memory_space<vmem>>
      %dma_start3A_448 = arith.constant 0 : i32
      %dma_start3A_449 = tpu.memref_slice %arg9[%dma_start3A_442, %dma_start3A_448] : memref<16x125xi32, #tpu.memory_space<vmem>> -> memref<1x125xi32, #tpu.memory_space<vmem>>
      %dma_start3A_450 = tpu.memref_squeeze %dma_start3A_449 : memref<1x125xi32, #tpu.memory_space<vmem>> -> memref<125xi32, #tpu.memory_space<vmem>>
      %dma_start3A_451 = arith.constant 0 : i32
      %dma_start3A_452 = arith.constant 0 : i32
      %dma_start3A_453 = tpu.memref_slice %arg3[%dma_start3A_451, %dma_start3A_452] : memref<10000x32xf32, #tpu.memory_space<hbm>> -> memref<10000x32xf32, #tpu.memory_space<hbm>>
      tpu.enqueue_indirect_dma source(%dma_start3A_453 : memref<10000x32xf32, #tpu.memory_space<hbm>>) target(%dma_start3A_447 : memref<125x32xf32, #tpu.memory_space<vmem>>) offsets(%dma_start3A_450 : memref<125xi32, #tpu.memory_space<vmem>>) semaphore(%arg11 : memref<!tpu.dma_semaphore, #tpu.memory_space<semaphore_mem>>)
      %dma_start3A_454 = arith.constant 5 : i32
      %dma_start3A_455 = arith.constant 5 : i32
      %dma_start3A_456 = arith.constant 0 : i32
      %dma_start3A_457 = arith.constant 0 : i32
      %dma_start3A_458 = tpu.memref_slice %arg10[%dma_start3A_455, %dma_start3A_456, %dma_start3A_457] : memref<16x125x32xf32, #tpu.memory_space<vmem>> -> memref<1x125x32xf32, #tpu.memory_space<vmem>>
      %dma_start3A_459 = tpu.memref_squeeze %dma_start3A_458 : memref<1x125x32xf32, #tpu.memory_space<vmem>> -> memref<125x32xf32, #tpu.memory_space<vmem>>
      %dma_start3A_460 = arith.constant 0 : i32
      %dma_start3A_461 = tpu.memref_slice %arg9[%dma_start3A_454, %dma_start3A_460] : memref<16x125xi32, #tpu.memory_space<vmem>> -> memref<1x125xi32, #tpu.memory_space<vmem>>
      %dma_start3A_462 = tpu.memref_squeeze %dma_start3A_461 : memref<1x125xi32, #tpu.memory_space<vmem>> -> memref<125xi32, #tpu.memory_space<vmem>>
      %dma_start3A_463 = arith.constant 0 : i32
      %dma_start3A_464 = arith.constant 0 : i32
      %dma_start3A_465 = tpu.memref_slice %arg3[%dma_start3A_463, %dma_start3A_464] : memref<10000x32xf32, #tpu.memory_space<hbm>> -> memref<10000x32xf32, #tpu.memory_space<hbm>>
      tpu.enqueue_indirect_dma source(%dma_start3A_465 : memref<10000x32xf32, #tpu.memory_space<hbm>>) target(%dma_start3A_459 : memref<125x32xf32, #tpu.memory_space<vmem>>) offsets(%dma_start3A_462 : memref<125xi32, #tpu.memory_space<vmem>>) semaphore(%arg11 : memref<!tpu.dma_semaphore, #tpu.memory_space<semaphore_mem>>)
      %dma_start3A_466 = arith.constant 6 : i32
      %dma_start3A_467 = arith.constant 6 : i32
      %dma_start3A_468 = arith.constant 0 : i32
      %dma_start3A_469 = arith.constant 0 : i32
      %dma_start3A_470 = tpu.memref_slice %arg10[%dma_start3A_467, %dma_start3A_468, %dma_start3A_469] : memref<16x125x32xf32, #tpu.memory_space<vmem>> -> memref<1x125x32xf32, #tpu.memory_space<vmem>>
      %dma_start3A_471 = tpu.memref_squeeze %dma_start3A_470 : memref<1x125x32xf32, #tpu.memory_space<vmem>> -> memref<125x32xf32, #tpu.memory_space<vmem>>
      %dma_start3A_472 = arith.constant 0 : i32
      %dma_start3A_473 = tpu.memref_slice %arg9[%dma_start3A_466, %dma_start3A_472] : memref<16x125xi32, #tpu.memory_space<vmem>> -> memref<1x125xi32, #tpu.memory_space<vmem>>
      %dma_start3A_474 = tpu.memref_squeeze %dma_start3A_473 : memref<1x125xi32, #tpu.memory_space<vmem>> -> memref<125xi32, #tpu.memory_space<vmem>>
      %dma_start3A_475 = arith.constant 0 : i32
      %dma_start3A_476 = arith.constant 0 : i32
      %dma_start3A_477 = tpu.memref_slice %arg3[%dma_start3A_475, %dma_start3A_476] : memref<10000x32xf32, #tpu.memory_space<hbm>> -> memref<10000x32xf32, #tpu.memory_space<hbm>>
      tpu.enqueue_indirect_dma source(%dma_start3A_477 : memref<10000x32xf32, #tpu.memory_space<hbm>>) target(%dma_start3A_471 : memref<125x32xf32, #tpu.memory_space<vmem>>) offsets(%dma_start3A_474 : memref<125xi32, #tpu.memory_space<vmem>>) semaphore(%arg11 : memref<!tpu.dma_semaphore, #tpu.memory_space<semaphore_mem>>)
      %dma_start3A_478 = arith.constant 7 : i32
      %dma_start3A_479 = arith.constant 7 : i32
      %dma_start3A_480 = arith.constant 0 : i32
      %dma_start3A_481 = arith.constant 0 : i32
      %dma_start3A_482 = tpu.memref_slice %arg10[%dma_start3A_479, %dma_start3A_480, %dma_start3A_481] : memref<16x125x32xf32, #tpu.memory_space<vmem>> -> memref<1x125x32xf32, #tpu.memory_space<vmem>>
      %dma_start3A_483 = tpu.memref_squeeze %dma_start3A_482 : memref<1x125x32xf32, #tpu.memory_space<vmem>> -> memref<125x32xf32, #tpu.memory_space<vmem>>
      %dma_start3A_484 = arith.constant 0 : i32
      %dma_start3A_485 = tpu.memref_slice %arg9[%dma_start3A_478, %dma_start3A_484] : memref<16x125xi32, #tpu.memory_space<vmem>> -> memref<1x125xi32, #tpu.memory_space<vmem>>
      %dma_start3A_486 = tpu.memref_squeeze %dma_start3A_485 : memref<1x125xi32, #tpu.memory_space<vmem>> -> memref<125xi32, #tpu.memory_space<vmem>>
      %dma_start3A_487 = arith.constant 0 : i32
      %dma_start3A_488 = arith.constant 0 : i32
      %dma_start3A_489 = tpu.memref_slice %arg3[%dma_start3A_487, %dma_start3A_488] : memref<10000x32xf32, #tpu.memory_space<hbm>> -> memref<10000x32xf32, #tpu.memory_space<hbm>>
      tpu.enqueue_indirect_dma source(%dma_start3A_489 : memref<10000x32xf32, #tpu.memory_space<hbm>>) target(%dma_start3A_483 : memref<125x32xf32, #tpu.memory_space<vmem>>) offsets(%dma_start3A_486 : memref<125xi32, #tpu.memory_space<vmem>>) semaphore(%arg11 : memref<!tpu.dma_semaphore, #tpu.memory_space<semaphore_mem>>)
      %dma_start3A_490 = arith.constant 8 : i32
      %dma_start3A_491 = arith.constant 8 : i32
      %dma_start3A_492 = arith.constant 0 : i32
      %dma_start3A_493 = arith.constant 0 : i32
      %dma_start3A_494 = tpu.memref_slice %arg10[%dma_start3A_491, %dma_start3A_492, %dma_start3A_493] : memref<16x125x32xf32, #tpu.memory_space<vmem>> -> memref<1x125x32xf32, #tpu.memory_space<vmem>>
      %dma_start3A_495 = tpu.memref_squeeze %dma_start3A_494 : memref<1x125x32xf32, #tpu.memory_space<vmem>> -> memref<125x32xf32, #tpu.memory_space<vmem>>
      %dma_start3A_496 = arith.constant 0 : i32
      %dma_start3A_497 = tpu.memref_slice %arg9[%dma_start3A_490, %dma_start3A_496] : memref<16x125xi32, #tpu.memory_space<vmem>> -> memref<1x125xi32, #tpu.memory_space<vmem>>
      %dma_start3A_498 = tpu.memref_squeeze %dma_start3A_497 : memref<1x125xi32, #tpu.memory_space<vmem>> -> memref<125xi32, #tpu.memory_space<vmem>>
      %dma_start3A_499 = arith.constant 0 : i32
      %dma_start3A_500 = arith.constant 0 : i32
      %dma_start3A_501 = tpu.memref_slice %arg3[%dma_start3A_499, %dma_start3A_500] : memref<10000x32xf32, #tpu.memory_space<hbm>> -> memref<10000x32xf32, #tpu.memory_space<hbm>>
      tpu.enqueue_indirect_dma source(%dma_start3A_501 : memref<10000x32xf32, #tpu.memory_space<hbm>>) target(%dma_start3A_495 : memref<125x32xf32, #tpu.memory_space<vmem>>) offsets(%dma_start3A_498 : memref<125xi32, #tpu.memory_space<vmem>>) semaphore(%arg11 : memref<!tpu.dma_semaphore, #tpu.memory_space<semaphore_mem>>)
      %dma_start3A_502 = arith.constant 9 : i32
      %dma_start3A_503 = arith.constant 9 : i32
      %dma_start3A_504 = arith.constant 0 : i32
      %dma_start3A_505 = arith.constant 0 : i32
      %dma_start3A_506 = tpu.memref_slice %arg10[%dma_start3A_503, %dma_start3A_504, %dma_start3A_505] : memref<16x125x32xf32, #tpu.memory_space<vmem>> -> memref<1x125x32xf32, #tpu.memory_space<vmem>>
      %dma_start3A_507 = tpu.memref_squeeze %dma_start3A_506 : memref<1x125x32xf32, #tpu.memory_space<vmem>> -> memref<125x32xf32, #tpu.memory_space<vmem>>
      %dma_start3A_508 = arith.constant 0 : i32
      %dma_start3A_509 = tpu.memref_slice %arg9[%dma_start3A_502, %dma_start3A_508] : memref<16x125xi32, #tpu.memory_space<vmem>> -> memref<1x125xi32, #tpu.memory_space<vmem>>
      %dma_start3A_510 = tpu.memref_squeeze %dma_start3A_509 : memref<1x125xi32, #tpu.memory_space<vmem>> -> memref<125xi32, #tpu.memory_space<vmem>>
      %dma_start3A_511 = arith.constant 0 : i32
      %dma_start3A_512 = arith.constant 0 : i32
      %dma_start3A_513 = tpu.memref_slice %arg3[%dma_start3A_511, %dma_start3A_512] : memref<10000x32xf32, #tpu.memory_space<hbm>> -> memref<10000x32xf32, #tpu.memory_space<hbm>>
      tpu.enqueue_indirect_dma source(%dma_start3A_513 : memref<10000x32xf32, #tpu.memory_space<hbm>>) target(%dma_start3A_507 : memref<125x32xf32, #tpu.memory_space<vmem>>) offsets(%dma_start3A_510 : memref<125xi32, #tpu.memory_space<vmem>>) semaphore(%arg11 : memref<!tpu.dma_semaphore, #tpu.memory_space<semaphore_mem>>)
      %dma_start3A_514 = arith.constant 10 : i32
      %dma_start3A_515 = arith.constant 10 : i32
      %dma_start3A_516 = arith.constant 0 : i32
      %dma_start3A_517 = arith.constant 0 : i32
      %dma_start3A_518 = tpu.memref_slice %arg10[%dma_start3A_515, %dma_start3A_516, %dma_start3A_517] : memref<16x125x32xf32, #tpu.memory_space<vmem>> -> memref<1x125x32xf32, #tpu.memory_space<vmem>>
      %dma_start3A_519 = tpu.memref_squeeze %dma_start3A_518 : memref<1x125x32xf32, #tpu.memory_space<vmem>> -> memref<125x32xf32, #tpu.memory_space<vmem>>
      %dma_start3A_520 = arith.constant 0 : i32
      %dma_start3A_521 = tpu.memref_slice %arg9[%dma_start3A_514, %dma_start3A_520] : memref<16x125xi32, #tpu.memory_space<vmem>> -> memref<1x125xi32, #tpu.memory_space<vmem>>
      %dma_start3A_522 = tpu.memref_squeeze %dma_start3A_521 : memref<1x125xi32, #tpu.memory_space<vmem>> -> memref<125xi32, #tpu.memory_space<vmem>>
      %dma_start3A_523 = arith.constant 0 : i32
      %dma_start3A_524 = arith.constant 0 : i32
      %dma_start3A_525 = tpu.memref_slice %arg3[%dma_start3A_523, %dma_start3A_524] : memref<10000x32xf32, #tpu.memory_space<hbm>> -> memref<10000x32xf32, #tpu.memory_space<hbm>>
      tpu.enqueue_indirect_dma source(%dma_start3A_525 : memref<10000x32xf32, #tpu.memory_space<hbm>>) target(%dma_start3A_519 : memref<125x32xf32, #tpu.memory_space<vmem>>) offsets(%dma_start3A_522 : memref<125xi32, #tpu.memory_space<vmem>>) semaphore(%arg11 : memref<!tpu.dma_semaphore, #tpu.memory_space<semaphore_mem>>)
      %dma_start3A_526 = arith.constant 11 : i32
      %dma_start3A_527 = arith.constant 11 : i32
      %dma_start3A_528 = arith.constant 0 : i32
      %dma_start3A_529 = arith.constant 0 : i32
      %dma_start3A_530 = tpu.memref_slice %arg10[%dma_start3A_527, %dma_start3A_528, %dma_start3A_529] : memref<16x125x32xf32, #tpu.memory_space<vmem>> -> memref<1x125x32xf32, #tpu.memory_space<vmem>>
      %dma_start3A_531 = tpu.memref_squeeze %dma_start3A_530 : memref<1x125x32xf32, #tpu.memory_space<vmem>> -> memref<125x32xf32, #tpu.memory_space<vmem>>
      %dma_start3A_532 = arith.constant 0 : i32
      %dma_start3A_533 = tpu.memref_slice %arg9[%dma_start3A_526, %dma_start3A_532] : memref<16x125xi32, #tpu.memory_space<vmem>> -> memref<1x125xi32, #tpu.memory_space<vmem>>
      %dma_start3A_534 = tpu.memref_squeeze %dma_start3A_533 : memref<1x125xi32, #tpu.memory_space<vmem>> -> memref<125xi32, #tpu.memory_space<vmem>>
      %dma_start3A_535 = arith.constant 0 : i32
      %dma_start3A_536 = arith.constant 0 : i32
      %dma_start3A_537 = tpu.memref_slice %arg3[%dma_start3A_535, %dma_start3A_536] : memref<10000x32xf32, #tpu.memory_space<hbm>> -> memref<10000x32xf32, #tpu.memory_space<hbm>>
      tpu.enqueue_indirect_dma source(%dma_start3A_537 : memref<10000x32xf32, #tpu.memory_space<hbm>>) target(%dma_start3A_531 : memref<125x32xf32, #tpu.memory_space<vmem>>) offsets(%dma_start3A_534 : memref<125xi32, #tpu.memory_space<vmem>>) semaphore(%arg11 : memref<!tpu.dma_semaphore, #tpu.memory_space<semaphore_mem>>)
      %dma_start3A_538 = arith.constant 12 : i32
      %dma_start3A_539 = arith.constant 12 : i32
      %dma_start3A_540 = arith.constant 0 : i32
      %dma_start3A_541 = arith.constant 0 : i32
      %dma_start3A_542 = tpu.memref_slice %arg10[%dma_start3A_539, %dma_start3A_540, %dma_start3A_541] : memref<16x125x32xf32, #tpu.memory_space<vmem>> -> memref<1x125x32xf32, #tpu.memory_space<vmem>>
      %dma_start3A_543 = tpu.memref_squeeze %dma_start3A_542 : memref<1x125x32xf32, #tpu.memory_space<vmem>> -> memref<125x32xf32, #tpu.memory_space<vmem>>
      %dma_start3A_544 = arith.constant 0 : i32
      %dma_start3A_545 = tpu.memref_slice %arg9[%dma_start3A_538, %dma_start3A_544] : memref<16x125xi32, #tpu.memory_space<vmem>> -> memref<1x125xi32, #tpu.memory_space<vmem>>
      %dma_start3A_546 = tpu.memref_squeeze %dma_start3A_545 : memref<1x125xi32, #tpu.memory_space<vmem>> -> memref<125xi32, #tpu.memory_space<vmem>>
      %dma_start3A_547 = arith.constant 0 : i32
      %dma_start3A_548 = arith.constant 0 : i32
      %dma_start3A_549 = tpu.memref_slice %arg3[%dma_start3A_547, %dma_start3A_548] : memref<10000x32xf32, #tpu.memory_space<hbm>> -> memref<10000x32xf32, #tpu.memory_space<hbm>>
      tpu.enqueue_indirect_dma source(%dma_start3A_549 : memref<10000x32xf32, #tpu.memory_space<hbm>>) target(%dma_start3A_543 : memref<125x32xf32, #tpu.memory_space<vmem>>) offsets(%dma_start3A_546 : memref<125xi32, #tpu.memory_space<vmem>>) semaphore(%arg11 : memref<!tpu.dma_semaphore, #tpu.memory_space<semaphore_mem>>)
      %dma_start3A_550 = arith.constant 13 : i32
      %dma_start3A_551 = arith.constant 13 : i32
      %dma_start3A_552 = arith.constant 0 : i32
      %dma_start3A_553 = arith.constant 0 : i32
      %dma_start3A_554 = tpu.memref_slice %arg10[%dma_start3A_551, %dma_start3A_552, %dma_start3A_553] : memref<16x125x32xf32, #tpu.memory_space<vmem>> -> memref<1x125x32xf32, #tpu.memory_space<vmem>>
      %dma_start3A_555 = tpu.memref_squeeze %dma_start3A_554 : memref<1x125x32xf32, #tpu.memory_space<vmem>> -> memref<125x32xf32, #tpu.memory_space<vmem>>
      %dma_start3A_556 = arith.constant 0 : i32
      %dma_start3A_557 = tpu.memref_slice %arg9[%dma_start3A_550, %dma_start3A_556] : memref<16x125xi32, #tpu.memory_space<vmem>> -> memref<1x125xi32, #tpu.memory_space<vmem>>
      %dma_start3A_558 = tpu.memref_squeeze %dma_start3A_557 : memref<1x125xi32, #tpu.memory_space<vmem>> -> memref<125xi32, #tpu.memory_space<vmem>>
      %dma_start3A_559 = arith.constant 0 : i32
      %dma_start3A_560 = arith.constant 0 : i32
      %dma_start3A_561 = tpu.memref_slice %arg3[%dma_start3A_559, %dma_start3A_560] : memref<10000x32xf32, #tpu.memory_space<hbm>> -> memref<10000x32xf32, #tpu.memory_space<hbm>>
      tpu.enqueue_indirect_dma source(%dma_start3A_561 : memref<10000x32xf32, #tpu.memory_space<hbm>>) target(%dma_start3A_555 : memref<125x32xf32, #tpu.memory_space<vmem>>) offsets(%dma_start3A_558 : memref<125xi32, #tpu.memory_space<vmem>>) semaphore(%arg11 : memref<!tpu.dma_semaphore, #tpu.memory_space<semaphore_mem>>)
      %dma_start3A_562 = arith.constant 14 : i32
      %dma_start3A_563 = arith.constant 14 : i32
      %dma_start3A_564 = arith.constant 0 : i32
      %dma_start3A_565 = arith.constant 0 : i32
      %dma_start3A_566 = tpu.memref_slice %arg10[%dma_start3A_563, %dma_start3A_564, %dma_start3A_565] : memref<16x125x32xf32, #tpu.memory_space<vmem>> -> memref<1x125x32xf32, #tpu.memory_space<vmem>>
      %dma_start3A_567 = tpu.memref_squeeze %dma_start3A_566 : memref<1x125x32xf32, #tpu.memory_space<vmem>> -> memref<125x32xf32, #tpu.memory_space<vmem>>
      %dma_start3A_568 = arith.constant 0 : i32
      %dma_start3A_569 = tpu.memref_slice %arg9[%dma_start3A_562, %dma_start3A_568] : memref<16x125xi32, #tpu.memory_space<vmem>> -> memref<1x125xi32, #tpu.memory_space<vmem>>
      %dma_start3A_570 = tpu.memref_squeeze %dma_start3A_569 : memref<1x125xi32, #tpu.memory_space<vmem>> -> memref<125xi32, #tpu.memory_space<vmem>>
      %dma_start3A_571 = arith.constant 0 : i32
      %dma_start3A_572 = arith.constant 0 : i32
      %dma_start3A_573 = tpu.memref_slice %arg3[%dma_start3A_571, %dma_start3A_572] : memref<10000x32xf32, #tpu.memory_space<hbm>> -> memref<10000x32xf32, #tpu.memory_space<hbm>>
      tpu.enqueue_indirect_dma source(%dma_start3A_573 : memref<10000x32xf32, #tpu.memory_space<hbm>>) target(%dma_start3A_567 : memref<125x32xf32, #tpu.memory_space<vmem>>) offsets(%dma_start3A_570 : memref<125xi32, #tpu.memory_space<vmem>>) semaphore(%arg11 : memref<!tpu.dma_semaphore, #tpu.memory_space<semaphore_mem>>)
      %dma_start3A_574 = arith.constant 15 : i32
      %dma_start3A_575 = arith.constant 15 : i32
      %dma_start3A_576 = arith.constant 0 : i32
      %dma_start3A_577 = arith.constant 0 : i32
      %dma_start3A_578 = tpu.memref_slice %arg10[%dma_start3A_575, %dma_start3A_576, %dma_start3A_577] : memref<16x125x32xf32, #tpu.memory_space<vmem>> -> memref<1x125x32xf32, #tpu.memory_space<vmem>>
      %dma_start3A_579 = tpu.memref_squeeze %dma_start3A_578 : memref<1x125x32xf32, #tpu.memory_space<vmem>> -> memref<125x32xf32, #tpu.memory_space<vmem>>
      %dma_start3A_580 = arith.constant 0 : i32
      %dma_start3A_581 = tpu.memref_slice %arg9[%dma_start3A_574, %dma_start3A_580] : memref<16x125xi32, #tpu.memory_space<vmem>> -> memref<1x125xi32, #tpu.memory_space<vmem>>
      %dma_start3A_582 = tpu.memref_squeeze %dma_start3A_581 : memref<1x125xi32, #tpu.memory_space<vmem>> -> memref<125xi32, #tpu.memory_space<vmem>>
      %dma_start3A_583 = arith.constant 0 : i32
      %dma_start3A_584 = arith.constant 0 : i32
      %dma_start3A_585 = tpu.memref_slice %arg3[%dma_start3A_583, %dma_start3A_584] : memref<10000x32xf32, #tpu.memory_space<hbm>> -> memref<10000x32xf32, #tpu.memory_space<hbm>>
      tpu.enqueue_indirect_dma source(%dma_start3A_585 : memref<10000x32xf32, #tpu.memory_space<hbm>>) target(%dma_start3A_579 : memref<125x32xf32, #tpu.memory_space<vmem>>) offsets(%dma_start3A_582 : memref<125xi32, #tpu.memory_space<vmem>>) semaphore(%arg11 : memref<!tpu.dma_semaphore, #tpu.memory_space<semaphore_mem>>)
      %dma_wait3A_586 = arith.constant 0 : i32
      %dma_wait3A_587 = arith.constant 0 : i32
      %dma_wait3A_588 = arith.constant 0 : i32
      %dma_wait3A_589 = arith.constant 0 : i32
      %dma_wait3A_590 = tpu.memref_slice %arg10[%dma_wait3A_587, %dma_wait3A_588, %dma_wait3A_589] : memref<16x125x32xf32, #tpu.memory_space<vmem>> -> memref<1x125x32xf32, #tpu.memory_space<vmem>>
      %dma_wait3A_591 = tpu.memref_squeeze %dma_wait3A_590 : memref<1x125x32xf32, #tpu.memory_space<vmem>> -> memref<125x32xf32, #tpu.memory_space<vmem>>
      %dma_wait3A_592 = arith.constant 0 : i32
      %dma_wait3A_593 = tpu.memref_slice %arg9[%dma_wait3A_586, %dma_wait3A_592] : memref<16x125xi32, #tpu.memory_space<vmem>> -> memref<1x125xi32, #tpu.memory_space<vmem>>
      %dma_wait3A_594 = tpu.memref_squeeze %dma_wait3A_593 : memref<1x125xi32, #tpu.memory_space<vmem>> -> memref<125xi32, #tpu.memory_space<vmem>>
      %dma_wait3A_595 = arith.constant 0 : i32
      %dma_wait3A_596 = arith.constant 0 : i32
      %dma_wait3A_597 = tpu.memref_slice %arg3[%dma_wait3A_595, %dma_wait3A_596] : memref<10000x32xf32, #tpu.memory_space<hbm>> -> memref<10000x32xf32, #tpu.memory_space<hbm>>
      tpu.wait_indirect_dma semaphore(%arg11 : memref<!tpu.dma_semaphore, #tpu.memory_space<semaphore_mem>>) src(%dma_wait3A_597 : memref<10000x32xf32, #tpu.memory_space<hbm>>) dst(%dma_wait3A_591 : memref<125x32xf32, #tpu.memory_space<vmem>>)
      %dma_wait3A_598 = arith.constant 1 : i32
      %dma_wait3A_599 = arith.constant 1 : i32
      %dma_wait3A_600 = arith.constant 0 : i32
      %dma_wait3A_601 = arith.constant 0 : i32
      %dma_wait3A_602 = tpu.memref_slice %arg10[%dma_wait3A_599, %dma_wait3A_600, %dma_wait3A_601] : memref<16x125x32xf32, #tpu.memory_space<vmem>> -> memref<1x125x32xf32, #tpu.memory_space<vmem>>
      %dma_wait3A_603 = tpu.memref_squeeze %dma_wait3A_602 : memref<1x125x32xf32, #tpu.memory_space<vmem>> -> memref<125x32xf32, #tpu.memory_space<vmem>>
      %dma_wait3A_604 = arith.constant 0 : i32
      %dma_wait3A_605 = tpu.memref_slice %arg9[%dma_wait3A_598, %dma_wait3A_604] : memref<16x125xi32, #tpu.memory_space<vmem>> -> memref<1x125xi32, #tpu.memory_space<vmem>>
      %dma_wait3A_606 = tpu.memref_squeeze %dma_wait3A_605 : memref<1x125xi32, #tpu.memory_space<vmem>> -> memref<125xi32, #tpu.memory_space<vmem>>
      %dma_wait3A_607 = arith.constant 0 : i32
      %dma_wait3A_608 = arith.constant 0 : i32
      %dma_wait3A_609 = tpu.memref_slice %arg3[%dma_wait3A_607, %dma_wait3A_608] : memref<10000x32xf32, #tpu.memory_space<hbm>> -> memref<10000x32xf32, #tpu.memory_space<hbm>>
      tpu.wait_indirect_dma semaphore(%arg11 : memref<!tpu.dma_semaphore, #tpu.memory_space<semaphore_mem>>) src(%dma_wait3A_609 : memref<10000x32xf32, #tpu.memory_space<hbm>>) dst(%dma_wait3A_603 : memref<125x32xf32, #tpu.memory_space<vmem>>)
      %dma_wait3A_610 = arith.constant 2 : i32
      %dma_wait3A_611 = arith.constant 2 : i32
      %dma_wait3A_612 = arith.constant 0 : i32
      %dma_wait3A_613 = arith.constant 0 : i32
      %dma_wait3A_614 = tpu.memref_slice %arg10[%dma_wait3A_611, %dma_wait3A_612, %dma_wait3A_613] : memref<16x125x32xf32, #tpu.memory_space<vmem>> -> memref<1x125x32xf32, #tpu.memory_space<vmem>>
      %dma_wait3A_615 = tpu.memref_squeeze %dma_wait3A_614 : memref<1x125x32xf32, #tpu.memory_space<vmem>> -> memref<125x32xf32, #tpu.memory_space<vmem>>
      %dma_wait3A_616 = arith.constant 0 : i32
      %dma_wait3A_617 = tpu.memref_slice %arg9[%dma_wait3A_610, %dma_wait3A_616] : memref<16x125xi32, #tpu.memory_space<vmem>> -> memref<1x125xi32, #tpu.memory_space<vmem>>
      %dma_wait3A_618 = tpu.memref_squeeze %dma_wait3A_617 : memref<1x125xi32, #tpu.memory_space<vmem>> -> memref<125xi32, #tpu.memory_space<vmem>>
      %dma_wait3A_619 = arith.constant 0 : i32
      %dma_wait3A_620 = arith.constant 0 : i32
      %dma_wait3A_621 = tpu.memref_slice %arg3[%dma_wait3A_619, %dma_wait3A_620] : memref<10000x32xf32, #tpu.memory_space<hbm>> -> memref<10000x32xf32, #tpu.memory_space<hbm>>
      tpu.wait_indirect_dma semaphore(%arg11 : memref<!tpu.dma_semaphore, #tpu.memory_space<semaphore_mem>>) src(%dma_wait3A_621 : memref<10000x32xf32, #tpu.memory_space<hbm>>) dst(%dma_wait3A_615 : memref<125x32xf32, #tpu.memory_space<vmem>>)
      %dma_wait3A_622 = arith.constant 3 : i32
      %dma_wait3A_623 = arith.constant 3 : i32
      %dma_wait3A_624 = arith.constant 0 : i32
      %dma_wait3A_625 = arith.constant 0 : i32
      %dma_wait3A_626 = tpu.memref_slice %arg10[%dma_wait3A_623, %dma_wait3A_624, %dma_wait3A_625] : memref<16x125x32xf32, #tpu.memory_space<vmem>> -> memref<1x125x32xf32, #tpu.memory_space<vmem>>
      %dma_wait3A_627 = tpu.memref_squeeze %dma_wait3A_626 : memref<1x125x32xf32, #tpu.memory_space<vmem>> -> memref<125x32xf32, #tpu.memory_space<vmem>>
      %dma_wait3A_628 = arith.constant 0 : i32
      %dma_wait3A_629 = tpu.memref_slice %arg9[%dma_wait3A_622, %dma_wait3A_628] : memref<16x125xi32, #tpu.memory_space<vmem>> -> memref<1x125xi32, #tpu.memory_space<vmem>>
      %dma_wait3A_630 = tpu.memref_squeeze %dma_wait3A_629 : memref<1x125xi32, #tpu.memory_space<vmem>> -> memref<125xi32, #tpu.memory_space<vmem>>
      %dma_wait3A_631 = arith.constant 0 : i32
      %dma_wait3A_632 = arith.constant 0 : i32
      %dma_wait3A_633 = tpu.memref_slice %arg3[%dma_wait3A_631, %dma_wait3A_632] : memref<10000x32xf32, #tpu.memory_space<hbm>> -> memref<10000x32xf32, #tpu.memory_space<hbm>>
      tpu.wait_indirect_dma semaphore(%arg11 : memref<!tpu.dma_semaphore, #tpu.memory_space<semaphore_mem>>) src(%dma_wait3A_633 : memref<10000x32xf32, #tpu.memory_space<hbm>>) dst(%dma_wait3A_627 : memref<125x32xf32, #tpu.memory_space<vmem>>)
      %dma_wait3A_634 = arith.constant 4 : i32
      %dma_wait3A_635 = arith.constant 4 : i32
      %dma_wait3A_636 = arith.constant 0 : i32
      %dma_wait3A_637 = arith.constant 0 : i32
      %dma_wait3A_638 = tpu.memref_slice %arg10[%dma_wait3A_635, %dma_wait3A_636, %dma_wait3A_637] : memref<16x125x32xf32, #tpu.memory_space<vmem>> -> memref<1x125x32xf32, #tpu.memory_space<vmem>>
      %dma_wait3A_639 = tpu.memref_squeeze %dma_wait3A_638 : memref<1x125x32xf32, #tpu.memory_space<vmem>> -> memref<125x32xf32, #tpu.memory_space<vmem>>
      %dma_wait3A_640 = arith.constant 0 : i32
      %dma_wait3A_641 = tpu.memref_slice %arg9[%dma_wait3A_634, %dma_wait3A_640] : memref<16x125xi32, #tpu.memory_space<vmem>> -> memref<1x125xi32, #tpu.memory_space<vmem>>
      %dma_wait3A_642 = tpu.memref_squeeze %dma_wait3A_641 : memref<1x125xi32, #tpu.memory_space<vmem>> -> memref<125xi32, #tpu.memory_space<vmem>>
      %dma_wait3A_643 = arith.constant 0 : i32
      %dma_wait3A_644 = arith.constant 0 : i32
      %dma_wait3A_645 = tpu.memref_slice %arg3[%dma_wait3A_643, %dma_wait3A_644] : memref<10000x32xf32, #tpu.memory_space<hbm>> -> memref<10000x32xf32, #tpu.memory_space<hbm>>
      tpu.wait_indirect_dma semaphore(%arg11 : memref<!tpu.dma_semaphore, #tpu.memory_space<semaphore_mem>>) src(%dma_wait3A_645 : memref<10000x32xf32, #tpu.memory_space<hbm>>) dst(%dma_wait3A_639 : memref<125x32xf32, #tpu.memory_space<vmem>>)
      %dma_wait3A_646 = arith.constant 5 : i32
      %dma_wait3A_647 = arith.constant 5 : i32
      %dma_wait3A_648 = arith.constant 0 : i32
      %dma_wait3A_649 = arith.constant 0 : i32
      %dma_wait3A_650 = tpu.memref_slice %arg10[%dma_wait3A_647, %dma_wait3A_648, %dma_wait3A_649] : memref<16x125x32xf32, #tpu.memory_space<vmem>> -> memref<1x125x32xf32, #tpu.memory_space<vmem>>
      %dma_wait3A_651 = tpu.memref_squeeze %dma_wait3A_650 : memref<1x125x32xf32, #tpu.memory_space<vmem>> -> memref<125x32xf32, #tpu.memory_space<vmem>>
      %dma_wait3A_652 = arith.constant 0 : i32
      %dma_wait3A_653 = tpu.memref_slice %arg9[%dma_wait3A_646, %dma_wait3A_652] : memref<16x125xi32, #tpu.memory_space<vmem>> -> memref<1x125xi32, #tpu.memory_space<vmem>>
      %dma_wait3A_654 = tpu.memref_squeeze %dma_wait3A_653 : memref<1x125xi32, #tpu.memory_space<vmem>> -> memref<125xi32, #tpu.memory_space<vmem>>
      %dma_wait3A_655 = arith.constant 0 : i32
      %dma_wait3A_656 = arith.constant 0 : i32
      %dma_wait3A_657 = tpu.memref_slice %arg3[%dma_wait3A_655, %dma_wait3A_656] : memref<10000x32xf32, #tpu.memory_space<hbm>> -> memref<10000x32xf32, #tpu.memory_space<hbm>>
      tpu.wait_indirect_dma semaphore(%arg11 : memref<!tpu.dma_semaphore, #tpu.memory_space<semaphore_mem>>) src(%dma_wait3A_657 : memref<10000x32xf32, #tpu.memory_space<hbm>>) dst(%dma_wait3A_651 : memref<125x32xf32, #tpu.memory_space<vmem>>)
      %dma_wait3A_658 = arith.constant 6 : i32
      %dma_wait3A_659 = arith.constant 6 : i32
      %dma_wait3A_660 = arith.constant 0 : i32
      %dma_wait3A_661 = arith.constant 0 : i32
      %dma_wait3A_662 = tpu.memref_slice %arg10[%dma_wait3A_659, %dma_wait3A_660, %dma_wait3A_661] : memref<16x125x32xf32, #tpu.memory_space<vmem>> -> memref<1x125x32xf32, #tpu.memory_space<vmem>>
      %dma_wait3A_663 = tpu.memref_squeeze %dma_wait3A_662 : memref<1x125x32xf32, #tpu.memory_space<vmem>> -> memref<125x32xf32, #tpu.memory_space<vmem>>
      %dma_wait3A_664 = arith.constant 0 : i32
      %dma_wait3A_665 = tpu.memref_slice %arg9[%dma_wait3A_658, %dma_wait3A_664] : memref<16x125xi32, #tpu.memory_space<vmem>> -> memref<1x125xi32, #tpu.memory_space<vmem>>
      %dma_wait3A_666 = tpu.memref_squeeze %dma_wait3A_665 : memref<1x125xi32, #tpu.memory_space<vmem>> -> memref<125xi32, #tpu.memory_space<vmem>>
      %dma_wait3A_667 = arith.constant 0 : i32
      %dma_wait3A_668 = arith.constant 0 : i32
      %dma_wait3A_669 = tpu.memref_slice %arg3[%dma_wait3A_667, %dma_wait3A_668] : memref<10000x32xf32, #tpu.memory_space<hbm>> -> memref<10000x32xf32, #tpu.memory_space<hbm>>
      tpu.wait_indirect_dma semaphore(%arg11 : memref<!tpu.dma_semaphore, #tpu.memory_space<semaphore_mem>>) src(%dma_wait3A_669 : memref<10000x32xf32, #tpu.memory_space<hbm>>) dst(%dma_wait3A_663 : memref<125x32xf32, #tpu.memory_space<vmem>>)
      %dma_wait3A_670 = arith.constant 7 : i32
      %dma_wait3A_671 = arith.constant 7 : i32
      %dma_wait3A_672 = arith.constant 0 : i32
      %dma_wait3A_673 = arith.constant 0 : i32
      %dma_wait3A_674 = tpu.memref_slice %arg10[%dma_wait3A_671, %dma_wait3A_672, %dma_wait3A_673] : memref<16x125x32xf32, #tpu.memory_space<vmem>> -> memref<1x125x32xf32, #tpu.memory_space<vmem>>
      %dma_wait3A_675 = tpu.memref_squeeze %dma_wait3A_674 : memref<1x125x32xf32, #tpu.memory_space<vmem>> -> memref<125x32xf32, #tpu.memory_space<vmem>>
      %dma_wait3A_676 = arith.constant 0 : i32
      %dma_wait3A_677 = tpu.memref_slice %arg9[%dma_wait3A_670, %dma_wait3A_676] : memref<16x125xi32, #tpu.memory_space<vmem>> -> memref<1x125xi32, #tpu.memory_space<vmem>>
      %dma_wait3A_678 = tpu.memref_squeeze %dma_wait3A_677 : memref<1x125xi32, #tpu.memory_space<vmem>> -> memref<125xi32, #tpu.memory_space<vmem>>
      %dma_wait3A_679 = arith.constant 0 : i32
      %dma_wait3A_680 = arith.constant 0 : i32
      %dma_wait3A_681 = tpu.memref_slice %arg3[%dma_wait3A_679, %dma_wait3A_680] : memref<10000x32xf32, #tpu.memory_space<hbm>> -> memref<10000x32xf32, #tpu.memory_space<hbm>>
      tpu.wait_indirect_dma semaphore(%arg11 : memref<!tpu.dma_semaphore, #tpu.memory_space<semaphore_mem>>) src(%dma_wait3A_681 : memref<10000x32xf32, #tpu.memory_space<hbm>>) dst(%dma_wait3A_675 : memref<125x32xf32, #tpu.memory_space<vmem>>)
      %dma_wait3A_682 = arith.constant 8 : i32
      %dma_wait3A_683 = arith.constant 8 : i32
      %dma_wait3A_684 = arith.constant 0 : i32
      %dma_wait3A_685 = arith.constant 0 : i32
      %dma_wait3A_686 = tpu.memref_slice %arg10[%dma_wait3A_683, %dma_wait3A_684, %dma_wait3A_685] : memref<16x125x32xf32, #tpu.memory_space<vmem>> -> memref<1x125x32xf32, #tpu.memory_space<vmem>>
      %dma_wait3A_687 = tpu.memref_squeeze %dma_wait3A_686 : memref<1x125x32xf32, #tpu.memory_space<vmem>> -> memref<125x32xf32, #tpu.memory_space<vmem>>
      %dma_wait3A_688 = arith.constant 0 : i32
      %dma_wait3A_689 = tpu.memref_slice %arg9[%dma_wait3A_682, %dma_wait3A_688] : memref<16x125xi32, #tpu.memory_space<vmem>> -> memref<1x125xi32, #tpu.memory_space<vmem>>
      %dma_wait3A_690 = tpu.memref_squeeze %dma_wait3A_689 : memref<1x125xi32, #tpu.memory_space<vmem>> -> memref<125xi32, #tpu.memory_space<vmem>>
      %dma_wait3A_691 = arith.constant 0 : i32
      %dma_wait3A_692 = arith.constant 0 : i32
      %dma_wait3A_693 = tpu.memref_slice %arg3[%dma_wait3A_691, %dma_wait3A_692] : memref<10000x32xf32, #tpu.memory_space<hbm>> -> memref<10000x32xf32, #tpu.memory_space<hbm>>
      tpu.wait_indirect_dma semaphore(%arg11 : memref<!tpu.dma_semaphore, #tpu.memory_space<semaphore_mem>>) src(%dma_wait3A_693 : memref<10000x32xf32, #tpu.memory_space<hbm>>) dst(%dma_wait3A_687 : memref<125x32xf32, #tpu.memory_space<vmem>>)
      %dma_wait3A_694 = arith.constant 9 : i32
      %dma_wait3A_695 = arith.constant 9 : i32
      %dma_wait3A_696 = arith.constant 0 : i32
      %dma_wait3A_697 = arith.constant 0 : i32
      %dma_wait3A_698 = tpu.memref_slice %arg10[%dma_wait3A_695, %dma_wait3A_696, %dma_wait3A_697] : memref<16x125x32xf32, #tpu.memory_space<vmem>> -> memref<1x125x32xf32, #tpu.memory_space<vmem>>
      %dma_wait3A_699 = tpu.memref_squeeze %dma_wait3A_698 : memref<1x125x32xf32, #tpu.memory_space<vmem>> -> memref<125x32xf32, #tpu.memory_space<vmem>>
      %dma_wait3A_700 = arith.constant 0 : i32
      %dma_wait3A_701 = tpu.memref_slice %arg9[%dma_wait3A_694, %dma_wait3A_700] : memref<16x125xi32, #tpu.memory_space<vmem>> -> memref<1x125xi32, #tpu.memory_space<vmem>>
      %dma_wait3A_702 = tpu.memref_squeeze %dma_wait3A_701 : memref<1x125xi32, #tpu.memory_space<vmem>> -> memref<125xi32, #tpu.memory_space<vmem>>
      %dma_wait3A_703 = arith.constant 0 : i32
      %dma_wait3A_704 = arith.constant 0 : i32
      %dma_wait3A_705 = tpu.memref_slice %arg3[%dma_wait3A_703, %dma_wait3A_704] : memref<10000x32xf32, #tpu.memory_space<hbm>> -> memref<10000x32xf32, #tpu.memory_space<hbm>>
      tpu.wait_indirect_dma semaphore(%arg11 : memref<!tpu.dma_semaphore, #tpu.memory_space<semaphore_mem>>) src(%dma_wait3A_705 : memref<10000x32xf32, #tpu.memory_space<hbm>>) dst(%dma_wait3A_699 : memref<125x32xf32, #tpu.memory_space<vmem>>)
      %dma_wait3A_706 = arith.constant 10 : i32
      %dma_wait3A_707 = arith.constant 10 : i32
      %dma_wait3A_708 = arith.constant 0 : i32
      %dma_wait3A_709 = arith.constant 0 : i32
      %dma_wait3A_710 = tpu.memref_slice %arg10[%dma_wait3A_707, %dma_wait3A_708, %dma_wait3A_709] : memref<16x125x32xf32, #tpu.memory_space<vmem>> -> memref<1x125x32xf32, #tpu.memory_space<vmem>>
      %dma_wait3A_711 = tpu.memref_squeeze %dma_wait3A_710 : memref<1x125x32xf32, #tpu.memory_space<vmem>> -> memref<125x32xf32, #tpu.memory_space<vmem>>
      %dma_wait3A_712 = arith.constant 0 : i32
      %dma_wait3A_713 = tpu.memref_slice %arg9[%dma_wait3A_706, %dma_wait3A_712] : memref<16x125xi32, #tpu.memory_space<vmem>> -> memref<1x125xi32, #tpu.memory_space<vmem>>
      %dma_wait3A_714 = tpu.memref_squeeze %dma_wait3A_713 : memref<1x125xi32, #tpu.memory_space<vmem>> -> memref<125xi32, #tpu.memory_space<vmem>>
      %dma_wait3A_715 = arith.constant 0 : i32
      %dma_wait3A_716 = arith.constant 0 : i32
      %dma_wait3A_717 = tpu.memref_slice %arg3[%dma_wait3A_715, %dma_wait3A_716] : memref<10000x32xf32, #tpu.memory_space<hbm>> -> memref<10000x32xf32, #tpu.memory_space<hbm>>
      tpu.wait_indirect_dma semaphore(%arg11 : memref<!tpu.dma_semaphore, #tpu.memory_space<semaphore_mem>>) src(%dma_wait3A_717 : memref<10000x32xf32, #tpu.memory_space<hbm>>) dst(%dma_wait3A_711 : memref<125x32xf32, #tpu.memory_space<vmem>>)
      %dma_wait3A_718 = arith.constant 11 : i32
      %dma_wait3A_719 = arith.constant 11 : i32
      %dma_wait3A_720 = arith.constant 0 : i32
      %dma_wait3A_721 = arith.constant 0 : i32
      %dma_wait3A_722 = tpu.memref_slice %arg10[%dma_wait3A_719, %dma_wait3A_720, %dma_wait3A_721] : memref<16x125x32xf32, #tpu.memory_space<vmem>> -> memref<1x125x32xf32, #tpu.memory_space<vmem>>
      %dma_wait3A_723 = tpu.memref_squeeze %dma_wait3A_722 : memref<1x125x32xf32, #tpu.memory_space<vmem>> -> memref<125x32xf32, #tpu.memory_space<vmem>>
      %dma_wait3A_724 = arith.constant 0 : i32
      %dma_wait3A_725 = tpu.memref_slice %arg9[%dma_wait3A_718, %dma_wait3A_724] : memref<16x125xi32, #tpu.memory_space<vmem>> -> memref<1x125xi32, #tpu.memory_space<vmem>>
      %dma_wait3A_726 = tpu.memref_squeeze %dma_wait3A_725 : memref<1x125xi32, #tpu.memory_space<vmem>> -> memref<125xi32, #tpu.memory_space<vmem>>
      %dma_wait3A_727 = arith.constant 0 : i32
      %dma_wait3A_728 = arith.constant 0 : i32
      %dma_wait3A_729 = tpu.memref_slice %arg3[%dma_wait3A_727, %dma_wait3A_728] : memref<10000x32xf32, #tpu.memory_space<hbm>> -> memref<10000x32xf32, #tpu.memory_space<hbm>>
      tpu.wait_indirect_dma semaphore(%arg11 : memref<!tpu.dma_semaphore, #tpu.memory_space<semaphore_mem>>) src(%dma_wait3A_729 : memref<10000x32xf32, #tpu.memory_space<hbm>>) dst(%dma_wait3A_723 : memref<125x32xf32, #tpu.memory_space<vmem>>)
      %dma_wait3A_730 = arith.constant 12 : i32
      %dma_wait3A_731 = arith.constant 12 : i32
      %dma_wait3A_732 = arith.constant 0 : i32
      %dma_wait3A_733 = arith.constant 0 : i32
      %dma_wait3A_734 = tpu.memref_slice %arg10[%dma_wait3A_731, %dma_wait3A_732, %dma_wait3A_733] : memref<16x125x32xf32, #tpu.memory_space<vmem>> -> memref<1x125x32xf32, #tpu.memory_space<vmem>>
      %dma_wait3A_735 = tpu.memref_squeeze %dma_wait3A_734 : memref<1x125x32xf32, #tpu.memory_space<vmem>> -> memref<125x32xf32, #tpu.memory_space<vmem>>
      %dma_wait3A_736 = arith.constant 0 : i32
      %dma_wait3A_737 = tpu.memref_slice %arg9[%dma_wait3A_730, %dma_wait3A_736] : memref<16x125xi32, #tpu.memory_space<vmem>> -> memref<1x125xi32, #tpu.memory_space<vmem>>
      %dma_wait3A_738 = tpu.memref_squeeze %dma_wait3A_737 : memref<1x125xi32, #tpu.memory_space<vmem>> -> memref<125xi32, #tpu.memory_space<vmem>>
      %dma_wait3A_739 = arith.constant 0 : i32
      %dma_wait3A_740 = arith.constant 0 : i32
      %dma_wait3A_741 = tpu.memref_slice %arg3[%dma_wait3A_739, %dma_wait3A_740] : memref<10000x32xf32, #tpu.memory_space<hbm>> -> memref<10000x32xf32, #tpu.memory_space<hbm>>
      tpu.wait_indirect_dma semaphore(%arg11 : memref<!tpu.dma_semaphore, #tpu.memory_space<semaphore_mem>>) src(%dma_wait3A_741 : memref<10000x32xf32, #tpu.memory_space<hbm>>) dst(%dma_wait3A_735 : memref<125x32xf32, #tpu.memory_space<vmem>>)
      %dma_wait3A_742 = arith.constant 13 : i32
      %dma_wait3A_743 = arith.constant 13 : i32
      %dma_wait3A_744 = arith.constant 0 : i32
      %dma_wait3A_745 = arith.constant 0 : i32
      %dma_wait3A_746 = tpu.memref_slice %arg10[%dma_wait3A_743, %dma_wait3A_744, %dma_wait3A_745] : memref<16x125x32xf32, #tpu.memory_space<vmem>> -> memref<1x125x32xf32, #tpu.memory_space<vmem>>
      %dma_wait3A_747 = tpu.memref_squeeze %dma_wait3A_746 : memref<1x125x32xf32, #tpu.memory_space<vmem>> -> memref<125x32xf32, #tpu.memory_space<vmem>>
      %dma_wait3A_748 = arith.constant 0 : i32
      %dma_wait3A_749 = tpu.memref_slice %arg9[%dma_wait3A_742, %dma_wait3A_748] : memref<16x125xi32, #tpu.memory_space<vmem>> -> memref<1x125xi32, #tpu.memory_space<vmem>>
      %dma_wait3A_750 = tpu.memref_squeeze %dma_wait3A_749 : memref<1x125xi32, #tpu.memory_space<vmem>> -> memref<125xi32, #tpu.memory_space<vmem>>
      %dma_wait3A_751 = arith.constant 0 : i32
      %dma_wait3A_752 = arith.constant 0 : i32
      %dma_wait3A_753 = tpu.memref_slice %arg3[%dma_wait3A_751, %dma_wait3A_752] : memref<10000x32xf32, #tpu.memory_space<hbm>> -> memref<10000x32xf32, #tpu.memory_space<hbm>>
      tpu.wait_indirect_dma semaphore(%arg11 : memref<!tpu.dma_semaphore, #tpu.memory_space<semaphore_mem>>) src(%dma_wait3A_753 : memref<10000x32xf32, #tpu.memory_space<hbm>>) dst(%dma_wait3A_747 : memref<125x32xf32, #tpu.memory_space<vmem>>)
      %dma_wait3A_754 = arith.constant 14 : i32
      %dma_wait3A_755 = arith.constant 14 : i32
      %dma_wait3A_756 = arith.constant 0 : i32
      %dma_wait3A_757 = arith.constant 0 : i32
      %dma_wait3A_758 = tpu.memref_slice %arg10[%dma_wait3A_755, %dma_wait3A_756, %dma_wait3A_757] : memref<16x125x32xf32, #tpu.memory_space<vmem>> -> memref<1x125x32xf32, #tpu.memory_space<vmem>>
      %dma_wait3A_759 = tpu.memref_squeeze %dma_wait3A_758 : memref<1x125x32xf32, #tpu.memory_space<vmem>> -> memref<125x32xf32, #tpu.memory_space<vmem>>
      %dma_wait3A_760 = arith.constant 0 : i32
      %dma_wait3A_761 = tpu.memref_slice %arg9[%dma_wait3A_754, %dma_wait3A_760] : memref<16x125xi32, #tpu.memory_space<vmem>> -> memref<1x125xi32, #tpu.memory_space<vmem>>
      %dma_wait3A_762 = tpu.memref_squeeze %dma_wait3A_761 : memref<1x125xi32, #tpu.memory_space<vmem>> -> memref<125xi32, #tpu.memory_space<vmem>>
      %dma_wait3A_763 = arith.constant 0 : i32
      %dma_wait3A_764 = arith.constant 0 : i32
      %dma_wait3A_765 = tpu.memref_slice %arg3[%dma_wait3A_763, %dma_wait3A_764] : memref<10000x32xf32, #tpu.memory_space<hbm>> -> memref<10000x32xf32, #tpu.memory_space<hbm>>
      tpu.wait_indirect_dma semaphore(%arg11 : memref<!tpu.dma_semaphore, #tpu.memory_space<semaphore_mem>>) src(%dma_wait3A_765 : memref<10000x32xf32, #tpu.memory_space<hbm>>) dst(%dma_wait3A_759 : memref<125x32xf32, #tpu.memory_space<vmem>>)
      %dma_wait3A_766 = arith.constant 15 : i32
      %dma_wait3A_767 = arith.constant 15 : i32
      %dma_wait3A_768 = arith.constant 0 : i32
      %dma_wait3A_769 = arith.constant 0 : i32
      %dma_wait3A_770 = tpu.memref_slice %arg10[%dma_wait3A_767, %dma_wait3A_768, %dma_wait3A_769] : memref<16x125x32xf32, #tpu.memory_space<vmem>> -> memref<1x125x32xf32, #tpu.memory_space<vmem>>
      %dma_wait3A_771 = tpu.memref_squeeze %dma_wait3A_770 : memref<1x125x32xf32, #tpu.memory_space<vmem>> -> memref<125x32xf32, #tpu.memory_space<vmem>>
      %dma_wait3A_772 = arith.constant 0 : i32
      %dma_wait3A_773 = tpu.memref_slice %arg9[%dma_wait3A_766, %dma_wait3A_772] : memref<16x125xi32, #tpu.memory_space<vmem>> -> memref<1x125xi32, #tpu.memory_space<vmem>>
      %dma_wait3A_774 = tpu.memref_squeeze %dma_wait3A_773 : memref<1x125xi32, #tpu.memory_space<vmem>> -> memref<125xi32, #tpu.memory_space<vmem>>
      %dma_wait3A_775 = arith.constant 0 : i32
      %dma_wait3A_776 = arith.constant 0 : i32
      %dma_wait3A_777 = tpu.memref_slice %arg3[%dma_wait3A_775, %dma_wait3A_776] : memref<10000x32xf32, #tpu.memory_space<hbm>> -> memref<10000x32xf32, #tpu.memory_space<hbm>>
      tpu.wait_indirect_dma semaphore(%arg11 : memref<!tpu.dma_semaphore, #tpu.memory_space<semaphore_mem>>) src(%dma_wait3A_777 : memref<10000x32xf32, #tpu.memory_space<hbm>>) dst(%dma_wait3A_771 : memref<125x32xf32, #tpu.memory_space<vmem>>)
      "tpu.region"() ({
        %run_scoped3A = tpu.sem_alloc : memref<!tpu.dma_semaphore, #tpu.memory_space<semaphore_mem>>
        %dma_start3A_778 = arith.constant 0 : i32
        %dma_start3A_779 = arith.constant 0 : i32
        %dma_start3A_780 = tpu.memref_slice %arg7[%add3A_11, %dma_start3A_778, %dma_start3A_779] : memref<2560x125x32xf32, #tpu.memory_space<hbm>> -> memref<16x125x32xf32, #tpu.memory_space<hbm>>
        %dma_start3A_781 = arith.constant 0 : i32
        %dma_start3A_782 = arith.constant 0 : i32
        %dma_start3A_783 = tpu.memref_slice %arg7[%add3A_11, %dma_start3A_781, %dma_start3A_782] : memref<2560x125x32xf32, #tpu.memory_space<hbm>> -> memref<16x125x32xf32, #tpu.memory_space<hbm>>
        tpu.enqueue_dma source(%arg10 : memref<16x125x32xf32, #tpu.memory_space<vmem>>) target(%dma_start3A_783 : memref<16x125x32xf32, #tpu.memory_space<hbm>>) target_semaphore(%run_scoped3A : memref<!tpu.dma_semaphore, #tpu.memory_space<semaphore_mem>>)
        %dma_wait3A_784 = arith.constant 0 : i32
        %dma_wait3A_785 = arith.constant 0 : i32
        %dma_wait3A_786 = tpu.memref_slice %arg7[%add3A_11, %dma_wait3A_784, %dma_wait3A_785] : memref<2560x125x32xf32, #tpu.memory_space<hbm>> -> memref<16x125x32xf32, #tpu.memory_space<hbm>>
        %dma_wait3A_787 = arith.constant 0 : i32
        %dma_wait3A_788 = arith.constant 0 : i32
        %dma_wait3A_789 = tpu.memref_slice %arg7[%add3A_11, %dma_wait3A_787, %dma_wait3A_788] : memref<2560x125x32xf32, #tpu.memory_space<hbm>> -> memref<16x125x32xf32, #tpu.memory_space<hbm>>
        tpu.wait_dma2 semaphore(%run_scoped3A : memref<!tpu.dma_semaphore, #tpu.memory_space<semaphore_mem>>) src(%arg10 : memref<16x125x32xf32, #tpu.memory_space<vmem>>) dst(%dma_wait3A_789 : memref<16x125x32xf32, #tpu.memory_space<hbm>>)
        tpu.yield
      }) : () -> ()
    }
    %scan3A_5 = arith.constant 5 : i32
    return
  }
}

module attributes {stable_mosaic.version = 14 : i64} {
  func.func @_tc1_body(%arg0: i32, %arg1: memref<10000x128xf32, #tpu.memory_space<vmem>>, %arg2: memref<128x64xf32, #tpu.memory_space<vmem>>, %arg3: memref<10000x32xf32, #tpu.memory_space<vmem>>, %arg4: memref<10000x32xf32, #tpu.memory_space<vmem>>) attributes {dimension_semantics = [#tpu.dimension_semantics<arbitrary>], iteration_bounds = array<i64: 1>, scalar_prefetch = 0 : i64, scratch_operands = 0 : i64, tpu.core_type = #tpu.core_type<tc>, window_params = [{pipeline_mode = #tpu.pipeline_mode<synchronous>, transform_indices = @transform_0, window_bounds = array<i64: 10000, 128>}, {pipeline_mode = #tpu.pipeline_mode<synchronous>, transform_indices = @transform_1, window_bounds = array<i64: 128, 64>}, {pipeline_mode = #tpu.pipeline_mode<synchronous>, transform_indices = @transform_2, window_bounds = array<i64: 10000, 32>}, {pipeline_mode = #tpu.pipeline_mode<synchronous>, transform_indices = @transform_3, window_bounds = array<i64: 10000, 32>}]} {
    %get3A = arith.constant 0 : index
    %get3A_0 = arith.constant 0 : index
    %get3A_1 = vector.load %arg1[%get3A, %get3A_0] : memref<10000x128xf32, #tpu.memory_space<vmem>>, vector<10000x128xf32>
    %get3A_2 = arith.constant 0 : index
    %get3A_3 = arith.constant 0 : index
    %get3A_4 = vector.load %arg2[%get3A_2, %get3A_3] : memref<128x64xf32, #tpu.memory_space<vmem>>, vector<128x64xf32>
    %dot_general3A = arith.constant dense<0.000000e+00> : vector<10000x64xf32>
    %dot_general3A_5 = tpu.matmul %get3A_1, %get3A_4, %dot_general3A {dimension_numbers = #tpu.dot_dimension_numbers<[1], [0], [0], [1], [0, 0, 1, 1], [], []>, transpose_lhs_hint = false} : vector<10000x128xf32>, vector<128x64xf32>, vector<10000x64xf32> -> vector<10000x64xf32>
    %slice3A = vector.extract_strided_slice %dot_general3A_5 {offsets = [0, 0], sizes = [10000, 32], strides = [1, 1]} : vector<10000x64xf32> to vector<10000x32xf32>
    %swap3A = arith.constant 0 : index
    %swap3A_6 = arith.constant 0 : index
    %swap3A_7 = vector.load %arg3[%swap3A, %swap3A_6] : memref<10000x32xf32, #tpu.memory_space<vmem>>, vector<10000x32xf32>
    tpu.vector_store %arg3[%swap3A, %swap3A_6], %slice3A {strides = array<i32>} : memref<10000x32xf32, #tpu.memory_space<vmem>>, vector<10000x32xf32>,
    %slice3A_8 = vector.extract_strided_slice %dot_general3A_5 {offsets = [0, 32], sizes = [10000, 32], strides = [1, 1]} : vector<10000x64xf32> to vector<10000x32xf32>
    %swap3A_9 = arith.constant 0 : index
    %swap3A_10 = arith.constant 0 : index
    %swap3A_11 = vector.load %arg4[%swap3A_9, %swap3A_10] : memref<10000x32xf32, #tpu.memory_space<vmem>>, vector<10000x32xf32>
    tpu.vector_store %arg4[%swap3A_9, %swap3A_10], %slice3A_8 {strides = array<i32>} : memref<10000x32xf32, #tpu.memory_space<vmem>>, vector<10000x32xf32>,
    return
  }
  func.func @transform_0(%arg0: i32) -> (i32, i32) {
    %c0_i32 = arith.constant 0 : i32
    %c0_i32_0 = arith.constant 0 : i32
    %c0_i32_1 = arith.constant 0 : i32
    return %c0_i32, %c0_i32_0 : i32, i32
  }
  func.func @transform_1(%arg0: i32) -> (i32, i32) {
    %c0_i32 = arith.constant 0 : i32
    %c0_i32_0 = arith.constant 0 : i32
    %c0_i32_1 = arith.constant 0 : i32
    return %c0_i32, %c0_i32_0 : i32, i32
  }
  func.func @transform_2(%arg0: i32) -> (i32, i32) {
    %c0_i32 = arith.constant 0 : i32
    %c0_i32_0 = arith.constant 0 : i32
    %c0_i32_1 = arith.constant 0 : i32
    return %c0_i32, %c0_i32_0 : i32, i32
  }
  func.func @transform_3(%arg0: i32) -> (i32, i32) {
    %c0_i32 = arith.constant 0 : i32
    %c0_i32_0 = arith.constant 0 : i32
    %c0_i32_1 = arith.constant 0 : i32
    return %c0_i32, %c0_i32_0 : i32, i32
  }
}

module attributes {stable_mosaic.version = 14 : i64} {
  func.func @_tc2_body(%arg0: i32, %arg1: memref<4000x128xf32, #tpu.memory_space<vmem>>, %arg2: memref<4000x128xf32, #tpu.memory_space<vmem>>, %arg3: memref<4000x64xf32, #tpu.memory_space<vmem>>, %arg4: memref<1x128xf32, #tpu.memory_space<vmem>>, %arg5: memref<128x128xf32, #tpu.memory_space<vmem>>, %arg6: memref<1x128xf32, #tpu.memory_space<vmem>>, %arg7: memref<64x128xf32, #tpu.memory_space<vmem>>, %arg8: memref<128x128xf32, #tpu.memory_space<vmem>>, %arg9: memref<1x128xf32, #tpu.memory_space<vmem>>, %arg10: memref<128x128xf32, #tpu.memory_space<vmem>>, %arg11: memref<1x128xf32, #tpu.memory_space<vmem>>, %arg12: memref<4000x128xf32, #tpu.memory_space<vmem>>, %arg13: memref<1x128xf32, #tpu.memory_space<vmem>>) attributes {dimension_semantics = [#tpu.dimension_semantics<arbitrary>], iteration_bounds = array<i64: 20>, scalar_prefetch = 0 : i64, scratch_operands = 0 : i64, tpu.core_type = #tpu.core_type<tc>, window_params = [{transform_indices = @transform_0, window_bounds = array<i64: 4000, 128>}, {transform_indices = @transform_1, window_bounds = array<i64: 4000, 128>}, {transform_indices = @transform_2, window_bounds = array<i64: 4000, 64>}, {pipeline_mode = #tpu.pipeline_mode<synchronous>, transform_indices = @transform_3, window_bounds = array<i64: 1, 128>}, {pipeline_mode = #tpu.pipeline_mode<synchronous>, transform_indices = @transform_4, window_bounds = array<i64: 128, 128>}, {pipeline_mode = #tpu.pipeline_mode<synchronous>, transform_indices = @transform_5, window_bounds = array<i64: 1, 128>}, {pipeline_mode = #tpu.pipeline_mode<synchronous>, transform_indices = @transform_6, window_bounds = array<i64: 64, 128>}, {pipeline_mode = #tpu.pipeline_mode<synchronous>, transform_indices = @transform_7, window_bounds = array<i64: 128, 128>}, {pipeline_mode = #tpu.pipeline_mode<synchronous>, transform_indices = @transform_8, window_bounds = array<i64: 1, 128>}, {pipeline_mode = #tpu.pipeline_mode<synchronous>, transform_indices = @transform_9, window_bounds = array<i64: 128, 128>}, {pipeline_mode = #tpu.pipeline_mode<synchronous>, transform_indices = @transform_10, window_bounds = array<i64: 1, 128>}, {transform_indices = @transform_11, window_bounds = array<i64: 4000, 128>}, {pipeline_mode = #tpu.pipeline_mode<synchronous>, transform_indices = @transform_12, window_bounds = array<i64: 1, 128>}]} {
    %get3A = arith.constant 0 : index
    %get3A_0 = arith.constant 0 : index
    %get3A_1 = vector.load %arg4[%get3A, %get3A_0] : memref<1x128xf32, #tpu.memory_space<vmem>>, vector<1x128xf32>
    %get3A_2 = arith.constant 0 : index
    %get3A_3 = arith.constant 0 : index
    %get3A_4 = vector.load %arg5[%get3A_2, %get3A_3] : memref<128x128xf32, #tpu.memory_space<vmem>>, vector<128x128xf32>
    %dot_general3A = arith.constant dense<0.000000e+00> : vector<1x128xf32>
    %dot_general3A_5 = tpu.matmul %get3A_1, %get3A_4, %dot_general3A {dimension_numbers = #tpu.dot_dimension_numbers<[1], [0], [0], [1], [0, 0, 1, 1], [], []>, transpose_lhs_hint = false} : vector<1x128xf32>, vector<128x128xf32>, vector<1x128xf32> -> vector<1x128xf32>
    %get3A_6 = arith.constant 0 : index
    %get3A_7 = arith.constant 0 : index
    %get3A_8 = vector.load %arg6[%get3A_6, %get3A_7] : memref<1x128xf32, #tpu.memory_space<vmem>>, vector<1x128xf32>
    %add3A = arith.addf %dot_general3A_5, %get3A_8 : vector<1x128xf32>
    %get3A_9 = arith.constant 0 : index
    %get3A_10 = arith.constant 0 : index
    %get3A_11 = vector.load %arg1[%get3A_9, %get3A_10] : memref<4000x128xf32, #tpu.memory_space<vmem>>, vector<4000x128xf32>
    %get3A_12 = arith.constant 0 : index
    %get3A_13 = arith.constant 0 : index
    %get3A_14 = vector.load %arg2[%get3A_12, %get3A_13] : memref<4000x128xf32, #tpu.memory_space<vmem>>, vector<4000x128xf32>
    %add3A_15 = arith.addf %get3A_11, %get3A_14 : vector<4000x128xf32>
    %get3A_16 = arith.constant 0 : index
    %get3A_17 = arith.constant 0 : index
    %get3A_18 = vector.load %arg3[%get3A_16, %get3A_17] : memref<4000x64xf32, #tpu.memory_space<vmem>>, vector<4000x64xf32>
    %get3A_19 = arith.constant 0 : index
    %get3A_20 = arith.constant 0 : index
    %get3A_21 = vector.load %arg7[%get3A_19, %get3A_20] : memref<64x128xf32, #tpu.memory_space<vmem>>, vector<64x128xf32>
    %dot_general3A_22 = arith.constant dense<0.000000e+00> : vector<4000x128xf32>
    %dot_general3A_23 = tpu.matmul %get3A_18, %get3A_21, %dot_general3A_22 {dimension_numbers = #tpu.dot_dimension_numbers<[1], [0], [0], [1], [0, 0, 1, 1], [], []>, transpose_lhs_hint = false} : vector<4000x64xf32>, vector<64x128xf32>, vector<4000x128xf32> -> vector<4000x128xf32>
    %add3A_24 = arith.addf %add3A_15, %dot_general3A_23 : vector<4000x128xf32>
    %add3A_25 = vector.broadcast %add3A : vector<1x128xf32> to vector<4000x128xf32>
    %add3A_26 = arith.addf %add3A_24, %add3A_25 : vector<4000x128xf32>
    %max3A = arith.constant 0.000000e+00 : f32
    %max3A_27 = vector.broadcast %max3A : f32 to vector<4000x128xf32>
    %max3A_28 = arith.maximumf %add3A_26, %max3A_27 : vector<4000x128xf32>
    %abs3A = math.absf %add3A_26 : vector<4000x128xf32>
    %neg3A = arith.constant 0.000000e+00 : f32
    %neg3A_29 = vector.broadcast %neg3A : f32 to vector<4000x128xf32>
    %neg3A_30 = arith.subf %neg3A_29, %abs3A : vector<4000x128xf32>
    %exp3A = math.exp %neg3A_30 : vector<4000x128xf32>
    %log1p3A = math.log1p %exp3A : vector<4000x128xf32>
    %add3A_31 = arith.addf %max3A_28, %log1p3A : vector<4000x128xf32>
    %get3A_32 = arith.constant 0 : index
    %get3A_33 = arith.constant 0 : index
    %get3A_34 = vector.load %arg8[%get3A_32, %get3A_33] : memref<128x128xf32, #tpu.memory_space<vmem>>, vector<128x128xf32>
    %dot_general3A_35 = arith.constant dense<0.000000e+00> : vector<4000x128xf32>
    %dot_general3A_36 = tpu.matmul %add3A_31, %get3A_34, %dot_general3A_35 {dimension_numbers = #tpu.dot_dimension_numbers<[1], [0], [0], [1], [0, 0, 1, 1], [], []>, transpose_lhs_hint = false} : vector<4000x128xf32>, vector<128x128xf32>, vector<4000x128xf32> -> vector<4000x128xf32>
    %get3A_37 = arith.constant 0 : index
    %get3A_38 = arith.constant 0 : index
    %get3A_39 = vector.load %arg9[%get3A_37, %get3A_38] : memref<1x128xf32, #tpu.memory_space<vmem>>, vector<1x128xf32>
    %add3A_40 = vector.broadcast %get3A_39 : vector<1x128xf32> to vector<4000x128xf32>
    %add3A_41 = arith.addf %dot_general3A_36, %add3A_40 : vector<4000x128xf32>
    %max3A_42 = arith.constant 0.000000e+00 : f32
    %max3A_43 = vector.broadcast %max3A_42 : f32 to vector<4000x128xf32>
    %max3A_44 = arith.maximumf %add3A_41, %max3A_43 : vector<4000x128xf32>
    %abs3A_45 = math.absf %add3A_41 : vector<4000x128xf32>
    %neg3A_46 = arith.constant 0.000000e+00 : f32
    %neg3A_47 = vector.broadcast %neg3A_46 : f32 to vector<4000x128xf32>
    %neg3A_48 = arith.subf %neg3A_47, %abs3A_45 : vector<4000x128xf32>
    %exp3A_49 = math.exp %neg3A_48 : vector<4000x128xf32>
    %log1p3A_50 = math.log1p %exp3A_49 : vector<4000x128xf32>
    %add3A_51 = arith.addf %max3A_44, %log1p3A_50 : vector<4000x128xf32>
    %get3A_52 = arith.constant 0 : index
    %get3A_53 = arith.constant 0 : index
    %get3A_54 = vector.load %arg10[%get3A_52, %get3A_53] : memref<128x128xf32, #tpu.memory_space<vmem>>, vector<128x128xf32>
    %dot_general3A_55 = arith.constant dense<0.000000e+00> : vector<4000x128xf32>
    %dot_general3A_56 = tpu.matmul %add3A_51, %get3A_54, %dot_general3A_55 {dimension_numbers = #tpu.dot_dimension_numbers<[1], [0], [0], [1], [0, 0, 1, 1], [], []>, transpose_lhs_hint = false} : vector<4000x128xf32>, vector<128x128xf32>, vector<4000x128xf32> -> vector<4000x128xf32>
    %get3A_57 = arith.constant 0 : index
    %get3A_58 = arith.constant 0 : index
    %get3A_59 = vector.load %arg11[%get3A_57, %get3A_58] : memref<1x128xf32, #tpu.memory_space<vmem>>, vector<1x128xf32>
    %add3A_60 = vector.broadcast %get3A_59 : vector<1x128xf32> to vector<4000x128xf32>
    %add3A_61 = arith.addf %dot_general3A_56, %add3A_60 : vector<4000x128xf32>
    %swap3A = arith.constant 0 : index
    %swap3A_62 = arith.constant 0 : index
    %swap3A_63 = vector.load %arg12[%swap3A, %swap3A_62] : memref<4000x128xf32, #tpu.memory_space<vmem>>, vector<4000x128xf32>
    tpu.vector_store %arg12[%swap3A, %swap3A_62], %add3A_61 {strides = array<i32>} : memref<4000x128xf32, #tpu.memory_space<vmem>>, vector<4000x128xf32>,
    %reduce_sum3A = arith.constant dense<0.000000e+00> : vector<128xf32>
    %reduce_sum3A_64 = vector.multi_reduction <add>, %add3A_61, %reduce_sum3A [0] : vector<4000x128xf32> to vector<128xf32>
    %broadcast_in_dim3A = vector.shape_cast %reduce_sum3A_64 : vector<128xf32> to vector<1x128xf32>
    %eq3A = arith.constant 0 : i32
    %eq3A_65 = arith.cmpi eq, %arg0, %eq3A : i32
    %convert_element_type3A = arith.extui %eq3A_65 : i1 to i32
    %cond3A = arith.constant 0 : i32
    %cond3A_66 = arith.cmpi ne, %convert_element_type3A, %cond3A : i32
    scf.if %cond3A_66 {
      %swap3A_71 = arith.constant 0 : index
      %swap3A_72 = arith.constant 0 : index
      %swap3A_73 = vector.load %arg13[%swap3A_71, %swap3A_72] : memref<1x128xf32, #tpu.memory_space<vmem>>, vector<1x128xf32>
      tpu.vector_store %arg13[%swap3A_71, %swap3A_72], %broadcast_in_dim3A {strides = array<i32>} : memref<1x128xf32, #tpu.memory_space<vmem>>, vector<1x128xf32>,
    } else {
    }
    %ne3A = arith.constant 0 : i32
    %ne3A_67 = arith.cmpi ne, %arg0, %ne3A : i32
    %convert_element_type3A_68 = arith.extui %ne3A_67 : i1 to i32
    %cond3A_69 = arith.constant 0 : i32
    %cond3A_70 = arith.cmpi ne, %convert_element_type3A_68, %cond3A_69 : i32
    scf.if %cond3A_70 {
      %get3A_71 = arith.constant 0 : index
      %get3A_72 = arith.constant 0 : index
      %get3A_73 = vector.load %arg13[%get3A_71, %get3A_72] : memref<1x128xf32, #tpu.memory_space<vmem>>, vector<1x128xf32>
      %add3A_74 = arith.addf %get3A_73, %broadcast_in_dim3A : vector<1x128xf32>
      %swap3A_75 = arith.constant 0 : index
      %swap3A_76 = arith.constant 0 : index
      %swap3A_77 = vector.load %arg13[%swap3A_75, %swap3A_76] : memref<1x128xf32, #tpu.memory_space<vmem>>, vector<1x128xf32>
      tpu.vector_store %arg13[%swap3A_75, %swap3A_76], %add3A_74 {strides = array<i32>} : memref<1x128xf32, #tpu.memory_space<vmem>>, vector<1x128xf32>,
    } else {
    }
    return
  }
  func.func @transform_0(%arg0: i32) -> (i32, i32) {
    %c0_i32 = arith.constant 0 : i32
    %c0_i32_0 = arith.constant 0 : i32
    return %arg0, %c0_i32 : i32, i32
  }
  func.func @transform_1(%arg0: i32) -> (i32, i32) {
    %c0_i32 = arith.constant 0 : i32
    %c0_i32_0 = arith.constant 0 : i32
    return %arg0, %c0_i32 : i32, i32
  }
  func.func @transform_2(%arg0: i32) -> (i32, i32) {
    %c0_i32 = arith.constant 0 : i32
    %c0_i32_0 = arith.constant 0 : i32
    return %arg0, %c0_i32 : i32, i32
  }
  func.func @transform_3(%arg0: i32) -> (i32, i32) {
    %c0_i32 = arith.constant 0 : i32
    %c0_i32_0 = arith.constant 0 : i32
    %c0_i32_1 = arith.constant 0 : i32
    return %c0_i32, %c0_i32_0 : i32, i32
  }
  func.func @transform_4(%arg0: i32) -> (i32, i32) {
    %c0_i32 = arith.constant 0 : i32
    %c0_i32_0 = arith.constant 0 : i32
    %c0_i32_1 = arith.constant 0 : i32
    return %c0_i32, %c0_i32_0 : i32, i32
  }
  func.func @transform_5(%arg0: i32) -> (i32, i32) {
    %c0_i32 = arith.constant 0 : i32
    %c0_i32_0 = arith.constant 0 : i32
    %c0_i32_1 = arith.constant 0 : i32
    return %c0_i32, %c0_i32_0 : i32, i32
  }
  func.func @transform_6(%arg0: i32) -> (i32, i32) {
    %c0_i32 = arith.constant 0 : i32
    %c0_i32_0 = arith.constant 0 : i32
    %c0_i32_1 = arith.constant 0 : i32
    return %c0_i32, %c0_i32_0 : i32, i32
  }
  func.func @transform_7(%arg0: i32) -> (i32, i32) {
    %c0_i32 = arith.constant 0 : i32
    %c0_i32_0 = arith.constant 0 : i32
    %c0_i32_1 = arith.constant 0 : i32
    return %c0_i32, %c0_i32_0 : i32, i32
  }
  func.func @transform_8(%arg0: i32) -> (i32, i32) {
    %c0_i32 = arith.constant 0 : i32
    %c0_i32_0 = arith.constant 0 : i32
    %c0_i32_1 = arith.constant 0 : i32
    return %c0_i32, %c0_i32_0 : i32, i32
  }
  func.func @transform_9(%arg0: i32) -> (i32, i32) {
    %c0_i32 = arith.constant 0 : i32
    %c0_i32_0 = arith.constant 0 : i32
    %c0_i32_1 = arith.constant 0 : i32
    return %c0_i32, %c0_i32_0 : i32, i32
  }
  func.func @transform_10(%arg0: i32) -> (i32, i32) {
    %c0_i32 = arith.constant 0 : i32
    %c0_i32_0 = arith.constant 0 : i32
    %c0_i32_1 = arith.constant 0 : i32
    return %c0_i32, %c0_i32_0 : i32, i32
  }
  func.func @transform_11(%arg0: i32) -> (i32, i32) {
    %c0_i32 = arith.constant 0 : i32
    %c0_i32_0 = arith.constant 0 : i32
    return %arg0, %c0_i32 : i32, i32
  }
  func.func @transform_12(%arg0: i32) -> (i32, i32) {
    %c0_i32 = arith.constant 0 : i32
    %c0_i32_0 = arith.constant 0 : i32
    %c0_i32_1 = arith.constant 0 : i32
    return %c0_i32, %c0_i32_0 : i32, i32
  }
}

module attributes {stable_mosaic.version = 14 : i64} {
  func.func @_tc3_body(%arg0: i32, %arg1: memref<2000x128xf32, #tpu.memory_space<vmem>>, %arg2: memref<2x2000x32xf32, #tpu.memory_space<vmem>>, %arg3: memref<2x2000x16xf32, #tpu.memory_space<vmem>>, %arg4: memref<4x32xf32, #tpu.memory_space<vmem>>, %arg5: memref<1x32xf32, #tpu.memory_space<vmem>>, %arg6: memref<128x32xf32, #tpu.memory_space<vmem>>, %arg7: memref<32x32xf32, #tpu.memory_space<vmem>>, %arg8: memref<32x32xf32, #tpu.memory_space<vmem>>, %arg9: memref<1x32xf32, #tpu.memory_space<vmem>>, %arg10: memref<32x32xf32, #tpu.memory_space<vmem>>, %arg11: memref<1x32xf32, #tpu.memory_space<vmem>>, %arg12: memref<32x32xf32, #tpu.memory_space<vmem>>, %arg13: memref<1x32xf32, #tpu.memory_space<vmem>>, %arg14: memref<32x32xf32, #tpu.memory_space<vmem>>, %arg15: memref<32x32xf32, #tpu.memory_space<vmem>>, %arg16: memref<32x32xf32, #tpu.memory_space<vmem>>, %arg17: memref<1x32xf32, #tpu.memory_space<vmem>>, %arg18: memref<32x32xf32, #tpu.memory_space<vmem>>, %arg19: memref<1x32xf32, #tpu.memory_space<vmem>>, %arg20: memref<32x32xf32, #tpu.memory_space<vmem>>, %arg21: memref<1x32xf32, #tpu.memory_space<vmem>>, %arg22: memref<2000x32xf32, #tpu.memory_space<vmem>>, %arg23: memref<1x32xf32, #tpu.memory_space<vmem>>, %arg24: memref<1x32xf32, #tpu.memory_space<vmem>>) attributes {dimension_semantics = [#tpu.dimension_semantics<arbitrary>], iteration_bounds = array<i64: 5>, scalar_prefetch = 0 : i64, scratch_operands = 1 : i64, tpu.core_type = #tpu.core_type<tc>, window_params = [{transform_indices = @transform_0, window_bounds = array<i64: 2000, 128>}, {transform_indices = @transform_1, window_bounds = array<i64: 2, 2000, 32>}, {transform_indices = @transform_2, window_bounds = array<i64: 2, 2000, 16>}, {pipeline_mode = #tpu.pipeline_mode<synchronous>, transform_indices = @transform_3, window_bounds = array<i64: 4, 32>}, {pipeline_mode = #tpu.pipeline_mode<synchronous>, transform_indices = @transform_4, window_bounds = array<i64: 1, 32>}, {pipeline_mode = #tpu.pipeline_mode<synchronous>, transform_indices = @transform_5, window_bounds = array<i64: 128, 32>}, {pipeline_mode = #tpu.pipeline_mode<synchronous>, transform_indices = @transform_6, window_bounds = array<i64: 32, 32>}, {pipeline_mode = #tpu.pipeline_mode<synchronous>, transform_indices = @transform_7, window_bounds = array<i64: 32, 32>}, {pipeline_mode = #tpu.pipeline_mode<synchronous>, transform_indices = @transform_8, window_bounds = array<i64: 1, 32>}, {pipeline_mode = #tpu.pipeline_mode<synchronous>, transform_indices = @transform_9, window_bounds = array<i64: 32, 32>}, {pipeline_mode = #tpu.pipeline_mode<synchronous>, transform_indices = @transform_10, window_bounds = array<i64: 1, 32>}, {pipeline_mode = #tpu.pipeline_mode<synchronous>, transform_indices = @transform_11, window_bounds = array<i64: 32, 32>}, {pipeline_mode = #tpu.pipeline_mode<synchronous>, transform_indices = @transform_12, window_bounds = array<i64: 1, 32>}, {pipeline_mode = #tpu.pipeline_mode<synchronous>, transform_indices = @transform_13, window_bounds = array<i64: 32, 32>}, {pipeline_mode = #tpu.pipeline_mode<synchronous>, transform_indices = @transform_14, window_bounds = array<i64: 32, 32>}, {pipeline_mode = #tpu.pipeline_mode<synchronous>, transform_indices = @transform_15, window_bounds = array<i64: 32, 32>}, {pipeline_mode = #tpu.pipeline_mode<synchronous>, transform_indices = @transform_16, window_bounds = array<i64: 1, 32>}, {pipeline_mode = #tpu.pipeline_mode<synchronous>, transform_indices = @transform_17, window_bounds = array<i64: 32, 32>}, {pipeline_mode = #tpu.pipeline_mode<synchronous>, transform_indices = @transform_18, window_bounds = array<i64: 1, 32>}, {pipeline_mode = #tpu.pipeline_mode<synchronous>, transform_indices = @transform_19, window_bounds = array<i64: 32, 32>}, {pipeline_mode = #tpu.pipeline_mode<synchronous>, transform_indices = @transform_20, window_bounds = array<i64: 1, 32>}, {transform_indices = @transform_21, window_bounds = array<i64: 2000, 32>}, {pipeline_mode = #tpu.pipeline_mode<synchronous>, transform_indices = @transform_22, window_bounds = array<i64: 1, 32>}]} {
    %get3A = arith.constant 0 : index
    %get3A_0 = arith.constant 0 : index
    %get3A_1 = arith.constant 0 : index
    %get3A_2 = vector.load %arg3[%get3A, %get3A_0, %get3A_1] : memref<2x2000x16xf32, #tpu.memory_space<vmem>>, vector<1x2000x1xf32>
    %get3A_3 = vector.shape_cast %get3A_2 : vector<1x2000x1xf32> to vector<2000x1xf32>
    %get3A_4 = arith.constant 1 : index
    %get3A_5 = arith.constant 0 : index
    %get3A_6 = arith.constant 0 : index
    %get3A_7 = vector.load %arg3[%get3A_4, %get3A_5, %get3A_6] : memref<2x2000x16xf32, #tpu.memory_space<vmem>>, vector<1x2000x1xf32>
    %get3A_8 = vector.shape_cast %get3A_7 : vector<1x2000x1xf32> to vector<2000x1xf32>
    %add3A = arith.addf %get3A_3, %get3A_8 : vector<2000x1xf32>
    %get3A_9 = arith.constant 0 : index
    %get3A_10 = arith.constant 0 : index
    %get3A_11 = arith.constant 0 : index
    %get3A_12 = vector.load %arg2[%get3A_9, %get3A_10, %get3A_11] : memref<2x2000x32xf32, #tpu.memory_space<vmem>>, vector<1x2000x32xf32>
    %get3A_13 = vector.shape_cast %get3A_12 : vector<1x2000x32xf32> to vector<2000x32xf32>
    %get3A_14 = arith.constant 1 : index
    %get3A_15 = arith.constant 0 : index
    %get3A_16 = arith.constant 0 : index
    %get3A_17 = vector.load %arg2[%get3A_14, %get3A_15, %get3A_16] : memref<2x2000x32xf32, #tpu.memory_space<vmem>>, vector<1x2000x32xf32>
    %get3A_18 = vector.shape_cast %get3A_17 : vector<1x2000x32xf32> to vector<2000x32xf32>
    %add3A_19 = arith.addf %get3A_13, %get3A_18 : vector<2000x32xf32>
    %max3A = arith.constant 1.000000e+00 : f32
    %max3A_20 = vector.broadcast %max3A : f32 to vector<2000x1xf32>
    %max3A_21 = arith.maximumf %add3A, %max3A_20 : vector<2000x1xf32>
    %div3A = vector.broadcast %max3A_21 : vector<2000x1xf32> to vector<2000x32xf32>
    %div3A_22 = arith.divf %add3A_19, %div3A : vector<2000x32xf32>
    %get3A_23 = arith.constant 0 : index
    %get3A_24 = arith.constant 0 : index
    %get3A_25 = vector.load %arg5[%get3A_23, %get3A_24] : memref<1x32xf32, #tpu.memory_space<vmem>>, vector<1x32xf32>
    %get3A_26 = arith.constant 0 : index
    %get3A_27 = arith.constant 0 : index
    %get3A_28 = vector.load %arg8[%get3A_26, %get3A_27] : memref<32x32xf32, #tpu.memory_space<vmem>>, vector<32x32xf32>
    %dot_general3A = arith.constant dense<0.000000e+00> : vector<1x32xf32>
    %dot_general3A_29 = tpu.matmul %get3A_25, %get3A_28, %dot_general3A {dimension_numbers = #tpu.dot_dimension_numbers<[1], [0], [0], [1], [0, 0, 1, 1], [], []>, transpose_lhs_hint = false} : vector<1x32xf32>, vector<32x32xf32>, vector<1x32xf32> -> vector<1x32xf32>
    %get3A_30 = arith.constant 0 : index
    %get3A_31 = arith.constant 0 : index
    %get3A_32 = vector.load %arg1[%get3A_30, %get3A_31] : memref<2000x128xf32, #tpu.memory_space<vmem>>, vector<2000x128xf32>
    %get3A_33 = arith.constant 0 : index
    %get3A_34 = arith.constant 0 : index
    %get3A_35 = vector.load %arg6[%get3A_33, %get3A_34] : memref<128x32xf32, #tpu.memory_space<vmem>>, vector<128x32xf32>
    %dot_general3A_36 = arith.constant dense<0.000000e+00> : vector<2000x32xf32>
    %dot_general3A_37 = tpu.matmul %get3A_32, %get3A_35, %dot_general3A_36 {dimension_numbers = #tpu.dot_dimension_numbers<[1], [0], [0], [1], [0, 0, 1, 1], [], []>, transpose_lhs_hint = false} : vector<2000x128xf32>, vector<128x32xf32>, vector<2000x32xf32> -> vector<2000x32xf32>
    %get3A_38 = arith.constant 0 : index
    %get3A_39 = arith.constant 0 : index
    %get3A_40 = vector.load %arg7[%get3A_38, %get3A_39] : memref<32x32xf32, #tpu.memory_space<vmem>>, vector<32x32xf32>
    %dot_general3A_41 = arith.constant dense<0.000000e+00> : vector<2000x32xf32>
    %dot_general3A_42 = tpu.matmul %div3A_22, %get3A_40, %dot_general3A_41 {dimension_numbers = #tpu.dot_dimension_numbers<[1], [0], [0], [1], [0, 0, 1, 1], [], []>, transpose_lhs_hint = false} : vector<2000x32xf32>, vector<32x32xf32>, vector<2000x32xf32> -> vector<2000x32xf32>
    %add3A_43 = arith.addf %dot_general3A_37, %dot_general3A_42 : vector<2000x32xf32>
    %add3A_44 = vector.broadcast %dot_general3A_29 : vector<1x32xf32> to vector<2000x32xf32>
    %add3A_45 = arith.addf %add3A_43, %add3A_44 : vector<2000x32xf32>
    %get3A_46 = arith.constant 0 : index
    %get3A_47 = arith.constant 0 : index
    %get3A_48 = vector.load %arg9[%get3A_46, %get3A_47] : memref<1x32xf32, #tpu.memory_space<vmem>>, vector<1x32xf32>
    %add3A_49 = vector.broadcast %get3A_48 : vector<1x32xf32> to vector<2000x32xf32>
    %add3A_50 = arith.addf %add3A_45, %add3A_49 : vector<2000x32xf32>
    %max3A_51 = arith.constant 0.000000e+00 : f32
    %max3A_52 = vector.broadcast %max3A_51 : f32 to vector<2000x32xf32>
    %max3A_53 = arith.maximumf %add3A_50, %max3A_52 : vector<2000x32xf32>
    %abs3A = math.absf %add3A_50 : vector<2000x32xf32>
    %neg3A = arith.constant 0.000000e+00 : f32
    %neg3A_54 = vector.broadcast %neg3A : f32 to vector<2000x32xf32>
    %neg3A_55 = arith.subf %neg3A_54, %abs3A : vector<2000x32xf32>
    %exp3A = math.exp %neg3A_55 : vector<2000x32xf32>
    %log1p3A = math.log1p %exp3A : vector<2000x32xf32>
    %add3A_56 = arith.addf %max3A_53, %log1p3A : vector<2000x32xf32>
    %get3A_57 = arith.constant 0 : index
    %get3A_58 = arith.constant 0 : index
    %get3A_59 = vector.load %arg10[%get3A_57, %get3A_58] : memref<32x32xf32, #tpu.memory_space<vmem>>, vector<32x32xf32>
    %dot_general3A_60 = arith.constant dense<0.000000e+00> : vector<2000x32xf32>
    %dot_general3A_61 = tpu.matmul %add3A_56, %get3A_59, %dot_general3A_60 {dimension_numbers = #tpu.dot_dimension_numbers<[1], [0], [0], [1], [0, 0, 1, 1], [], []>, transpose_lhs_hint = false} : vector<2000x32xf32>, vector<32x32xf32>, vector<2000x32xf32> -> vector<2000x32xf32>
    %get3A_62 = arith.constant 0 : index
    %get3A_63 = arith.constant 0 : index
    %get3A_64 = vector.load %arg11[%get3A_62, %get3A_63] : memref<1x32xf32, #tpu.memory_space<vmem>>, vector<1x32xf32>
    %add3A_65 = vector.broadcast %get3A_64 : vector<1x32xf32> to vector<2000x32xf32>
    %add3A_66 = arith.addf %dot_general3A_61, %add3A_65 : vector<2000x32xf32>
    %max3A_67 = arith.constant 0.000000e+00 : f32
    %max3A_68 = vector.broadcast %max3A_67 : f32 to vector<2000x32xf32>
    %max3A_69 = arith.maximumf %add3A_66, %max3A_68 : vector<2000x32xf32>
    %abs3A_70 = math.absf %add3A_66 : vector<2000x32xf32>
    %neg3A_71 = arith.constant 0.000000e+00 : f32
    %neg3A_72 = vector.broadcast %neg3A_71 : f32 to vector<2000x32xf32>
    %neg3A_73 = arith.subf %neg3A_72, %abs3A_70 : vector<2000x32xf32>
    %exp3A_74 = math.exp %neg3A_73 : vector<2000x32xf32>
    %log1p3A_75 = math.log1p %exp3A_74 : vector<2000x32xf32>
    %add3A_76 = arith.addf %max3A_69, %log1p3A_75 : vector<2000x32xf32>
    %get3A_77 = arith.constant 0 : index
    %get3A_78 = arith.constant 0 : index
    %get3A_79 = vector.load %arg12[%get3A_77, %get3A_78] : memref<32x32xf32, #tpu.memory_space<vmem>>, vector<32x32xf32>
    %dot_general3A_80 = arith.constant dense<0.000000e+00> : vector<2000x32xf32>
    %dot_general3A_81 = tpu.matmul %add3A_76, %get3A_79, %dot_general3A_80 {dimension_numbers = #tpu.dot_dimension_numbers<[1], [0], [0], [1], [0, 0, 1, 1], [], []>, transpose_lhs_hint = false} : vector<2000x32xf32>, vector<32x32xf32>, vector<2000x32xf32> -> vector<2000x32xf32>
    %get3A_82 = arith.constant 0 : index
    %get3A_83 = arith.constant 0 : index
    %get3A_84 = vector.load %arg13[%get3A_82, %get3A_83] : memref<1x32xf32, #tpu.memory_space<vmem>>, vector<1x32xf32>
    %add3A_85 = vector.broadcast %get3A_84 : vector<1x32xf32> to vector<2000x32xf32>
    %add3A_86 = arith.addf %dot_general3A_81, %add3A_85 : vector<2000x32xf32>
    %swap3A = arith.constant 0 : index
    %swap3A_87 = arith.constant 0 : index
    %swap3A_88 = vector.load %arg22[%swap3A, %swap3A_87] : memref<2000x32xf32, #tpu.memory_space<vmem>>, vector<2000x32xf32>
    tpu.vector_store %arg22[%swap3A, %swap3A_87], %add3A_86 {strides = array<i32>} : memref<2000x32xf32, #tpu.memory_space<vmem>>, vector<2000x32xf32>,
    %reduce_sum3A = arith.constant dense<0.000000e+00> : vector<32xf32>
    %reduce_sum3A_89 = vector.multi_reduction <add>, %add3A_86, %reduce_sum3A [0] : vector<2000x32xf32> to vector<32xf32>
    %broadcast_in_dim3A = vector.shape_cast %reduce_sum3A_89 : vector<32xf32> to vector<1x32xf32>
    %eq3A = arith.constant 0 : i32
    %eq3A_90 = arith.cmpi eq, %arg0, %eq3A : i32
    %convert_element_type3A = arith.extui %eq3A_90 : i1 to i32
    %cond3A = arith.constant 0 : i32
    %cond3A_91 = arith.cmpi ne, %convert_element_type3A, %cond3A : i32
    scf.if %cond3A_91 {
      %swap3A_175 = arith.constant 0 : index
      %swap3A_176 = arith.constant 0 : index
      %swap3A_177 = vector.load %arg24[%swap3A_175, %swap3A_176] : memref<1x32xf32, #tpu.memory_space<vmem>>, vector<1x32xf32>
      tpu.vector_store %arg24[%swap3A_175, %swap3A_176], %broadcast_in_dim3A {strides = array<i32>} : memref<1x32xf32, #tpu.memory_space<vmem>>, vector<1x32xf32>,
    } else {
    }
    %ne3A = arith.constant 0 : i32
    %ne3A_92 = arith.cmpi ne, %arg0, %ne3A : i32
    %convert_element_type3A_93 = arith.extui %ne3A_92 : i1 to i32
    %cond3A_94 = arith.constant 0 : i32
    %cond3A_95 = arith.cmpi ne, %convert_element_type3A_93, %cond3A_94 : i32
    scf.if %cond3A_95 {
      %get3A_175 = arith.constant 0 : index
      %get3A_176 = arith.constant 0 : index
      %get3A_177 = vector.load %arg24[%get3A_175, %get3A_176] : memref<1x32xf32, #tpu.memory_space<vmem>>, vector<1x32xf32>
      %add3A_178 = arith.addf %get3A_177, %broadcast_in_dim3A : vector<1x32xf32>
      %swap3A_179 = arith.constant 0 : index
      %swap3A_180 = arith.constant 0 : index
      %swap3A_181 = vector.load %arg24[%swap3A_179, %swap3A_180] : memref<1x32xf32, #tpu.memory_space<vmem>>, vector<1x32xf32>
      tpu.vector_store %arg24[%swap3A_179, %swap3A_180], %add3A_178 {strides = array<i32>} : memref<1x32xf32, #tpu.memory_space<vmem>>, vector<1x32xf32>,
    } else {
    }
    %get3A_96 = arith.constant 0 : index
    %get3A_97 = arith.constant 0 : index
    %get3A_98 = vector.load %arg4[%get3A_96, %get3A_97] : memref<4x32xf32, #tpu.memory_space<vmem>>, vector<4x32xf32>
    %reduce_sum3A_99 = arith.constant dense<0.000000e+00> : vector<32xf32>
    %reduce_sum3A_100 = vector.multi_reduction <add>, %get3A_98, %reduce_sum3A_99 [0] : vector<4x32xf32> to vector<32xf32>
    %broadcast_in_dim3A_101 = vector.shape_cast %reduce_sum3A_100 : vector<32xf32> to vector<1x32xf32>
    %mul3A = arith.constant 3.125000e-06 : f32
    %mul3A_102 = vector.broadcast %mul3A : f32 to vector<1x32xf32>
    %mul3A_103 = arith.mulf %broadcast_in_dim3A_101, %mul3A_102 : vector<1x32xf32>
    %get3A_104 = arith.constant 0 : index
    %get3A_105 = arith.constant 0 : index
    %get3A_106 = vector.load %arg24[%get3A_104, %get3A_105] : memref<1x32xf32, #tpu.memory_space<vmem>>, vector<1x32xf32>
    %mul3A_107 = arith.constant 9.99999974E-5 : f32
    %mul3A_108 = vector.broadcast %mul3A_107 : f32 to vector<1x32xf32>
    %mul3A_109 = arith.mulf %get3A_106, %mul3A_108 : vector<1x32xf32>
    %get3A_110 = arith.constant 0 : index
    %get3A_111 = arith.constant 0 : index
    %get3A_112 = vector.load %arg14[%get3A_110, %get3A_111] : memref<32x32xf32, #tpu.memory_space<vmem>>, vector<32x32xf32>
    %dot_general3A_113 = arith.constant dense<0.000000e+00> : vector<1x32xf32>
    %dot_general3A_114 = tpu.matmul %mul3A_103, %get3A_112, %dot_general3A_113 {dimension_numbers = #tpu.dot_dimension_numbers<[1], [0], [0], [1], [0, 0, 1, 1], [], []>, transpose_lhs_hint = false} : vector<1x32xf32>, vector<32x32xf32>, vector<1x32xf32> -> vector<1x32xf32>
    %get3A_115 = arith.constant 0 : index
    %get3A_116 = arith.constant 0 : index
    %get3A_117 = vector.load %arg15[%get3A_115, %get3A_116] : memref<32x32xf32, #tpu.memory_space<vmem>>, vector<32x32xf32>
    %dot_general3A_118 = arith.constant dense<0.000000e+00> : vector<1x32xf32>
    %dot_general3A_119 = tpu.matmul %mul3A_109, %get3A_117, %dot_general3A_118 {dimension_numbers = #tpu.dot_dimension_numbers<[1], [0], [0], [1], [0, 0, 1, 1], [], []>, transpose_lhs_hint = false} : vector<1x32xf32>, vector<32x32xf32>, vector<1x32xf32> -> vector<1x32xf32>
    %add3A_120 = arith.addf %dot_general3A_114, %dot_general3A_119 : vector<1x32xf32>
    %get3A_121 = arith.constant 0 : index
    %get3A_122 = arith.constant 0 : index
    %get3A_123 = vector.load %arg5[%get3A_121, %get3A_122] : memref<1x32xf32, #tpu.memory_space<vmem>>, vector<1x32xf32>
    %get3A_124 = arith.constant 0 : index
    %get3A_125 = arith.constant 0 : index
    %get3A_126 = vector.load %arg16[%get3A_124, %get3A_125] : memref<32x32xf32, #tpu.memory_space<vmem>>, vector<32x32xf32>
    %dot_general3A_127 = arith.constant dense<0.000000e+00> : vector<1x32xf32>
    %dot_general3A_128 = tpu.matmul %get3A_123, %get3A_126, %dot_general3A_127 {dimension_numbers = #tpu.dot_dimension_numbers<[1], [0], [0], [1], [0, 0, 1, 1], [], []>, transpose_lhs_hint = false} : vector<1x32xf32>, vector<32x32xf32>, vector<1x32xf32> -> vector<1x32xf32>
    %add3A_129 = arith.addf %add3A_120, %dot_general3A_128 : vector<1x32xf32>
    %get3A_130 = arith.constant 0 : index
    %get3A_131 = arith.constant 0 : index
    %get3A_132 = vector.load %arg17[%get3A_130, %get3A_131] : memref<1x32xf32, #tpu.memory_space<vmem>>, vector<1x32xf32>
    %add3A_133 = arith.addf %add3A_129, %get3A_132 : vector<1x32xf32>
    %max3A_134 = arith.constant 0.000000e+00 : f32
    %max3A_135 = vector.broadcast %max3A_134 : f32 to vector<1x32xf32>
    %max3A_136 = arith.maximumf %add3A_133, %max3A_135 : vector<1x32xf32>
    %abs3A_137 = math.absf %add3A_133 : vector<1x32xf32>
    %neg3A_138 = arith.constant 0.000000e+00 : f32
    %neg3A_139 = vector.broadcast %neg3A_138 : f32 to vector<1x32xf32>
    %neg3A_140 = arith.subf %neg3A_139, %abs3A_137 : vector<1x32xf32>
    %exp3A_141 = math.exp %neg3A_140 : vector<1x32xf32>
    %log1p3A_142 = math.log1p %exp3A_141 : vector<1x32xf32>
    %add3A_143 = arith.addf %max3A_136, %log1p3A_142 : vector<1x32xf32>
    %get3A_144 = arith.constant 0 : index
    %get3A_145 = arith.constant 0 : index
    %get3A_146 = vector.load %arg18[%get3A_144, %get3A_145] : memref<32x32xf32, #tpu.memory_space<vmem>>, vector<32x32xf32>
    %dot_general3A_147 = arith.constant dense<0.000000e+00> : vector<1x32xf32>
    %dot_general3A_148 = tpu.matmul %add3A_143, %get3A_146, %dot_general3A_147 {dimension_numbers = #tpu.dot_dimension_numbers<[1], [0], [0], [1], [0, 0, 1, 1], [], []>, transpose_lhs_hint = false} : vector<1x32xf32>, vector<32x32xf32>, vector<1x32xf32> -> vector<1x32xf32>
    %get3A_149 = arith.constant 0 : index
    %get3A_150 = arith.constant 0 : index
    %get3A_151 = vector.load %arg19[%get3A_149, %get3A_150] : memref<1x32xf32, #tpu.memory_space<vmem>>, vector<1x32xf32>
    %add3A_152 = arith.addf %dot_general3A_148, %get3A_151 : vector<1x32xf32>
    %max3A_153 = arith.constant 0.000000e+00 : f32
    %max3A_154 = vector.broadcast %max3A_153 : f32 to vector<1x32xf32>
    %max3A_155 = arith.maximumf %add3A_152, %max3A_154 : vector<1x32xf32>
    %abs3A_156 = math.absf %add3A_152 : vector<1x32xf32>
    %neg3A_157 = arith.constant 0.000000e+00 : f32
    %neg3A_158 = vector.broadcast %neg3A_157 : f32 to vector<1x32xf32>
    %neg3A_159 = arith.subf %neg3A_158, %abs3A_156 : vector<1x32xf32>
    %exp3A_160 = math.exp %neg3A_159 : vector<1x32xf32>
    %log1p3A_161 = math.log1p %exp3A_160 : vector<1x32xf32>
    %add3A_162 = arith.addf %max3A_155, %log1p3A_161 : vector<1x32xf32>
    %get3A_163 = arith.constant 0 : index
    %get3A_164 = arith.constant 0 : index
    %get3A_165 = vector.load %arg20[%get3A_163, %get3A_164] : memref<32x32xf32, #tpu.memory_space<vmem>>, vector<32x32xf32>
    %dot_general3A_166 = arith.constant dense<0.000000e+00> : vector<1x32xf32>
    %dot_general3A_167 = tpu.matmul %add3A_162, %get3A_165, %dot_general3A_166 {dimension_numbers = #tpu.dot_dimension_numbers<[1], [0], [0], [1], [0, 0, 1, 1], [], []>, transpose_lhs_hint = false} : vector<1x32xf32>, vector<32x32xf32>, vector<1x32xf32> -> vector<1x32xf32>
    %get3A_168 = arith.constant 0 : index
    %get3A_169 = arith.constant 0 : index
    %get3A_170 = vector.load %arg21[%get3A_168, %get3A_169] : memref<1x32xf32, #tpu.memory_space<vmem>>, vector<1x32xf32>
    %add3A_171 = arith.addf %dot_general3A_167, %get3A_170 : vector<1x32xf32>
    %swap3A_172 = arith.constant 0 : index
    %swap3A_173 = arith.constant 0 : index
    %swap3A_174 = vector.load %arg23[%swap3A_172, %swap3A_173] : memref<1x32xf32, #tpu.memory_space<vmem>>, vector<1x32xf32>
    tpu.vector_store %arg23[%swap3A_172, %swap3A_173], %add3A_171 {strides = array<i32>} : memref<1x32xf32, #tpu.memory_space<vmem>>, vector<1x32xf32>,
    return
  }
  func.func @transform_0(%arg0: i32) -> (i32, i32) {
    %c0_i32 = arith.constant 0 : i32
    %c0_i32_0 = arith.constant 0 : i32
    return %arg0, %c0_i32 : i32, i32
  }
  func.func @transform_1(%arg0: i32) -> (i32, i32, i32) {
    %c0_i32 = arith.constant 0 : i32
    %c0_i32_0 = arith.constant 0 : i32
    %c0_i32_1 = arith.constant 0 : i32
    return %c0_i32, %arg0, %c0_i32_0 : i32, i32, i32
  }
  func.func @transform_2(%arg0: i32) -> (i32, i32, i32) {
    %c0_i32 = arith.constant 0 : i32
    %c0_i32_0 = arith.constant 0 : i32
    %c0_i32_1 = arith.constant 0 : i32
    return %c0_i32, %arg0, %c0_i32_0 : i32, i32, i32
  }
  func.func @transform_3(%arg0: i32) -> (i32, i32) {
    %c0_i32 = arith.constant 0 : i32
    %c0_i32_0 = arith.constant 0 : i32
    %c0_i32_1 = arith.constant 0 : i32
    return %c0_i32, %c0_i32_0 : i32, i32
  }
  func.func @transform_4(%arg0: i32) -> (i32, i32) {
    %c0_i32 = arith.constant 0 : i32
    %c0_i32_0 = arith.constant 0 : i32
    %c0_i32_1 = arith.constant 0 : i32
    return %c0_i32, %c0_i32_0 : i32, i32
  }
  func.func @transform_5(%arg0: i32) -> (i32, i32) {
    %c0_i32 = arith.constant 0 : i32
    %c0_i32_0 = arith.constant 0 : i32
    %c0_i32_1 = arith.constant 0 : i32
    return %c0_i32, %c0_i32_0 : i32, i32
  }
  func.func @transform_6(%arg0: i32) -> (i32, i32) {
    %c0_i32 = arith.constant 0 : i32
    %c0_i32_0 = arith.constant 0 : i32
    %c0_i32_1 = arith.constant 0 : i32
    return %c0_i32, %c0_i32_0 : i32, i32
  }
  func.func @transform_7(%arg0: i32) -> (i32, i32) {
    %c0_i32 = arith.constant 0 : i32
    %c0_i32_0 = arith.constant 0 : i32
    %c0_i32_1 = arith.constant 0 : i32
    return %c0_i32, %c0_i32_0 : i32, i32
  }
  func.func @transform_8(%arg0: i32) -> (i32, i32) {
    %c0_i32 = arith.constant 0 : i32
    %c0_i32_0 = arith.constant 0 : i32
    %c0_i32_1 = arith.constant 0 : i32
    return %c0_i32, %c0_i32_0 : i32, i32
  }
  func.func @transform_9(%arg0: i32) -> (i32, i32) {
    %c0_i32 = arith.constant 0 : i32
    %c0_i32_0 = arith.constant 0 : i32
    %c0_i32_1 = arith.constant 0 : i32
    return %c0_i32, %c0_i32_0 : i32, i32
  }
  func.func @transform_10(%arg0: i32) -> (i32, i32) {
    %c0_i32 = arith.constant 0 : i32
    %c0_i32_0 = arith.constant 0 : i32
    %c0_i32_1 = arith.constant 0 : i32
    return %c0_i32, %c0_i32_0 : i32, i32
  }
  func.func @transform_11(%arg0: i32) -> (i32, i32) {
    %c0_i32 = arith.constant 0 : i32
    %c0_i32_0 = arith.constant 0 : i32
    %c0_i32_1 = arith.constant 0 : i32
    return %c0_i32, %c0_i32_0 : i32, i32
  }
  func.func @transform_12(%arg0: i32) -> (i32, i32) {
    %c0_i32 = arith.constant 0 : i32
    %c0_i32_0 = arith.constant 0 : i32
    %c0_i32_1 = arith.constant 0 : i32
    return %c0_i32, %c0_i32_0 : i32, i32
  }
  func.func @transform_13(%arg0: i32) -> (i32, i32) {
    %c0_i32 = arith.constant 0 : i32
    %c0_i32_0 = arith.constant 0 : i32
    %c0_i32_1 = arith.constant 0 : i32
    return %c0_i32, %c0_i32_0 : i32, i32
  }
  func.func @transform_14(%arg0: i32) -> (i32, i32) {
    %c0_i32 = arith.constant 0 : i32
    %c0_i32_0 = arith.constant 0 : i32
    %c0_i32_1 = arith.constant 0 : i32
    return %c0_i32, %c0_i32_0 : i32, i32
  }
  func.func @transform_15(%arg0: i32) -> (i32, i32) {
    %c0_i32 = arith.constant 0 : i32
    %c0_i32_0 = arith.constant 0 : i32
    %c0_i32_1 = arith.constant 0 : i32
    return %c0_i32, %c0_i32_0 : i32, i32
  }
  func.func @transform_16(%arg0: i32) -> (i32, i32) {
    %c0_i32 = arith.constant 0 : i32
    %c0_i32_0 = arith.constant 0 : i32
    %c0_i32_1 = arith.constant 0 : i32
    return %c0_i32, %c0_i32_0 : i32, i32
  }
  func.func @transform_17(%arg0: i32) -> (i32, i32) {
    %c0_i32 = arith.constant 0 : i32
    %c0_i32_0 = arith.constant 0 : i32
    %c0_i32_1 = arith.constant 0 : i32
    return %c0_i32, %c0_i32_0 : i32, i32
  }
  func.func @transform_18(%arg0: i32) -> (i32, i32) {
    %c0_i32 = arith.constant 0 : i32
    %c0_i32_0 = arith.constant 0 : i32
    %c0_i32_1 = arith.constant 0 : i32
    return %c0_i32, %c0_i32_0 : i32, i32
  }
  func.func @transform_19(%arg0: i32) -> (i32, i32) {
    %c0_i32 = arith.constant 0 : i32
    %c0_i32_0 = arith.constant 0 : i32
    %c0_i32_1 = arith.constant 0 : i32
    return %c0_i32, %c0_i32_0 : i32, i32
  }
  func.func @transform_20(%arg0: i32) -> (i32, i32) {
    %c0_i32 = arith.constant 0 : i32
    %c0_i32_0 = arith.constant 0 : i32
    %c0_i32_1 = arith.constant 0 : i32
    return %c0_i32, %c0_i32_0 : i32, i32
  }
  func.func @transform_21(%arg0: i32) -> (i32, i32) {
    %c0_i32 = arith.constant 0 : i32
    %c0_i32_0 = arith.constant 0 : i32
    return %arg0, %c0_i32 : i32, i32
  }
  func.func @transform_22(%arg0: i32) -> (i32, i32) {
    %c0_i32 = arith.constant 0 : i32
    %c0_i32_0 = arith.constant 0 : i32
    %c0_i32_1 = arith.constant 0 : i32
    return %c0_i32, %c0_i32_0 : i32, i32
  }
}

</mosaic_0001>

<sc_bundles>
// kernel: kernel.10.cloned.1.call-start
scs
__scs_entry_jumppad:
0x0: {  	(pc) =	sbr.rel $0x88, $3  }
0x1: {  	(tag) =	ssettag $0x0;
	lr =	simm.s32 $0x1  }
0x2: {  	[smem:$0x3F8B] =	sst lr;
	_ =	strace $0xD0000000  }
0x3: {  	_ = 	snop  }
0x4: {  	_ = 	snop  }
0x5: {  	_ = 	snop  }
0x6: {  	_ = 	snop  }
0x7: {  	_ = 	snop  }
__scs_overlays_trampoline_lowered:
0x8: {  	[smem:$0x3F9A] =	sst s0  }
0x9: {  	[smem:$0x3F9B] =	sst s1  }
0xa: {  	[smem:$0x3F9C] =	sst s2  }
0xb: {  	[smem:$0x3F9D] =	sst s3  }
0xc: {  	[smem:$0x3F9E] =	sst s4  }
0xd: {  	[smem:$0x3F9F] =	sst s5  }
0xe: {  	[smem:$0x3FA0] =	sst s6  }
0xf: {  	[smem:$0x3FA1] =	sst s7  }
0x10: {  	[smem:$0x3FA2] =	sst s8  }
0x11: {  	[smem:$0x3FA3] =	sst s9;
	s0 =	simm.s32 @!p0 $0x0  }
0x12: {  	s1 =	sld [smem:$0x3F89];
	s0 =	simm.s32 @p0 $0x1  }
0x13: {  	[smem:$0x3FA4] =	sst s0;
	s0 =	simm.s32 @!p1 $0x0  }
0x14: {  	s2 =	sld [smem:$0x3F88];
	s0 =	simm.s32 @p1 $0x1  }
0x15: {  	[smem:$0x3FA5] =	sst s0;
	s0 =	simm.s32 @!p2 $0x0  }
0x16: {  	s3 =	sld [smem:$0x3FDB];
	s0 =	simm.s32 @p2 $0x1  }
0x17: {  	s4 =	simm.s32 $0x1BF5;
	[smem:$0x3FA7] =	sst s0  }
0x18: {  	s0 =	sld [smem:$0x3F8A];
	_ =	swait.ge [sflag:s4], $0x0  }
0x19: {  	s7 =	sld [smem:$0x3F8B]  }
0x1a: {  	s8 =	sadd.s32 $0xFFFFE003, lr  }
0x1b: {  	s9 =	sadd.s32 $0xFFFFFEF7, lr;
	s5 =	simm.s32 $0xFFFFFFFF;
	p2 =	slt.u32 s8, $0xFFFFF086  }
0x1c: {  	p1 =	slt.u32 s9, $0xF7A;
	s5 =	simm.s32 @!p2 $0x0  }
0x1d: {  	s5 =	simm.s32 @p1 $0x1;
	p0 =	seq.s32 s7, s2  }
0x1e: {  	s7 =	smul.u32 @!p0 $0xF7A, s2;
	p2 =	seq.s32 @!p0 s5, $0x0  }
0x1f: {  	s9 =	smul.u32 $0xF7A, s1;
	s8 =	simm.s32 @!p0 $0x1BF5;
	p2 =	por !p2, p0  }
0x20: {  	[sflag:s8] =	ssyncset.s32 @!p0 $0xFFFFF086;
	s6 =	sadd.s32 @!p0 s3, s7;
	s7 =	simm.s32 @!p0 $0x108  }
0x21: {  	s3 =	sadd.s32 s3, s9;
	s6 =	sadd.s32 @!p0 $0x88, s6;
	s7 =	simm.s32 @p2 $0x1082  }
0x22: {  	[simem:s7], [sflag:s8] =	dma.local @!p0 [hbm:s6], $0xF7A  }
0x23: {  	s9 =	sor.u32 $0xD0000000, s2;
	s6 =	simm.s32 $0x108;
	_ =	swait.ge @!p0 [sflag:s8], $0x0  }
0x24: {  	s3 =	sadd.s32 $0x88, s3;
	s6 =	simm.s32 @!p1 $0x1082;
	[sflag:s4] =	ssyncset.s32 $0xFFFFF086  }
0x25: {  	[simem:s6], [sflag:s4] =	dma.local [hbm:s3], $0xF7A  }
0x26: {  	[smem:$0x3F8B] =	sst s1;
	(tag) =	ssettag s2;
	_ =	strace s9  }
0x27: {  	s1 =	sld [smem:$0x3F9B]  }
0x28: {  	s2 =	sld [smem:$0x3F9C]  }
0x29: {  	s4 =	sld [smem:$0x3F9E]  }
0x2a: {  	p0 =	seq.s32 s5, $0x0;
	s5 =	sld [smem:$0x3F9F]  }
0x2b: {  	s6 =	sld [smem:$0x3FA0]  }
0x2c: {  	s7 =	sld [smem:$0x3FA1]  }
0x2d: {  	s3 =	simm.s32 $0x108;
	s8 =	sld [smem:$0x3FA2]  }
0x2e: {  	s3 =	simm.s32 @!p0 $0x1082;
	s9 =	sld [smem:$0x3FA3]  }
0x2f: {  	lr =	sadd.s32 s0, s3;
	s0 =	sld [smem:$0x3F9A]  }
0x30: {  	s3 =	sld [smem:$0x3F9D]  }
0x31: {  	[smem:$0x3FA6] =	sst s10  }
0x32: {  	s10 =	sld [smem:$0x3FA4];
	_ =	sdelay $0x3  }
0x33: {  	p0 =	seq.s32 s10, $0x1;
	s10 =	sld [smem:$0x3FA6];
	_ =	sdelay $0x3  }
0x34: {  	[smem:$0x3FA6] =	sst s10  }
0x35: {  	s10 =	sld [smem:$0x3FA5];
	_ =	sdelay $0x3  }
0x36: {  	p1 =	seq.s32 s10, $0x1;
	s10 =	sld [smem:$0x3FA6];
	_ =	sdelay $0x3  }
0x37: {  	[smem:$0x3FA6] =	sst s10  }
0x38: {  	s10 =	sld [smem:$0x3FA7]  }
0x39: {  	_ = 	snop;
	(pc) =	sbr.ind lr, $3  }
0x3a: {  	_ = 	snop  }
0x3b: {  	_ = 	snop  }
0x3c: {  	p2 =	seq.s32 s10, $0x1;
	s10 =	sld [smem:$0x3FA6]  }
0x3d: {  	_ =	shalt  }
0x3e: {  	_ =	shalt  }
0x3f: {  	_ =	shalt  }
0x40: {  	_ =	shalt  }
0x41: {  	_ =	shalt  }
0x42: {  	_ =	shalt  }
0x43: {  	_ =	shalt  }
0x44: {  	_ =	shalt  }
0x45: {  	_ =	shalt  }
0x46: {  	_ =	shalt  }
0x47: {  	_ =	shalt  }
0x48: {  	_ =	shalt  }
0x49: {  	_ =	shalt  }
0x4a: {  	_ =	shalt  }
0x4b: {  	_ =	shalt  }
0x4c: {  	_ =	shalt  }
0x4d: {  	_ =	shalt  }
0x4e: {  	_ =	shalt  }
0x4f: {  	_ =	shalt  }
0x50: {  	_ =	shalt  }
0x51: {  	_ =	shalt  }
0x52: {  	_ =	shalt  }
0x53: {  	_ =	shalt  }
0x54: {  	_ =	shalt  }
0x55: {  	_ =	shalt  }
0x56: {  	_ =	shalt  }
0x57: {  	_ =	shalt  }
0x58: {  	_ =	shalt  }
0x59: {  	_ =	shalt  }
0x5a: {  	_ =	shalt  }
0x5b: {  	_ =	shalt  }
0x5c: {  	_ =	shalt  }
0x5d: {  	_ =	shalt  }
0x5e: {  	_ =	shalt  }
0x5f: {  	_ =	shalt  }
0x60: {  	_ =	shalt  }
0x61: {  	_ =	shalt  }
0x62: {  	_ =	shalt  }
0x63: {  	_ =	shalt  }
0x64: {  	_ =	shalt  }
0x65: {  	_ =	shalt  }
0x66: {  	_ =	shalt  }
0x67: {  	_ =	shalt  }
0x68: {  	_ =	shalt  }
0x69: {  	_ =	shalt  }
0x6a: {  	_ =	shalt  }
0x6b: {  	_ =	shalt  }
0x6c: {  	_ =	shalt  }
0x6d: {  	_ =	shalt  }
0x6e: {  	_ =	shalt  }
0x6f: {  	_ =	shalt  }
0x70: {  	_ =	shalt  }
0x71: {  	_ =	shalt  }
0x72: {  	_ =	shalt  }
0x73: {  	_ =	shalt  }
0x74: {  	_ =	shalt  }
0x75: {  	_ =	shalt  }
0x76: {  	_ =	shalt  }
0x77: {  	_ =	shalt  }
0x78: {  	_ =	shalt  }
0x79: {  	_ =	shalt  }
0x7a: {  	_ =	shalt  }
0x7b: {  	_ =	shalt  }
0x7c: {  	_ =	shalt  }
0x7d: {  	_ =	shalt  }
0x7e: {  	_ =	shalt  }
0x7f: {  	_ =	shalt  }
0x80: {  	_ =	shalt  }
0x81: {  	_ =	shalt  }
0x82: {  	_ =	shalt  }
0x83: {  	_ =	shalt  }
0x84: {  	_ =	shalt  }
0x85: {  	_ =	shalt  }
0x86: {  	_ =	shalt  }
0x87: {  	_ =	shalt  }
.Lfunc_end0:
.L_simem_size_0:
called_computation.2_lowered:
.L_overlay_start_0:
0x88: {  	s2 =	sld [smem:$0x3FD9]  }
0x89: {  	s3 =	sld [smem:$0x3FFE];
	_ =	sdelay $0x1  }
0x8a: {  	s1 =	srdreg.scid  }
0x8b: {  	s0 =	sand.u32 $0x1, s1  }
0x8c: {  	s14 =	sshll.u32 s0, $0xA;
	s2 =	sadd.s32 s3, s2  }
0x8d: {  	s2 =	sadd.s32 s2, s14  }
0x8e: {  	[smem:$0x3FB2] =	sst s2  }
0x8f: {  	_ = 	snop  }
0x90: {  	s2 =	sld [smem:$0x3FD0];
	_ =	sdelay $0x2  }
0x91: {  	s15 =	simm.s32 $0xB;
	s4 =	simm.s32 $0x10  }
0x92: {  	[smem:s4], [sflag:s15] =	dma.local [hbm:s2], $0x1  }
0x93: {  	_ =	swait.eq [sflag:s15], $0x1  }
0x94: {  	[sflag:s15] =	ssyncset.done $0x0  }
0x95: {  	[sflag:s15] =	ssyncadd.s32 $0xFFFFFFFF  }
0x96: {  	s16 =	sld [smem:$0x11];
	(tm) =	ssettm $0x1  }
0x97: {  	s17 =	sld [smem:$0x3FFB];
	_ =	sdelay $0x3  }
0x98: {  	_ =	strace s17  }
0x99: {  	s3 =	sld [smem:$0x3FFC];
	_ =	sdelay $0x3  }
0x9a: {  	_ =	strace s3  }
0x9b: {  	s3 =	sld [smem:$0x3FFD];
	_ =	sdelay $0x3  }
0x9c: {  	_ =	strace s3  }
0x9d: {  	_ =	strace $0x8FFFFFFF  }
0x9e: {  	s18 =	sld [smem:$0x3FDB];
	_ =	sdelay $0x1  }
0x9f: {  	s19 =	simm.s32 $_scs_section_size  }
0xa0: {  	s5 =	simm.s32 $_size__tile_overlayer_lowered;
	s6 =	simm.s32 $_tile_overlayer_lowered  }
0xa1: {  	s22 =	simm.s32 $0x1BFF;
	s21 =	sshll.u32 s6, $0x1;
	s3 =	sadd.s32 s19, s18  }
0xa2: {  	s7 =	simm.s32 $0x0;
	s20 =	sshll.u32 s5, $0x1;
	s5 =	sadd.s32 s21, s3  }
0xa3: {  	[timem:s7], [sflag:s22] =	dma.local [hbm:s5], s20  }
0xa4: {  	_ =	swait.ge [sflag:s22], s20  }
0xa5: {  	s4 =	ssub.s32 $0x0, s20;
	[sflag:s22] =	ssyncset.done $0x0  }
0xa6: {  	[sflag:s22] =	ssyncadd.s32 s4;
	_ =	sdelay $0x1  }
0xa7: {  	s23 =	simm.s32 $0x1B8B  }
0xa8: {  	_ =	swait.ge [sflag:s23], $0x1  }
0xa9: {  	[sflag:s23] =	ssyncset.done $0x0  }
0xaa: {  	s25 =	simm.s32 $0x1B8E;
	s24 =	sld [smem:$0x3FFE];
	[sflag:s23] =	ssyncadd.s32 $0xFFFFFFFF  }
0xab: {  	s26 =	simm.s32 $execute0_lowered;
	[smem:$0x3FD2] =	sst s25  }
0xac: {  	s5 =	sshll.u32 s26, $0x1;
	_ =	strace $0x80000049;
	[dreg:$0x1] =	wrdreg $0xFFFFFFFF  }
0xad: {  	s28 =	simm.s32 $_size_execute0_lowered;
	s3 =	sadd.s32 s3, s5;
	[dreg:$0x0] =	wrdreg $0x0  }
0xae: {  	s5 =	sshll.u32 s28, $0x1;
	[dreg:$0x2] =	wrdreg s3  }
0xaf: {  	[dreg:$0x3] =	wrdreg s5  }
0xb0: {  	[dreg:$0x4] =	wrdreg $0xC0  }
0xb1: {  	_ =	task [dreg:s7], $0x5FFFF  }
0xb2: {  	[dreg:$0x1] =	wrdreg $0xFFFFFFFF  }
0xb3: {  	[dreg:$0x0] =	wrdreg $0x60  }
0xb4: {  	[dreg:$0x2] =	wrdreg s24  }
0xb5: {  	[dreg:$0x3] =	wrdreg s16  }
0xb6: {  	[dreg:$0x4] =	wrdreg $0x0  }
0xb7: {  	[dreg:$0x5] =	wrdreg $0x50000  }
0xb8: {  	[dreg:$0x6] =	wrdreg $0xA  }
0xb9: {  	_ =	task.clear_ibuf [dreg:s7], $0x7FFFF;
	_ =	strace $0x90000049  }
0xba: {  	s29 =	simm.s32 $0xA;
	_ =	strace $0x8000004B  }
0xbb: {  	_ =	swait.ge [sflag:s29], $0x1  }
0xbc: {  	[sflag:s29] =	ssyncadd.s32 $0xFFFFFFFF  }
0xbd: {  	_ =	strace $0x9000004B  }
0xbe: {  	_ =	sfence  }
0xbf: {  	s30 =	sld [smem:$0x0];
	_ =	sdelay $0x2  }
0xc0: {  	s31 =	sshll.u32 s1, $0xD;
	s1 =	sshrl.u32 s1, $0x2  }
0xc1: {  	s3 =	sand.u32 $0x4000, s31;
	s1 =	sadd.s32 s1, s30  }
0xc2: {  	s0 =	sor.u32 s3, s0;
	s1 =	sshll.u32 s1, $0x11  }
0xc3: {  	s0 =	sor.u32 s1, s0  }
0xc4: {  	s0 =	sadd.s32 $0x8F2B, s0  }
0xc5: {  	[sflag:s0] =	ssyncadd.remote.s32 $0x1  }
0xc6: {  	_ =	sfence.sel $0xFFFF  }
0xc7: {  	[dreg:$0x0] =	wrdreg $0xFFFFFFFF;
	(pc) =	sbr.abs _section_cstart, $3  }
0xc8: {  	[dreg:$0x1] =	wrdreg $0xFFFFFFFF  }
0xc9: {  	_ =	task.clear_ibuf [dreg:s7], $0x2FFFF;
	_ =	strace $0x9FFFFFFF  }
0xca: {  	(tm) =	ssettm $0x7FFFFFFF  }
0xcb: {  	_ =	shalt  }
tec
execute0_lowered:
.L_overlay_start_1:
0x0: {  	(tag) =	ssettag $0x1  }
0x1: {  	s0 =	rddreg [dreg:$0x0]  }
0x2: {  	s1 =	rddreg [dreg:$0x1]  }
0x3: {  	s2 =	rddreg [dreg:$0x2]  }
0x4: {  	s3 =	rddreg [dreg:$0x3]  }
0x5: {  	s10 =	stileid.u32;
	s7 =	srdreg.scid;
	s4 =	simm.s32 $0x0  }
0x6: {  	s15 =	simm.s32 $0xAEE0;
	s16 =	simm.s32 $0xBE80;
	s17 =	simm.s32 $0xCE20  }
0x7: {  	s18 =	simm.s32 $0xDDC0;
	s19 =	simm.s32 $0xED60;
	s20 =	simm.s32 $0xFD00  }
0x8: {  	s21 =	simm.s32 $0x10CA0;
	s22 =	simm.s32 $0x11C40;
	s28 =	simm.s32 $0x7B80  }
0x9: {  	s5 =	smul.u32 $0x13880, s10;
	[smem:$0x7FF] =	sst s4;
	s13 =	sadd.s32 $0x10A00, s0  }
0xa: {  	s6 =	smul.u32 $0xA00, s10;
	_ =	strace $0x8000004A;
	[dreg:$0x14] =	wrdreg s13  }
0xb: {  	s29 =	simm.s32 $0x7C00;
	s8 =	smul.u32 $0x5000, s10;
	[dreg:$0x8] =	wrdreg s15  }
0xc: {  	s7 =	sand.u32 $0x1, s7;
	s10 =	smul.u32 $0x2800, s10;
	[dreg:$0x9] =	wrdreg s16  }
0xd: {  	s30 =	simm.s32 $0x7C80;
	s9 =	smul.u32 $0x50000, s7;
	[dreg:$0xa] =	wrdreg s17  }
0xe: {  	s31 =	simm.s32 $0x7D00;
	s12 =	smul.u32 $0x28000, s7;
	[dreg:$0xb] =	wrdreg s18  }
0xf: {  	s23 =	ssub.s32 $0x2, s7;
	s14 =	smul.u32 $0x500, s7;
	[dreg:$0xc] =	wrdreg s19  }
0x10: {  	s15 =	simm.s32 $0x3;
	s16 =	simm.s32 $0x1D1D0;
	[dreg:$0xd] =	wrdreg s20  }
0x11: {  	s17 =	simm.s32 $0x17A00;
	s18 =	simm.s32 $0x7800;
	[dreg:$0xe] =	wrdreg s21  }
0x12: {  	s19 =	simm.s32 $0x8000;
	[dreg:$0xf] =	wrdreg s22;
	s20 =	simm.s32 $0x7D  }
0x13: {  	s21 =	simm.s32 $0x7880;
	s22 =	simm.s32 $0x7900;
	s5 =	sadd.s32 s5, s0  }
0x14: {  	s11 =	sshrl.u32 s8, $0x3;
	s6 =	sadd.s32 s6, s0;
	s24 =	sshrl.u32 s23, $0x1  }
0x15: {  	s25 =	sshrl.u32 s10, $0x3;
	s13 =	sadd.s32 s8, s2;
	s11 =	sadd.s32 s11, s0  }
0x16: {  	s9 =	sadd.s32 s8, s9;
	s12 =	sadd.s32 s10, s12;
	s1 =	sadd.s32 s1, s25  }
0x17: {  	s26 =	sadd.s32 s14, s6;
	s14 =	sadd.s32 s10, s3;
	[dreg:$0x16] =	wrdreg s13  }
0x18: {  	s10 =	smul.u32 $0x9C40, s7;
	s25 =	simm.s32 $0x14B20;
	[dreg:$0x17] =	wrdreg s1  }
0x19: {  	s6 =	simm.s32 $0x7F00;
	s7 =	simm.s32 $0x0;
	[dreg:$0x12] =	wrdreg s25  }
0x1a: {  	s9 =	sshrl.u32 s9, $0x3;
	s12 =	sshrl.u32 s12, $0x3;
	[dreg:$0x1d] =	wrdreg s7  }
0x1b: {  	s11 =	sadd.s32 $0x6A00, s11;
	s1 =	sadd.s32 $0x1A800, s26;
	[dreg:$0x18] =	wrdreg s14  }
0x1c: {  	s26 =	simm.s32 $0x15AC0;
	s25 =	simm.s32 $0x7A80;
	[dreg:$0x15] =	wrdreg s11  }
0x1d: {  	s9 =	sadd.s32 s9, s0;
	s0 =	sadd.s32 s12, s0;
	[dreg:$0x5] =	wrdreg s1  }
0x1e: {  	s12 =	ssub.s32 s23, s24;
	s11 =	simm.s32 $0x9F40;
	[dreg:$0x13] =	wrdreg s26  }
0x1f: {  	s1 =	sadd.s32 s10, s5;
	s23 =	simm.s32 $0x12BE0;
	[dreg:$0x7] =	wrdreg s11  }
0x20: {  	s24 =	simm.s32 $0x13B80;
	s26 =	simm.s32 $0x7B00;
	[dreg:$0x10] =	wrdreg s23  }
0x21: {  	s5 =	simm.s32 $0x7E80;
	s8 =	sadd.s32 $0x24800, s9;
	[dreg:$0x11] =	wrdreg s24  }
0x22: {  	s10 =	simm.s32 $0x16A60;
	s0 =	sadd.s32 $0x38800, s0;
	[dreg:$0x19] =	wrdreg s8  }
0x23: {  	s9 =	simm.s32 $0x8FA0;
	s12 =	smax.u32 s12, $0x1;
	[dreg:$0x1a] =	wrdreg s0  }
0x24: {  	s1 =	sadd.s32 $0x295800, s1;
	s23 =	simm.s32 $0x7980;
	[dreg:$0x6] =	wrdreg s9  }
0x25: {  	s24 =	simm.s32 $0x7A00;
	s11 =	simm.s32 $0x1;
	[dreg:$0x1b] =	wrdreg s12  }
0x26: {  	[dreg:$0x1c] =	wrdreg s1;
	s9 =	simm.s32 $0x181D0;
	s0 =	simm.s32 $0x7D80  }
0x27: {  	s1 =	simm.s32 $0x7E00;
	s8 =	simm.s32 $0x7F80;
	s12 =	simm.s32 $0x2  }
.LBB2_1:
0x28: {  	s7 =	rddreg [dreg:$0x15]  }
0x29: {  	[tilespmem:s9], [sflag:$0x3] =	stream.linear.gather [hbm4b:s7+s4], $0x5000, $0x38;
	[tilespmem:$0x1F9D0] =	vst v63  }
0x2a: {  	_ =	swait.ge [sflag:s15], $0x5000  }
0x2b: {  	[sflag:s15] =	ssyncset.done $0x0  }
0x2c: {  	[sflag:s15] =	ssyncadd.s32 $0xFFFFB000  }
0x2d: {  	[spmem:s13] =	stream.linear.scatter [tilespmem:s9], [sflag:$0x3], $0x5000, $0x38;
	[tilespmem:$0x1F9D0] =	vst v63  }
0x2e: {  	_ =	swait.ge [sflag:s15], $0x5000  }
0x2f: {  	[sflag:s15] =	ssyncset.done $0x0  }
0x30: {  	s13 =	rddreg [dreg:$0x17];
	[sflag:s15] =	ssyncadd.s32 $0xFFFFB000  }
0x31: {  	[tilespmem:s16], [sflag:$0x3] =	stream.linear.gather [hbm4b:s13+s4], $0x2800, $0x38;
	[tilespmem:$0x1F9D0] =	vst v63  }
0x32: {  	_ =	swait.ge [sflag:s15], $0x2800  }
0x33: {  	[sflag:s15] =	ssyncset.done $0x0  }
0x34: {  	[sflag:s15] =	ssyncadd.s32 $0xFFFFD800  }
0x35: {  	[spmem:s14] =	stream.linear.scatter [tilespmem:s16], [sflag:$0x3], $0x2800, $0x38;
	[tilespmem:$0x1F9D0] =	vst v63  }
0x36: {  	_ =	swait.ge [sflag:s15], $0x2800  }
0x37: {  	[sflag:s15] =	ssyncset.done $0x0  }
0x38: {  	s9 =	rddreg [dreg:$0x14];
	[sflag:s15] =	ssyncadd.s32 $0xFFFFD800  }
0x39: {  	[tilespmem:s17], [sflag:$0x3] =	stream.linear.gather [hbm4b:s9+s4], $0x7D0, $0x38;
	[tilespmem:$0x1F9D0] =	vst v63  }
0x3a: {  	_ =	swait.ge [sflag:s15], $0x7D0  }
0x3b: {  	[sflag:s15] =	ssyncset.done $0x0  }
0x3c: {  	[sflag:s15] =	ssyncadd.s32 $0xFFFFF830  }
0x3d: {  	[bflag:$0x0] =	sbarrier.arrive $0xFFFF  }
0x3e: {  	s13 =	rddreg [dreg:$0x5]  }
0x3f: {  	s9 =	sadd.s32 $0x0, s13  }
0x40: {  	[tilespmem:s18], [sflag:$0x3] =	stream.linear.gather [hbm4b:s9+s4], $0x800, $0x38;
	[tilespmem:$0x1F9D0] =	vst v63  }
0x41: {  	_ =	swait.ge [sflag:s15], $0x800  }
0x42: {  	[sflag:s15] =	ssyncset.done $0x0  }
0x43: {  	s7 =	rddreg [dreg:$0x1c];
	[sflag:s15] =	ssyncadd.s32 $0xFFFFF800  }
0x44: {  	[tilespmem:s19], [sflag:$0x3] =	stream.linear.gather [hbm4b:s7+s4], $0xFA00, $0x38;
	[tilespmem:$0x1F9D0] =	vst v63  }
0x45: {  	_ =	swait.ge [sflag:s15], $0xFA00  }
0x46: {  	[sflag:s15] =	ssyncset.done $0x0  }
0x47: {  	[sflag:s15] =	ssyncadd.s32 $0xFFFF0600  }
0x48: {  	[spmem:s2] =	stream.indirect.scatter.add.f32 [tilespmem:s19], [sflag:$0x1], $0x20, s18, s20, $0xb8;
	[tilespmem:$0x1F9D0] =	vst v63  }
0x49: {  	s14 =	rddreg [dreg:$0x6]  }
0x4a: {  	[spmem:s2] =	stream.indirect.scatter.add.f32 [tilespmem:s14], [sflag:$0x1], $0x20, s21, s20, $0xb8;
	[tilespmem:$0x1F9D0] =	vst v63  }
0x4b: {  	s16 =	rddreg [dreg:$0x7]  }
0x4c: {  	[spmem:s2] =	stream.indirect.scatter.add.f32 [tilespmem:s16], [sflag:$0x1], $0x20, s22, s20, $0xb8;
	[tilespmem:$0x1F9D0] =	vst v63  }
0x4d: {  	s14 =	rddreg [dreg:$0x8]  }
0x4e: {  	[spmem:s2] =	stream.indirect.scatter.add.f32 [tilespmem:s14], [sflag:$0x1], $0x20, s23, s20, $0xb8;
	[tilespmem:$0x1F9D0] =	vst v63  }
0x4f: {  	s16 =	rddreg [dreg:$0x9]  }
0x50: {  	[spmem:s2] =	stream.indirect.scatter.add.f32 [tilespmem:s16], [sflag:$0x1], $0x20, s24, s20, $0xb8;
	[tilespmem:$0x1F9D0] =	vst v63  }
0x51: {  	s14 =	rddreg [dreg:$0xa]  }
0x52: {  	[spmem:s2] =	stream.indirect.scatter.add.f32 [tilespmem:s14], [sflag:$0x1], $0x20, s25, s20, $0xb8;
	[tilespmem:$0x1F9D0] =	vst v63  }
0x53: {  	s16 =	rddreg [dreg:$0xb]  }
0x54: {  	[spmem:s2] =	stream.indirect.scatter.add.f32 [tilespmem:s16], [sflag:$0x1], $0x20, s26, s20, $0xb8;
	[tilespmem:$0x1F9D0] =	vst v63  }
0x55: {  	s14 =	rddreg [dreg:$0xc]  }
0x56: {  	[spmem:s2] =	stream.indirect.scatter.add.f32 [tilespmem:s14], [sflag:$0x1], $0x20, s28, s20, $0xb8;
	[tilespmem:$0x1F9D0] =	vst v63  }
0x57: {  	s16 =	rddreg [dreg:$0xd]  }
0x58: {  	[spmem:s2] =	stream.indirect.scatter.add.f32 [tilespmem:s16], [sflag:$0x1], $0x20, s29, s20, $0xb8;
	[tilespmem:$0x1F9D0] =	vst v63  }
0x59: {  	s14 =	rddreg [dreg:$0xe]  }
0x5a: {  	[spmem:s2] =	stream.indirect.scatter.add.f32 [tilespmem:s14], [sflag:$0x1], $0x20, s30, s20, $0xb8;
	[tilespmem:$0x1F9D0] =	vst v63  }
0x5b: {  	s16 =	rddreg [dreg:$0xf]  }
0x5c: {  	[spmem:s2] =	stream.indirect.scatter.add.f32 [tilespmem:s16], [sflag:$0x1], $0x20, s31, s20, $0xb8;
	[tilespmem:$0x1F9D0] =	vst v63  }
0x5d: {  	s14 =	rddreg [dreg:$0x10]  }
0x5e: {  	[spmem:s2] =	stream.indirect.scatter.add.f32 [tilespmem:s14], [sflag:$0x1], $0x20, s0, s20, $0xb8;
	[tilespmem:$0x1F9D0] =	vst v63  }
0x5f: {  	s16 =	rddreg [dreg:$0x11]  }
0x60: {  	[spmem:s2] =	stream.indirect.scatter.add.f32 [tilespmem:s16], [sflag:$0x1], $0x20, s1, s20, $0xb8;
	[tilespmem:$0x1F9D0] =	vst v63  }
0x61: {  	s14 =	rddreg [dreg:$0x12]  }
0x62: {  	[spmem:s2] =	stream.indirect.scatter.add.f32 [tilespmem:s14], [sflag:$0x1], $0x20, s5, s20, $0xb8;
	[tilespmem:$0x1F9D0] =	vst v63  }
0x63: {  	s16 =	rddreg [dreg:$0x13]  }
0x64: {  	[spmem:s2] =	stream.indirect.scatter.add.f32 [tilespmem:s16], [sflag:$0x1], $0x20, s6, s20, $0xb8;
	[tilespmem:$0x1F9D0] =	vst v63  }
0x65: {  	_ = 	snop  }
0x66: {  	[spmem:s2] =	stream.indirect.scatter.add.f32 [tilespmem:s10], [sflag:$0x1], $0x20, s8, s20, $0xb8;
	[tilespmem:$0x1F9D0] =	vst v63  }
0x67: {  	_ = 	snop  }
0x68: {  	[spmem:s3] =	stream.indirect.scatter.add.f32 [tilespmem:s17], [sflag:$0x2], $0x10, s18, s20, $0xb8;
	[tilespmem:$0x1F9D0] =	vst v63  }
0x69: {  	_ = 	snop  }
0x6a: {  	[spmem:s3] =	stream.indirect.scatter.add.f32 [tilespmem:s17], [sflag:$0x2], $0x10, s21, s20, $0xb8;
	[tilespmem:$0x1F9D0] =	vst v63  }
0x6b: {  	_ = 	snop  }
0x6c: {  	[spmem:s3] =	stream.indirect.scatter.add.f32 [tilespmem:s17], [sflag:$0x2], $0x10, s22, s20, $0xb8;
	[tilespmem:$0x1F9D0] =	vst v63  }
0x6d: {  	_ = 	snop  }
0x6e: {  	[spmem:s3] =	stream.indirect.scatter.add.f32 [tilespmem:s17], [sflag:$0x2], $0x10, s23, s20, $0xb8;
	[tilespmem:$0x1F9D0] =	vst v63  }
0x6f: {  	_ = 	snop  }
0x70: {  	[spmem:s3] =	stream.indirect.scatter.add.f32 [tilespmem:s17], [sflag:$0x2], $0x10, s24, s20, $0xb8;
	[tilespmem:$0x1F9D0] =	vst v63  }
0x71: {  	_ = 	snop  }
0x72: {  	[spmem:s3] =	stream.indirect.scatter.add.f32 [tilespmem:s17], [sflag:$0x2], $0x10, s25, s20, $0xb8;
	[tilespmem:$0x1F9D0] =	vst v63  }
0x73: {  	_ = 	snop  }
0x74: {  	[spmem:s3] =	stream.indirect.scatter.add.f32 [tilespmem:s17], [sflag:$0x2], $0x10, s26, s20, $0xb8;
	[tilespmem:$0x1F9D0] =	vst v63  }
0x75: {  	_ = 	snop  }
0x76: {  	[spmem:s3] =	stream.indirect.scatter.add.f32 [tilespmem:s17], [sflag:$0x2], $0x10, s28, s20, $0xb8;
	[tilespmem:$0x1F9D0] =	vst v63  }
0x77: {  	_ = 	snop  }
0x78: {  	[spmem:s3] =	stream.indirect.scatter.add.f32 [tilespmem:s17], [sflag:$0x2], $0x10, s29, s20, $0xb8;
	[tilespmem:$0x1F9D0] =	vst v63  }
0x79: {  	_ = 	snop  }
0x7a: {  	[spmem:s3] =	stream.indirect.scatter.add.f32 [tilespmem:s17], [sflag:$0x2], $0x10, s30, s20, $0xb8;
	[tilespmem:$0x1F9D0] =	vst v63  }
0x7b: {  	_ = 	snop  }
0x7c: {  	[spmem:s3] =	stream.indirect.scatter.add.f32 [tilespmem:s17], [sflag:$0x2], $0x10, s31, s20, $0xb8;
	[tilespmem:$0x1F9D0] =	vst v63  }
0x7d: {  	_ = 	snop  }
0x7e: {  	[spmem:s3] =	stream.indirect.scatter.add.f32 [tilespmem:s17], [sflag:$0x2], $0x10, s0, s20, $0xb8;
	[tilespmem:$0x1F9D0] =	vst v63  }
0x7f: {  	_ = 	snop  }
0x80: {  	[spmem:s3] =	stream.indirect.scatter.add.f32 [tilespmem:s17], [sflag:$0x2], $0x10, s1, s20, $0xb8;
	[tilespmem:$0x1F9D0] =	vst v63  }
0x81: {  	_ = 	snop  }
0x82: {  	[spmem:s3] =	stream.indirect.scatter.add.f32 [tilespmem:s17], [sflag:$0x2], $0x10, s5, s20, $0xb8;
	[tilespmem:$0x1F9D0] =	vst v63  }
0x83: {  	_ = 	snop  }
0x84: {  	[spmem:s3] =	stream.indirect.scatter.add.f32 [tilespmem:s17], [sflag:$0x2], $0x10, s6, s20, $0xb8;
	[tilespmem:$0x1F9D0] =	vst v63  }
0x85: {  	_ = 	snop  }
0x86: {  	[spmem:s3] =	stream.indirect.scatter.add.f32 [tilespmem:s17], [sflag:$0x2], $0x10, s8, s20, $0xb8;
	[tilespmem:$0x1F9D0] =	vst v63  }
0x87: {  	_ =	swait.ge [sflag:s11], $0xFA0  }
0x88: {  	[sflag:s11] =	ssyncset.done $0x0  }
0x89: {  	[sflag:s11] =	ssyncadd.s32 $0xFFFFF060  }
0x8a: {  	_ =	swait.ge [sflag:s11], $0xFA0  }
0x8b: {  	[sflag:s11] =	ssyncset.done $0x0  }
0x8c: {  	[sflag:s11] =	ssyncadd.s32 $0xFFFFF060  }
0x8d: {  	_ =	swait.ge [sflag:s11], $0xFA0  }
0x8e: {  	[sflag:s11] =	ssyncset.done $0x0  }
0x8f: {  	[sflag:s11] =	ssyncadd.s32 $0xFFFFF060  }
0x90: {  	_ =	swait.ge [sflag:s11], $0xFA0  }
0x91: {  	[sflag:s11] =	ssyncset.done $0x0  }
0x92: {  	[sflag:s11] =	ssyncadd.s32 $0xFFFFF060  }
0x93: {  	_ =	swait.ge [sflag:s11], $0xFA0  }
0x94: {  	[sflag:s11] =	ssyncset.done $0x0  }
0x95: {  	[sflag:s11] =	ssyncadd.s32 $0xFFFFF060  }
0x96: {  	_ =	swait.ge [sflag:s11], $0xFA0  }
0x97: {  	[sflag:s11] =	ssyncset.done $0x0  }
0x98: {  	[sflag:s11] =	ssyncadd.s32 $0xFFFFF060  }
0x99: {  	_ =	swait.ge [sflag:s11], $0xFA0  }
0x9a: {  	[sflag:s11] =	ssyncset.done $0x0  }
0x9b: {  	[sflag:s11] =	ssyncadd.s32 $0xFFFFF060  }
0x9c: {  	_ =	swait.ge [sflag:s11], $0xFA0  }
0x9d: {  	[sflag:s11] =	ssyncset.done $0x0  }
0x9e: {  	[sflag:s11] =	ssyncadd.s32 $0xFFFFF060  }
0x9f: {  	_ =	swait.ge [sflag:s11], $0xFA0  }
0xa0: {  	[sflag:s11] =	ssyncset.done $0x0  }
0xa1: {  	[sflag:s11] =	ssyncadd.s32 $0xFFFFF060  }
0xa2: {  	_ =	swait.ge [sflag:s11], $0xFA0  }
0xa3: {  	[sflag:s11] =	ssyncset.done $0x0  }
0xa4: {  	[sflag:s11] =	ssyncadd.s32 $0xFFFFF060  }
0xa5: {  	_ =	swait.ge [sflag:s11], $0xFA0  }
0xa6: {  	[sflag:s11] =	ssyncset.done $0x0  }
0xa7: {  	[sflag:s11] =	ssyncadd.s32 $0xFFFFF060  }
0xa8: {  	_ =	swait.ge [sflag:s11], $0xFA0  }
0xa9: {  	[sflag:s11] =	ssyncset.done $0x0  }
0xaa: {  	[sflag:s11] =	ssyncadd.s32 $0xFFFFF060  }
0xab: {  	_ =	swait.ge [sflag:s11], $0xFA0  }
0xac: {  	[sflag:s11] =	ssyncset.done $0x0  }
0xad: {  	[sflag:s11] =	ssyncadd.s32 $0xFFFFF060  }
0xae: {  	_ =	swait.ge [sflag:s11], $0xFA0  }
0xaf: {  	[sflag:s11] =	ssyncset.done $0x0  }
0xb0: {  	[sflag:s11] =	ssyncadd.s32 $0xFFFFF060  }
0xb1: {  	_ =	swait.ge [sflag:s11], $0xFA0  }
0xb2: {  	[sflag:s11] =	ssyncset.done $0x0  }
0xb3: {  	[sflag:s11] =	ssyncadd.s32 $0xFFFFF060  }
0xb4: {  	_ =	swait.ge [sflag:s11], $0xFA0  }
0xb5: {  	[sflag:s11] =	ssyncset.done $0x0  }
0xb6: {  	[sflag:s11] =	ssyncadd.s32 $0xFFFFF060  }
0xb7: {  	_ =	swait.ge [sflag:s12], $0x7D0  }
0xb8: {  	[sflag:s12] =	ssyncset.done $0x0  }
0xb9: {  	[sflag:s12] =	ssyncadd.s32 $0xFFFFF830  }
0xba: {  	_ =	swait.ge [sflag:s12], $0x7D0  }
0xbb: {  	[sflag:s12] =	ssyncset.done $0x0  }
0xbc: {  	[sflag:s12] =	ssyncadd.s32 $0xFFFFF830  }
0xbd: {  	_ =	swait.ge [sflag:s12], $0x7D0  }
0xbe: {  	[sflag:s12] =	ssyncset.done $0x0  }
0xbf: {  	[sflag:s12] =	ssyncadd.s32 $0xFFFFF830  }
0xc0: {  	_ =	swait.ge [sflag:s12], $0x7D0  }
0xc1: {  	[sflag:s12] =	ssyncset.done $0x0  }
0xc2: {  	[sflag:s12] =	ssyncadd.s32 $0xFFFFF830  }
0xc3: {  	_ =	swait.ge [sflag:s12], $0x7D0  }
0xc4: {  	[sflag:s12] =	ssyncset.done $0x0  }
0xc5: {  	[sflag:s12] =	ssyncadd.s32 $0xFFFFF830  }
0xc6: {  	_ =	swait.ge [sflag:s12], $0x7D0  }
0xc7: {  	[sflag:s12] =	ssyncset.done $0x0  }
0xc8: {  	[sflag:s12] =	ssyncadd.s32 $0xFFFFF830  }
0xc9: {  	_ =	swait.ge [sflag:s12], $0x7D0  }
0xca: {  	[sflag:s12] =	ssyncset.done $0x0  }
0xcb: {  	[sflag:s12] =	ssyncadd.s32 $0xFFFFF830  }
0xcc: {  	_ =	swait.ge [sflag:s12], $0x7D0  }
0xcd: {  	[sflag:s12] =	ssyncset.done $0x0  }
0xce: {  	[sflag:s12] =	ssyncadd.s32 $0xFFFFF830  }
0xcf: {  	_ =	swait.ge [sflag:s12], $0x7D0  }
0xd0: {  	[sflag:s12] =	ssyncset.done $0x0  }
0xd1: {  	[sflag:s12] =	ssyncadd.s32 $0xFFFFF830  }
0xd2: {  	_ =	swait.ge [sflag:s12], $0x7D0  }
0xd3: {  	[sflag:s12] =	ssyncset.done $0x0  }
0xd4: {  	[sflag:s12] =	ssyncadd.s32 $0xFFFFF830  }
0xd5: {  	_ =	swait.ge [sflag:s12], $0x7D0  }
0xd6: {  	[sflag:s12] =	ssyncset.done $0x0  }
0xd7: {  	[sflag:s12] =	ssyncadd.s32 $0xFFFFF830  }
0xd8: {  	_ =	swait.ge [sflag:s12], $0x7D0  }
0xd9: {  	[sflag:s12] =	ssyncset.done $0x0  }
0xda: {  	[sflag:s12] =	ssyncadd.s32 $0xFFFFF830  }
0xdb: {  	_ =	swait.ge [sflag:s12], $0x7D0  }
0xdc: {  	[sflag:s12] =	ssyncset.done $0x0  }
0xdd: {  	[sflag:s12] =	ssyncadd.s32 $0xFFFFF830  }
0xde: {  	_ =	swait.ge [sflag:s12], $0x7D0  }
0xdf: {  	[sflag:s12] =	ssyncset.done $0x0  }
0xe0: {  	[sflag:s12] =	ssyncadd.s32 $0xFFFFF830  }
0xe1: {  	_ =	swait.ge [sflag:s12], $0x7D0  }
0xe2: {  	[sflag:s12] =	ssyncset.done $0x0  }
0xe3: {  	[sflag:s12] =	ssyncadd.s32 $0xFFFFF830  }
0xe4: {  	s13 =	smov.u32 s7;
	s14 =	simm.s32 $0x100;
	_ =	swait.ge [sflag:s12], $0x7D0  }
0xe5: {  	s16 =	simm.s32 $0x200;
	s9 =	rddreg [dreg:$0x5];
	[sflag:s12] =	ssyncset.done $0x0  }
.LBB2_2:
0xe6: {  	[sflag:s12] =	ssyncadd.s32 $0xFFFFF830;
	s9 =	sadd.s32 s14, s9  }
0xe7: {  	[tilespmem:s18], [sflag:$0x3] =	stream.linear.gather [hbm4b:s9+s4], $0x800, $0x38;
	[tilespmem:$0x1F9D0] =	vst v63  }
0xe8: {  	_ =	swait.ge [sflag:s15], $0x800  }
0xe9: {  	[sflag:s15] =	ssyncset.done $0x0  }
0xea: {  	s13 =	sadd.s32 $0x1F40, s13;
	[sflag:s15] =	ssyncadd.s32 $0xFFFFF800  }
0xeb: {  	[tilespmem:s19], [sflag:$0x3] =	stream.linear.gather [hbm4b:s13+s4], $0xFA00, $0x38;
	[tilespmem:$0x1F9D0] =	vst v63  }
0xec: {  	_ =	swait.ge [sflag:s15], $0xFA00  }
0xed: {  	[sflag:s15] =	ssyncset.done $0x0  }
0xee: {  	s7 =	smov.u32 s16;
	[sflag:s15] =	ssyncadd.s32 $0xFFFF0600  }
0xef: {  	[spmem:s2] =	stream.indirect.scatter.add.f32 [tilespmem:s19], [sflag:$0x1], $0x20, s18, s20, $0xb8;
	[tilespmem:$0x1F9D0] =	vst v63  }
0xf0: {  	s14 =	smov.u32 s7;
	s7 =	rddreg [dreg:$0x6]  }
0xf1: {  	[spmem:s2] =	stream.indirect.scatter.add.f32 [tilespmem:s7], [sflag:$0x1], $0x20, s21, s20, $0xb8;
	[tilespmem:$0x1F9D0] =	vst v63  }
0xf2: {  	s9 =	rddreg [dreg:$0x7]  }
0xf3: {  	[spmem:s2] =	stream.indirect.scatter.add.f32 [tilespmem:s9], [sflag:$0x1], $0x20, s22, s20, $0xb8;
	[tilespmem:$0x1F9D0] =	vst v63  }
0xf4: {  	s7 =	rddreg [dreg:$0x8]  }
0xf5: {  	[spmem:s2] =	stream.indirect.scatter.add.f32 [tilespmem:s7], [sflag:$0x1], $0x20, s23, s20, $0xb8;
	[tilespmem:$0x1F9D0] =	vst v63  }
0xf6: {  	s9 =	rddreg [dreg:$0x9]  }
0xf7: {  	[spmem:s2] =	stream.indirect.scatter.add.f32 [tilespmem:s9], [sflag:$0x1], $0x20, s24, s20, $0xb8;
	[tilespmem:$0x1F9D0] =	vst v63  }
0xf8: {  	s7 =	rddreg [dreg:$0xa]  }
0xf9: {  	[spmem:s2] =	stream.indirect.scatter.add.f32 [tilespmem:s7], [sflag:$0x1], $0x20, s25, s20, $0xb8;
	[tilespmem:$0x1F9D0] =	vst v63  }
0xfa: {  	s9 =	rddreg [dreg:$0xb]  }
0xfb: {  	[spmem:s2] =	stream.indirect.scatter.add.f32 [tilespmem:s9], [sflag:$0x1], $0x20, s26, s20, $0xb8;
	[tilespmem:$0x1F9D0] =	vst v63  }
0xfc: {  	s7 =	rddreg [dreg:$0xc]  }
0xfd: {  	[spmem:s2] =	stream.indirect.scatter.add.f32 [tilespmem:s7], [sflag:$0x1], $0x20, s28, s20, $0xb8;
	[tilespmem:$0x1F9D0] =	vst v63  }
0xfe: {  	s9 =	rddreg [dreg:$0xd]  }
0xff: {  	[spmem:s2] =	stream.indirect.scatter.add.f32 [tilespmem:s9], [sflag:$0x1], $0x20, s29, s20, $0xb8;
	[tilespmem:$0x1F9D0] =	vst v63  }
0x100: {  	s7 =	rddreg [dreg:$0xe]  }
0x101: {  	[spmem:s2] =	stream.indirect.scatter.add.f32 [tilespmem:s7], [sflag:$0x1], $0x20, s30, s20, $0xb8;
	[tilespmem:$0x1F9D0] =	vst v63  }
0x102: {  	s9 =	rddreg [dreg:$0xf]  }
0x103: {  	[spmem:s2] =	stream.indirect.scatter.add.f32 [tilespmem:s9], [sflag:$0x1], $0x20, s31, s20, $0xb8;
	[tilespmem:$0x1F9D0] =	vst v63  }
0x104: {  	s7 =	rddreg [dreg:$0x10]  }
0x105: {  	[spmem:s2] =	stream.indirect.scatter.add.f32 [tilespmem:s7], [sflag:$0x1], $0x20, s0, s20, $0xb8;
	[tilespmem:$0x1F9D0] =	vst v63  }
0x106: {  	s9 =	rddreg [dreg:$0x11]  }
0x107: {  	[spmem:s2] =	stream.indirect.scatter.add.f32 [tilespmem:s9], [sflag:$0x1], $0x20, s1, s20, $0xb8;
	[tilespmem:$0x1F9D0] =	vst v63  }
0x108: {  	s7 =	rddreg [dreg:$0x12]  }
0x109: {  	[spmem:s2] =	stream.indirect.scatter.add.f32 [tilespmem:s7], [sflag:$0x1], $0x20, s5, s20, $0xb8;
	[tilespmem:$0x1F9D0] =	vst v63  }
0x10a: {  	s9 =	rddreg [dreg:$0x13]  }
0x10b: {  	[spmem:s2] =	stream.indirect.scatter.add.f32 [tilespmem:s9], [sflag:$0x1], $0x20, s6, s20, $0xb8;
	[tilespmem:$0x1F9D0] =	vst v63  }
0x10c: {  	_ = 	snop  }
0x10d: {  	[spmem:s2] =	stream.indirect.scatter.add.f32 [tilespmem:s10], [sflag:$0x1], $0x20, s8, s20, $0xb8;
	[tilespmem:$0x1F9D0] =	vst v63  }
0x10e: {  	_ = 	snop  }
0x10f: {  	[spmem:s3] =	stream.indirect.scatter.add.f32 [tilespmem:s17], [sflag:$0x2], $0x10, s18, s20, $0xb8;
	[tilespmem:$0x1F9D0] =	vst v63  }
0x110: {  	_ = 	snop  }
0x111: {  	[spmem:s3] =	stream.indirect.scatter.add.f32 [tilespmem:s17], [sflag:$0x2], $0x10, s21, s20, $0xb8;
	[tilespmem:$0x1F9D0] =	vst v63  }
0x112: {  	_ = 	snop  }
0x113: {  	[spmem:s3] =	stream.indirect.scatter.add.f32 [tilespmem:s17], [sflag:$0x2], $0x10, s22, s20, $0xb8;
	[tilespmem:$0x1F9D0] =	vst v63  }
0x114: {  	_ = 	snop  }
0x115: {  	[spmem:s3] =	stream.indirect.scatter.add.f32 [tilespmem:s17], [sflag:$0x2], $0x10, s23, s20, $0xb8;
	[tilespmem:$0x1F9D0] =	vst v63  }
0x116: {  	_ = 	snop  }
0x117: {  	[spmem:s3] =	stream.indirect.scatter.add.f32 [tilespmem:s17], [sflag:$0x2], $0x10, s24, s20, $0xb8;
	[tilespmem:$0x1F9D0] =	vst v63  }
0x118: {  	_ = 	snop  }
0x119: {  	[spmem:s3] =	stream.indirect.scatter.add.f32 [tilespmem:s17], [sflag:$0x2], $0x10, s25, s20, $0xb8;
	[tilespmem:$0x1F9D0] =	vst v63  }
0x11a: {  	_ = 	snop  }
0x11b: {  	[spmem:s3] =	stream.indirect.scatter.add.f32 [tilespmem:s17], [sflag:$0x2], $0x10, s26, s20, $0xb8;
	[tilespmem:$0x1F9D0] =	vst v63  }
0x11c: {  	_ = 	snop  }
0x11d: {  	[spmem:s3] =	stream.indirect.scatter.add.f32 [tilespmem:s17], [sflag:$0x2], $0x10, s28, s20, $0xb8;
	[tilespmem:$0x1F9D0] =	vst v63  }
0x11e: {  	_ = 	snop  }
0x11f: {  	[spmem:s3] =	stream.indirect.scatter.add.f32 [tilespmem:s17], [sflag:$0x2], $0x10, s29, s20, $0xb8;
	[tilespmem:$0x1F9D0] =	vst v63  }
0x120: {  	_ = 	snop  }
0x121: {  	[spmem:s3] =	stream.indirect.scatter.add.f32 [tilespmem:s17], [sflag:$0x2], $0x10, s30, s20, $0xb8;
	[tilespmem:$0x1F9D0] =	vst v63  }
0x122: {  	_ = 	snop  }
0x123: {  	[spmem:s3] =	stream.indirect.scatter.add.f32 [tilespmem:s17], [sflag:$0x2], $0x10, s31, s20, $0xb8;
	[tilespmem:$0x1F9D0] =	vst v63  }
0x124: {  	_ = 	snop  }
0x125: {  	[spmem:s3] =	stream.indirect.scatter.add.f32 [tilespmem:s17], [sflag:$0x2], $0x10, s0, s20, $0xb8;
	[tilespmem:$0x1F9D0] =	vst v63  }
0x126: {  	_ = 	snop  }
0x127: {  	[spmem:s3] =	stream.indirect.scatter.add.f32 [tilespmem:s17], [sflag:$0x2], $0x10, s1, s20, $0xb8;
	[tilespmem:$0x1F9D0] =	vst v63  }
0x128: {  	_ = 	snop  }
0x129: {  	[spmem:s3] =	stream.indirect.scatter.add.f32 [tilespmem:s17], [sflag:$0x2], $0x10, s5, s20, $0xb8;
	[tilespmem:$0x1F9D0] =	vst v63  }
0x12a: {  	_ = 	snop  }
0x12b: {  	[spmem:s3] =	stream.indirect.scatter.add.f32 [tilespmem:s17], [sflag:$0x2], $0x10, s6, s20, $0xb8;
	[tilespmem:$0x1F9D0] =	vst v63  }
0x12c: {  	_ = 	snop  }
0x12d: {  	[spmem:s3] =	stream.indirect.scatter.add.f32 [tilespmem:s17], [sflag:$0x2], $0x10, s8, s20, $0xb8;
	[tilespmem:$0x1F9D0] =	vst v63  }
0x12e: {  	_ =	swait.ge [sflag:s11], $0xFA0  }
0x12f: {  	[sflag:s11] =	ssyncset.done $0x0  }
0x130: {  	[sflag:s11] =	ssyncadd.s32 $0xFFFFF060  }
0x131: {  	_ =	swait.ge [sflag:s11], $0xFA0  }
0x132: {  	[sflag:s11] =	ssyncset.done $0x0  }
0x133: {  	[sflag:s11] =	ssyncadd.s32 $0xFFFFF060  }
0x134: {  	_ =	swait.ge [sflag:s11], $0xFA0  }
0x135: {  	[sflag:s11] =	ssyncset.done $0x0  }
0x136: {  	[sflag:s11] =	ssyncadd.s32 $0xFFFFF060  }
0x137: {  	_ =	swait.ge [sflag:s11], $0xFA0  }
0x138: {  	[sflag:s11] =	ssyncset.done $0x0  }
0x139: {  	[sflag:s11] =	ssyncadd.s32 $0xFFFFF060  }
0x13a: {  	_ =	swait.ge [sflag:s11], $0xFA0  }
0x13b: {  	[sflag:s11] =	ssyncset.done $0x0  }
0x13c: {  	[sflag:s11] =	ssyncadd.s32 $0xFFFFF060  }
0x13d: {  	_ =	swait.ge [sflag:s11], $0xFA0  }
0x13e: {  	[sflag:s11] =	ssyncset.done $0x0  }
0x13f: {  	[sflag:s11] =	ssyncadd.s32 $0xFFFFF060  }
0x140: {  	_ =	swait.ge [sflag:s11], $0xFA0  }
0x141: {  	[sflag:s11] =	ssyncset.done $0x0  }
0x142: {  	[sflag:s11] =	ssyncadd.s32 $0xFFFFF060  }
0x143: {  	_ =	swait.ge [sflag:s11], $0xFA0  }
0x144: {  	[sflag:s11] =	ssyncset.done $0x0  }
0x145: {  	[sflag:s11] =	ssyncadd.s32 $0xFFFFF060  }
0x146: {  	_ =	swait.ge [sflag:s11], $0xFA0  }
0x147: {  	[sflag:s11] =	ssyncset.done $0x0  }
0x148: {  	[sflag:s11] =	ssyncadd.s32 $0xFFFFF060  }
0x149: {  	_ =	swait.ge [sflag:s11], $0xFA0  }
0x14a: {  	[sflag:s11] =	ssyncset.done $0x0  }
0x14b: {  	[sflag:s11] =	ssyncadd.s32 $0xFFFFF060  }
0x14c: {  	_ =	swait.ge [sflag:s11], $0xFA0  }
0x14d: {  	[sflag:s11] =	ssyncset.done $0x0  }
0x14e: {  	[sflag:s11] =	ssyncadd.s32 $0xFFFFF060  }
0x14f: {  	_ =	swait.ge [sflag:s11], $0xFA0  }
0x150: {  	[sflag:s11] =	ssyncset.done $0x0  }
0x151: {  	[sflag:s11] =	ssyncadd.s32 $0xFFFFF060  }
0x152: {  	_ =	swait.ge [sflag:s11], $0xFA0  }
0x153: {  	[sflag:s11] =	ssyncset.done $0x0  }
0x154: {  	[sflag:s11] =	ssyncadd.s32 $0xFFFFF060  }
0x155: {  	_ =	swait.ge [sflag:s11], $0xFA0  }
0x156: {  	[sflag:s11] =	ssyncset.done $0x0  }
0x157: {  	[sflag:s11] =	ssyncadd.s32 $0xFFFFF060  }
0x158: {  	_ =	swait.ge [sflag:s11], $0xFA0  }
0x159: {  	[sflag:s11] =	ssyncset.done $0x0  }
0x15a: {  	[sflag:s11] =	ssyncadd.s32 $0xFFFFF060  }
0x15b: {  	_ =	swait.ge [sflag:s11], $0xFA0  }
0x15c: {  	[sflag:s11] =	ssyncset.done $0x0  }
0x15d: {  	[sflag:s11] =	ssyncadd.s32 $0xFFFFF060  }
0x15e: {  	_ =	swait.ge [sflag:s12], $0x7D0  }
0x15f: {  	[sflag:s12] =	ssyncset.done $0x0  }
0x160: {  	[sflag:s12] =	ssyncadd.s32 $0xFFFFF830  }
0x161: {  	_ =	swait.ge [sflag:s12], $0x7D0  }
0x162: {  	[sflag:s12] =	ssyncset.done $0x0  }
0x163: {  	[sflag:s12] =	ssyncadd.s32 $0xFFFFF830  }
0x164: {  	_ =	swait.ge [sflag:s12], $0x7D0  }
0x165: {  	[sflag:s12] =	ssyncset.done $0x0  }
0x166: {  	[sflag:s12] =	ssyncadd.s32 $0xFFFFF830  }
0x167: {  	_ =	swait.ge [sflag:s12], $0x7D0  }
0x168: {  	[sflag:s12] =	ssyncset.done $0x0  }
0x169: {  	[sflag:s12] =	ssyncadd.s32 $0xFFFFF830  }
0x16a: {  	_ =	swait.ge [sflag:s12], $0x7D0  }
0x16b: {  	[sflag:s12] =	ssyncset.done $0x0  }
0x16c: {  	[sflag:s12] =	ssyncadd.s32 $0xFFFFF830  }
0x16d: {  	_ =	swait.ge [sflag:s12], $0x7D0  }
0x16e: {  	[sflag:s12] =	ssyncset.done $0x0  }
0x16f: {  	[sflag:s12] =	ssyncadd.s32 $0xFFFFF830  }
0x170: {  	_ =	swait.ge [sflag:s12], $0x7D0  }
0x171: {  	[sflag:s12] =	ssyncset.done $0x0  }
0x172: {  	[sflag:s12] =	ssyncadd.s32 $0xFFFFF830  }
0x173: {  	_ =	swait.ge [sflag:s12], $0x7D0  }
0x174: {  	[sflag:s12] =	ssyncset.done $0x0  }
0x175: {  	[sflag:s12] =	ssyncadd.s32 $0xFFFFF830  }
0x176: {  	_ =	swait.ge [sflag:s12], $0x7D0  }
0x177: {  	[sflag:s12] =	ssyncset.done $0x0  }
0x178: {  	[sflag:s12] =	ssyncadd.s32 $0xFFFFF830  }
0x179: {  	_ =	swait.ge [sflag:s12], $0x7D0  }
0x17a: {  	[sflag:s12] =	ssyncset.done $0x0  }
0x17b: {  	[sflag:s12] =	ssyncadd.s32 $0xFFFFF830  }
0x17c: {  	_ =	swait.ge [sflag:s12], $0x7D0  }
0x17d: {  	[sflag:s12] =	ssyncset.done $0x0  }
0x17e: {  	[sflag:s12] =	ssyncadd.s32 $0xFFFFF830  }
0x17f: {  	_ =	swait.ge [sflag:s12], $0x7D0  }
0x180: {  	[sflag:s12] =	ssyncset.done $0x0  }
0x181: {  	[sflag:s12] =	ssyncadd.s32 $0xFFFFF830  }
0x182: {  	_ =	swait.ge [sflag:s12], $0x7D0  }
0x183: {  	[sflag:s12] =	ssyncset.done $0x0  }
0x184: {  	[sflag:s12] =	ssyncadd.s32 $0xFFFFF830  }
0x185: {  	_ =	swait.ge [sflag:s12], $0x7D0  }
0x186: {  	[sflag:s12] =	ssyncset.done $0x0  }
0x187: {  	p0 =	sne.s32 s16, $0x400;
	[sflag:s12] =	ssyncadd.s32 $0xFFFFF830  }
.Ltmp0:
0x188: {  	_ =	swait.ge [sflag:s12], $0x7D0;
	(pc) =	sbr.rel @p0 .LBB2_2-.Ltmp0, $4  }
0x189: {  	[sflag:s12] =	ssyncset.done $0x0  }
0x18a: {  	[sflag:s12] =	ssyncadd.s32 $0xFFFFF830  }
0x18b: {  	_ =	swait.ge [sflag:s12], $0x7D0  }
0x18c: {  	s16 =	sadd.s32 $0x100, s16;
	s9 =	rddreg [dreg:$0x5];
	[sflag:s12] =	ssyncset.done $0x0  }
0x18d: {  	s7 =	sadd.s32 s14, s9;
	[sflag:s12] =	ssyncadd.s32 $0xFFFFF830  }
0x18e: {  	[tilespmem:s18], [sflag:$0x3] =	stream.linear.gather [hbm4b:s7+s4], $0x800, $0x38;
	[tilespmem:$0x1F9D0] =	vst v63  }
0x18f: {  	_ =	swait.ge [sflag:s15], $0x800  }
0x190: {  	[sflag:s15] =	ssyncset.done $0x0  }
0x191: {  	s16 =	sadd.s32 $0x1F40, s13;
	[sflag:s15] =	ssyncadd.s32 $0xFFFFF800  }
0x192: {  	[tilespmem:s19], [sflag:$0x3] =	stream.linear.gather [hbm4b:s16+s4], $0xFA00, $0x38;
	[tilespmem:$0x1F9D0] =	vst v63  }
0x193: {  	_ =	swait.ge [sflag:s15], $0xFA00  }
0x194: {  	[sflag:s15] =	ssyncset.done $0x0  }
0x195: {  	[sflag:s15] =	ssyncadd.s32 $0xFFFF0600  }
0x196: {  	[spmem:s2] =	stream.indirect.scatter.add.f32 [tilespmem:s19], [sflag:$0x1], $0x20, s18, s20, $0xb8;
	[tilespmem:$0x1F9D0] =	vst v63  }
0x197: {  	s9 =	rddreg [dreg:$0x6]  }
0x198: {  	[spmem:s2] =	stream.indirect.scatter.add.f32 [tilespmem:s9], [sflag:$0x1], $0x20, s21, s20, $0xb8;
	[tilespmem:$0x1F9D0] =	vst v63  }
0x199: {  	s13 =	rddreg [dreg:$0x7]  }
0x19a: {  	[spmem:s2] =	stream.indirect.scatter.add.f32 [tilespmem:s13], [sflag:$0x1], $0x20, s22, s20, $0xb8;
	[tilespmem:$0x1F9D0] =	vst v63  }
0x19b: {  	s14 =	rddreg [dreg:$0x8]  }
0x19c: {  	[spmem:s2] =	stream.indirect.scatter.add.f32 [tilespmem:s14], [sflag:$0x1], $0x20, s23, s20, $0xb8;
	[tilespmem:$0x1F9D0] =	vst v63  }
0x19d: {  	s16 =	rddreg [dreg:$0x9]  }
0x19e: {  	[spmem:s2] =	stream.indirect.scatter.add.f32 [tilespmem:s16], [sflag:$0x1], $0x20, s24, s20, $0xb8;
	[tilespmem:$0x1F9D0] =	vst v63  }
0x19f: {  	s13 =	rddreg [dreg:$0xa]  }
0x1a0: {  	[spmem:s2] =	stream.indirect.scatter.add.f32 [tilespmem:s13], [sflag:$0x1], $0x20, s25, s20, $0xb8;
	[tilespmem:$0x1F9D0] =	vst v63  }
0x1a1: {  	s14 =	rddreg [dreg:$0xb]  }
0x1a2: {  	[spmem:s2] =	stream.indirect.scatter.add.f32 [tilespmem:s14], [sflag:$0x1], $0x20, s26, s20, $0xb8;
	[tilespmem:$0x1F9D0] =	vst v63  }
0x1a3: {  	s16 =	rddreg [dreg:$0xc]  }
0x1a4: {  	[spmem:s2] =	stream.indirect.scatter.add.f32 [tilespmem:s16], [sflag:$0x1], $0x20, s28, s20, $0xb8;
	[tilespmem:$0x1F9D0] =	vst v63  }
0x1a5: {  	s13 =	rddreg [dreg:$0xd]  }
0x1a6: {  	[spmem:s2] =	stream.indirect.scatter.add.f32 [tilespmem:s13], [sflag:$0x1], $0x20, s29, s20, $0xb8;
	[tilespmem:$0x1F9D0] =	vst v63  }
0x1a7: {  	s14 =	rddreg [dreg:$0xe]  }
0x1a8: {  	[spmem:s2] =	stream.indirect.scatter.add.f32 [tilespmem:s14], [sflag:$0x1], $0x20, s30, s20, $0xb8;
	[tilespmem:$0x1F9D0] =	vst v63  }
0x1a9: {  	s16 =	rddreg [dreg:$0xf]  }
0x1aa: {  	[spmem:s2] =	stream.indirect.scatter.add.f32 [tilespmem:s16], [sflag:$0x1], $0x20, s31, s20, $0xb8;
	[tilespmem:$0x1F9D0] =	vst v63  }
0x1ab: {  	s13 =	rddreg [dreg:$0x10]  }
0x1ac: {  	[spmem:s2] =	stream.indirect.scatter.add.f32 [tilespmem:s13], [sflag:$0x1], $0x20, s0, s20, $0xb8;
	[tilespmem:$0x1F9D0] =	vst v63  }
0x1ad: {  	s14 =	rddreg [dreg:$0x11]  }
0x1ae: {  	[spmem:s2] =	stream.indirect.scatter.add.f32 [tilespmem:s14], [sflag:$0x1], $0x20, s1, s20, $0xb8;
	[tilespmem:$0x1F9D0] =	vst v63  }
0x1af: {  	s16 =	rddreg [dreg:$0x12]  }
0x1b0: {  	[spmem:s2] =	stream.indirect.scatter.add.f32 [tilespmem:s16], [sflag:$0x1], $0x20, s5, s20, $0xb8;
	[tilespmem:$0x1F9D0] =	vst v63  }
0x1b1: {  	s13 =	rddreg [dreg:$0x13]  }
0x1b2: {  	[spmem:s2] =	stream.indirect.scatter.add.f32 [tilespmem:s13], [sflag:$0x1], $0x20, s6, s20, $0xb8;
	[tilespmem:$0x1F9D0] =	vst v63  }
0x1b3: {  	_ = 	snop  }
0x1b4: {  	[spmem:s2] =	stream.indirect.scatter.add.f32 [tilespmem:s10], [sflag:$0x1], $0x20, s8, s20, $0xb8;
	[tilespmem:$0x1F9D0] =	vst v63  }
0x1b5: {  	_ = 	snop  }
0x1b6: {  	[spmem:s3] =	stream.indirect.scatter.add.f32 [tilespmem:s17], [sflag:$0x2], $0x10, s18, s20, $0xb8;
	[tilespmem:$0x1F9D0] =	vst v63  }
0x1b7: {  	_ = 	snop  }
0x1b8: {  	[spmem:s3] =	stream.indirect.scatter.add.f32 [tilespmem:s17], [sflag:$0x2], $0x10, s21, s20, $0xb8;
	[tilespmem:$0x1F9D0] =	vst v63  }
0x1b9: {  	_ = 	snop  }
0x1ba: {  	[spmem:s3] =	stream.indirect.scatter.add.f32 [tilespmem:s17], [sflag:$0x2], $0x10, s22, s20, $0xb8;
	[tilespmem:$0x1F9D0] =	vst v63  }
0x1bb: {  	_ = 	snop  }
0x1bc: {  	[spmem:s3] =	stream.indirect.scatter.add.f32 [tilespmem:s17], [sflag:$0x2], $0x10, s23, s20, $0xb8;
	[tilespmem:$0x1F9D0] =	vst v63  }
0x1bd: {  	_ = 	snop  }
0x1be: {  	[spmem:s3] =	stream.indirect.scatter.add.f32 [tilespmem:s17], [sflag:$0x2], $0x10, s24, s20, $0xb8;
	[tilespmem:$0x1F9D0] =	vst v63  }
0x1bf: {  	_ = 	snop  }
0x1c0: {  	[spmem:s3] =	stream.indirect.scatter.add.f32 [tilespmem:s17], [sflag:$0x2], $0x10, s25, s20, $0xb8;
	[tilespmem:$0x1F9D0] =	vst v63  }
0x1c1: {  	_ = 	snop  }
0x1c2: {  	[spmem:s3] =	stream.indirect.scatter.add.f32 [tilespmem:s17], [sflag:$0x2], $0x10, s26, s20, $0xb8;
	[tilespmem:$0x1F9D0] =	vst v63  }
0x1c3: {  	_ = 	snop  }
0x1c4: {  	[spmem:s3] =	stream.indirect.scatter.add.f32 [tilespmem:s17], [sflag:$0x2], $0x10, s28, s20, $0xb8;
	[tilespmem:$0x1F9D0] =	vst v63  }
0x1c5: {  	_ = 	snop  }
0x1c6: {  	[spmem:s3] =	stream.indirect.scatter.add.f32 [tilespmem:s17], [sflag:$0x2], $0x10, s29, s20, $0xb8;
	[tilespmem:$0x1F9D0] =	vst v63  }
0x1c7: {  	_ = 	snop  }
0x1c8: {  	[spmem:s3] =	stream.indirect.scatter.add.f32 [tilespmem:s17], [sflag:$0x2], $0x10, s30, s20, $0xb8;
	[tilespmem:$0x1F9D0] =	vst v63  }
0x1c9: {  	_ = 	snop  }
0x1ca: {  	[spmem:s3] =	stream.indirect.scatter.add.f32 [tilespmem:s17], [sflag:$0x2], $0x10, s31, s20, $0xb8;
	[tilespmem:$0x1F9D0] =	vst v63  }
0x1cb: {  	_ = 	snop  }
0x1cc: {  	[spmem:s3] =	stream.indirect.scatter.add.f32 [tilespmem:s17], [sflag:$0x2], $0x10, s0, s20, $0xb8;
	[tilespmem:$0x1F9D0] =	vst v63  }
0x1cd: {  	_ = 	snop  }
0x1ce: {  	[spmem:s3] =	stream.indirect.scatter.add.f32 [tilespmem:s17], [sflag:$0x2], $0x10, s1, s20, $0xb8;
	[tilespmem:$0x1F9D0] =	vst v63  }
0x1cf: {  	_ = 	snop  }
0x1d0: {  	[spmem:s3] =	stream.indirect.scatter.add.f32 [tilespmem:s17], [sflag:$0x2], $0x10, s5, s20, $0xb8;
	[tilespmem:$0x1F9D0] =	vst v63  }
0x1d1: {  	_ = 	snop  }
0x1d2: {  	[spmem:s3] =	stream.indirect.scatter.add.f32 [tilespmem:s17], [sflag:$0x2], $0x10, s6, s20, $0xb8;
	[tilespmem:$0x1F9D0] =	vst v63  }
0x1d3: {  	_ = 	snop  }
0x1d4: {  	[spmem:s3] =	stream.indirect.scatter.add.f32 [tilespmem:s17], [sflag:$0x2], $0x10, s8, s20, $0xb8;
	[tilespmem:$0x1F9D0] =	vst v63  }
0x1d5: {  	_ =	swait.ge [sflag:s11], $0xFA0  }
0x1d6: {  	[sflag:s11] =	ssyncset.done $0x0  }
0x1d7: {  	[sflag:s11] =	ssyncadd.s32 $0xFFFFF060  }
0x1d8: {  	_ =	swait.ge [sflag:s11], $0xFA0  }
0x1d9: {  	[sflag:s11] =	ssyncset.done $0x0  }
0x1da: {  	[sflag:s11] =	ssyncadd.s32 $0xFFFFF060  }
0x1db: {  	_ =	swait.ge [sflag:s11], $0xFA0  }
0x1dc: {  	[sflag:s11] =	ssyncset.done $0x0  }
0x1dd: {  	[sflag:s11] =	ssyncadd.s32 $0xFFFFF060  }
0x1de: {  	_ =	swait.ge [sflag:s11], $0xFA0  }
0x1df: {  	[sflag:s11] =	ssyncset.done $0x0  }
0x1e0: {  	[sflag:s11] =	ssyncadd.s32 $0xFFFFF060  }
0x1e1: {  	_ =	swait.ge [sflag:s11], $0xFA0  }
0x1e2: {  	[sflag:s11] =	ssyncset.done $0x0  }
0x1e3: {  	[sflag:s11] =	ssyncadd.s32 $0xFFFFF060  }
0x1e4: {  	_ =	swait.ge [sflag:s11], $0xFA0  }
0x1e5: {  	[sflag:s11] =	ssyncset.done $0x0  }
0x1e6: {  	[sflag:s11] =	ssyncadd.s32 $0xFFFFF060  }
0x1e7: {  	_ =	swait.ge [sflag:s11], $0xFA0  }
0x1e8: {  	[sflag:s11] =	ssyncset.done $0x0  }
0x1e9: {  	[sflag:s11] =	ssyncadd.s32 $0xFFFFF060  }
0x1ea: {  	_ =	swait.ge [sflag:s11], $0xFA0  }
0x1eb: {  	[sflag:s11] =	ssyncset.done $0x0  }
0x1ec: {  	[sflag:s11] =	ssyncadd.s32 $0xFFFFF060  }
0x1ed: {  	_ =	swait.ge [sflag:s11], $0xFA0  }
0x1ee: {  	[sflag:s11] =	ssyncset.done $0x0  }
0x1ef: {  	[sflag:s11] =	ssyncadd.s32 $0xFFFFF060  }
0x1f0: {  	_ =	swait.ge [sflag:s11], $0xFA0  }
0x1f1: {  	[sflag:s11] =	ssyncset.done $0x0  }
0x1f2: {  	[sflag:s11] =	ssyncadd.s32 $0xFFFFF060  }
0x1f3: {  	_ =	swait.ge [sflag:s11], $0xFA0  }
0x1f4: {  	[sflag:s11] =	ssyncset.done $0x0  }
0x1f5: {  	[sflag:s11] =	ssyncadd.s32 $0xFFFFF060  }
0x1f6: {  	_ =	swait.ge [sflag:s11], $0xFA0  }
0x1f7: {  	[sflag:s11] =	ssyncset.done $0x0  }
0x1f8: {  	[sflag:s11] =	ssyncadd.s32 $0xFFFFF060  }
0x1f9: {  	_ =	swait.ge [sflag:s11], $0xFA0  }
0x1fa: {  	[sflag:s11] =	ssyncset.done $0x0  }
0x1fb: {  	[sflag:s11] =	ssyncadd.s32 $0xFFFFF060  }
0x1fc: {  	_ =	swait.ge [sflag:s11], $0xFA0  }
0x1fd: {  	[sflag:s11] =	ssyncset.done $0x0  }
0x1fe: {  	[sflag:s11] =	ssyncadd.s32 $0xFFFFF060  }
0x1ff: {  	_ =	swait.ge [sflag:s11], $0xFA0  }
0x200: {  	[sflag:s11] =	ssyncset.done $0x0  }
0x201: {  	[sflag:s11] =	ssyncadd.s32 $0xFFFFF060  }
0x202: {  	_ =	swait.ge [sflag:s11], $0xFA0  }
0x203: {  	[sflag:s11] =	ssyncset.done $0x0  }
0x204: {  	[sflag:s11] =	ssyncadd.s32 $0xFFFFF060  }
0x205: {  	_ =	swait.ge [sflag:s12], $0x7D0  }
0x206: {  	[sflag:s12] =	ssyncset.done $0x0  }
0x207: {  	[sflag:s12] =	ssyncadd.s32 $0xFFFFF830  }
0x208: {  	_ =	swait.ge [sflag:s12], $0x7D0  }
0x209: {  	[sflag:s12] =	ssyncset.done $0x0  }
0x20a: {  	[sflag:s12] =	ssyncadd.s32 $0xFFFFF830  }
0x20b: {  	_ =	swait.ge [sflag:s12], $0x7D0  }
0x20c: {  	[sflag:s12] =	ssyncset.done $0x0  }
0x20d: {  	[sflag:s12] =	ssyncadd.s32 $0xFFFFF830  }
0x20e: {  	_ =	swait.ge [sflag:s12], $0x7D0  }
0x20f: {  	[sflag:s12] =	ssyncset.done $0x0  }
0x210: {  	[sflag:s12] =	ssyncadd.s32 $0xFFFFF830  }
0x211: {  	_ =	swait.ge [sflag:s12], $0x7D0  }
0x212: {  	[sflag:s12] =	ssyncset.done $0x0  }
0x213: {  	[sflag:s12] =	ssyncadd.s32 $0xFFFFF830  }
0x214: {  	_ =	swait.ge [sflag:s12], $0x7D0  }
0x215: {  	[sflag:s12] =	ssyncset.done $0x0  }
0x216: {  	[sflag:s12] =	ssyncadd.s32 $0xFFFFF830  }
0x217: {  	_ =	swait.ge [sflag:s12], $0x7D0  }
0x218: {  	[sflag:s12] =	ssyncset.done $0x0  }
0x219: {  	[sflag:s12] =	ssyncadd.s32 $0xFFFFF830  }
0x21a: {  	_ =	swait.ge [sflag:s12], $0x7D0  }
0x21b: {  	[sflag:s12] =	ssyncset.done $0x0  }
0x21c: {  	[sflag:s12] =	ssyncadd.s32 $0xFFFFF830  }
0x21d: {  	_ =	swait.ge [sflag:s12], $0x7D0  }
0x21e: {  	[sflag:s12] =	ssyncset.done $0x0  }
0x21f: {  	[sflag:s12] =	ssyncadd.s32 $0xFFFFF830  }
0x220: {  	_ =	swait.ge [sflag:s12], $0x7D0  }
0x221: {  	[sflag:s12] =	ssyncset.done $0x0  }
0x222: {  	[sflag:s12] =	ssyncadd.s32 $0xFFFFF830  }
0x223: {  	_ =	swait.ge [sflag:s12], $0x7D0  }
0x224: {  	[sflag:s12] =	ssyncset.done $0x0  }
0x225: {  	[sflag:s12] =	ssyncadd.s32 $0xFFFFF830  }
0x226: {  	_ =	swait.ge [sflag:s12], $0x7D0  }
0x227: {  	[sflag:s12] =	ssyncset.done $0x0  }
0x228: {  	[sflag:s12] =	ssyncadd.s32 $0xFFFFF830  }
0x229: {  	_ =	swait.ge [sflag:s12], $0x7D0  }
0x22a: {  	[sflag:s12] =	ssyncset.done $0x0  }
0x22b: {  	[sflag:s12] =	ssyncadd.s32 $0xFFFFF830  }
0x22c: {  	_ =	swait.ge [sflag:s12], $0x7D0  }
0x22d: {  	[sflag:s12] =	ssyncset.done $0x0  }
0x22e: {  	[sflag:s12] =	ssyncadd.s32 $0xFFFFF830  }
0x22f: {  	_ =	swait.ge [sflag:s12], $0x7D0  }
0x230: {  	[sflag:s12] =	ssyncset.done $0x0  }
0x231: {  	[sflag:s12] =	ssyncadd.s32 $0xFFFFF830  }
0x232: {  	_ =	swait.ge [sflag:s12], $0x7D0  }
0x233: {  	[sflag:s12] =	ssyncset.done $0x0  }
0x234: {  	[sflag:s12] =	ssyncadd.s32 $0xFFFFF830  }
0x235: {  	[bflag:$0x0] =	sbarrier.arrive $0xFFFF  }
0x236: {  	s9 =	simm.s32 $0x181D0;
	s14 =	rddreg [dreg:$0x16]  }
0x237: {  	[tilespmem:s9], [sflag:$0x3] =	stream.linear.gather [spmem:s14], $0x5000, $0x38;
	[tilespmem:$0x1F9D0] =	vst v63  }
0x238: {  	_ =	swait.ge [sflag:s15], $0x5000  }
0x239: {  	[sflag:s15] =	ssyncset.done $0x0  }
0x23a: {  	s16 =	rddreg [dreg:$0x19];
	[sflag:s15] =	ssyncadd.s32 $0xFFFFB000  }
0x23b: {  	[hbm4b:s16+s4] =	stream.linear.scatter [tilespmem:s9], [sflag:$0x3], $0x5000, $0x38;
	[tilespmem:$0x1F9D0] =	vst v63  }
0x23c: {  	_ =	swait.ge [sflag:s15], $0x5000  }
0x23d: {  	[sflag:s15] =	ssyncset.done $0x0  }
0x23e: {  	s16 =	simm.s32 $0x1D1D0;
	s14 =	rddreg [dreg:$0x18];
	[sflag:s15] =	ssyncadd.s32 $0xFFFFB000  }
0x23f: {  	[tilespmem:s16], [sflag:$0x3] =	stream.linear.gather [spmem:s14], $0x2800, $0x38;
	[tilespmem:$0x1F9D0] =	vst v63  }
0x240: {  	_ =	swait.ge [sflag:s15], $0x2800  }
0x241: {  	[sflag:s15] =	ssyncset.done $0x0  }
0x242: {  	s13 =	rddreg [dreg:$0x1a];
	[sflag:s15] =	ssyncadd.s32 $0xFFFFD800  }
0x243: {  	[hbm4b:s13+s4] =	stream.linear.scatter [tilespmem:s16], [sflag:$0x3], $0x2800, $0x38;
	[tilespmem:$0x1F9D0] =	vst v63  }
0x244: {  	_ =	swait.ge [sflag:s15], $0x2800  }
0x245: {  	s7 =	rddreg [dreg:$0x1d]  }
0x246: {  	s13 =	sadd.s32 $0x1, s7;
	s7 =	rddreg [dreg:$0x1b]  }
0x247: {  	p0 =	sne.s32 s13, s7  }
.Ltmp1:
0x248: {  	_ = 	snop;
	(pc) =	sbr.rel @p0 .LBB2_1-.Ltmp1, $3  }
0x249: {  	_ =	sdelay $0x1  }
0x24a: {  	[sflag:s15] =	ssyncset.done $0x0;
	[dreg:$0x1d] =	wrdreg s13  }
0x24b: {  	[sflag:s15] =	ssyncadd.s32 $0xFFFFD800;
	s13 =	rddreg [dreg:$0x16]  }
0x24c: {  	_ =	sfence.sel $0x180000  }
0x24d: {  	[bflag:$0x0] =	sbarrier.arrive $0xFFFF  }
0x24e: {  	_ =	strace $0x9000004A  }
0x24f: {  	s0 =	stileid.u32;
	[bflag:$0x2] =	sbarrier.arrive $0xFFFF  }
0x250: {  	p0 =	sne.s32 s0, $0x0;
	s0 =	rddreg [dreg:$0x4]  }
0x251: {  	s0 =	sadd.s32 @!p0 $0x100000, s0  }
0x252: {  	[sflag:s0] =	ssyncadd.tile.s32 @!p0 $0x1;
	_ =	shalt  }
.Lfunc_end2:
_tile_overlayer_lowered:
.L_overlay_start_2:
0x253: {  	(tag) =	ssettag $0x2  }
0x254: {  	s0 =	rddreg [dreg:$0x0];
	s2 =	stileid.u32  }
0x255: {  	s1 =	rddreg [dreg:$0x1];
	p0 =	sne.s32 s2, $0x0  }
0x256: {  	s3 =	rddreg [dreg:$0x2];
	[bflag:$0x3] =	sbarrier.arrive $0xFFFF;
	s2 =	simm.s32 @!p0 $0x1C03  }
0x257: {  	[timem:s3], [sflag:s2] =	dma.local @!p0 [hbm:s0], s1  }
0x258: {  	s0 =	simm.s32 @!p0 $0x3  }
0x259: {  	_ =	swait.ge @!p0 [sflag:s0], s1  }
0x25a: {  	s1 =	ssub.s32 @!p0 $0x0, s1;
	[sflag:s0] =	ssyncset.done @!p0 $0x0  }
0x25b: {  	[sflag:s0] =	ssyncadd.s32 @!p0 s1  }
0x25c: {  	[bflag:$0x3] =	sbarrier.arrive $0xFFFF  }
0x25d: {  	_ =	shalt  }

// kernel: kernel.7.cloned.1.call-start
scs
__scs_entry_jumppad:
0x0: {  	(pc) =	sbr.rel $0x88, $3  }
0x1: {  	(tag) =	ssettag $0x0;
	lr =	simm.s32 $0x1  }
0x2: {  	[smem:$0x3F8B] =	sst lr;
	_ =	strace $0xD0000000  }
0x3: {  	_ = 	snop  }
0x4: {  	_ = 	snop  }
0x5: {  	_ = 	snop  }
0x6: {  	_ = 	snop  }
0x7: {  	_ = 	snop  }
__scs_overlays_trampoline_lowered:
0x8: {  	[smem:$0x3F9A] =	sst s0  }
0x9: {  	[smem:$0x3F9B] =	sst s1  }
0xa: {  	[smem:$0x3F9C] =	sst s2  }
0xb: {  	[smem:$0x3F9D] =	sst s3  }
0xc: {  	[smem:$0x3F9E] =	sst s4  }
0xd: {  	[smem:$0x3F9F] =	sst s5  }
0xe: {  	[smem:$0x3FA0] =	sst s6  }
0xf: {  	[smem:$0x3FA1] =	sst s7  }
0x10: {  	[smem:$0x3FA2] =	sst s8  }
0x11: {  	[smem:$0x3FA3] =	sst s9;
	s0 =	simm.s32 @!p0 $0x0  }
0x12: {  	s1 =	sld [smem:$0x3F89];
	s0 =	simm.s32 @p0 $0x1  }
0x13: {  	[smem:$0x3FA4] =	sst s0;
	s0 =	simm.s32 @!p1 $0x0  }
0x14: {  	s2 =	sld [smem:$0x3F88];
	s0 =	simm.s32 @p1 $0x1  }
0x15: {  	[smem:$0x3FA5] =	sst s0;
	s0 =	simm.s32 @!p2 $0x0  }
0x16: {  	s3 =	sld [smem:$0x3FDB];
	s0 =	simm.s32 @p2 $0x1  }
0x17: {  	s4 =	simm.s32 $0x1BF5;
	[smem:$0x3FA7] =	sst s0  }
0x18: {  	s0 =	sld [smem:$0x3F8A];
	_ =	swait.ge [sflag:s4], $0x0  }
0x19: {  	s7 =	sld [smem:$0x3F8B]  }
0x1a: {  	s8 =	sadd.s32 $0xFFFFE003, lr  }
0x1b: {  	s9 =	sadd.s32 $0xFFFFFEF7, lr;
	s5 =	simm.s32 $0xFFFFFFFF;
	p2 =	slt.u32 s8, $0xFFFFF086  }
0x1c: {  	p1 =	slt.u32 s9, $0xF7A;
	s5 =	simm.s32 @!p2 $0x0  }
0x1d: {  	s5 =	simm.s32 @p1 $0x1;
	p0 =	seq.s32 s7, s2  }
0x1e: {  	s7 =	smul.u32 @!p0 $0xF7A, s2;
	p2 =	seq.s32 @!p0 s5, $0x0  }
0x1f: {  	s9 =	smul.u32 $0xF7A, s1;
	s8 =	simm.s32 @!p0 $0x1BF5;
	p2 =	por !p2, p0  }
0x20: {  	[sflag:s8] =	ssyncset.s32 @!p0 $0xFFFFF086;
	s6 =	sadd.s32 @!p0 s3, s7;
	s7 =	simm.s32 @!p0 $0x108  }
0x21: {  	s3 =	sadd.s32 s3, s9;
	s6 =	sadd.s32 @!p0 $0x88, s6;
	s7 =	simm.s32 @p2 $0x1082  }
0x22: {  	[simem:s7], [sflag:s8] =	dma.local @!p0 [hbm:s6], $0xF7A  }
0x23: {  	s9 =	sor.u32 $0xD0000000, s2;
	s6 =	simm.s32 $0x108;
	_ =	swait.ge @!p0 [sflag:s8], $0x0  }
0x24: {  	s3 =	sadd.s32 $0x88, s3;
	s6 =	simm.s32 @!p1 $0x1082;
	[sflag:s4] =	ssyncset.s32 $0xFFFFF086  }
0x25: {  	[simem:s6], [sflag:s4] =	dma.local [hbm:s3], $0xF7A  }
0x26: {  	[smem:$0x3F8B] =	sst s1;
	(tag) =	ssettag s2;
	_ =	strace s9  }
0x27: {  	s1 =	sld [smem:$0x3F9B]  }
0x28: {  	s2 =	sld [smem:$0x3F9C]  }
0x29: {  	s4 =	sld [smem:$0x3F9E]  }
0x2a: {  	p0 =	seq.s32 s5, $0x0;
	s5 =	sld [smem:$0x3F9F]  }
0x2b: {  	s6 =	sld [smem:$0x3FA0]  }
0x2c: {  	s7 =	sld [smem:$0x3FA1]  }
0x2d: {  	s3 =	simm.s32 $0x108;
	s8 =	sld [smem:$0x3FA2]  }
0x2e: {  	s3 =	simm.s32 @!p0 $0x1082;
	s9 =	sld [smem:$0x3FA3]  }
0x2f: {  	lr =	sadd.s32 s0, s3;
	s0 =	sld [smem:$0x3F9A]  }
0x30: {  	s3 =	sld [smem:$0x3F9D]  }
0x31: {  	[smem:$0x3FA6] =	sst s10  }
0x32: {  	s10 =	sld [smem:$0x3FA4];
	_ =	sdelay $0x3  }
0x33: {  	p0 =	seq.s32 s10, $0x1;
	s10 =	sld [smem:$0x3FA6];
	_ =	sdelay $0x3  }
0x34: {  	[smem:$0x3FA6] =	sst s10  }
0x35: {  	s10 =	sld [smem:$0x3FA5];
	_ =	sdelay $0x3  }
0x36: {  	p1 =	seq.s32 s10, $0x1;
	s10 =	sld [smem:$0x3FA6];
	_ =	sdelay $0x3  }
0x37: {  	[smem:$0x3FA6] =	sst s10  }
0x38: {  	s10 =	sld [smem:$0x3FA7]  }
0x39: {  	_ = 	snop;
	(pc) =	sbr.ind lr, $3  }
0x3a: {  	_ = 	snop  }
0x3b: {  	_ = 	snop  }
0x3c: {  	p2 =	seq.s32 s10, $0x1;
	s10 =	sld [smem:$0x3FA6]  }
0x3d: {  	_ =	shalt  }
0x3e: {  	_ =	shalt  }
0x3f: {  	_ =	shalt  }
0x40: {  	_ =	shalt  }
0x41: {  	_ =	shalt  }
0x42: {  	_ =	shalt  }
0x43: {  	_ =	shalt  }
0x44: {  	_ =	shalt  }
0x45: {  	_ =	shalt  }
0x46: {  	_ =	shalt  }
0x47: {  	_ =	shalt  }
0x48: {  	_ =	shalt  }
0x49: {  	_ =	shalt  }
0x4a: {  	_ =	shalt  }
0x4b: {  	_ =	shalt  }
0x4c: {  	_ =	shalt  }
0x4d: {  	_ =	shalt  }
0x4e: {  	_ =	shalt  }
0x4f: {  	_ =	shalt  }
0x50: {  	_ =	shalt  }
0x51: {  	_ =	shalt  }
0x52: {  	_ =	shalt  }
0x53: {  	_ =	shalt  }
0x54: {  	_ =	shalt  }
0x55: {  	_ =	shalt  }
0x56: {  	_ =	shalt  }
0x57: {  	_ =	shalt  }
0x58: {  	_ =	shalt  }
0x59: {  	_ =	shalt  }
0x5a: {  	_ =	shalt  }
0x5b: {  	_ =	shalt  }
0x5c: {  	_ =	shalt  }
0x5d: {  	_ =	shalt  }
0x5e: {  	_ =	shalt  }
0x5f: {  	_ =	shalt  }
0x60: {  	_ =	shalt  }
0x61: {  	_ =	shalt  }
0x62: {  	_ =	shalt  }
0x63: {  	_ =	shalt  }
0x64: {  	_ =	shalt  }
0x65: {  	_ =	shalt  }
0x66: {  	_ =	shalt  }
0x67: {  	_ =	shalt  }
0x68: {  	_ =	shalt  }
0x69: {  	_ =	shalt  }
0x6a: {  	_ =	shalt  }
0x6b: {  	_ =	shalt  }
0x6c: {  	_ =	shalt  }
0x6d: {  	_ =	shalt  }
0x6e: {  	_ =	shalt  }
0x6f: {  	_ =	shalt  }
0x70: {  	_ =	shalt  }
0x71: {  	_ =	shalt  }
0x72: {  	_ =	shalt  }
0x73: {  	_ =	shalt  }
0x74: {  	_ =	shalt  }
0x75: {  	_ =	shalt  }
0x76: {  	_ =	shalt  }
0x77: {  	_ =	shalt  }
0x78: {  	_ =	shalt  }
0x79: {  	_ =	shalt  }
0x7a: {  	_ =	shalt  }
0x7b: {  	_ =	shalt  }
0x7c: {  	_ =	shalt  }
0x7d: {  	_ =	shalt  }
0x7e: {  	_ =	shalt  }
0x7f: {  	_ =	shalt  }
0x80: {  	_ =	shalt  }
0x81: {  	_ =	shalt  }
0x82: {  	_ =	shalt  }
0x83: {  	_ =	shalt  }
0x84: {  	_ =	shalt  }
0x85: {  	_ =	shalt  }
0x86: {  	_ =	shalt  }
0x87: {  	_ =	shalt  }
.Lfunc_end0:
.L_simem_size_0:
called_computation.1_lowered:
.L_overlay_start_0:
0x88: {  	s2 =	sld [smem:$0x3FD9]  }
0x89: {  	s3 =	sld [smem:$0x3FFE];
	_ =	sdelay $0x1  }
0x8a: {  	s1 =	srdreg.scid  }
0x8b: {  	s0 =	sand.u32 $0x1, s1  }
0x8c: {  	s14 =	sshll.u32 s0, $0xA;
	s2 =	sadd.s32 s3, s2  }
0x8d: {  	s2 =	sadd.s32 s2, s14  }
0x8e: {  	[smem:$0x3FB2] =	sst s2  }
0x8f: {  	_ = 	snop  }
0x90: {  	s2 =	sld [smem:$0x3FD0];
	_ =	sdelay $0x2  }
0x91: {  	s15 =	simm.s32 $0xB;
	s4 =	simm.s32 $0x10  }
0x92: {  	[smem:s4], [sflag:s15] =	dma.local [hbm:s2], $0x1  }
0x93: {  	_ =	swait.eq [sflag:s15], $0x1  }
0x94: {  	[sflag:s15] =	ssyncset.done $0x0  }
0x95: {  	[sflag:s15] =	ssyncadd.s32 $0xFFFFFFFF  }
0x96: {  	s16 =	sld [smem:$0x11];
	(tm) =	ssettm $0x1  }
0x97: {  	s17 =	sld [smem:$0x3FFB];
	_ =	sdelay $0x3  }
0x98: {  	_ =	strace s17  }
0x99: {  	s3 =	sld [smem:$0x3FFC];
	_ =	sdelay $0x3  }
0x9a: {  	_ =	strace s3  }
0x9b: {  	s3 =	sld [smem:$0x3FFD];
	_ =	sdelay $0x3  }
0x9c: {  	_ =	strace s3  }
0x9d: {  	_ =	strace $0x8FFFFFFF  }
0x9e: {  	s18 =	sld [smem:$0x3FDB];
	_ =	sdelay $0x1  }
0x9f: {  	s19 =	simm.s32 $_scs_section_size  }
0xa0: {  	s5 =	simm.s32 $_size__tile_overlayer_lowered;
	s6 =	simm.s32 $_tile_overlayer_lowered  }
0xa1: {  	s22 =	simm.s32 $0x1BFF;
	s21 =	sshll.u32 s6, $0x1;
	s3 =	sadd.s32 s19, s18  }
0xa2: {  	s7 =	simm.s32 $0x0;
	s20 =	sshll.u32 s5, $0x1;
	s5 =	sadd.s32 s21, s3  }
0xa3: {  	[timem:s7], [sflag:s22] =	dma.local [hbm:s5], s20  }
0xa4: {  	_ =	swait.ge [sflag:s22], s20  }
0xa5: {  	s4 =	ssub.s32 $0x0, s20;
	[sflag:s22] =	ssyncset.done $0x0  }
0xa6: {  	[sflag:s22] =	ssyncadd.s32 s4;
	_ =	sdelay $0x1  }
0xa7: {  	s23 =	simm.s32 $0x1B8B  }
0xa8: {  	_ =	swait.ge [sflag:s23], $0x1  }
0xa9: {  	[sflag:s23] =	ssyncset.done $0x0  }
0xaa: {  	s25 =	simm.s32 $0x1B8E;
	s24 =	sld [smem:$0x3FFE];
	[sflag:s23] =	ssyncadd.s32 $0xFFFFFFFF  }
0xab: {  	s26 =	simm.s32 $execute0_lowered;
	[smem:$0x3FD2] =	sst s25  }
0xac: {  	s5 =	sshll.u32 s26, $0x1;
	_ =	strace $0x80000046;
	[dreg:$0x1] =	wrdreg $0xFFFFFFFF  }
0xad: {  	s28 =	simm.s32 $_size_execute0_lowered;
	s3 =	sadd.s32 s3, s5;
	[dreg:$0x0] =	wrdreg $0x0  }
0xae: {  	s5 =	sshll.u32 s28, $0x1;
	[dreg:$0x2] =	wrdreg s3  }
0xaf: {  	[dreg:$0x3] =	wrdreg s5  }
0xb0: {  	[dreg:$0x4] =	wrdreg $0xC0  }
0xb1: {  	_ =	task [dreg:s7], $0x5FFFF  }
0xb2: {  	[dreg:$0x1] =	wrdreg $0xFFFFFFFF  }
0xb3: {  	[dreg:$0x0] =	wrdreg $0x60  }
0xb4: {  	[dreg:$0x2] =	wrdreg s16  }
0xb5: {  	[dreg:$0x3] =	wrdreg s24  }
0xb6: {  	[dreg:$0x4] =	wrdreg $0x9  }
0xb7: {  	_ =	task.clear_ibuf [dreg:s7], $0x5FFFF;
	_ =	strace $0x90000046  }
0xb8: {  	s29 =	simm.s32 $0x9;
	_ =	strace $0x80000048  }
0xb9: {  	_ =	swait.ge [sflag:s29], $0x1  }
0xba: {  	[sflag:s29] =	ssyncadd.s32 $0xFFFFFFFF  }
0xbb: {  	_ =	strace $0x90000048  }
0xbc: {  	_ =	sfence  }
0xbd: {  	s30 =	sld [smem:$0x0];
	_ =	sdelay $0x2  }
0xbe: {  	s31 =	sshll.u32 s1, $0xD;
	s1 =	sshrl.u32 s1, $0x2  }
0xbf: {  	s3 =	sand.u32 $0x4000, s31;
	s1 =	sadd.s32 s1, s30  }
0xc0: {  	s0 =	sor.u32 s3, s0;
	s1 =	sshll.u32 s1, $0x11  }
0xc1: {  	s0 =	sor.u32 s1, s0  }
0xc2: {  	s0 =	sadd.s32 $0x8F2B, s0  }
0xc3: {  	[sflag:s0] =	ssyncadd.remote.s32 $0x1  }
0xc4: {  	_ =	sfence.sel $0xFFFF  }
0xc5: {  	[dreg:$0x0] =	wrdreg $0xFFFFFFFF;
	(pc) =	sbr.abs _section_cstart, $3  }
0xc6: {  	[dreg:$0x1] =	wrdreg $0xFFFFFFFF  }
0xc7: {  	_ =	task.clear_ibuf [dreg:s7], $0x2FFFF;
	_ =	strace $0x9FFFFFFF  }
0xc8: {  	(tm) =	ssettm $0x7FFFFFFF  }
0xc9: {  	_ =	shalt  }
tec
execute0_lowered:
.L_overlay_start_1:
0x0: {  	(tag) =	ssettag $0x1  }
0x1: {  	s2 =	rddreg [dreg:$0x0]  }
0x2: {  	s5 =	rddreg [dreg:$0x1];
	s3 =	simm.s32 $0x0  }
0x3: {  	s20 =	simm.s32 $0x80;
	[smem:$0x7FF] =	sst s3  }
0x4: {  	s21 =	simm.s32 $0x100;
	_ =	strace $0x80000047;
	[dreg:$0x5] =	wrdreg s20  }
0x5: {  	s22 =	simm.s32 $0x180;
	[dreg:$0x6] =	wrdreg s21  }
0x6: {  	s23 =	simm.s32 $0x200;
	[dreg:$0x7] =	wrdreg s22  }
0x7: {  	s6 =	stileid.u32;
	s24 =	simm.s32 $0x280;
	[dreg:$0x8] =	wrdreg s23  }
0x8: {  	s0 =	srdreg.scid;
	s25 =	simm.s32 $0x300;
	[dreg:$0x9] =	wrdreg s24  }
0x9: {  	s30 =	simm.s32 $0x380;
	s31 =	simm.s32 $0x400;
	[dreg:$0xa] =	wrdreg s25  }
0xa: {  	s8 =	simm.s32 $0x500;
	s9 =	simm.s32 $0x580;
	[dreg:$0xb] =	wrdreg s30  }
0xb: {  	s10 =	simm.s32 $0x600;
	s11 =	simm.s32 $0x680;
	[dreg:$0xc] =	wrdreg s31  }
0xc: {  	s12 =	simm.s32 $0x700;
	s13 =	simm.s32 $0x780;
	[dreg:$0xe] =	wrdreg s8  }
0xd: {  	s14 =	simm.s32 $0x880;
	s15 =	simm.s32 $0x900;
	[dreg:$0xf] =	wrdreg s9  }
0xe: {  	s16 =	simm.s32 $0x980;
	s17 =	simm.s32 $0xA00;
	[dreg:$0x10] =	wrdreg s10  }
0xf: {  	s18 =	simm.s32 $0xA80;
	s19 =	simm.s32 $0xB00;
	[dreg:$0x11] =	wrdreg s11  }
0x10: {  	s28 =	simm.s32 $0x800;
	s1 =	smul.u32 $0xA00, s6;
	[dreg:$0x12] =	wrdreg s12  }
0x11: {  	s0 =	sand.u32 $0x1, s0;
	s6 =	smul.u32 $0x13880, s6;
	[dreg:$0x13] =	wrdreg s13  }
0x12: {  	s29 =	simm.s32 $0x0;
	s4 =	smul.u32 $0x500, s0;
	[dreg:$0x14] =	wrdreg s14  }
0x13: {  	s26 =	ssub.s32 $0x2, s0;
	s0 =	smul.u32 $0x9C40, s0;
	[dreg:$0x15] =	wrdreg s15  }
0x14: {  	s8 =	simm.s32 $0x2;
	s9 =	simm.s32 $0x7D;
	[dreg:$0x16] =	wrdreg s16  }
0x15: {  	s10 =	simm.s32 $0x1000;
	s11 =	simm.s32 $0x1FA0;
	[dreg:$0x17] =	wrdreg s17  }
0x16: {  	s12 =	simm.s32 $0x2F40;
	s13 =	simm.s32 $0x3EE0;
	[dreg:$0x18] =	wrdreg s18  }
0x17: {  	s14 =	simm.s32 $0x4E80;
	[dreg:$0x19] =	wrdreg s19;
	s20 =	simm.s32 $0xB80  }
0x18: {  	s15 =	simm.s32 $0x5E20;
	s21 =	simm.s32 $0xC00;
	[dreg:$0x1a] =	wrdreg s20  }
0x19: {  	s16 =	simm.s32 $0x6DC0;
	s22 =	simm.s32 $0xC80;
	[dreg:$0x1b] =	wrdreg s21  }
0x1a: {  	s17 =	simm.s32 $0x7D60;
	s23 =	simm.s32 $0xD00;
	[dreg:$0x1c] =	wrdreg s22  }
0x1b: {  	s18 =	simm.s32 $0x8D00;
	s24 =	simm.s32 $0xD80;
	[dreg:$0x1d] =	wrdreg s23  }
0x1c: {  	s19 =	simm.s32 $0x9CA0;
	s25 =	simm.s32 $0xE00;
	[dreg:$0x1e] =	wrdreg s24  }
0x1d: {  	s30 =	simm.s32 $0xF00;
	s1 =	sadd.s32 s1, s5;
	[dreg:$0x1f] =	wrdreg s25  }
0x1e: {  	s31 =	simm.s32 $0xF80;
	[smem:$0x7FC] =	sst s30;
	s1 =	sadd.s32 s4, s1  }
0x1f: {  	s7 =	sshrl.u32 s26, $0x1;
	[smem:$0x7FD] =	sst s31;
	s4 =	sadd.s32 $0x1A800, s1  }
0x20: {  	s20 =	simm.s32 $0xAC40;
	s1 =	sadd.s32 $0x10800, s1;
	[dreg:$0x3] =	wrdreg s4  }
0x21: {  	s21 =	simm.s32 $0xBBE0;
	[dreg:$0x4] =	wrdreg s1;
	s4 =	sadd.s32 $0x6A00, s5  }
0x22: {  	s5 =	sadd.s32 s6, s5;
	s6 =	ssub.s32 s26, s7;
	s7 =	simm.s32 $0x480  }
0x23: {  	s22 =	simm.s32 $0xCB80;
	s26 =	simm.s32 $0xE80;
	[dreg:$0xd] =	wrdreg s7  }
0x24: {  	s6 =	smax.u32 s6, $0x1;
	s0 =	sadd.s32 s0, s5;
	[smem:$0x7FB] =	sst s26  }
0x25: {  	s23 =	simm.s32 $0xDB20;
	[smem:$0x7F8] =	sst s6;
	s5 =	sadd.s32 $0x24800, s0  }
0x26: {  	s24 =	simm.s32 $0xEAC0;
	s0 =	sadd.s32 $0x15D000, s0;
	[smem:$0x7F9] =	sst s5  }
0x27: {  	s25 =	simm.s32 $0xFA60;
	s26 =	simm.s32 $0x1;
	[smem:$0x7FA] =	sst s0  }
.LBB2_1:
0x28: {  	s0 =	rddreg [dreg:$0x4]  }
0x29: {  	s0 =	sadd.s32 $0x0, s0  }
0x2a: {  	[tilespmem:s3], [sflag:$0x2] =	stream.linear.gather [hbm4b:s0+s3], $0x800, $0x38;
	[tilespmem:$0x10A00] =	vst v63  }
0x2b: {  	_ =	swait.ge [sflag:s8], $0x800  }
0x2c: {  	[sflag:s8] =	ssyncset.done $0x0  }
0x2d: {  	[sflag:s8] =	ssyncadd.s32 $0xFFFFF800  }
0x2e: {  	[tilespmem:s10], [sflag:$0x1] =	stream.indirect.gather [hbm4b:s2+s9], $0x20, s3, s9, $0xb8;
	[tilespmem:$0x10A00] =	vst v63  }
0x2f: {  	s5 =	rddreg [dreg:$0x5]  }
0x30: {  	[tilespmem:s11], [sflag:$0x1] =	stream.indirect.gather [hbm4b:s2+s9], $0x20, s5, s9, $0xb8;
	[tilespmem:$0x10A00] =	vst v63  }
0x31: {  	s1 =	rddreg [dreg:$0x6]  }
0x32: {  	[tilespmem:s12], [sflag:$0x1] =	stream.indirect.gather [hbm4b:s2+s9], $0x20, s1, s9, $0xb8;
	[tilespmem:$0x10A00] =	vst v63  }
0x33: {  	s6 =	rddreg [dreg:$0x7]  }
0x34: {  	[tilespmem:s13], [sflag:$0x1] =	stream.indirect.gather [hbm4b:s2+s9], $0x20, s6, s9, $0xb8;
	[tilespmem:$0x10A00] =	vst v63  }
0x35: {  	s7 =	rddreg [dreg:$0x8]  }
0x36: {  	[tilespmem:s14], [sflag:$0x1] =	stream.indirect.gather [hbm4b:s2+s9], $0x20, s7, s9, $0xb8;
	[tilespmem:$0x10A00] =	vst v63  }
0x37: {  	s5 =	rddreg [dreg:$0x9]  }
0x38: {  	[tilespmem:s15], [sflag:$0x1] =	stream.indirect.gather [hbm4b:s2+s9], $0x20, s5, s9, $0xb8;
	[tilespmem:$0x10A00] =	vst v63  }
0x39: {  	s6 =	rddreg [dreg:$0xa]  }
0x3a: {  	[tilespmem:s16], [sflag:$0x1] =	stream.indirect.gather [hbm4b:s2+s9], $0x20, s6, s9, $0xb8;
	[tilespmem:$0x10A00] =	vst v63  }
0x3b: {  	s7 =	rddreg [dreg:$0xb]  }
0x3c: {  	[tilespmem:s17], [sflag:$0x1] =	stream.indirect.gather [hbm4b:s2+s9], $0x20, s7, s9, $0xb8;
	[tilespmem:$0x10A00] =	vst v63  }
0x3d: {  	s5 =	rddreg [dreg:$0xc]  }
0x3e: {  	[tilespmem:s18], [sflag:$0x1] =	stream.indirect.gather [hbm4b:s2+s9], $0x20, s5, s9, $0xb8;
	[tilespmem:$0x10A00] =	vst v63  }
0x3f: {  	s6 =	rddreg [dreg:$0xd]  }
0x40: {  	[tilespmem:s19], [sflag:$0x1] =	stream.indirect.gather [hbm4b:s2+s9], $0x20, s6, s9, $0xb8;
	[tilespmem:$0x10A00] =	vst v63  }
0x41: {  	s7 =	rddreg [dreg:$0xe]  }
0x42: {  	[tilespmem:s20], [sflag:$0x1] =	stream.indirect.gather [hbm4b:s2+s9], $0x20, s7, s9, $0xb8;
	[tilespmem:$0x10A00] =	vst v63  }
0x43: {  	s5 =	rddreg [dreg:$0xf]  }
0x44: {  	[tilespmem:s21], [sflag:$0x1] =	stream.indirect.gather [hbm4b:s2+s9], $0x20, s5, s9, $0xb8;
	[tilespmem:$0x10A00] =	vst v63  }
0x45: {  	s6 =	rddreg [dreg:$0x10]  }
0x46: {  	[tilespmem:s22], [sflag:$0x1] =	stream.indirect.gather [hbm4b:s2+s9], $0x20, s6, s9, $0xb8;
	[tilespmem:$0x10A00] =	vst v63  }
0x47: {  	s7 =	rddreg [dreg:$0x11]  }
0x48: {  	[tilespmem:s23], [sflag:$0x1] =	stream.indirect.gather [hbm4b:s2+s9], $0x20, s7, s9, $0xb8;
	[tilespmem:$0x10A00] =	vst v63  }
0x49: {  	s5 =	rddreg [dreg:$0x12]  }
0x4a: {  	[tilespmem:s24], [sflag:$0x1] =	stream.indirect.gather [hbm4b:s2+s9], $0x20, s5, s9, $0xb8;
	[tilespmem:$0x10A00] =	vst v63  }
0x4b: {  	s6 =	rddreg [dreg:$0x13]  }
0x4c: {  	[tilespmem:s25], [sflag:$0x1] =	stream.indirect.gather [hbm4b:s2+s9], $0x20, s6, s9, $0xb8;
	[tilespmem:$0x10A00] =	vst v63  }
0x4d: {  	_ =	swait.ge [sflag:s26], $0xFA0  }
0x4e: {  	[sflag:s26] =	ssyncset.done $0x0  }
0x4f: {  	[sflag:s26] =	ssyncadd.s32 $0xFFFFF060  }
0x50: {  	_ =	swait.ge [sflag:s26], $0xFA0  }
0x51: {  	[sflag:s26] =	ssyncset.done $0x0  }
0x52: {  	[sflag:s26] =	ssyncadd.s32 $0xFFFFF060  }
0x53: {  	_ =	swait.ge [sflag:s26], $0xFA0  }
0x54: {  	[sflag:s26] =	ssyncset.done $0x0  }
0x55: {  	[sflag:s26] =	ssyncadd.s32 $0xFFFFF060  }
0x56: {  	_ =	swait.ge [sflag:s26], $0xFA0  }
0x57: {  	[sflag:s26] =	ssyncset.done $0x0  }
0x58: {  	[sflag:s26] =	ssyncadd.s32 $0xFFFFF060  }
0x59: {  	_ =	swait.ge [sflag:s26], $0xFA0  }
0x5a: {  	[sflag:s26] =	ssyncset.done $0x0  }
0x5b: {  	[sflag:s26] =	ssyncadd.s32 $0xFFFFF060  }
0x5c: {  	_ =	swait.ge [sflag:s26], $0xFA0  }
0x5d: {  	[sflag:s26] =	ssyncset.done $0x0  }
0x5e: {  	[sflag:s26] =	ssyncadd.s32 $0xFFFFF060  }
0x5f: {  	_ =	swait.ge [sflag:s26], $0xFA0  }
0x60: {  	[sflag:s26] =	ssyncset.done $0x0  }
0x61: {  	[sflag:s26] =	ssyncadd.s32 $0xFFFFF060  }
0x62: {  	_ =	swait.ge [sflag:s26], $0xFA0  }
0x63: {  	[sflag:s26] =	ssyncset.done $0x0  }
0x64: {  	[sflag:s26] =	ssyncadd.s32 $0xFFFFF060  }
0x65: {  	_ =	swait.ge [sflag:s26], $0xFA0  }
0x66: {  	[sflag:s26] =	ssyncset.done $0x0  }
0x67: {  	[sflag:s26] =	ssyncadd.s32 $0xFFFFF060  }
0x68: {  	_ =	swait.ge [sflag:s26], $0xFA0  }
0x69: {  	[sflag:s26] =	ssyncset.done $0x0  }
0x6a: {  	[sflag:s26] =	ssyncadd.s32 $0xFFFFF060  }
0x6b: {  	_ =	swait.ge [sflag:s26], $0xFA0  }
0x6c: {  	[sflag:s26] =	ssyncset.done $0x0  }
0x6d: {  	[sflag:s26] =	ssyncadd.s32 $0xFFFFF060  }
0x6e: {  	_ =	swait.ge [sflag:s26], $0xFA0  }
0x6f: {  	[sflag:s26] =	ssyncset.done $0x0  }
0x70: {  	[sflag:s26] =	ssyncadd.s32 $0xFFFFF060  }
0x71: {  	_ =	swait.ge [sflag:s26], $0xFA0  }
0x72: {  	[sflag:s26] =	ssyncset.done $0x0  }
0x73: {  	[sflag:s26] =	ssyncadd.s32 $0xFFFFF060  }
0x74: {  	_ =	swait.ge [sflag:s26], $0xFA0  }
0x75: {  	[sflag:s26] =	ssyncset.done $0x0  }
0x76: {  	[sflag:s26] =	ssyncadd.s32 $0xFFFFF060  }
0x77: {  	_ =	swait.ge [sflag:s26], $0xFA0  }
0x78: {  	[sflag:s26] =	ssyncset.done $0x0  }
0x79: {  	[sflag:s26] =	ssyncadd.s32 $0xFFFFF060  }
0x7a: {  	_ =	swait.ge [sflag:s26], $0xFA0  }
0x7b: {  	s6 =	sld [smem:$0x7F9]  }
0x7c: {  	[sflag:s26] =	ssyncset.done $0x0  }
0x7d: {  	[sflag:s26] =	ssyncadd.s32 $0xFFFFF060  }
0x7e: {  	[hbm4b:s6+s3] =	stream.linear.scatter [tilespmem:s10], [sflag:$0x2], $0xFA00, $0x38;
	[tilespmem:$0x10A00] =	vst v63  }
0x7f: {  	_ =	swait.ge [sflag:s8], $0xFA00  }
0x80: {  	s7 =	rddreg [dreg:$0x3];
	[sflag:s8] =	ssyncset.done $0x0  }
0x81: {  	[sflag:s8] =	ssyncadd.s32 $0xFFFF0600;
	s0 =	sadd.s32 $0x0, s7  }
0x82: {  	[tilespmem:s28], [sflag:$0x2] =	stream.linear.gather [hbm4b:s0+s3], $0x800, $0x38;
	[tilespmem:$0x10A00] =	vst v63  }
0x83: {  	_ =	swait.ge [sflag:s8], $0x800  }
0x84: {  	[sflag:s8] =	ssyncset.done $0x0  }
0x85: {  	s1 =	rddreg [dreg:$0x14];
	[sflag:s8] =	ssyncadd.s32 $0xFFFFF800  }
0x86: {  	[tilespmem:s10], [sflag:$0x1] =	stream.indirect.gather [hbm4b:s4+s9], $0x20, s28, s9, $0xb8;
	[tilespmem:$0x10A00] =	vst v63  }
0x87: {  	s5 =	rddreg [dreg:$0x15]  }
0x88: {  	[tilespmem:s11], [sflag:$0x1] =	stream.indirect.gather [hbm4b:s4+s9], $0x20, s1, s9, $0xb8;
	[tilespmem:$0x10A00] =	vst v63  }
0x89: {  	s7 =	rddreg [dreg:$0x16]  }
0x8a: {  	[tilespmem:s12], [sflag:$0x1] =	stream.indirect.gather [hbm4b:s4+s9], $0x20, s5, s9, $0xb8;
	[tilespmem:$0x10A00] =	vst v63  }
0x8b: {  	s5 =	rddreg [dreg:$0x17]  }
0x8c: {  	[tilespmem:s13], [sflag:$0x1] =	stream.indirect.gather [hbm4b:s4+s9], $0x20, s7, s9, $0xb8;
	[tilespmem:$0x10A00] =	vst v63  }
0x8d: {  	s7 =	rddreg [dreg:$0x18]  }
0x8e: {  	[tilespmem:s14], [sflag:$0x1] =	stream.indirect.gather [hbm4b:s4+s9], $0x20, s5, s9, $0xb8;
	[tilespmem:$0x10A00] =	vst v63  }
0x8f: {  	s5 =	rddreg [dreg:$0x19]  }
0x90: {  	[tilespmem:s15], [sflag:$0x1] =	stream.indirect.gather [hbm4b:s4+s9], $0x20, s7, s9, $0xb8;
	[tilespmem:$0x10A00] =	vst v63  }
0x91: {  	s7 =	rddreg [dreg:$0x1a]  }
0x92: {  	[tilespmem:s16], [sflag:$0x1] =	stream.indirect.gather [hbm4b:s4+s9], $0x20, s5, s9, $0xb8;
	[tilespmem:$0x10A00] =	vst v63  }
0x93: {  	s5 =	rddreg [dreg:$0x1b]  }
0x94: {  	[tilespmem:s17], [sflag:$0x1] =	stream.indirect.gather [hbm4b:s4+s9], $0x20, s7, s9, $0xb8;
	[tilespmem:$0x10A00] =	vst v63  }
0x95: {  	s7 =	rddreg [dreg:$0x1c]  }
0x96: {  	[tilespmem:s18], [sflag:$0x1] =	stream.indirect.gather [hbm4b:s4+s9], $0x20, s5, s9, $0xb8;
	[tilespmem:$0x10A00] =	vst v63  }
0x97: {  	s5 =	rddreg [dreg:$0x1d]  }
0x98: {  	[tilespmem:s19], [sflag:$0x1] =	stream.indirect.gather [hbm4b:s4+s9], $0x20, s7, s9, $0xb8;
	[tilespmem:$0x10A00] =	vst v63  }
0x99: {  	s7 =	rddreg [dreg:$0x1e]  }
0x9a: {  	[tilespmem:s20], [sflag:$0x1] =	stream.indirect.gather [hbm4b:s4+s9], $0x20, s5, s9, $0xb8;
	[tilespmem:$0x10A00] =	vst v63  }
0x9b: {  	s5 =	rddreg [dreg:$0x1f]  }
0x9c: {  	[tilespmem:s21], [sflag:$0x1] =	stream.indirect.gather [hbm4b:s4+s9], $0x20, s7, s9, $0xb8;
	[tilespmem:$0x10A00] =	vst v63  }
0x9d: {  	s7 =	sld [smem:$0x7FB]  }
0x9e: {  	[tilespmem:s22], [sflag:$0x1] =	stream.indirect.gather [hbm4b:s4+s9], $0x20, s5, s9, $0xb8;
	[tilespmem:$0x10A00] =	vst v63  }
0x9f: {  	s5 =	sld [smem:$0x7FC]  }
0xa0: {  	[tilespmem:s23], [sflag:$0x1] =	stream.indirect.gather [hbm4b:s4+s9], $0x20, s7, s9, $0xb8;
	[tilespmem:$0x10A00] =	vst v63  }
0xa1: {  	s7 =	sld [smem:$0x7FD]  }
0xa2: {  	[tilespmem:s24], [sflag:$0x1] =	stream.indirect.gather [hbm4b:s4+s9], $0x20, s5, s9, $0xb8;
	[tilespmem:$0x10A00] =	vst v63  }
0xa3: {  	_ = 	snop  }
0xa4: {  	[tilespmem:s25], [sflag:$0x1] =	stream.indirect.gather [hbm4b:s4+s9], $0x20, s7, s9, $0xb8;
	[tilespmem:$0x10A00] =	vst v63  }
0xa5: {  	_ =	swait.ge [sflag:s26], $0xFA0  }
0xa6: {  	[sflag:s26] =	ssyncset.done $0x0  }
0xa7: {  	[sflag:s26] =	ssyncadd.s32 $0xFFFFF060  }
0xa8: {  	_ =	swait.ge [sflag:s26], $0xFA0  }
0xa9: {  	[sflag:s26] =	ssyncset.done $0x0  }
0xaa: {  	[sflag:s26] =	ssyncadd.s32 $0xFFFFF060  }
0xab: {  	_ =	swait.ge [sflag:s26], $0xFA0  }
0xac: {  	[sflag:s26] =	ssyncset.done $0x0  }
0xad: {  	[sflag:s26] =	ssyncadd.s32 $0xFFFFF060  }
0xae: {  	_ =	swait.ge [sflag:s26], $0xFA0  }
0xaf: {  	[sflag:s26] =	ssyncset.done $0x0  }
0xb0: {  	[sflag:s26] =	ssyncadd.s32 $0xFFFFF060  }
0xb1: {  	_ =	swait.ge [sflag:s26], $0xFA0  }
0xb2: {  	[sflag:s26] =	ssyncset.done $0x0  }
0xb3: {  	[sflag:s26] =	ssyncadd.s32 $0xFFFFF060  }
0xb4: {  	_ =	swait.ge [sflag:s26], $0xFA0  }
0xb5: {  	[sflag:s26] =	ssyncset.done $0x0  }
0xb6: {  	[sflag:s26] =	ssyncadd.s32 $0xFFFFF060  }
0xb7: {  	_ =	swait.ge [sflag:s26], $0xFA0  }
0xb8: {  	[sflag:s26] =	ssyncset.done $0x0  }
0xb9: {  	[sflag:s26] =	ssyncadd.s32 $0xFFFFF060  }
0xba: {  	_ =	swait.ge [sflag:s26], $0xFA0  }
0xbb: {  	[sflag:s26] =	ssyncset.done $0x0  }
0xbc: {  	[sflag:s26] =	ssyncadd.s32 $0xFFFFF060  }
0xbd: {  	_ =	swait.ge [sflag:s26], $0xFA0  }
0xbe: {  	[sflag:s26] =	ssyncset.done $0x0  }
0xbf: {  	[sflag:s26] =	ssyncadd.s32 $0xFFFFF060  }
0xc0: {  	_ =	swait.ge [sflag:s26], $0xFA0  }
0xc1: {  	[sflag:s26] =	ssyncset.done $0x0  }
0xc2: {  	[sflag:s26] =	ssyncadd.s32 $0xFFFFF060  }
0xc3: {  	_ =	swait.ge [sflag:s26], $0xFA0  }
0xc4: {  	[sflag:s26] =	ssyncset.done $0x0  }
0xc5: {  	[sflag:s26] =	ssyncadd.s32 $0xFFFFF060  }
0xc6: {  	_ =	swait.ge [sflag:s26], $0xFA0  }
0xc7: {  	[sflag:s26] =	ssyncset.done $0x0  }
0xc8: {  	[sflag:s26] =	ssyncadd.s32 $0xFFFFF060  }
0xc9: {  	_ =	swait.ge [sflag:s26], $0xFA0  }
0xca: {  	[sflag:s26] =	ssyncset.done $0x0  }
0xcb: {  	[sflag:s26] =	ssyncadd.s32 $0xFFFFF060  }
0xcc: {  	_ =	swait.ge [sflag:s26], $0xFA0  }
0xcd: {  	[sflag:s26] =	ssyncset.done $0x0  }
0xce: {  	[sflag:s26] =	ssyncadd.s32 $0xFFFFF060  }
0xcf: {  	_ =	swait.ge [sflag:s26], $0xFA0  }
0xd0: {  	[sflag:s26] =	ssyncset.done $0x0  }
0xd1: {  	[sflag:s26] =	ssyncadd.s32 $0xFFFFF060  }
0xd2: {  	_ =	swait.ge [sflag:s26], $0xFA0  }
0xd3: {  	s30 =	sld [smem:$0x7FA]  }
0xd4: {  	[sflag:s26] =	ssyncset.done $0x0  }
0xd5: {  	[sflag:s26] =	ssyncadd.s32 $0xFFFFF060  }
0xd6: {  	[hbm4b:s30+s3] =	stream.linear.scatter [tilespmem:s10], [sflag:$0x2], $0xFA00, $0x38;
	[tilespmem:$0x10A00] =	vst v63  }
0xd7: {  	s31 =	simm.s32 $0x100;
	_ =	swait.ge [sflag:s8], $0xFA00  }
0xd8: {  	s0 =	simm.s32 $0x200;
	s1 =	rddreg [dreg:$0x4];
	[sflag:s8] =	ssyncset.done $0x0  }
.LBB2_2:
0xd9: {  	[sflag:s8] =	ssyncadd.s32 $0xFFFF0600;
	s1 =	sadd.s32 s31, s1  }
0xda: {  	[tilespmem:s3], [sflag:$0x2] =	stream.linear.gather [hbm4b:s1+s3], $0x800, $0x38;
	[tilespmem:$0x10A00] =	vst v63  }
0xdb: {  	_ =	swait.ge [sflag:s8], $0x800  }
0xdc: {  	[sflag:s8] =	ssyncset.done $0x0  }
0xdd: {  	[sflag:s8] =	ssyncadd.s32 $0xFFFFF800  }
0xde: {  	[tilespmem:s10], [sflag:$0x1] =	stream.indirect.gather [hbm4b:s2+s9], $0x20, s3, s9, $0xb8;
	[tilespmem:$0x10A00] =	vst v63  }
0xdf: {  	s1 =	rddreg [dreg:$0x5]  }
0xe0: {  	[tilespmem:s11], [sflag:$0x1] =	stream.indirect.gather [hbm4b:s2+s9], $0x20, s1, s9, $0xb8;
	[tilespmem:$0x10A00] =	vst v63  }
0xe1: {  	s7 =	rddreg [dreg:$0x6]  }
0xe2: {  	[tilespmem:s12], [sflag:$0x1] =	stream.indirect.gather [hbm4b:s2+s9], $0x20, s7, s9, $0xb8;
	[tilespmem:$0x10A00] =	vst v63  }
0xe3: {  	s1 =	rddreg [dreg:$0x7]  }
0xe4: {  	[tilespmem:s13], [sflag:$0x1] =	stream.indirect.gather [hbm4b:s2+s9], $0x20, s1, s9, $0xb8;
	[tilespmem:$0x10A00] =	vst v63  }
0xe5: {  	s7 =	rddreg [dreg:$0x8]  }
0xe6: {  	[tilespmem:s14], [sflag:$0x1] =	stream.indirect.gather [hbm4b:s2+s9], $0x20, s7, s9, $0xb8;
	[tilespmem:$0x10A00] =	vst v63  }
0xe7: {  	s1 =	rddreg [dreg:$0x9]  }
0xe8: {  	[tilespmem:s15], [sflag:$0x1] =	stream.indirect.gather [hbm4b:s2+s9], $0x20, s1, s9, $0xb8;
	[tilespmem:$0x10A00] =	vst v63  }
0xe9: {  	s7 =	rddreg [dreg:$0xa]  }
0xea: {  	[tilespmem:s16], [sflag:$0x1] =	stream.indirect.gather [hbm4b:s2+s9], $0x20, s7, s9, $0xb8;
	[tilespmem:$0x10A00] =	vst v63  }
0xeb: {  	s1 =	rddreg [dreg:$0xb]  }
0xec: {  	[tilespmem:s17], [sflag:$0x1] =	stream.indirect.gather [hbm4b:s2+s9], $0x20, s1, s9, $0xb8;
	[tilespmem:$0x10A00] =	vst v63  }
0xed: {  	s7 =	rddreg [dreg:$0xc]  }
0xee: {  	[tilespmem:s18], [sflag:$0x1] =	stream.indirect.gather [hbm4b:s2+s9], $0x20, s7, s9, $0xb8;
	[tilespmem:$0x10A00] =	vst v63  }
0xef: {  	s1 =	rddreg [dreg:$0xd]  }
0xf0: {  	[tilespmem:s19], [sflag:$0x1] =	stream.indirect.gather [hbm4b:s2+s9], $0x20, s1, s9, $0xb8;
	[tilespmem:$0x10A00] =	vst v63  }
0xf1: {  	s7 =	rddreg [dreg:$0xe]  }
0xf2: {  	[tilespmem:s20], [sflag:$0x1] =	stream.indirect.gather [hbm4b:s2+s9], $0x20, s7, s9, $0xb8;
	[tilespmem:$0x10A00] =	vst v63  }
0xf3: {  	s1 =	rddreg [dreg:$0xf]  }
0xf4: {  	[tilespmem:s21], [sflag:$0x1] =	stream.indirect.gather [hbm4b:s2+s9], $0x20, s1, s9, $0xb8;
	[tilespmem:$0x10A00] =	vst v63  }
0xf5: {  	s7 =	rddreg [dreg:$0x10]  }
0xf6: {  	[tilespmem:s22], [sflag:$0x1] =	stream.indirect.gather [hbm4b:s2+s9], $0x20, s7, s9, $0xb8;
	[tilespmem:$0x10A00] =	vst v63  }
0xf7: {  	s1 =	rddreg [dreg:$0x11]  }
0xf8: {  	[tilespmem:s23], [sflag:$0x1] =	stream.indirect.gather [hbm4b:s2+s9], $0x20, s1, s9, $0xb8;
	[tilespmem:$0x10A00] =	vst v63  }
0xf9: {  	s7 =	rddreg [dreg:$0x12]  }
0xfa: {  	[tilespmem:s24], [sflag:$0x1] =	stream.indirect.gather [hbm4b:s2+s9], $0x20, s7, s9, $0xb8;
	[tilespmem:$0x10A00] =	vst v63  }
0xfb: {  	s1 =	rddreg [dreg:$0x13]  }
0xfc: {  	[tilespmem:s25], [sflag:$0x1] =	stream.indirect.gather [hbm4b:s2+s9], $0x20, s1, s9, $0xb8;
	[tilespmem:$0x10A00] =	vst v63  }
0xfd: {  	_ =	swait.ge [sflag:s26], $0xFA0  }
0xfe: {  	[sflag:s26] =	ssyncset.done $0x0  }
0xff: {  	[sflag:s26] =	ssyncadd.s32 $0xFFFFF060  }
0x100: {  	_ =	swait.ge [sflag:s26], $0xFA0  }
0x101: {  	[sflag:s26] =	ssyncset.done $0x0  }
0x102: {  	[sflag:s26] =	ssyncadd.s32 $0xFFFFF060  }
0x103: {  	_ =	swait.ge [sflag:s26], $0xFA0  }
0x104: {  	[sflag:s26] =	ssyncset.done $0x0  }
0x105: {  	[sflag:s26] =	ssyncadd.s32 $0xFFFFF060  }
0x106: {  	_ =	swait.ge [sflag:s26], $0xFA0  }
0x107: {  	[sflag:s26] =	ssyncset.done $0x0  }
0x108: {  	[sflag:s26] =	ssyncadd.s32 $0xFFFFF060  }
0x109: {  	_ =	swait.ge [sflag:s26], $0xFA0  }
0x10a: {  	[sflag:s26] =	ssyncset.done $0x0  }
0x10b: {  	[sflag:s26] =	ssyncadd.s32 $0xFFFFF060  }
0x10c: {  	_ =	swait.ge [sflag:s26], $0xFA0  }
0x10d: {  	[sflag:s26] =	ssyncset.done $0x0  }
0x10e: {  	[sflag:s26] =	ssyncadd.s32 $0xFFFFF060  }
0x10f: {  	_ =	swait.ge [sflag:s26], $0xFA0  }
0x110: {  	[sflag:s26] =	ssyncset.done $0x0  }
0x111: {  	[sflag:s26] =	ssyncadd.s32 $0xFFFFF060  }
0x112: {  	_ =	swait.ge [sflag:s26], $0xFA0  }
0x113: {  	[sflag:s26] =	ssyncset.done $0x0  }
0x114: {  	[sflag:s26] =	ssyncadd.s32 $0xFFFFF060  }
0x115: {  	_ =	swait.ge [sflag:s26], $0xFA0  }
0x116: {  	[sflag:s26] =	ssyncset.done $0x0  }
0x117: {  	[sflag:s26] =	ssyncadd.s32 $0xFFFFF060  }
0x118: {  	_ =	swait.ge [sflag:s26], $0xFA0  }
0x119: {  	[sflag:s26] =	ssyncset.done $0x0  }
0x11a: {  	[sflag:s26] =	ssyncadd.s32 $0xFFFFF060  }
0x11b: {  	_ =	swait.ge [sflag:s26], $0xFA0  }
0x11c: {  	[sflag:s26] =	ssyncset.done $0x0  }
0x11d: {  	[sflag:s26] =	ssyncadd.s32 $0xFFFFF060  }
0x11e: {  	_ =	swait.ge [sflag:s26], $0xFA0  }
0x11f: {  	[sflag:s26] =	ssyncset.done $0x0  }
0x120: {  	[sflag:s26] =	ssyncadd.s32 $0xFFFFF060  }
0x121: {  	_ =	swait.ge [sflag:s26], $0xFA0  }
0x122: {  	[sflag:s26] =	ssyncset.done $0x0  }
0x123: {  	[sflag:s26] =	ssyncadd.s32 $0xFFFFF060  }
0x124: {  	_ =	swait.ge [sflag:s26], $0xFA0  }
0x125: {  	[sflag:s26] =	ssyncset.done $0x0  }
0x126: {  	[sflag:s26] =	ssyncadd.s32 $0xFFFFF060  }
0x127: {  	_ =	swait.ge [sflag:s26], $0xFA0  }
0x128: {  	[sflag:s26] =	ssyncset.done $0x0  }
0x129: {  	[sflag:s26] =	ssyncadd.s32 $0xFFFFF060  }
0x12a: {  	_ =	swait.ge [sflag:s26], $0xFA0  }
0x12b: {  	[sflag:s26] =	ssyncset.done $0x0  }
0x12c: {  	s6 =	sadd.s32 $0x1F40, s6;
	[sflag:s26] =	ssyncadd.s32 $0xFFFFF060  }
0x12d: {  	[hbm4b:s6+s3] =	stream.linear.scatter [tilespmem:s10], [sflag:$0x2], $0xFA00, $0x38;
	[tilespmem:$0x10A00] =	vst v63  }
0x12e: {  	_ =	swait.ge [sflag:s8], $0xFA00  }
0x12f: {  	s7 =	rddreg [dreg:$0x3];
	[sflag:s8] =	ssyncset.done $0x0  }
0x130: {  	[sflag:s8] =	ssyncadd.s32 $0xFFFF0600;
	s1 =	sadd.s32 s31, s7  }
0x131: {  	[tilespmem:s28], [sflag:$0x2] =	stream.linear.gather [hbm4b:s1+s3], $0x800, $0x38;
	[tilespmem:$0x10A00] =	vst v63  }
0x132: {  	_ =	swait.ge [sflag:s8], $0x800  }
0x133: {  	[sflag:s8] =	ssyncset.done $0x0  }
0x134: {  	s5 =	smov.u32 s0;
	s7 =	rddreg [dreg:$0x14];
	[sflag:s8] =	ssyncadd.s32 $0xFFFFF800  }
0x135: {  	[tilespmem:s10], [sflag:$0x1] =	stream.indirect.gather [hbm4b:s4+s9], $0x20, s28, s9, $0xb8;
	[tilespmem:$0x10A00] =	vst v63  }
0x136: {  	s31 =	smov.u32 s5;
	s5 =	rddreg [dreg:$0x15]  }
0x137: {  	[tilespmem:s11], [sflag:$0x1] =	stream.indirect.gather [hbm4b:s4+s9], $0x20, s7, s9, $0xb8;
	[tilespmem:$0x10A00] =	vst v63  }
0x138: {  	s7 =	rddreg [dreg:$0x16]  }
0x139: {  	[tilespmem:s12], [sflag:$0x1] =	stream.indirect.gather [hbm4b:s4+s9], $0x20, s5, s9, $0xb8;
	[tilespmem:$0x10A00] =	vst v63  }
0x13a: {  	s5 =	rddreg [dreg:$0x17]  }
0x13b: {  	[tilespmem:s13], [sflag:$0x1] =	stream.indirect.gather [hbm4b:s4+s9], $0x20, s7, s9, $0xb8;
	[tilespmem:$0x10A00] =	vst v63  }
0x13c: {  	s7 =	rddreg [dreg:$0x18]  }
0x13d: {  	[tilespmem:s14], [sflag:$0x1] =	stream.indirect.gather [hbm4b:s4+s9], $0x20, s5, s9, $0xb8;
	[tilespmem:$0x10A00] =	vst v63  }
0x13e: {  	s5 =	rddreg [dreg:$0x19]  }
0x13f: {  	[tilespmem:s15], [sflag:$0x1] =	stream.indirect.gather [hbm4b:s4+s9], $0x20, s7, s9, $0xb8;
	[tilespmem:$0x10A00] =	vst v63  }
0x140: {  	s7 =	rddreg [dreg:$0x1a]  }
0x141: {  	[tilespmem:s16], [sflag:$0x1] =	stream.indirect.gather [hbm4b:s4+s9], $0x20, s5, s9, $0xb8;
	[tilespmem:$0x10A00] =	vst v63  }
0x142: {  	s5 =	rddreg [dreg:$0x1b]  }
0x143: {  	[tilespmem:s17], [sflag:$0x1] =	stream.indirect.gather [hbm4b:s4+s9], $0x20, s7, s9, $0xb8;
	[tilespmem:$0x10A00] =	vst v63  }
0x144: {  	s7 =	rddreg [dreg:$0x1c]  }
0x145: {  	[tilespmem:s18], [sflag:$0x1] =	stream.indirect.gather [hbm4b:s4+s9], $0x20, s5, s9, $0xb8;
	[tilespmem:$0x10A00] =	vst v63  }
0x146: {  	s5 =	rddreg [dreg:$0x1d]  }
0x147: {  	[tilespmem:s19], [sflag:$0x1] =	stream.indirect.gather [hbm4b:s4+s9], $0x20, s7, s9, $0xb8;
	[tilespmem:$0x10A00] =	vst v63  }
0x148: {  	s7 =	rddreg [dreg:$0x1e]  }
0x149: {  	[tilespmem:s20], [sflag:$0x1] =	stream.indirect.gather [hbm4b:s4+s9], $0x20, s5, s9, $0xb8;
	[tilespmem:$0x10A00] =	vst v63  }
0x14a: {  	s5 =	rddreg [dreg:$0x1f]  }
0x14b: {  	[tilespmem:s21], [sflag:$0x1] =	stream.indirect.gather [hbm4b:s4+s9], $0x20, s7, s9, $0xb8;
	[tilespmem:$0x10A00] =	vst v63  }
0x14c: {  	s7 =	sld [smem:$0x7FB]  }
0x14d: {  	[tilespmem:s22], [sflag:$0x1] =	stream.indirect.gather [hbm4b:s4+s9], $0x20, s5, s9, $0xb8;
	[tilespmem:$0x10A00] =	vst v63  }
0x14e: {  	s5 =	sld [smem:$0x7FC]  }
0x14f: {  	[tilespmem:s23], [sflag:$0x1] =	stream.indirect.gather [hbm4b:s4+s9], $0x20, s7, s9, $0xb8;
	[tilespmem:$0x10A00] =	vst v63  }
0x150: {  	s7 =	sld [smem:$0x7FD]  }
0x151: {  	[tilespmem:s24], [sflag:$0x1] =	stream.indirect.gather [hbm4b:s4+s9], $0x20, s5, s9, $0xb8;
	[tilespmem:$0x10A00] =	vst v63  }
0x152: {  	_ = 	snop  }
0x153: {  	[tilespmem:s25], [sflag:$0x1] =	stream.indirect.gather [hbm4b:s4+s9], $0x20, s7, s9, $0xb8;
	[tilespmem:$0x10A00] =	vst v63  }
0x154: {  	_ =	swait.ge [sflag:s26], $0xFA0  }
0x155: {  	[sflag:s26] =	ssyncset.done $0x0  }
0x156: {  	[sflag:s26] =	ssyncadd.s32 $0xFFFFF060  }
0x157: {  	_ =	swait.ge [sflag:s26], $0xFA0  }
0x158: {  	[sflag:s26] =	ssyncset.done $0x0  }
0x159: {  	[sflag:s26] =	ssyncadd.s32 $0xFFFFF060  }
0x15a: {  	_ =	swait.ge [sflag:s26], $0xFA0  }
0x15b: {  	[sflag:s26] =	ssyncset.done $0x0  }
0x15c: {  	[sflag:s26] =	ssyncadd.s32 $0xFFFFF060  }
0x15d: {  	_ =	swait.ge [sflag:s26], $0xFA0  }
0x15e: {  	[sflag:s26] =	ssyncset.done $0x0  }
0x15f: {  	[sflag:s26] =	ssyncadd.s32 $0xFFFFF060  }
0x160: {  	_ =	swait.ge [sflag:s26], $0xFA0  }
0x161: {  	[sflag:s26] =	ssyncset.done $0x0  }
0x162: {  	[sflag:s26] =	ssyncadd.s32 $0xFFFFF060  }
0x163: {  	_ =	swait.ge [sflag:s26], $0xFA0  }
0x164: {  	[sflag:s26] =	ssyncset.done $0x0  }
0x165: {  	[sflag:s26] =	ssyncadd.s32 $0xFFFFF060  }
0x166: {  	_ =	swait.ge [sflag:s26], $0xFA0  }
0x167: {  	[sflag:s26] =	ssyncset.done $0x0  }
0x168: {  	[sflag:s26] =	ssyncadd.s32 $0xFFFFF060  }
0x169: {  	_ =	swait.ge [sflag:s26], $0xFA0  }
0x16a: {  	[sflag:s26] =	ssyncset.done $0x0  }
0x16b: {  	[sflag:s26] =	ssyncadd.s32 $0xFFFFF060  }
0x16c: {  	_ =	swait.ge [sflag:s26], $0xFA0  }
0x16d: {  	[sflag:s26] =	ssyncset.done $0x0  }
0x16e: {  	[sflag:s26] =	ssyncadd.s32 $0xFFFFF060  }
0x16f: {  	_ =	swait.ge [sflag:s26], $0xFA0  }
0x170: {  	[sflag:s26] =	ssyncset.done $0x0  }
0x171: {  	[sflag:s26] =	ssyncadd.s32 $0xFFFFF060  }
0x172: {  	_ =	swait.ge [sflag:s26], $0xFA0  }
0x173: {  	[sflag:s26] =	ssyncset.done $0x0  }
0x174: {  	[sflag:s26] =	ssyncadd.s32 $0xFFFFF060  }
0x175: {  	_ =	swait.ge [sflag:s26], $0xFA0  }
0x176: {  	[sflag:s26] =	ssyncset.done $0x0  }
0x177: {  	[sflag:s26] =	ssyncadd.s32 $0xFFFFF060  }
0x178: {  	_ =	swait.ge [sflag:s26], $0xFA0  }
0x179: {  	[sflag:s26] =	ssyncset.done $0x0  }
0x17a: {  	[sflag:s26] =	ssyncadd.s32 $0xFFFFF060  }
0x17b: {  	_ =	swait.ge [sflag:s26], $0xFA0  }
0x17c: {  	[sflag:s26] =	ssyncset.done $0x0  }
0x17d: {  	[sflag:s26] =	ssyncadd.s32 $0xFFFFF060  }
0x17e: {  	_ =	swait.ge [sflag:s26], $0xFA0  }
0x17f: {  	[sflag:s26] =	ssyncset.done $0x0  }
0x180: {  	[sflag:s26] =	ssyncadd.s32 $0xFFFFF060  }
0x181: {  	p0 =	sne.s32 s0, $0x400;
	_ =	swait.ge [sflag:s26], $0xFA0  }
.Ltmp0:
0x182: {  	[sflag:s26] =	ssyncset.done $0x0;
	(pc) =	sbr.rel @p0 .LBB2_2-.Ltmp0, $4  }
0x183: {  	s30 =	sadd.s32 $0x1F40, s30;
	[sflag:s26] =	ssyncadd.s32 $0xFFFFF060  }
0x184: {  	[hbm4b:s30+s3] =	stream.linear.scatter [tilespmem:s10], [sflag:$0x2], $0xFA00, $0x38;
	[tilespmem:$0x10A00] =	vst v63  }
0x185: {  	_ =	swait.ge [sflag:s8], $0xFA00  }
0x186: {  	s0 =	sadd.s32 $0x100, s0;
	s1 =	rddreg [dreg:$0x4];
	[sflag:s8] =	ssyncset.done $0x0  }
0x187: {  	[sflag:s8] =	ssyncadd.s32 $0xFFFF0600;
	s0 =	sadd.s32 s31, s1  }
0x188: {  	[tilespmem:s3], [sflag:$0x2] =	stream.linear.gather [hbm4b:s0+s3], $0x800, $0x38;
	[tilespmem:$0x10A00] =	vst v63  }
0x189: {  	_ =	swait.ge [sflag:s8], $0x800  }
0x18a: {  	[sflag:s8] =	ssyncset.done $0x0  }
0x18b: {  	[sflag:s8] =	ssyncadd.s32 $0xFFFFF800  }
0x18c: {  	[tilespmem:s10], [sflag:$0x1] =	stream.indirect.gather [hbm4b:s2+s9], $0x20, s3, s9, $0xb8;
	[tilespmem:$0x10A00] =	vst v63  }
0x18d: {  	s5 =	rddreg [dreg:$0x5]  }
0x18e: {  	[tilespmem:s11], [sflag:$0x1] =	stream.indirect.gather [hbm4b:s2+s9], $0x20, s5, s9, $0xb8;
	[tilespmem:$0x10A00] =	vst v63  }
0x18f: {  	s7 =	rddreg [dreg:$0x6]  }
0x190: {  	[tilespmem:s12], [sflag:$0x1] =	stream.indirect.gather [hbm4b:s2+s9], $0x20, s7, s9, $0xb8;
	[tilespmem:$0x10A00] =	vst v63  }
0x191: {  	s5 =	rddreg [dreg:$0x7]  }
0x192: {  	[tilespmem:s13], [sflag:$0x1] =	stream.indirect.gather [hbm4b:s2+s9], $0x20, s5, s9, $0xb8;
	[tilespmem:$0x10A00] =	vst v63  }
0x193: {  	s7 =	rddreg [dreg:$0x8]  }
0x194: {  	[tilespmem:s14], [sflag:$0x1] =	stream.indirect.gather [hbm4b:s2+s9], $0x20, s7, s9, $0xb8;
	[tilespmem:$0x10A00] =	vst v63  }
0x195: {  	s5 =	rddreg [dreg:$0x9]  }
0x196: {  	[tilespmem:s15], [sflag:$0x1] =	stream.indirect.gather [hbm4b:s2+s9], $0x20, s5, s9, $0xb8;
	[tilespmem:$0x10A00] =	vst v63  }
0x197: {  	s7 =	rddreg [dreg:$0xa]  }
0x198: {  	[tilespmem:s16], [sflag:$0x1] =	stream.indirect.gather [hbm4b:s2+s9], $0x20, s7, s9, $0xb8;
	[tilespmem:$0x10A00] =	vst v63  }
0x199: {  	s5 =	rddreg [dreg:$0xb]  }
0x19a: {  	[tilespmem:s17], [sflag:$0x1] =	stream.indirect.gather [hbm4b:s2+s9], $0x20, s5, s9, $0xb8;
	[tilespmem:$0x10A00] =	vst v63  }
0x19b: {  	s7 =	rddreg [dreg:$0xc]  }
0x19c: {  	[tilespmem:s18], [sflag:$0x1] =	stream.indirect.gather [hbm4b:s2+s9], $0x20, s7, s9, $0xb8;
	[tilespmem:$0x10A00] =	vst v63  }
0x19d: {  	s5 =	rddreg [dreg:$0xd]  }
0x19e: {  	[tilespmem:s19], [sflag:$0x1] =	stream.indirect.gather [hbm4b:s2+s9], $0x20, s5, s9, $0xb8;
	[tilespmem:$0x10A00] =	vst v63  }
0x19f: {  	s7 =	rddreg [dreg:$0xe]  }
0x1a0: {  	[tilespmem:s20], [sflag:$0x1] =	stream.indirect.gather [hbm4b:s2+s9], $0x20, s7, s9, $0xb8;
	[tilespmem:$0x10A00] =	vst v63  }
0x1a1: {  	s5 =	rddreg [dreg:$0xf]  }
0x1a2: {  	[tilespmem:s21], [sflag:$0x1] =	stream.indirect.gather [hbm4b:s2+s9], $0x20, s5, s9, $0xb8;
	[tilespmem:$0x10A00] =	vst v63  }
0x1a3: {  	s7 =	rddreg [dreg:$0x10]  }
0x1a4: {  	[tilespmem:s22], [sflag:$0x1] =	stream.indirect.gather [hbm4b:s2+s9], $0x20, s7, s9, $0xb8;
	[tilespmem:$0x10A00] =	vst v63  }
0x1a5: {  	s5 =	rddreg [dreg:$0x11]  }
0x1a6: {  	[tilespmem:s23], [sflag:$0x1] =	stream.indirect.gather [hbm4b:s2+s9], $0x20, s5, s9, $0xb8;
	[tilespmem:$0x10A00] =	vst v63  }
0x1a7: {  	s7 =	rddreg [dreg:$0x12]  }
0x1a8: {  	[tilespmem:s24], [sflag:$0x1] =	stream.indirect.gather [hbm4b:s2+s9], $0x20, s7, s9, $0xb8;
	[tilespmem:$0x10A00] =	vst v63  }
0x1a9: {  	s5 =	rddreg [dreg:$0x13]  }
0x1aa: {  	[tilespmem:s25], [sflag:$0x1] =	stream.indirect.gather [hbm4b:s2+s9], $0x20, s5, s9, $0xb8;
	[tilespmem:$0x10A00] =	vst v63  }
0x1ab: {  	_ =	swait.ge [sflag:s26], $0xFA0  }
0x1ac: {  	[sflag:s26] =	ssyncset.done $0x0  }
0x1ad: {  	[sflag:s26] =	ssyncadd.s32 $0xFFFFF060  }
0x1ae: {  	_ =	swait.ge [sflag:s26], $0xFA0  }
0x1af: {  	[sflag:s26] =	ssyncset.done $0x0  }
0x1b0: {  	[sflag:s26] =	ssyncadd.s32 $0xFFFFF060  }
0x1b1: {  	_ =	swait.ge [sflag:s26], $0xFA0  }
0x1b2: {  	[sflag:s26] =	ssyncset.done $0x0  }
0x1b3: {  	[sflag:s26] =	ssyncadd.s32 $0xFFFFF060  }
0x1b4: {  	_ =	swait.ge [sflag:s26], $0xFA0  }
0x1b5: {  	[sflag:s26] =	ssyncset.done $0x0  }
0x1b6: {  	[sflag:s26] =	ssyncadd.s32 $0xFFFFF060  }
0x1b7: {  	_ =	swait.ge [sflag:s26], $0xFA0  }
0x1b8: {  	[sflag:s26] =	ssyncset.done $0x0  }
0x1b9: {  	[sflag:s26] =	ssyncadd.s32 $0xFFFFF060  }
0x1ba: {  	_ =	swait.ge [sflag:s26], $0xFA0  }
0x1bb: {  	[sflag:s26] =	ssyncset.done $0x0  }
0x1bc: {  	[sflag:s26] =	ssyncadd.s32 $0xFFFFF060  }
0x1bd: {  	_ =	swait.ge [sflag:s26], $0xFA0  }
0x1be: {  	[sflag:s26] =	ssyncset.done $0x0  }
0x1bf: {  	[sflag:s26] =	ssyncadd.s32 $0xFFFFF060  }
0x1c0: {  	_ =	swait.ge [sflag:s26], $0xFA0  }
0x1c1: {  	[sflag:s26] =	ssyncset.done $0x0  }
0x1c2: {  	[sflag:s26] =	ssyncadd.s32 $0xFFFFF060  }
0x1c3: {  	_ =	swait.ge [sflag:s26], $0xFA0  }
0x1c4: {  	[sflag:s26] =	ssyncset.done $0x0  }
0x1c5: {  	[sflag:s26] =	ssyncadd.s32 $0xFFFFF060  }
0x1c6: {  	_ =	swait.ge [sflag:s26], $0xFA0  }
0x1c7: {  	[sflag:s26] =	ssyncset.done $0x0  }
0x1c8: {  	[sflag:s26] =	ssyncadd.s32 $0xFFFFF060  }
0x1c9: {  	_ =	swait.ge [sflag:s26], $0xFA0  }
0x1ca: {  	[sflag:s26] =	ssyncset.done $0x0  }
0x1cb: {  	[sflag:s26] =	ssyncadd.s32 $0xFFFFF060  }
0x1cc: {  	_ =	swait.ge [sflag:s26], $0xFA0  }
0x1cd: {  	[sflag:s26] =	ssyncset.done $0x0  }
0x1ce: {  	[sflag:s26] =	ssyncadd.s32 $0xFFFFF060  }
0x1cf: {  	_ =	swait.ge [sflag:s26], $0xFA0  }
0x1d0: {  	[sflag:s26] =	ssyncset.done $0x0  }
0x1d1: {  	[sflag:s26] =	ssyncadd.s32 $0xFFFFF060  }
0x1d2: {  	_ =	swait.ge [sflag:s26], $0xFA0  }
0x1d3: {  	[sflag:s26] =	ssyncset.done $0x0  }
0x1d4: {  	[sflag:s26] =	ssyncadd.s32 $0xFFFFF060  }
0x1d5: {  	_ =	swait.ge [sflag:s26], $0xFA0  }
0x1d6: {  	[sflag:s26] =	ssyncset.done $0x0  }
0x1d7: {  	[sflag:s26] =	ssyncadd.s32 $0xFFFFF060  }
0x1d8: {  	_ =	swait.ge [sflag:s26], $0xFA0  }
0x1d9: {  	[sflag:s26] =	ssyncset.done $0x0  }
0x1da: {  	s7 =	sadd.s32 $0x1F40, s6;
	[sflag:s26] =	ssyncadd.s32 $0xFFFFF060  }
0x1db: {  	[hbm4b:s7+s3] =	stream.linear.scatter [tilespmem:s10], [sflag:$0x2], $0xFA00, $0x38;
	[tilespmem:$0x10A00] =	vst v63  }
0x1dc: {  	_ =	swait.ge [sflag:s8], $0xFA00  }
0x1dd: {  	s1 =	rddreg [dreg:$0x3];
	[sflag:s8] =	ssyncset.done $0x0  }
0x1de: {  	[sflag:s8] =	ssyncadd.s32 $0xFFFF0600;
	s0 =	sadd.s32 s31, s1  }
0x1df: {  	[tilespmem:s28], [sflag:$0x2] =	stream.linear.gather [hbm4b:s0+s3], $0x800, $0x38;
	[tilespmem:$0x10A00] =	vst v63  }
0x1e0: {  	_ =	swait.ge [sflag:s8], $0x800  }
0x1e1: {  	[sflag:s8] =	ssyncset.done $0x0  }
0x1e2: {  	s5 =	rddreg [dreg:$0x14];
	[sflag:s8] =	ssyncadd.s32 $0xFFFFF800  }
0x1e3: {  	[tilespmem:s10], [sflag:$0x1] =	stream.indirect.gather [hbm4b:s4+s9], $0x20, s28, s9, $0xb8;
	[tilespmem:$0x10A00] =	vst v63  }
0x1e4: {  	s6 =	rddreg [dreg:$0x15]  }
0x1e5: {  	[tilespmem:s11], [sflag:$0x1] =	stream.indirect.gather [hbm4b:s4+s9], $0x20, s5, s9, $0xb8;
	[tilespmem:$0x10A00] =	vst v63  }
0x1e6: {  	s7 =	rddreg [dreg:$0x16]  }
0x1e7: {  	[tilespmem:s12], [sflag:$0x1] =	stream.indirect.gather [hbm4b:s4+s9], $0x20, s6, s9, $0xb8;
	[tilespmem:$0x10A00] =	vst v63  }
0x1e8: {  	s31 =	rddreg [dreg:$0x17]  }
0x1e9: {  	[tilespmem:s13], [sflag:$0x1] =	stream.indirect.gather [hbm4b:s4+s9], $0x20, s7, s9, $0xb8;
	[tilespmem:$0x10A00] =	vst v63  }
0x1ea: {  	s5 =	rddreg [dreg:$0x18]  }
0x1eb: {  	[tilespmem:s14], [sflag:$0x1] =	stream.indirect.gather [hbm4b:s4+s9], $0x20, s31, s9, $0xb8;
	[tilespmem:$0x10A00] =	vst v63  }
0x1ec: {  	s6 =	rddreg [dreg:$0x19]  }
0x1ed: {  	[tilespmem:s15], [sflag:$0x1] =	stream.indirect.gather [hbm4b:s4+s9], $0x20, s5, s9, $0xb8;
	[tilespmem:$0x10A00] =	vst v63  }
0x1ee: {  	s7 =	rddreg [dreg:$0x1a]  }
0x1ef: {  	[tilespmem:s16], [sflag:$0x1] =	stream.indirect.gather [hbm4b:s4+s9], $0x20, s6, s9, $0xb8;
	[tilespmem:$0x10A00] =	vst v63  }
0x1f0: {  	s31 =	rddreg [dreg:$0x1b]  }
0x1f1: {  	[tilespmem:s17], [sflag:$0x1] =	stream.indirect.gather [hbm4b:s4+s9], $0x20, s7, s9, $0xb8;
	[tilespmem:$0x10A00] =	vst v63  }
0x1f2: {  	s5 =	rddreg [dreg:$0x1c]  }
0x1f3: {  	[tilespmem:s18], [sflag:$0x1] =	stream.indirect.gather [hbm4b:s4+s9], $0x20, s31, s9, $0xb8;
	[tilespmem:$0x10A00] =	vst v63  }
0x1f4: {  	s6 =	rddreg [dreg:$0x1d]  }
0x1f5: {  	[tilespmem:s19], [sflag:$0x1] =	stream.indirect.gather [hbm4b:s4+s9], $0x20, s5, s9, $0xb8;
	[tilespmem:$0x10A00] =	vst v63  }
0x1f6: {  	s7 =	rddreg [dreg:$0x1e]  }
0x1f7: {  	[tilespmem:s20], [sflag:$0x1] =	stream.indirect.gather [hbm4b:s4+s9], $0x20, s6, s9, $0xb8;
	[tilespmem:$0x10A00] =	vst v63  }
0x1f8: {  	s31 =	rddreg [dreg:$0x1f]  }
0x1f9: {  	[tilespmem:s21], [sflag:$0x1] =	stream.indirect.gather [hbm4b:s4+s9], $0x20, s7, s9, $0xb8;
	[tilespmem:$0x10A00] =	vst v63  }
0x1fa: {  	s5 =	sld [smem:$0x7FB]  }
0x1fb: {  	[tilespmem:s22], [sflag:$0x1] =	stream.indirect.gather [hbm4b:s4+s9], $0x20, s31, s9, $0xb8;
	[tilespmem:$0x10A00] =	vst v63  }
0x1fc: {  	s6 =	sld [smem:$0x7FC]  }
0x1fd: {  	[tilespmem:s23], [sflag:$0x1] =	stream.indirect.gather [hbm4b:s4+s9], $0x20, s5, s9, $0xb8;
	[tilespmem:$0x10A00] =	vst v63  }
0x1fe: {  	s7 =	sld [smem:$0x7FD]  }
0x1ff: {  	[tilespmem:s24], [sflag:$0x1] =	stream.indirect.gather [hbm4b:s4+s9], $0x20, s6, s9, $0xb8;
	[tilespmem:$0x10A00] =	vst v63  }
0x200: {  	_ = 	snop  }
0x201: {  	[tilespmem:s25], [sflag:$0x1] =	stream.indirect.gather [hbm4b:s4+s9], $0x20, s7, s9, $0xb8;
	[tilespmem:$0x10A00] =	vst v63  }
0x202: {  	_ =	swait.ge [sflag:s26], $0xFA0  }
0x203: {  	[sflag:s26] =	ssyncset.done $0x0  }
0x204: {  	[sflag:s26] =	ssyncadd.s32 $0xFFFFF060  }
0x205: {  	_ =	swait.ge [sflag:s26], $0xFA0  }
0x206: {  	[sflag:s26] =	ssyncset.done $0x0  }
0x207: {  	[sflag:s26] =	ssyncadd.s32 $0xFFFFF060  }
0x208: {  	_ =	swait.ge [sflag:s26], $0xFA0  }
0x209: {  	[sflag:s26] =	ssyncset.done $0x0  }
0x20a: {  	[sflag:s26] =	ssyncadd.s32 $0xFFFFF060  }
0x20b: {  	_ =	swait.ge [sflag:s26], $0xFA0  }
0x20c: {  	[sflag:s26] =	ssyncset.done $0x0  }
0x20d: {  	[sflag:s26] =	ssyncadd.s32 $0xFFFFF060  }
0x20e: {  	_ =	swait.ge [sflag:s26], $0xFA0  }
0x20f: {  	[sflag:s26] =	ssyncset.done $0x0  }
0x210: {  	[sflag:s26] =	ssyncadd.s32 $0xFFFFF060  }
0x211: {  	_ =	swait.ge [sflag:s26], $0xFA0  }
0x212: {  	[sflag:s26] =	ssyncset.done $0x0  }
0x213: {  	[sflag:s26] =	ssyncadd.s32 $0xFFFFF060  }
0x214: {  	_ =	swait.ge [sflag:s26], $0xFA0  }
0x215: {  	[sflag:s26] =	ssyncset.done $0x0  }
0x216: {  	[sflag:s26] =	ssyncadd.s32 $0xFFFFF060  }
0x217: {  	_ =	swait.ge [sflag:s26], $0xFA0  }
0x218: {  	[sflag:s26] =	ssyncset.done $0x0  }
0x219: {  	[sflag:s26] =	ssyncadd.s32 $0xFFFFF060  }
0x21a: {  	_ =	swait.ge [sflag:s26], $0xFA0  }
0x21b: {  	[sflag:s26] =	ssyncset.done $0x0  }
0x21c: {  	[sflag:s26] =	ssyncadd.s32 $0xFFFFF060  }
0x21d: {  	_ =	swait.ge [sflag:s26], $0xFA0  }
0x21e: {  	[sflag:s26] =	ssyncset.done $0x0  }
0x21f: {  	[sflag:s26] =	ssyncadd.s32 $0xFFFFF060  }
0x220: {  	_ =	swait.ge [sflag:s26], $0xFA0  }
0x221: {  	[sflag:s26] =	ssyncset.done $0x0  }
0x222: {  	[sflag:s26] =	ssyncadd.s32 $0xFFFFF060  }
0x223: {  	_ =	swait.ge [sflag:s26], $0xFA0  }
0x224: {  	[sflag:s26] =	ssyncset.done $0x0  }
0x225: {  	[sflag:s26] =	ssyncadd.s32 $0xFFFFF060  }
0x226: {  	_ =	swait.ge [sflag:s26], $0xFA0  }
0x227: {  	[sflag:s26] =	ssyncset.done $0x0  }
0x228: {  	[sflag:s26] =	ssyncadd.s32 $0xFFFFF060  }
0x229: {  	_ =	swait.ge [sflag:s26], $0xFA0  }
0x22a: {  	[sflag:s26] =	ssyncset.done $0x0  }
0x22b: {  	[sflag:s26] =	ssyncadd.s32 $0xFFFFF060  }
0x22c: {  	_ =	swait.ge [sflag:s26], $0xFA0  }
0x22d: {  	[sflag:s26] =	ssyncset.done $0x0  }
0x22e: {  	[sflag:s26] =	ssyncadd.s32 $0xFFFFF060  }
0x22f: {  	_ =	swait.ge [sflag:s26], $0xFA0  }
0x230: {  	[sflag:s26] =	ssyncset.done $0x0  }
0x231: {  	s30 =	sadd.s32 $0x1F40, s30;
	[sflag:s26] =	ssyncadd.s32 $0xFFFFF060  }
0x232: {  	[hbm4b:s30+s3] =	stream.linear.scatter [tilespmem:s10], [sflag:$0x2], $0xFA00, $0x38;
	[tilespmem:$0x10A00] =	vst v63  }
0x233: {  	_ =	swait.ge [sflag:s8], $0xFA00  }
0x234: {  	s31 =	sld [smem:$0x7F8];
	_ =	sdelay $0x1  }
0x235: {  	s29 =	sadd.s32 $0x1, s29  }
0x236: {  	p0 =	sne.s32 s29, s31  }
.Ltmp1:
0x237: {  	_ = 	snop;
	(pc) =	sbr.rel @p0 .LBB2_1-.Ltmp1, $3  }
0x238: {  	_ =	sdelay $0x1  }
0x239: {  	[sflag:s8] =	ssyncset.done $0x0  }
0x23a: {  	[sflag:s8] =	ssyncadd.s32 $0xFFFF0600  }
0x23b: {  	_ =	sfence.sel $0x180000  }
0x23c: {  	[bflag:$0x0] =	sbarrier.arrive $0xFFFF  }
0x23d: {  	_ =	strace $0x90000047  }
0x23e: {  	s0 =	stileid.u32;
	[bflag:$0x2] =	sbarrier.arrive $0xFFFF  }
0x23f: {  	p0 =	sne.s32 s0, $0x0;
	s0 =	rddreg [dreg:$0x2]  }
0x240: {  	s0 =	sadd.s32 @!p0 $0x100000, s0  }
0x241: {  	[sflag:s0] =	ssyncadd.tile.s32 @!p0 $0x1;
	_ =	shalt  }
.Lfunc_end2:
_tile_overlayer_lowered:
.L_overlay_start_2:
0x242: {  	(tag) =	ssettag $0x2  }
0x243: {  	s0 =	rddreg [dreg:$0x0];
	s2 =	stileid.u32  }
0x244: {  	s1 =	rddreg [dreg:$0x1];
	p0 =	sne.s32 s2, $0x0  }
0x245: {  	s3 =	rddreg [dreg:$0x2];
	[bflag:$0x3] =	sbarrier.arrive $0xFFFF;
	s2 =	simm.s32 @!p0 $0x1C02  }
0x246: {  	[timem:s3], [sflag:s2] =	dma.local @!p0 [hbm:s0], s1  }
0x247: {  	s0 =	simm.s32 @!p0 $0x2  }
0x248: {  	_ =	swait.ge @!p0 [sflag:s0], s1  }
0x249: {  	s1 =	ssub.s32 @!p0 $0x0, s1;
	[sflag:s0] =	ssyncset.done @!p0 $0x0  }
0x24a: {  	[sflag:s0] =	ssyncadd.s32 @!p0 s1  }
0x24b: {  	[bflag:$0x3] =	sbarrier.arrive $0xFFFF  }
0x24c: {  	_ =	shalt  }

// kernel: sparse-core-data-format-call.cloned.1.call-start
scs
called_computation_lowered:
.L_overlay_start_0:
0x0: {  	s2 =	sld [smem:$0x3FD9]  }
0x1: {  	s3 =	sld [smem:$0x3FFE];
	_ =	sdelay $0x1  }
0x2: {  	s1 =	srdreg.scid  }
0x3: {  	s0 =	sand.u32 $0x1, s1  }
0x4: {  	s16 =	sshll.u32 s0, $0xA;
	s2 =	sadd.s32 s3, s2  }
0x5: {  	s2 =	sadd.s32 s2, s16  }
0x6: {  	[smem:$0x3FB2] =	sst s2  }
0x7: {  	_ = 	snop  }
0x8: {  	s2 =	sld [smem:$0x3FD0];
	_ =	sdelay $0x2  }
0x9: {  	s17 =	simm.s32 $0xB;
	s4 =	simm.s32 $0x10  }
0xa: {  	[smem:s4], [sflag:s17] =	dma.local [hbm:s2], $0x1  }
0xb: {  	_ =	swait.eq [sflag:s17], $0x1  }
0xc: {  	[sflag:s17] =	ssyncset.done $0x0  }
0xd: {  	[sflag:s17] =	ssyncadd.s32 $0xFFFFFFFF  }
0xe: {  	s18 =	sld [smem:$0x10];
	(tm) =	ssettm $0x1  }
0xf: {  	s19 =	sld [smem:$0x3FFB];
	_ =	sdelay $0x3  }
0x10: {  	_ =	strace s19  }
0x11: {  	s2 =	sld [smem:$0x3FFC];
	_ =	sdelay $0x3  }
0x12: {  	_ =	strace s2  }
0x13: {  	s2 =	sld [smem:$0x3FFD];
	_ =	sdelay $0x3  }
0x14: {  	_ =	strace s2  }
0x15: {  	_ =	strace $0x8FFFFFFF  }
0x16: {  	s20 =	sld [smem:$0x3FDB];
	_ =	sdelay $0x1  }
0x17: {  	s21 =	simm.s32 $_scs_section_size  }
0x18: {  	s5 =	simm.s32 $_size__tile_overlayer_lowered;
	s6 =	simm.s32 $_tile_overlayer_lowered  }
0x19: {  	s7 =	simm.s32 $0x1BFF;
	s22 =	sshll.u32 s6, $0x1;
	s4 =	sadd.s32 s21, s20  }
0x1a: {  	s23 =	simm.s32 $0x0;
	s5 =	sshll.u32 s5, $0x1;
	s6 =	sadd.s32 s22, s4  }
0x1b: {  	[timem:s23], [sflag:s7] =	dma.local [hbm:s6], s5  }
0x1c: {  	_ =	swait.ge [sflag:s7], s5  }
0x1d: {  	s5 =	ssub.s32 $0x0, s5;
	[sflag:s7] =	ssyncset.done $0x0  }
0x1e: {  	[sflag:s7] =	ssyncadd.s32 s5;
	_ =	sdelay $0x1  }
0x1f: {  	s24 =	simm.s32 $0x1B8B  }
0x20: {  	_ =	swait.ge [sflag:s24], $0x1  }
0x21: {  	[sflag:s24] =	ssyncset.done $0x0  }
0x22: {  	[sflag:s24] =	ssyncadd.s32 $0xFFFFFFFF  }
0x23: {  	s5 =	sld [smem:$0x0]  }
0x24: {  	s6 =	sand.u32 $0xFFFFFFFE, s1  }
0x25: {  	p0 =	sne.s32 s1, s6  }
0x26: {  	s6 =	sshll.u32 @p0 s6, $0xE  }
0x27: {  	s6 =	sadd.s32 @p0 $0x11B8D, s6;
	s7 =	sshll.u32 @p0 s5, $0x11  }
0x28: {  	s6 =	sor.u32 @p0 s7, s6  }
0x29: {  	[sflag:s6] =	ssyncadd.remote.s32 @p0 $0x1;
	_ =	sdelay $0x1  }
0x2a: {  	s6 =	simm.s32 @p0 $0x1B8D  }
0x2b: {  	_ =	swait.eq @p0 [sflag:s6], $0x1  }
0x2c: {  	[sflag:s6] =	ssyncadd.s32 @p0 $0xFFFFFFFF  }
0x2d: {  	s7 =	sshll.u32 @!p0 s1, $0xE  }
0x2e: {  	s7 =	sor.u32 @!p0 $0x4000, s7;
	s6 =	simm.s32 @!p0 $0x1B8D  }
0x2f: {  	s5 =	sshll.u32 @!p0 s5, $0x11;
	s7 =	sadd.s32 @!p0 $0x11B8D, s7;
	_ =	swait.eq @!p0 [sflag:s6], $0x1  }
0x30: {  	s5 =	sor.u32 @!p0 s5, s7;
	[sflag:s6] =	ssyncadd.s32 @!p0 $0xFFFFFFFF  }
0x31: {  	s26 =	simm.s32 $0x1B8E;
	s25 =	sld [smem:$0x3FFE];
	[sflag:s5] =	ssyncadd.remote.s32 @!p0 $0x1  }
0x32: {  	s27 =	simm.s32 $execute0_lowered;
	[smem:$0x3FD2] =	sst s26  }
0x33: {  	s6 =	sshll.u32 s27, $0x1;
	_ =	strace $0x8000004C;
	[dreg:$0x1] =	wrdreg $0xFFFFFFFF  }
0x34: {  	s28 =	simm.s32 $_size_execute0_lowered;
	s4 =	sadd.s32 s4, s6;
	[dreg:$0x0] =	wrdreg $0x0  }
0x35: {  	s6 =	sshll.u32 s28, $0x1;
	[dreg:$0x2] =	wrdreg s4  }
0x36: {  	[dreg:$0x3] =	wrdreg s6  }
0x37: {  	[dreg:$0x4] =	wrdreg $0xC0  }
0x38: {  	_ =	task [dreg:s23], $0x5FFFF  }
0x39: {  	[dreg:$0x1] =	wrdreg $0xFFFFFFFF  }
0x3a: {  	[dreg:$0x0] =	wrdreg $0x60  }
0x3b: {  	[dreg:$0x2] =	wrdreg s25  }
0x3c: {  	[dreg:$0x3] =	wrdreg s18  }
0x3d: {  	[dreg:$0x4] =	wrdreg $0x9  }
0x3e: {  	_ =	task.clear_ibuf [dreg:s23], $0x5FFFF;
	_ =	strace $0x9000004C  }
0x3f: {  	s29 =	simm.s32 $0x9;
	_ =	strace $0x8000004E  }
0x40: {  	_ =	swait.ge [sflag:s29], $0x1  }
0x41: {  	[sflag:s29] =	ssyncadd.s32 $0xFFFFFFFF  }
0x42: {  	_ =	strace $0x9000004E  }
0x43: {  	_ =	sfence  }
0x44: {  	s30 =	sld [smem:$0x0];
	_ =	sdelay $0x2  }
0x45: {  	s31 =	sshll.u32 s1, $0xD;
	s1 =	sshrl.u32 s1, $0x2  }
0x46: {  	s4 =	sand.u32 $0x4000, s31;
	s1 =	sadd.s32 s1, s30  }
0x47: {  	s0 =	sor.u32 s4, s0;
	s1 =	sshll.u32 s1, $0x11  }
0x48: {  	s0 =	sor.u32 s1, s0  }
0x49: {  	s0 =	sadd.s32 $0x8F2B, s0  }
0x4a: {  	[sflag:s0] =	ssyncadd.remote.s32 $0x1  }
0x4b: {  	_ =	sfence.sel $0xFFFF  }
0x4c: {  	[dreg:$0x0] =	wrdreg $0xFFFFFFFF;
	(pc) =	sbr.abs _section_cstart, $3  }
0x4d: {  	[dreg:$0x1] =	wrdreg $0xFFFFFFFF  }
0x4e: {  	_ =	task.clear_ibuf [dreg:s23], $0x2FFFF;
	_ =	strace $0x9FFFFFFF  }
0x4f: {  	(tm) =	ssettm $0x7FFFFFFF  }
tec
execute0_lowered:
.L_overlay_start_1:
0x0: {  	(tag) =	ssettag $0x1  }
0x1: {  	s0 =	srdreg.scid  }
0x2: {  	s1 =	sshll.u32 s0, $0x4  }
0x3: {  	s4 =	rddreg [dreg:$0x0];
	s0 =	stileid.u32;
	s1 =	sand.u32 $0x10, s1  }
0x4: {  	s2 =	rddreg [dreg:$0x1];
	s7 =	simm.s32 $0x1;
	s1 =	sor.u32 s0, s1  }
0x5: {  	s8 =	simm.s32 $0x2;
	s11 =	simm.s32 $0x0;
	s3 =	sshll.u32 s1, $0x7  }
0x6: {  	s10 =	simm.s32 $0x0;
	s4 =	sadd.s32 $0x3CE000, s4;
	s6 =	ssub.s32 $0x4E200, s3  }
.Ltmp0:
0x7: {  	s1 =	rddreg [dreg:$0x2];
	s5 =	sand.u32 $0xF80, s6;
	(pc) =	sbr.rel .LBB1_1-.Ltmp0, $4  }
0x8: {  	_ =	strace $0x8000004D;
	s9 =	smov.u32 s3;
	p0 =	sne.s32 s5, $0x0  }
0x9: {  	s6 =	sshrl.u32 s6, $0xC;
	s5 =	simm.s32 $0x1;
	s7 =	simm.s32 @!p0 $0x0  }
0xa: {  	[sflag:s5] =	ssyncpa.u1 $0x0;
	p0 =	por $0x0, $0x0;
	s6 =	sadd.s32 s7, s6  }
0xb: {  	[sflag:s8] =	ssyncpa.u1 $0x0;
	s8 =	simm.s32 $0x271000;
	s7 =	sadd.s32 $0x1, s6  }
.LBB1_4:
0xc: {  	s14 =	sshll.u32 s11, $0x3  }
0xd: {  	s30 =	sand.u32 $0x7F, s11;
	s14 =	sand.u32 $0xFFFFFC00, s14  }
0xe: {  	s11 =	sor.u32 s30, s14  }
0xf: {  	s15 =	smulhi.u32 $0xD1B71759, s11;
	_ =	sdelay $0x1  }
0x10: {  	s14 =	smulhi.u32 $0xD1B71759, s14;
	s15 =	sshrl.u32 s15, $0x12  }
0x11: {  	s15 =	smul.u32 $0x4E200, s15  }
0x12: {  	s14 =	sshrl.u32 s14, $0x12  }
0x13: {  	s14 =	sand.u32 $0x1F, s14;
	s11 =	ssub.s32 s11, s15  }
0x14: {  	s14 =	smul.u32 $0x9C40, s14;
	s15 =	sshrl.u32 s11, $0x3;
	s11 =	sand.u32 $0x7, s11  }
0x15: {  	s15 =	sadd.s32 s2, s15;
	s11 =	sshll.u32 s11, $0x12  }
0x16: {  	[tilespmem:s13+$0x0 ss:$0x81] =	vst.msk $0xffff, v0;
	s31 =	sadd.s32 s14, s15;
	s11 =	sor.u32 $0x400, s11  }
0x17: {  	[hbm4b:s31+s11] =	stream.strided.scatter [tilespmem:s12], [sflag:$0x2], $0x1000, s8, s11, $0x20;
	[tilespmem:$0x4040] =	vst v63  }
.LBB1_5:
0x18: {  	s13 =	sadd.s32 $0x1000, s9  }
0x19: {  	p2 =	sgt.s32 s13, $0x4E1FF  }
0x1a: {  	s13 =	smov.u32 @p2 s3;
	p2 =	sne.s32 s10, s7  }
.Ltmp1:
0x1b: {  	p1 =	slt.u32 s10, $0x2;
	(pc) =	sbr.rel @!p2 .LBB1_6-.Ltmp1, $4  }
0x1c: {  	s12 =	simm.s32 @!p1 $0x2  }
0x1d: {  	s14 =	sadd.s32 $0x1, s10;
	_ =	swait.ge @!p1 [sflag:s12], $0x1000  }
0x1e: {  	s11 =	smov.u32 s9;
	p0 =	por !p0, !p0;
	[sflag:s12] =	ssyncset.done @!p1 $0x0  }
0x1f: {  	s10 =	smov.u32 s14;
	s9 =	smov.u32 s13;
	[sflag:s12] =	ssyncadd.s32 @!p1 $0xFFFFF000  }
.LBB1_1:
0x20: {  	p1 =	sge.u32 s10, s6  }
0x21: {  	s12 =	sand.u32 @!p1 $0x1FFFFFF, s9  }
0x22: {  	s13 =	smulhi.u32 @!p1 $0x1A36E2F, s12;
	_ =	sdelay $0x1  }
0x23: {  	s13 =	sshrl.u32 @!p1 s13, $0xB  }
0x24: {  	s13 =	smul.u32 @!p1 $0x4E200, s13;
	_ =	sdelay $0x1  }
0x25: {  	s31 =	sadd.s32 $0xFFFFFFFF, s10;
	s14 =	sxor.u32 @!p1 $0xFFFFFFFF, s10;
	s12 =	ssub.s32 @!p1 s12, s13  }
0x26: {  	s15 =	simm.s32 @!p1 $0x80;
	s14 =	sshll.u32 @!p1 s14, $0xC;
	s12 =	sshll.u32 @!p1 s12, $0x4  }
0x27: {  	s13 =	sand.u32 @!p1 $0x1000, s14;
	s14 =	simm.s32 @!p1 $0x20;
	s12 =	sadd.s32 @!p1 s4, s12  }
0x28: {  	[tilespmem:s13], [sflag:$0x1] =	stream.strided.gather @!p1 [hbm4b:s12+s14], $0x1000, s15, s14, $0x38;
	[tilespmem:$0x4040] =	vst v63  }
0x29: {  	p1 =	sge.u32 s31, s6  }
.Ltmp2:
0x2a: {  	_ = 	snop;
	(pc) =	sbr.rel @p1 .LBB1_5-.Ltmp2, $1  }
0x2b: {  	_ =	sdelay $0x3  }
0x2c: {  	s12 =	simm.s32 $0x1  }
0x2d: {  	_ =	swait.ge [sflag:s5], $0x1000;
	s12 =	simm.s32 @!p0 $0x0  }
0x2e: {  	[sflag:s5] =	ssyncset.done $0x0;
	s13 =	sshll.u32 s12, $0xC  }
0x2f: {  	[sflag:s5] =	ssyncadd.s32 $0xFFFFF000;
	s16 =	sor.u32 $0x10, s13  }
0x30: {  	s12 =	smul.u32 $0x4080, s12;
	v1 =	vld [tilespmem:s16+$0x0]  }
0x31: {  	s30 =	sand.u32 $0x1, s10;
	v0 =	vld [tilespmem:s16+$0xFFFFFFF0]  }
0x32: {  	s13 =	smul.u32 $0x4080, s30;
	s12 =	sshrl.u32 s12, $0x2  }
0x33: {  	s14 =	sor.u32 $0x2000, s12  }
0x34: {  	s31 =	sshrl.u32 s13, $0x2;
	s13 =	sadd.s32 $0x0, s14  }
0x35: {  	s15 =	simm.s32 $0x4;
	s16 =	sadd.s32 $0x20, s16;
	s12 =	sor.u32 $0x2000, s31;
	[tilespmem:s13+$0x810 ss:$0x81] =	vst.msk $0xffff, v1  }
.LBB1_3:
0x36: {  	v1 =	vld [tilespmem:s16+$0x0];
	p1 =	sne.s32 s15, $0x1FC;
	[tilespmem:s13+$0x0 ss:$0x81] =	vst.msk $0xffff, v0;
	s13 =	smov.u32 s15;
	s15 =	sadd.s32 $0x4, s15  }
.Ltmp3:
0x37: {  	v0 =	vld [tilespmem:s16+$0xFFFFFFF0];
	(pc) =	sbr.rel @p1 .LBB1_3-.Ltmp3, $4  }
0x38: {  	_ = 	snop  }
0x39: {  	s13 =	sshra.s32 s13, $0x2  }
0x3a: {  	s13 =	sadd.s32 s13, s14  }
0x3b: {  	s16 =	sadd.s32 $0x20, s16;
	[tilespmem:s13+$0x810 ss:$0x81] =	vst.msk $0xffff, v1  }
.Ltmp4:
0x3c: {  	_ = 	snop;
	(pc) =	sbr.rel .LBB1_4-.Ltmp4, $1  }
0x3d: {  	_ =	sdelay $0x3  }
.LBB1_6:
0x3e: {  	_ =	sfence.sel $0x180000  }
0x3f: {  	s2 =	simm.s32 $0x1;
	[bflag:$0x0] =	sbarrier.arrive $0xFFFF  }
0x40: {  	s31 =	simm.s32 $0x2;
	[sflag:s2] =	ssyncpa.u1 $0x1  }
0x41: {  	[sflag:s31] =	ssyncpa.u1 $0x1  }
0x42: {  	p0 =	sne.s32 s0, $0x0;
	_ =	strace $0x9000004D  }
0x43: {  	s0 =	sadd.s32 @!p0 $0x100000, s1;
	[bflag:$0x2] =	sbarrier.arrive $0xFFFF  }
0x44: {  	[sflag:s0] =	ssyncadd.tile.s32 @!p0 $0x1;
	_ =	shalt  }
.Lfunc_end1:
_tile_overlayer_lowered:
.L_overlay_start_2:
0x45: {  	(tag) =	ssettag $0x2  }
0x46: {  	s0 =	rddreg [dreg:$0x0];
	s2 =	stileid.u32  }
0x47: {  	s1 =	rddreg [dreg:$0x1];
	p0 =	sne.s32 s2, $0x0  }
0x48: {  	s3 =	rddreg [dreg:$0x2];
	[bflag:$0x3] =	sbarrier.arrive $0xFFFF;
	s2 =	simm.s32 @!p0 $0x1C01  }
0x49: {  	[timem:s3], [sflag:s2] =	dma.local @!p0 [hbm:s0], s1  }
0x4a: {  	s0 =	simm.s32 @!p0 $0x1  }
0x4b: {  	_ =	swait.ge @!p0 [sflag:s0], s1  }
0x4c: {  	s1 =	ssub.s32 @!p0 $0x0, s1;
	[sflag:s0] =	ssyncset.done @!p0 $0x0  }
0x4d: {  	[sflag:s0] =	ssyncadd.s32 @!p0 s1  }
0x4e: {  	[bflag:$0x3] =	sbarrier.arrive $0xFFFF  }
0x4f: {  	_ =	shalt  }

</sc_bundles>
